<compile_context>
chip_gen: v7x
topology: tpu7x:2x2x1
jax: 0.10.2.dev20260603
libtpu: 0.0.44.dev20260713+nightly
codegen_flags: <defaults>
</compile_context>

<pallas_src>
import jax
import jax.numpy as jnp
from jax import lax
from jax.experimental import pallas as pl
from jax.experimental.pallas import tpu as pltpu
from jax.experimental.pallas import tpu_sc as plsc

_VOCAB = 1_000_000
_D = 64
_N = 4096
_U = 200
_NC = 2
_NS = 16
_NW = _NC * _NS
_SEQ_PER_W = _N // _NW
_L = 16
_KV = _D // _L
_C1 = 128
_C2 = _U - _C1
_UNROLL = 8
_GDEPTH = 4
_SDEPTH = 2


def _sc_decoder(y_hbm, table_hbm, w0_hbm, w1_hbm, out_hbm,
                idx_v, rows0, rows1, rows2, rows3, out0, out1, w0_v, w1_v,
                gsem0, gsem1, gsem2, gsem3, ssem0, ssem1):
    wid = lax.axis_index("s") * _NC + lax.axis_index("c")
    wbase = wid * _SEQ_PER_W * _U
    pltpu.sync_copy(w0_hbm, w0_v)
    pltpu.sync_copy(w1_hbm, w1_v)
    pltpu.sync_copy(y_hbm.at[pl.ds(wbase, _SEQ_PER_W * _U)], idx_v)
    w0r = [w0_v[pl.ds(_L * k, _L)] for k in range(_KV)]
    w1r = [w1_v[pl.ds(_L * k, _L)] for k in range(_KV)]
    zero = jnp.zeros((_L,), jnp.float32)
    rows = (rows0, rows1, rows2, rows3)
    outs = (out0, out1)
    gsems = (gsem0, gsem1, gsem2, gsem3)
    ssems = (ssem0, ssem1)

    def fire_gather(j, g):
        off = j * _U
        pltpu.async_copy(table_hbm.at[idx_v.at[pl.ds(off, _C1)]],
                         rows[g].at[pl.ds(0, _C1)], gsems[g])
        pltpu.async_copy(table_hbm.at[idx_v.at[pl.ds(off + _C1, _C2)]],
                         rows[g].at[pl.ds(_C1, _C2)], gsems[g])

    def wait_gather(g):
        pltpu.make_async_copy(table_hbm.at[idx_v.at[pl.ds(0, _C1)]],
                              rows[g].at[pl.ds(0, _C1)], gsems[g]).wait()
        pltpu.make_async_copy(table_hbm.at[idx_v.at[pl.ds(_C1, _C2)]],
                              rows[g].at[pl.ds(_C1, _C2)], gsems[g]).wait()

    def compute(g, p):
        def row_block(ib, prev):
            cur = prev
            i0 = ib * _UNROLL
            for r in range(_UNROLL):
                nxt = []
                for k in range(_KV):
                    c = rows[g][i0 + r, pl.ds(_L * k, _L)]
                    outs[p][i0 + r, pl.ds(_L * k, _L)] = jnp.maximum(
                        c * w1r[k] + cur[k] * w0r[k], 0.0)
                    nxt.append(c)
                cur = nxt
            return tuple(cur)
        lax.fori_loop(0, _U // _UNROLL, row_block, (zero,) * _KV)

    def fire_store(j, p):
        pltpu.async_copy(outs[p], out_hbm.at[pl.ds(wbase + j * _U, _U)],
                         ssems[p])

    def wait_store(p):
        pltpu.make_async_copy(outs[p], out_hbm.at[pl.ds(wbase, _U)],
                              ssems[p]).wait()

    for j in range(_GDEPTH):
        fire_gather(j, j)

    def step(j, g, p):
        wait_gather(g)

        @pl.when(j >= _SDEPTH)
        def _():
            wait_store(p)

        compute(g, p)
        fire_store(j, p)

        @pl.when(j + _GDEPTH < _SEQ_PER_W)
        def _():
            fire_gather(j + _GDEPTH, g)

    def block_body(jj, carry):
        for r in range(_GDEPTH):
            step(_GDEPTH * jj + r, r, r % _SDEPTH)
        return carry

    lax.fori_loop(0, _SEQ_PER_W // _GDEPTH, block_body, 0)
    wait_store(0)
    wait_store(1)


def kernel(y, emb_weight, conv_weight):
    assert y.shape == (_N, _U) and emb_weight.shape == (_VOCAB, _D)
    y_idx = jnp.clip(y, 0, _VOCAB - 1).astype(jnp.int32).reshape(_N * _U)
    w0 = conv_weight[:, 0, 0]
    w1 = conv_weight[:, 0, 1]
    mesh = plsc.VectorSubcoreMesh(core_axis_name="c", subcore_axis_name="s")
    f = pl.kernel(
        _sc_decoder,
        mesh=mesh,
        compiler_params=pltpu.CompilerParams(use_tc_tiling_on_sc=False),
        out_type=jax.ShapeDtypeStruct((_N * _U, _D), jnp.float32),
        scratch_types=[
            pltpu.VMEM((_SEQ_PER_W * _U,), jnp.int32),
            pltpu.VMEM((_U, _D), jnp.float32),
            pltpu.VMEM((_U, _D), jnp.float32),
            pltpu.VMEM((_U, _D), jnp.float32),
            pltpu.VMEM((_U, _D), jnp.float32),
            pltpu.VMEM((_U, _D), jnp.float32),
            pltpu.VMEM((_U, _D), jnp.float32),
            pltpu.VMEM((_D,), jnp.float32),
            pltpu.VMEM((_D,), jnp.float32),
            pltpu.SemaphoreType.DMA,
            pltpu.SemaphoreType.DMA,
            pltpu.SemaphoreType.DMA,
            pltpu.SemaphoreType.DMA,
            pltpu.SemaphoreType.DMA,
            pltpu.SemaphoreType.DMA,
        ],
    )
    out = f(y_idx, emb_weight, w0, w1)
    return out.reshape(_N, _U, _D)

# --- scband reference (transcript-rebuilt; emitter-appended) ---
"""Pipeline reference for scband-decoder-39857296507481 (READ-ONLY COPY).

The authoritative reference and input builder live on the scoring server;
editing this copy changes nothing except your own understanding.
"""

import jax, jax.numpy as jnp
import numpy as np

VOCAB = 1000000
D = 64
CONTEXT = 2
N = 4096
U = 200

def setup_inputs(seed: int = 0) -> dict:
    key = jax.random.key(seed)
    k1, k2, k3 = jax.random.split(key, 3)
    y = jax.random.randint(k1, (N, U), 0, VOCAB, dtype=jnp.int64)
    emb_weight = jax.random.normal(k2, (VOCAB, D), dtype=jnp.float32) * 0.02
    conv_weight = jax.random.normal(k3, (D, 1, CONTEXT), dtype=jnp.float32) * 0.1
    return {"y": y, "emb_weight": emb_weight, "conv_weight": conv_weight}

def reference(y, emb_weight, conv_weight):
    y = y.astype(jnp.int64)
    # embedding(y.clamp(min=0)) * (y >= 0)
    gathered = jnp.take(emb_weight, jnp.clip(y, 0, None), axis=0)  # (N, U, D)
    embedding_out = gathered * (y >= 0)[..., None].astype(gathered.dtype)
    # context_size > 1: permute to (N, D, U), left-pad by context_size-1, depthwise conv1d
    x = jnp.transpose(embedding_out, (0, 2, 1))  # (N, D, U)
    x = jnp.pad(x, ((0, 0), (0, 0), (CONTEXT - 1, 0)))
    out = jax.lax.conv_general_dilated(
        x, conv_weight,
        window_strides=(1,), padding='VALID',
        feature_group_count=D,
        dimension_numbers=('NCH', 'OIH', 'NCH'))  # (N, D, U)
    out = jnp.transpose(out, (0, 2, 1))  # (N, U, D)
    return jax.nn.relu(out)

if __name__ == "__main__":
    import jax
    _d = setup_inputs()
    print(jax.jit(kernel)(*tuple(_d.values())))

</pallas_src>

<mosaic_0001>
#map = affine_map<(d0, d1) -> (0)>
#map1 = affine_map<(d0, d1) -> (0, 0)>
module attributes {stable_mosaic.version = 14 : i64} {
  func.func @_sc_decoder(%arg0: i32, %arg1: i32, %arg2: memref<819200xi32, #tpu.memory_space<hbm>>, %arg3: memref<1000000x64xf32, #tpu.memory_space<hbm>>, %arg4: memref<64xf32, #tpu.memory_space<hbm>>, %arg5: memref<64xf32, #tpu.memory_space<hbm>>, %arg6: memref<819200x64xf32, #tpu.memory_space<hbm>>, %arg7: memref<25600xi32, #tpu.memory_space<vmem>>, %arg8: memref<200x64xf32, #tpu.memory_space<vmem>>, %arg9: memref<200x64xf32, #tpu.memory_space<vmem>>, %arg10: memref<200x64xf32, #tpu.memory_space<vmem>>, %arg11: memref<200x64xf32, #tpu.memory_space<vmem>>, %arg12: memref<200x64xf32, #tpu.memory_space<vmem>>, %arg13: memref<200x64xf32, #tpu.memory_space<vmem>>, %arg14: memref<64xf32, #tpu.memory_space<vmem>>, %arg15: memref<64xf32, #tpu.memory_space<vmem>>, %arg16: memref<!tpu.dma_semaphore, #tpu.memory_space<semaphore_mem>>, %arg17: memref<!tpu.dma_semaphore, #tpu.memory_space<semaphore_mem>>, %arg18: memref<!tpu.dma_semaphore, #tpu.memory_space<semaphore_mem>>, %arg19: memref<!tpu.dma_semaphore, #tpu.memory_space<semaphore_mem>>, %arg20: memref<!tpu.dma_semaphore, #tpu.memory_space<semaphore_mem>>, %arg21: memref<!tpu.dma_semaphore, #tpu.memory_space<semaphore_mem>>) attributes {dimension_semantics = [#tpu.dimension_semantics<core_parallel>, #tpu.dimension_semantics<subcore_parallel>], iteration_bounds = array<i64: 2, 16>, scalar_prefetch = 0 : i64, scratch_operands = 15 : i64, tpu.core_type = #tpu.core_type<sc_vector_subcore>, window_params = [{transform_indices = #map}, {transform_indices = #map1}, {transform_indices = #map}, {transform_indices = #map}, {transform_indices = #map1}]} {
    %mul3A = arith.constant 2 : i32
    %mul3A_0 = arith.muli %arg1, %mul3A : i32
    %add3A = arith.addi %mul3A_0, %arg0 : i32
    %mul3A_1 = arith.constant 128 : i32
    %mul3A_2 = arith.muli %add3A, %mul3A_1 : i32
    %mul3A_3 = arith.constant 200 : i32
    %mul3A_4 = arith.muli %mul3A_2, %mul3A_3 : i32
    "tpu.region"() ({
      %run_scoped3A = tpu.sem_alloc : memref<!tpu.dma_semaphore, #tpu.memory_space<semaphore_mem>>
      tpu.enqueue_dma source(%arg4 : memref<64xf32, #tpu.memory_space<hbm>>) target(%arg14 : memref<64xf32, #tpu.memory_space<vmem>>) target_semaphore(%run_scoped3A : memref<!tpu.dma_semaphore, #tpu.memory_space<semaphore_mem>>)
      tpu.wait_dma2 semaphore(%run_scoped3A : memref<!tpu.dma_semaphore, #tpu.memory_space<semaphore_mem>>) src(%arg4 : memref<64xf32, #tpu.memory_space<hbm>>) dst(%arg14 : memref<64xf32, #tpu.memory_space<vmem>>)
      tpu.yield
    }) : () -> ()
    "tpu.region"() ({
      %run_scoped3A = tpu.sem_alloc : memref<!tpu.dma_semaphore, #tpu.memory_space<semaphore_mem>>
      tpu.enqueue_dma source(%arg5 : memref<64xf32, #tpu.memory_space<hbm>>) target(%arg15 : memref<64xf32, #tpu.memory_space<vmem>>) target_semaphore(%run_scoped3A : memref<!tpu.dma_semaphore, #tpu.memory_space<semaphore_mem>>)
      tpu.wait_dma2 semaphore(%run_scoped3A : memref<!tpu.dma_semaphore, #tpu.memory_space<semaphore_mem>>) src(%arg5 : memref<64xf32, #tpu.memory_space<hbm>>) dst(%arg15 : memref<64xf32, #tpu.memory_space<vmem>>)
      tpu.yield
    }) : () -> ()
    "tpu.region"() ({
      %run_scoped3A = tpu.sem_alloc : memref<!tpu.dma_semaphore, #tpu.memory_space<semaphore_mem>>
      %dma_start3A_104 = tpu.memref_slice %arg2[%mul3A_4] : memref<819200xi32, #tpu.memory_space<hbm>> -> memref<25600xi32, #tpu.memory_space<hbm>>
      %dma_start3A_105 = tpu.memref_slice %arg2[%mul3A_4] : memref<819200xi32, #tpu.memory_space<hbm>> -> memref<25600xi32, #tpu.memory_space<hbm>>
      tpu.enqueue_dma source(%dma_start3A_105 : memref<25600xi32, #tpu.memory_space<hbm>>) target(%arg7 : memref<25600xi32, #tpu.memory_space<vmem>>) target_semaphore(%run_scoped3A : memref<!tpu.dma_semaphore, #tpu.memory_space<semaphore_mem>>)
      %dma_wait3A_106 = tpu.memref_slice %arg2[%mul3A_4] : memref<819200xi32, #tpu.memory_space<hbm>> -> memref<25600xi32, #tpu.memory_space<hbm>>
      %dma_wait3A_107 = tpu.memref_slice %arg2[%mul3A_4] : memref<819200xi32, #tpu.memory_space<hbm>> -> memref<25600xi32, #tpu.memory_space<hbm>>
      tpu.wait_dma2 semaphore(%run_scoped3A : memref<!tpu.dma_semaphore, #tpu.memory_space<semaphore_mem>>) src(%dma_wait3A_107 : memref<25600xi32, #tpu.memory_space<hbm>>) dst(%arg7 : memref<25600xi32, #tpu.memory_space<vmem>>)
      tpu.yield
    }) : () -> ()
    %get3A = arith.constant 0 : index
    %get3A_5 = tpu.vector_load %arg14[%get3A] {strides = array<i32>} : memref<64xf32, #tpu.memory_space<vmem>>, vector<16xf32>,
    %get3A_6 = vector.shape_cast %get3A_5 : vector<16xf32> to vector<16xf32>
    %get3A_7 = arith.constant 16 : index
    %get3A_8 = tpu.vector_load %arg14[%get3A_7] {strides = array<i32>} : memref<64xf32, #tpu.memory_space<vmem>>, vector<16xf32>,
    %get3A_9 = vector.shape_cast %get3A_8 : vector<16xf32> to vector<16xf32>
    %get3A_10 = arith.constant 32 : index
    %get3A_11 = tpu.vector_load %arg14[%get3A_10] {strides = array<i32>} : memref<64xf32, #tpu.memory_space<vmem>>, vector<16xf32>,
    %get3A_12 = vector.shape_cast %get3A_11 : vector<16xf32> to vector<16xf32>
    %get3A_13 = arith.constant 48 : index
    %get3A_14 = tpu.vector_load %arg14[%get3A_13] {strides = array<i32>} : memref<64xf32, #tpu.memory_space<vmem>>, vector<16xf32>,
    %get3A_15 = vector.shape_cast %get3A_14 : vector<16xf32> to vector<16xf32>
    %get3A_16 = arith.constant 0 : index
    %get3A_17 = tpu.vector_load %arg15[%get3A_16] {strides = array<i32>} : memref<64xf32, #tpu.memory_space<vmem>>, vector<16xf32>,
    %get3A_18 = vector.shape_cast %get3A_17 : vector<16xf32> to vector<16xf32>
    %get3A_19 = arith.constant 16 : index
    %get3A_20 = tpu.vector_load %arg15[%get3A_19] {strides = array<i32>} : memref<64xf32, #tpu.memory_space<vmem>>, vector<16xf32>,
    %get3A_21 = vector.shape_cast %get3A_20 : vector<16xf32> to vector<16xf32>
    %get3A_22 = arith.constant 32 : index
    %get3A_23 = tpu.vector_load %arg15[%get3A_22] {strides = array<i32>} : memref<64xf32, #tpu.memory_space<vmem>>, vector<16xf32>,
    %get3A_24 = vector.shape_cast %get3A_23 : vector<16xf32> to vector<16xf32>
    %get3A_25 = arith.constant 48 : index
    %get3A_26 = tpu.vector_load %arg15[%get3A_25] {strides = array<i32>} : memref<64xf32, #tpu.memory_space<vmem>>, vector<16xf32>,
    %get3A_27 = vector.shape_cast %get3A_26 : vector<16xf32> to vector<16xf32>
    %broadcast_in_dim3A = arith.constant 0.000000e+00 : f32
    %broadcast_in_dim3A_28 = vector.broadcast %broadcast_in_dim3A : f32 to vector<16xf32>
    %dma_start3A = arith.constant 0 : i32
    %dma_start3A_29 = arith.constant 0 : i32
    %dma_start3A_30 = tpu.memref_slice %arg8[%dma_start3A, %dma_start3A_29] : memref<200x64xf32, #tpu.memory_space<vmem>> -> memref<128x64xf32, #tpu.memory_space<vmem>>
    %dma_start3A_31 = arith.constant 0 : i32
    %dma_start3A_32 = tpu.memref_slice %arg7[%dma_start3A_31] : memref<25600xi32, #tpu.memory_space<vmem>> -> memref<128xi32, #tpu.memory_space<vmem>>
    %dma_start3A_33 = arith.constant 0 : i32
    %dma_start3A_34 = arith.constant 0 : i32
    %dma_start3A_35 = tpu.memref_slice %arg3[%dma_start3A_33, %dma_start3A_34] : memref<1000000x64xf32, #tpu.memory_space<hbm>> -> memref<1000000x64xf32, #tpu.memory_space<hbm>>
    tpu.enqueue_indirect_dma source(%dma_start3A_35 : memref<1000000x64xf32, #tpu.memory_space<hbm>>) target(%dma_start3A_30 : memref<128x64xf32, #tpu.memory_space<vmem>>) offsets(%dma_start3A_32 : memref<128xi32, #tpu.memory_space<vmem>>) semaphore(%arg16 : memref<!tpu.dma_semaphore, #tpu.memory_space<semaphore_mem>>)
    %dma_start3A_36 = arith.constant 128 : i32
    %dma_start3A_37 = arith.constant 0 : i32
    %dma_start3A_38 = tpu.memref_slice %arg8[%dma_start3A_36, %dma_start3A_37] : memref<200x64xf32, #tpu.memory_space<vmem>> -> memref<72x64xf32, #tpu.memory_space<vmem>>
    %dma_start3A_39 = arith.constant 128 : i32
    %dma_start3A_40 = tpu.memref_slice %arg7[%dma_start3A_39] : memref<25600xi32, #tpu.memory_space<vmem>> -> memref<72xi32, #tpu.memory_space<vmem>>
    %dma_start3A_41 = arith.constant 0 : i32
    %dma_start3A_42 = arith.constant 0 : i32
    %dma_start3A_43 = tpu.memref_slice %arg3[%dma_start3A_41, %dma_start3A_42] : memref<1000000x64xf32, #tpu.memory_space<hbm>> -> memref<1000000x64xf32, #tpu.memory_space<hbm>>
    tpu.enqueue_indirect_dma source(%dma_start3A_43 : memref<1000000x64xf32, #tpu.memory_space<hbm>>) target(%dma_start3A_38 : memref<72x64xf32, #tpu.memory_space<vmem>>) offsets(%dma_start3A_40 : memref<72xi32, #tpu.memory_space<vmem>>) semaphore(%arg16 : memref<!tpu.dma_semaphore, #tpu.memory_space<semaphore_mem>>)
    %dma_start3A_44 = arith.constant 0 : i32
    %dma_start3A_45 = arith.constant 0 : i32
    %dma_start3A_46 = tpu.memref_slice %arg9[%dma_start3A_44, %dma_start3A_45] : memref<200x64xf32, #tpu.memory_space<vmem>> -> memref<128x64xf32, #tpu.memory_space<vmem>>
    %dma_start3A_47 = arith.constant 200 : i32
    %dma_start3A_48 = tpu.memref_slice %arg7[%dma_start3A_47] : memref<25600xi32, #tpu.memory_space<vmem>> -> memref<128xi32, #tpu.memory_space<vmem>>
    %dma_start3A_49 = arith.constant 0 : i32
    %dma_start3A_50 = arith.constant 0 : i32
    %dma_start3A_51 = tpu.memref_slice %arg3[%dma_start3A_49, %dma_start3A_50] : memref<1000000x64xf32, #tpu.memory_space<hbm>> -> memref<1000000x64xf32, #tpu.memory_space<hbm>>
    tpu.enqueue_indirect_dma source(%dma_start3A_51 : memref<1000000x64xf32, #tpu.memory_space<hbm>>) target(%dma_start3A_46 : memref<128x64xf32, #tpu.memory_space<vmem>>) offsets(%dma_start3A_48 : memref<128xi32, #tpu.memory_space<vmem>>) semaphore(%arg17 : memref<!tpu.dma_semaphore, #tpu.memory_space<semaphore_mem>>)
    %dma_start3A_52 = arith.constant 128 : i32
    %dma_start3A_53 = arith.constant 0 : i32
    %dma_start3A_54 = tpu.memref_slice %arg9[%dma_start3A_52, %dma_start3A_53] : memref<200x64xf32, #tpu.memory_space<vmem>> -> memref<72x64xf32, #tpu.memory_space<vmem>>
    %dma_start3A_55 = arith.constant 328 : i32
    %dma_start3A_56 = tpu.memref_slice %arg7[%dma_start3A_55] : memref<25600xi32, #tpu.memory_space<vmem>> -> memref<72xi32, #tpu.memory_space<vmem>>
    %dma_start3A_57 = arith.constant 0 : i32
    %dma_start3A_58 = arith.constant 0 : i32
    %dma_start3A_59 = tpu.memref_slice %arg3[%dma_start3A_57, %dma_start3A_58] : memref<1000000x64xf32, #tpu.memory_space<hbm>> -> memref<1000000x64xf32, #tpu.memory_space<hbm>>
    tpu.enqueue_indirect_dma source(%dma_start3A_59 : memref<1000000x64xf32, #tpu.memory_space<hbm>>) target(%dma_start3A_54 : memref<72x64xf32, #tpu.memory_space<vmem>>) offsets(%dma_start3A_56 : memref<72xi32, #tpu.memory_space<vmem>>) semaphore(%arg17 : memref<!tpu.dma_semaphore, #tpu.memory_space<semaphore_mem>>)
    %dma_start3A_60 = arith.constant 0 : i32
    %dma_start3A_61 = arith.constant 0 : i32
    %dma_start3A_62 = tpu.memref_slice %arg10[%dma_start3A_60, %dma_start3A_61] : memref<200x64xf32, #tpu.memory_space<vmem>> -> memref<128x64xf32, #tpu.memory_space<vmem>>
    %dma_start3A_63 = arith.constant 400 : i32
    %dma_start3A_64 = tpu.memref_slice %arg7[%dma_start3A_63] : memref<25600xi32, #tpu.memory_space<vmem>> -> memref<128xi32, #tpu.memory_space<vmem>>
    %dma_start3A_65 = arith.constant 0 : i32
    %dma_start3A_66 = arith.constant 0 : i32
    %dma_start3A_67 = tpu.memref_slice %arg3[%dma_start3A_65, %dma_start3A_66] : memref<1000000x64xf32, #tpu.memory_space<hbm>> -> memref<1000000x64xf32, #tpu.memory_space<hbm>>
    tpu.enqueue_indirect_dma source(%dma_start3A_67 : memref<1000000x64xf32, #tpu.memory_space<hbm>>) target(%dma_start3A_62 : memref<128x64xf32, #tpu.memory_space<vmem>>) offsets(%dma_start3A_64 : memref<128xi32, #tpu.memory_space<vmem>>) semaphore(%arg18 : memref<!tpu.dma_semaphore, #tpu.memory_space<semaphore_mem>>)
    %dma_start3A_68 = arith.constant 128 : i32
    %dma_start3A_69 = arith.constant 0 : i32
    %dma_start3A_70 = tpu.memref_slice %arg10[%dma_start3A_68, %dma_start3A_69] : memref<200x64xf32, #tpu.memory_space<vmem>> -> memref<72x64xf32, #tpu.memory_space<vmem>>
    %dma_start3A_71 = arith.constant 528 : i32
    %dma_start3A_72 = tpu.memref_slice %arg7[%dma_start3A_71] : memref<25600xi32, #tpu.memory_space<vmem>> -> memref<72xi32, #tpu.memory_space<vmem>>
    %dma_start3A_73 = arith.constant 0 : i32
    %dma_start3A_74 = arith.constant 0 : i32
    %dma_start3A_75 = tpu.memref_slice %arg3[%dma_start3A_73, %dma_start3A_74] : memref<1000000x64xf32, #tpu.memory_space<hbm>> -> memref<1000000x64xf32, #tpu.memory_space<hbm>>
    tpu.enqueue_indirect_dma source(%dma_start3A_75 : memref<1000000x64xf32, #tpu.memory_space<hbm>>) target(%dma_start3A_70 : memref<72x64xf32, #tpu.memory_space<vmem>>) offsets(%dma_start3A_72 : memref<72xi32, #tpu.memory_space<vmem>>) semaphore(%arg18 : memref<!tpu.dma_semaphore, #tpu.memory_space<semaphore_mem>>)
    %dma_start3A_76 = arith.constant 0 : i32
    %dma_start3A_77 = arith.constant 0 : i32
    %dma_start3A_78 = tpu.memref_slice %arg11[%dma_start3A_76, %dma_start3A_77] : memref<200x64xf32, #tpu.memory_space<vmem>> -> memref<128x64xf32, #tpu.memory_space<vmem>>
    %dma_start3A_79 = arith.constant 600 : i32
    %dma_start3A_80 = tpu.memref_slice %arg7[%dma_start3A_79] : memref<25600xi32, #tpu.memory_space<vmem>> -> memref<128xi32, #tpu.memory_space<vmem>>
    %dma_start3A_81 = arith.constant 0 : i32
    %dma_start3A_82 = arith.constant 0 : i32
    %dma_start3A_83 = tpu.memref_slice %arg3[%dma_start3A_81, %dma_start3A_82] : memref<1000000x64xf32, #tpu.memory_space<hbm>> -> memref<1000000x64xf32, #tpu.memory_space<hbm>>
    tpu.enqueue_indirect_dma source(%dma_start3A_83 : memref<1000000x64xf32, #tpu.memory_space<hbm>>) target(%dma_start3A_78 : memref<128x64xf32, #tpu.memory_space<vmem>>) offsets(%dma_start3A_80 : memref<128xi32, #tpu.memory_space<vmem>>) semaphore(%arg19 : memref<!tpu.dma_semaphore, #tpu.memory_space<semaphore_mem>>)
    %dma_start3A_84 = arith.constant 128 : i32
    %dma_start3A_85 = arith.constant 0 : i32
    %dma_start3A_86 = tpu.memref_slice %arg11[%dma_start3A_84, %dma_start3A_85] : memref<200x64xf32, #tpu.memory_space<vmem>> -> memref<72x64xf32, #tpu.memory_space<vmem>>
    %dma_start3A_87 = arith.constant 728 : i32
    %dma_start3A_88 = tpu.memref_slice %arg7[%dma_start3A_87] : memref<25600xi32, #tpu.memory_space<vmem>> -> memref<72xi32, #tpu.memory_space<vmem>>
    %dma_start3A_89 = arith.constant 0 : i32
    %dma_start3A_90 = arith.constant 0 : i32
    %dma_start3A_91 = tpu.memref_slice %arg3[%dma_start3A_89, %dma_start3A_90] : memref<1000000x64xf32, #tpu.memory_space<hbm>> -> memref<1000000x64xf32, #tpu.memory_space<hbm>>
    tpu.enqueue_indirect_dma source(%dma_start3A_91 : memref<1000000x64xf32, #tpu.memory_space<hbm>>) target(%dma_start3A_86 : memref<72x64xf32, #tpu.memory_space<vmem>>) offsets(%dma_start3A_88 : memref<72xi32, #tpu.memory_space<vmem>>) semaphore(%arg19 : memref<!tpu.dma_semaphore, #tpu.memory_space<semaphore_mem>>)
    %scan3A = arith.constant 0 : i32
    %scan3A_92 = arith.constant 0 : i32
    %scan3A_93 = arith.constant 32 : i32
    %scan3A_94 = arith.addi %scan3A_92, %scan3A_93 : i32
    %scan3A_95 = arith.constant 1 : i32
    scf.for %scan3A_104 = %scan3A_92 to %scan3A_94 step %scan3A_95  : i32 {
      %mul3A_105 = arith.constant 4 : i32
      %mul3A_106 = arith.muli %mul3A_105, %scan3A_104 : i32
      %add3A_107 = arith.constant 0 : i32
      %add3A_108 = arith.addi %mul3A_106, %add3A_107 : i32
      %dma_wait3A_109 = arith.constant 0 : i32
      %dma_wait3A_110 = arith.constant 0 : i32
      %dma_wait3A_111 = tpu.memref_slice %arg8[%dma_wait3A_109, %dma_wait3A_110] : memref<200x64xf32, #tpu.memory_space<vmem>> -> memref<128x64xf32, #tpu.memory_space<vmem>>
      %dma_wait3A_112 = arith.constant 0 : i32
      %dma_wait3A_113 = tpu.memref_slice %arg7[%dma_wait3A_112] : memref<25600xi32, #tpu.memory_space<vmem>> -> memref<128xi32, #tpu.memory_space<vmem>>
      %dma_wait3A_114 = arith.constant 0 : i32
      %dma_wait3A_115 = arith.constant 0 : i32
      %dma_wait3A_116 = tpu.memref_slice %arg3[%dma_wait3A_114, %dma_wait3A_115] : memref<1000000x64xf32, #tpu.memory_space<hbm>> -> memref<1000000x64xf32, #tpu.memory_space<hbm>>
      tpu.wait_indirect_dma semaphore(%arg16 : memref<!tpu.dma_semaphore, #tpu.memory_space<semaphore_mem>>) src(%dma_wait3A_116 : memref<1000000x64xf32, #tpu.memory_space<hbm>>) dst(%dma_wait3A_111 : memref<128x64xf32, #tpu.memory_space<vmem>>)
      %dma_wait3A_117 = arith.constant 128 : i32
      %dma_wait3A_118 = arith.constant 0 : i32
      %dma_wait3A_119 = tpu.memref_slice %arg8[%dma_wait3A_117, %dma_wait3A_118] : memref<200x64xf32, #tpu.memory_space<vmem>> -> memref<72x64xf32, #tpu.memory_space<vmem>>
      %dma_wait3A_120 = arith.constant 128 : i32
      %dma_wait3A_121 = tpu.memref_slice %arg7[%dma_wait3A_120] : memref<25600xi32, #tpu.memory_space<vmem>> -> memref<72xi32, #tpu.memory_space<vmem>>
      %dma_wait3A_122 = arith.constant 0 : i32
      %dma_wait3A_123 = arith.constant 0 : i32
      %dma_wait3A_124 = tpu.memref_slice %arg3[%dma_wait3A_122, %dma_wait3A_123] : memref<1000000x64xf32, #tpu.memory_space<hbm>> -> memref<1000000x64xf32, #tpu.memory_space<hbm>>
      tpu.wait_indirect_dma semaphore(%arg16 : memref<!tpu.dma_semaphore, #tpu.memory_space<semaphore_mem>>) src(%dma_wait3A_124 : memref<1000000x64xf32, #tpu.memory_space<hbm>>) dst(%dma_wait3A_119 : memref<72x64xf32, #tpu.memory_space<vmem>>)
      %ge3A = arith.constant 2 : i32
      %ge3A_125 = arith.cmpi sge, %add3A_108, %ge3A : i32
      %convert_element_type3A = arith.extui %ge3A_125 : i1 to i32
      %cond3A = arith.constant 0 : i32
      %cond3A_126 = arith.cmpi ne, %convert_element_type3A, %cond3A : i32
      scf.if %cond3A_126 {
        %dma_wait3A_281 = arith.constant 0 : i32
        %dma_wait3A_282 = tpu.memref_slice %arg6[%mul3A_4, %dma_wait3A_281] : memref<819200x64xf32, #tpu.memory_space<hbm>> -> memref<200x64xf32, #tpu.memory_space<hbm>>
        %dma_wait3A_283 = arith.constant 0 : i32
        %dma_wait3A_284 = tpu.memref_slice %arg6[%mul3A_4, %dma_wait3A_283] : memref<819200x64xf32, #tpu.memory_space<hbm>> -> memref<200x64xf32, #tpu.memory_space<hbm>>
        tpu.wait_dma2 semaphore(%arg20 : memref<!tpu.dma_semaphore, #tpu.memory_space<semaphore_mem>>) src(%arg12 : memref<200x64xf32, #tpu.memory_space<vmem>>) dst(%dma_wait3A_284 : memref<200x64xf32, #tpu.memory_space<hbm>>)
      } else {
      }
      %scan3A_127 = arith.constant 0 : i32
      %scan3A_128 = arith.constant 25 : i32
      %scan3A_129 = arith.addi %scan3A_127, %scan3A_128 : i32
      %scan3A_130 = arith.constant 1 : i32
      %scan3A_131:4 = scf.for %scan3A_281 = %scan3A_127 to %scan3A_129 step %scan3A_130 iter_args(%scan3A_282 = %broadcast_in_dim3A_28, %scan3A_283 = %broadcast_in_dim3A_28, %scan3A_284 = %broadcast_in_dim3A_28, %scan3A_285 = %broadcast_in_dim3A_28) -> (vector<16xf32>, vector<16xf32>, vector<16xf32>, vector<16xf32>)  : i32 {
        %mul3A_286 = arith.constant 8 : i32
        %mul3A_287 = arith.muli %scan3A_281, %mul3A_286 : i32
        %add3A_288 = arith.constant 0 : i32
        %add3A_289 = arith.addi %mul3A_287, %add3A_288 : i32
        %get3A_290 = arith.index_cast %add3A_289 : i32 to index
        %get3A_291 = arith.constant 0 : index
        %get3A_292 = tpu.vector_load %arg8[%get3A_290, %get3A_291] {strides = array<i32>} : memref<200x64xf32, #tpu.memory_space<vmem>>, vector<1x16xf32>,
        %get3A_293 = vector.shape_cast %get3A_292 : vector<1x16xf32> to vector<16xf32>
        %mul3A_294 = arith.mulf %get3A_293, %get3A_18 : vector<16xf32>
        %mul3A_295 = arith.mulf %scan3A_282, %get3A_6 : vector<16xf32>
        %add3A_296 = arith.addf %mul3A_294, %mul3A_295 : vector<16xf32>
        %max3A = arith.constant 0.000000e+00 : f32
        %max3A_297 = vector.broadcast %max3A : f32 to vector<16xf32>
        %max3A_298 = arith.maximumf %add3A_296, %max3A_297 : vector<16xf32>
        %add3A_299 = arith.constant 0 : i32
        %add3A_300 = arith.addi %mul3A_287, %add3A_299 : i32
        %swap3A = arith.index_cast %add3A_300 : i32 to index
        %swap3A_301 = arith.constant 0 : index
        %swap3A_302 = tpu.vector_load %arg12[%swap3A, %swap3A_301] {strides = array<i32>} : memref<200x64xf32, #tpu.memory_space<vmem>>, vector<1x16xf32>,
        %swap3A_303 = vector.shape_cast %swap3A_302 : vector<1x16xf32> to vector<16xf32>
        %swap3A_304 = vector.shape_cast %max3A_298 : vector<16xf32> to vector<1x16xf32>
        tpu.vector_store %arg12[%swap3A, %swap3A_301], %swap3A_304 {strides = array<i32>} : memref<200x64xf32, #tpu.memory_space<vmem>>, vector<1x16xf32>,
        %add3A_305 = arith.constant 0 : i32
        %add3A_306 = arith.addi %mul3A_287, %add3A_305 : i32
        %get3A_307 = arith.index_cast %add3A_306 : i32 to index
        %get3A_308 = arith.constant 16 : index
        %get3A_309 = tpu.vector_load %arg8[%get3A_307, %get3A_308] {strides = array<i32>} : memref<200x64xf32, #tpu.memory_space<vmem>>, vector<1x16xf32>,
        %get3A_310 = vector.shape_cast %get3A_309 : vector<1x16xf32> to vector<16xf32>
        %mul3A_311 = arith.mulf %get3A_310, %get3A_21 : vector<16xf32>
        %mul3A_312 = arith.mulf %scan3A_283, %get3A_9 : vector<16xf32>
        %add3A_313 = arith.addf %mul3A_311, %mul3A_312 : vector<16xf32>
        %max3A_314 = arith.constant 0.000000e+00 : f32
        %max3A_315 = vector.broadcast %max3A_314 : f32 to vector<16xf32>
        %max3A_316 = arith.maximumf %add3A_313, %max3A_315 : vector<16xf32>
        %add3A_317 = arith.constant 0 : i32
        %add3A_318 = arith.addi %mul3A_287, %add3A_317 : i32
        %swap3A_319 = arith.index_cast %add3A_318 : i32 to index
        %swap3A_320 = arith.constant 16 : index
        %swap3A_321 = tpu.vector_load %arg12[%swap3A_319, %swap3A_320] {strides = array<i32>} : memref<200x64xf32, #tpu.memory_space<vmem>>, vector<1x16xf32>,
        %swap3A_322 = vector.shape_cast %swap3A_321 : vector<1x16xf32> to vector<16xf32>
        %swap3A_323 = vector.shape_cast %max3A_316 : vector<16xf32> to vector<1x16xf32>
        tpu.vector_store %arg12[%swap3A_319, %swap3A_320], %swap3A_323 {strides = array<i32>} : memref<200x64xf32, #tpu.memory_space<vmem>>, vector<1x16xf32>,
        %add3A_324 = arith.constant 0 : i32
        %add3A_325 = arith.addi %mul3A_287, %add3A_324 : i32
        %get3A_326 = arith.index_cast %add3A_325 : i32 to index
        %get3A_327 = arith.constant 32 : index
        %get3A_328 = tpu.vector_load %arg8[%get3A_326, %get3A_327] {strides = array<i32>} : memref<200x64xf32, #tpu.memory_space<vmem>>, vector<1x16xf32>,
        %get3A_329 = vector.shape_cast %get3A_328 : vector<1x16xf32> to vector<16xf32>
        %mul3A_330 = arith.mulf %get3A_329, %get3A_24 : vector<16xf32>
        %mul3A_331 = arith.mulf %scan3A_284, %get3A_12 : vector<16xf32>
        %add3A_332 = arith.addf %mul3A_330, %mul3A_331 : vector<16xf32>
        %max3A_333 = arith.constant 0.000000e+00 : f32
        %max3A_334 = vector.broadcast %max3A_333 : f32 to vector<16xf32>
        %max3A_335 = arith.maximumf %add3A_332, %max3A_334 : vector<16xf32>
        %add3A_336 = arith.constant 0 : i32
        %add3A_337 = arith.addi %mul3A_287, %add3A_336 : i32
        %swap3A_338 = arith.index_cast %add3A_337 : i32 to index
        %swap3A_339 = arith.constant 32 : index
        %swap3A_340 = tpu.vector_load %arg12[%swap3A_338, %swap3A_339] {strides = array<i32>} : memref<200x64xf32, #tpu.memory_space<vmem>>, vector<1x16xf32>,
        %swap3A_341 = vector.shape_cast %swap3A_340 : vector<1x16xf32> to vector<16xf32>
        %swap3A_342 = vector.shape_cast %max3A_335 : vector<16xf32> to vector<1x16xf32>
        tpu.vector_store %arg12[%swap3A_338, %swap3A_339], %swap3A_342 {strides = array<i32>} : memref<200x64xf32, #tpu.memory_space<vmem>>, vector<1x16xf32>,
        %add3A_343 = arith.constant 0 : i32
        %add3A_344 = arith.addi %mul3A_287, %add3A_343 : i32
        %get3A_345 = arith.index_cast %add3A_344 : i32 to index
        %get3A_346 = arith.constant 48 : index
        %get3A_347 = tpu.vector_load %arg8[%get3A_345, %get3A_346] {strides = array<i32>} : memref<200x64xf32, #tpu.memory_space<vmem>>, vector<1x16xf32>,
        %get3A_348 = vector.shape_cast %get3A_347 : vector<1x16xf32> to vector<16xf32>
        %mul3A_349 = arith.mulf %get3A_348, %get3A_27 : vector<16xf32>
        %mul3A_350 = arith.mulf %scan3A_285, %get3A_15 : vector<16xf32>
        %add3A_351 = arith.addf %mul3A_349, %mul3A_350 : vector<16xf32>
        %max3A_352 = arith.constant 0.000000e+00 : f32
        %max3A_353 = vector.broadcast %max3A_352 : f32 to vector<16xf32>
        %max3A_354 = arith.maximumf %add3A_351, %max3A_353 : vector<16xf32>
        %add3A_355 = arith.constant 0 : i32
        %add3A_356 = arith.addi %mul3A_287, %add3A_355 : i32
        %swap3A_357 = arith.index_cast %add3A_356 : i32 to index
        %swap3A_358 = arith.constant 48 : index
        %swap3A_359 = tpu.vector_load %arg12[%swap3A_357, %swap3A_358] {strides = array<i32>} : memref<200x64xf32, #tpu.memory_space<vmem>>, vector<1x16xf32>,
        %swap3A_360 = vector.shape_cast %swap3A_359 : vector<1x16xf32> to vector<16xf32>
        %swap3A_361 = vector.shape_cast %max3A_354 : vector<16xf32> to vector<1x16xf32>
        tpu.vector_store %arg12[%swap3A_357, %swap3A_358], %swap3A_361 {strides = array<i32>} : memref<200x64xf32, #tpu.memory_space<vmem>>, vector<1x16xf32>,
        %add3A_362 = arith.constant 1 : i32
        %add3A_363 = arith.addi %mul3A_287, %add3A_362 : i32
        %get3A_364 = arith.index_cast %add3A_363 : i32 to index
        %get3A_365 = arith.constant 0 : index
        %get3A_366 = tpu.vector_load %arg8[%get3A_364, %get3A_365] {strides = array<i32>} : memref<200x64xf32, #tpu.memory_space<vmem>>, vector<1x16xf32>,
        %get3A_367 = vector.shape_cast %get3A_366 : vector<1x16xf32> to vector<16xf32>
        %mul3A_368 = arith.mulf %get3A_367, %get3A_18 : vector<16xf32>
        %mul3A_369 = arith.mulf %get3A_293, %get3A_6 : vector<16xf32>
        %add3A_370 = arith.addf %mul3A_368, %mul3A_369 : vector<16xf32>
        %max3A_371 = arith.constant 0.000000e+00 : f32
        %max3A_372 = vector.broadcast %max3A_371 : f32 to vector<16xf32>
        %max3A_373 = arith.maximumf %add3A_370, %max3A_372 : vector<16xf32>
        %add3A_374 = arith.constant 1 : i32
        %add3A_375 = arith.addi %mul3A_287, %add3A_374 : i32
        %swap3A_376 = arith.index_cast %add3A_375 : i32 to index
        %swap3A_377 = arith.constant 0 : index
        %swap3A_378 = tpu.vector_load %arg12[%swap3A_376, %swap3A_377] {strides = array<i32>} : memref<200x64xf32, #tpu.memory_space<vmem>>, vector<1x16xf32>,
        %swap3A_379 = vector.shape_cast %swap3A_378 : vector<1x16xf32> to vector<16xf32>
        %swap3A_380 = vector.shape_cast %max3A_373 : vector<16xf32> to vector<1x16xf32>
        tpu.vector_store %arg12[%swap3A_376, %swap3A_377], %swap3A_380 {strides = array<i32>} : memref<200x64xf32, #tpu.memory_space<vmem>>, vector<1x16xf32>,
        %add3A_381 = arith.constant 1 : i32
        %add3A_382 = arith.addi %mul3A_287, %add3A_381 : i32
        %get3A_383 = arith.index_cast %add3A_382 : i32 to index
        %get3A_384 = arith.constant 16 : index
        %get3A_385 = tpu.vector_load %arg8[%get3A_383, %get3A_384] {strides = array<i32>} : memref<200x64xf32, #tpu.memory_space<vmem>>, vector<1x16xf32>,
        %get3A_386 = vector.shape_cast %get3A_385 : vector<1x16xf32> to vector<16xf32>
        %mul3A_387 = arith.mulf %get3A_386, %get3A_21 : vector<16xf32>
        %mul3A_388 = arith.mulf %get3A_310, %get3A_9 : vector<16xf32>
        %add3A_389 = arith.addf %mul3A_387, %mul3A_388 : vector<16xf32>
        %max3A_390 = arith.constant 0.000000e+00 : f32
        %max3A_391 = vector.broadcast %max3A_390 : f32 to vector<16xf32>
        %max3A_392 = arith.maximumf %add3A_389, %max3A_391 : vector<16xf32>
        %add3A_393 = arith.constant 1 : i32
        %add3A_394 = arith.addi %mul3A_287, %add3A_393 : i32
        %swap3A_395 = arith.index_cast %add3A_394 : i32 to index
        %swap3A_396 = arith.constant 16 : index
        %swap3A_397 = tpu.vector_load %arg12[%swap3A_395, %swap3A_396] {strides = array<i32>} : memref<200x64xf32, #tpu.memory_space<vmem>>, vector<1x16xf32>,
        %swap3A_398 = vector.shape_cast %swap3A_397 : vector<1x16xf32> to vector<16xf32>
        %swap3A_399 = vector.shape_cast %max3A_392 : vector<16xf32> to vector<1x16xf32>
        tpu.vector_store %arg12[%swap3A_395, %swap3A_396], %swap3A_399 {strides = array<i32>} : memref<200x64xf32, #tpu.memory_space<vmem>>, vector<1x16xf32>,
        %add3A_400 = arith.constant 1 : i32
        %add3A_401 = arith.addi %mul3A_287, %add3A_400 : i32
        %get3A_402 = arith.index_cast %add3A_401 : i32 to index
        %get3A_403 = arith.constant 32 : index
        %get3A_404 = tpu.vector_load %arg8[%get3A_402, %get3A_403] {strides = array<i32>} : memref<200x64xf32, #tpu.memory_space<vmem>>, vector<1x16xf32>,
        %get3A_405 = vector.shape_cast %get3A_404 : vector<1x16xf32> to vector<16xf32>
        %mul3A_406 = arith.mulf %get3A_405, %get3A_24 : vector<16xf32>
        %mul3A_407 = arith.mulf %get3A_329, %get3A_12 : vector<16xf32>
        %add3A_408 = arith.addf %mul3A_406, %mul3A_407 : vector<16xf32>
        %max3A_409 = arith.constant 0.000000e+00 : f32
        %max3A_410 = vector.broadcast %max3A_409 : f32 to vector<16xf32>
        %max3A_411 = arith.maximumf %add3A_408, %max3A_410 : vector<16xf32>
        %add3A_412 = arith.constant 1 : i32
        %add3A_413 = arith.addi %mul3A_287, %add3A_412 : i32
        %swap3A_414 = arith.index_cast %add3A_413 : i32 to index
        %swap3A_415 = arith.constant 32 : index
        %swap3A_416 = tpu.vector_load %arg12[%swap3A_414, %swap3A_415] {strides = array<i32>} : memref<200x64xf32, #tpu.memory_space<vmem>>, vector<1x16xf32>,
        %swap3A_417 = vector.shape_cast %swap3A_416 : vector<1x16xf32> to vector<16xf32>
        %swap3A_418 = vector.shape_cast %max3A_411 : vector<16xf32> to vector<1x16xf32>
        tpu.vector_store %arg12[%swap3A_414, %swap3A_415], %swap3A_418 {strides = array<i32>} : memref<200x64xf32, #tpu.memory_space<vmem>>, vector<1x16xf32>,
        %add3A_419 = arith.constant 1 : i32
        %add3A_420 = arith.addi %mul3A_287, %add3A_419 : i32
        %get3A_421 = arith.index_cast %add3A_420 : i32 to index
        %get3A_422 = arith.constant 48 : index
        %get3A_423 = tpu.vector_load %arg8[%get3A_421, %get3A_422] {strides = array<i32>} : memref<200x64xf32, #tpu.memory_space<vmem>>, vector<1x16xf32>,
        %get3A_424 = vector.shape_cast %get3A_423 : vector<1x16xf32> to vector<16xf32>
        %mul3A_425 = arith.mulf %get3A_424, %get3A_27 : vector<16xf32>
        %mul3A_426 = arith.mulf %get3A_348, %get3A_15 : vector<16xf32>
        %add3A_427 = arith.addf %mul3A_425, %mul3A_426 : vector<16xf32>
        %max3A_428 = arith.constant 0.000000e+00 : f32
        %max3A_429 = vector.broadcast %max3A_428 : f32 to vector<16xf32>
        %max3A_430 = arith.maximumf %add3A_427, %max3A_429 : vector<16xf32>
        %add3A_431 = arith.constant 1 : i32
        %add3A_432 = arith.addi %mul3A_287, %add3A_431 : i32
        %swap3A_433 = arith.index_cast %add3A_432 : i32 to index
        %swap3A_434 = arith.constant 48 : index
        %swap3A_435 = tpu.vector_load %arg12[%swap3A_433, %swap3A_434] {strides = array<i32>} : memref<200x64xf32, #tpu.memory_space<vmem>>, vector<1x16xf32>,
        %swap3A_436 = vector.shape_cast %swap3A_435 : vector<1x16xf32> to vector<16xf32>
        %swap3A_437 = vector.shape_cast %max3A_430 : vector<16xf32> to vector<1x16xf32>
        tpu.vector_store %arg12[%swap3A_433, %swap3A_434], %swap3A_437 {strides = array<i32>} : memref<200x64xf32, #tpu.memory_space<vmem>>, vector<1x16xf32>,
        %add3A_438 = arith.constant 2 : i32
        %add3A_439 = arith.addi %mul3A_287, %add3A_438 : i32
        %get3A_440 = arith.index_cast %add3A_439 : i32 to index
        %get3A_441 = arith.constant 0 : index
        %get3A_442 = tpu.vector_load %arg8[%get3A_440, %get3A_441] {strides = array<i32>} : memref<200x64xf32, #tpu.memory_space<vmem>>, vector<1x16xf32>,
        %get3A_443 = vector.shape_cast %get3A_442 : vector<1x16xf32> to vector<16xf32>
        %mul3A_444 = arith.mulf %get3A_443, %get3A_18 : vector<16xf32>
        %mul3A_445 = arith.mulf %get3A_367, %get3A_6 : vector<16xf32>
        %add3A_446 = arith.addf %mul3A_444, %mul3A_445 : vector<16xf32>
        %max3A_447 = arith.constant 0.000000e+00 : f32
        %max3A_448 = vector.broadcast %max3A_447 : f32 to vector<16xf32>
        %max3A_449 = arith.maximumf %add3A_446, %max3A_448 : vector<16xf32>
        %add3A_450 = arith.constant 2 : i32
        %add3A_451 = arith.addi %mul3A_287, %add3A_450 : i32
        %swap3A_452 = arith.index_cast %add3A_451 : i32 to index
        %swap3A_453 = arith.constant 0 : index
        %swap3A_454 = tpu.vector_load %arg12[%swap3A_452, %swap3A_453] {strides = array<i32>} : memref<200x64xf32, #tpu.memory_space<vmem>>, vector<1x16xf32>,
        %swap3A_455 = vector.shape_cast %swap3A_454 : vector<1x16xf32> to vector<16xf32>
        %swap3A_456 = vector.shape_cast %max3A_449 : vector<16xf32> to vector<1x16xf32>
        tpu.vector_store %arg12[%swap3A_452, %swap3A_453], %swap3A_456 {strides = array<i32>} : memref<200x64xf32, #tpu.memory_space<vmem>>, vector<1x16xf32>,
        %add3A_457 = arith.constant 2 : i32
        %add3A_458 = arith.addi %mul3A_287, %add3A_457 : i32
        %get3A_459 = arith.index_cast %add3A_458 : i32 to index
        %get3A_460 = arith.constant 16 : index
        %get3A_461 = tpu.vector_load %arg8[%get3A_459, %get3A_460] {strides = array<i32>} : memref<200x64xf32, #tpu.memory_space<vmem>>, vector<1x16xf32>,
        %get3A_462 = vector.shape_cast %get3A_461 : vector<1x16xf32> to vector<16xf32>
        %mul3A_463 = arith.mulf %get3A_462, %get3A_21 : vector<16xf32>
        %mul3A_464 = arith.mulf %get3A_386, %get3A_9 : vector<16xf32>
        %add3A_465 = arith.addf %mul3A_463, %mul3A_464 : vector<16xf32>
        %max3A_466 = arith.constant 0.000000e+00 : f32
        %max3A_467 = vector.broadcast %max3A_466 : f32 to vector<16xf32>
        %max3A_468 = arith.maximumf %add3A_465, %max3A_467 : vector<16xf32>
        %add3A_469 = arith.constant 2 : i32
        %add3A_470 = arith.addi %mul3A_287, %add3A_469 : i32
        %swap3A_471 = arith.index_cast %add3A_470 : i32 to index
        %swap3A_472 = arith.constant 16 : index
        %swap3A_473 = tpu.vector_load %arg12[%swap3A_471, %swap3A_472] {strides = array<i32>} : memref<200x64xf32, #tpu.memory_space<vmem>>, vector<1x16xf32>,
        %swap3A_474 = vector.shape_cast %swap3A_473 : vector<1x16xf32> to vector<16xf32>
        %swap3A_475 = vector.shape_cast %max3A_468 : vector<16xf32> to vector<1x16xf32>
        tpu.vector_store %arg12[%swap3A_471, %swap3A_472], %swap3A_475 {strides = array<i32>} : memref<200x64xf32, #tpu.memory_space<vmem>>, vector<1x16xf32>,
        %add3A_476 = arith.constant 2 : i32
        %add3A_477 = arith.addi %mul3A_287, %add3A_476 : i32
        %get3A_478 = arith.index_cast %add3A_477 : i32 to index
        %get3A_479 = arith.constant 32 : index
        %get3A_480 = tpu.vector_load %arg8[%get3A_478, %get3A_479] {strides = array<i32>} : memref<200x64xf32, #tpu.memory_space<vmem>>, vector<1x16xf32>,
        %get3A_481 = vector.shape_cast %get3A_480 : vector<1x16xf32> to vector<16xf32>
        %mul3A_482 = arith.mulf %get3A_481, %get3A_24 : vector<16xf32>
        %mul3A_483 = arith.mulf %get3A_405, %get3A_12 : vector<16xf32>
        %add3A_484 = arith.addf %mul3A_482, %mul3A_483 : vector<16xf32>
        %max3A_485 = arith.constant 0.000000e+00 : f32
        %max3A_486 = vector.broadcast %max3A_485 : f32 to vector<16xf32>
        %max3A_487 = arith.maximumf %add3A_484, %max3A_486 : vector<16xf32>
        %add3A_488 = arith.constant 2 : i32
        %add3A_489 = arith.addi %mul3A_287, %add3A_488 : i32
        %swap3A_490 = arith.index_cast %add3A_489 : i32 to index
        %swap3A_491 = arith.constant 32 : index
        %swap3A_492 = tpu.vector_load %arg12[%swap3A_490, %swap3A_491] {strides = array<i32>} : memref<200x64xf32, #tpu.memory_space<vmem>>, vector<1x16xf32>,
        %swap3A_493 = vector.shape_cast %swap3A_492 : vector<1x16xf32> to vector<16xf32>
        %swap3A_494 = vector.shape_cast %max3A_487 : vector<16xf32> to vector<1x16xf32>
        tpu.vector_store %arg12[%swap3A_490, %swap3A_491], %swap3A_494 {strides = array<i32>} : memref<200x64xf32, #tpu.memory_space<vmem>>, vector<1x16xf32>,
        %add3A_495 = arith.constant 2 : i32
        %add3A_496 = arith.addi %mul3A_287, %add3A_495 : i32
        %get3A_497 = arith.index_cast %add3A_496 : i32 to index
        %get3A_498 = arith.constant 48 : index
        %get3A_499 = tpu.vector_load %arg8[%get3A_497, %get3A_498] {strides = array<i32>} : memref<200x64xf32, #tpu.memory_space<vmem>>, vector<1x16xf32>,
        %get3A_500 = vector.shape_cast %get3A_499 : vector<1x16xf32> to vector<16xf32>
        %mul3A_501 = arith.mulf %get3A_500, %get3A_27 : vector<16xf32>
        %mul3A_502 = arith.mulf %get3A_424, %get3A_15 : vector<16xf32>
        %add3A_503 = arith.addf %mul3A_501, %mul3A_502 : vector<16xf32>
        %max3A_504 = arith.constant 0.000000e+00 : f32
        %max3A_505 = vector.broadcast %max3A_504 : f32 to vector<16xf32>
        %max3A_506 = arith.maximumf %add3A_503, %max3A_505 : vector<16xf32>
        %add3A_507 = arith.constant 2 : i32
        %add3A_508 = arith.addi %mul3A_287, %add3A_507 : i32
        %swap3A_509 = arith.index_cast %add3A_508 : i32 to index
        %swap3A_510 = arith.constant 48 : index
        %swap3A_511 = tpu.vector_load %arg12[%swap3A_509, %swap3A_510] {strides = array<i32>} : memref<200x64xf32, #tpu.memory_space<vmem>>, vector<1x16xf32>,
        %swap3A_512 = vector.shape_cast %swap3A_511 : vector<1x16xf32> to vector<16xf32>
        %swap3A_513 = vector.shape_cast %max3A_506 : vector<16xf32> to vector<1x16xf32>
        tpu.vector_store %arg12[%swap3A_509, %swap3A_510], %swap3A_513 {strides = array<i32>} : memref<200x64xf32, #tpu.memory_space<vmem>>, vector<1x16xf32>,
        %add3A_514 = arith.constant 3 : i32
        %add3A_515 = arith.addi %mul3A_287, %add3A_514 : i32
        %get3A_516 = arith.index_cast %add3A_515 : i32 to index
        %get3A_517 = arith.constant 0 : index
        %get3A_518 = tpu.vector_load %arg8[%get3A_516, %get3A_517] {strides = array<i32>} : memref<200x64xf32, #tpu.memory_space<vmem>>, vector<1x16xf32>,
        %get3A_519 = vector.shape_cast %get3A_518 : vector<1x16xf32> to vector<16xf32>
        %mul3A_520 = arith.mulf %get3A_519, %get3A_18 : vector<16xf32>
        %mul3A_521 = arith.mulf %get3A_443, %get3A_6 : vector<16xf32>
        %add3A_522 = arith.addf %mul3A_520, %mul3A_521 : vector<16xf32>
        %max3A_523 = arith.constant 0.000000e+00 : f32
        %max3A_524 = vector.broadcast %max3A_523 : f32 to vector<16xf32>
        %max3A_525 = arith.maximumf %add3A_522, %max3A_524 : vector<16xf32>
        %add3A_526 = arith.constant 3 : i32
        %add3A_527 = arith.addi %mul3A_287, %add3A_526 : i32
        %swap3A_528 = arith.index_cast %add3A_527 : i32 to index
        %swap3A_529 = arith.constant 0 : index
        %swap3A_530 = tpu.vector_load %arg12[%swap3A_528, %swap3A_529] {strides = array<i32>} : memref<200x64xf32, #tpu.memory_space<vmem>>, vector<1x16xf32>,
        %swap3A_531 = vector.shape_cast %swap3A_530 : vector<1x16xf32> to vector<16xf32>
        %swap3A_532 = vector.shape_cast %max3A_525 : vector<16xf32> to vector<1x16xf32>
        tpu.vector_store %arg12[%swap3A_528, %swap3A_529], %swap3A_532 {strides = array<i32>} : memref<200x64xf32, #tpu.memory_space<vmem>>, vector<1x16xf32>,
        %add3A_533 = arith.constant 3 : i32
        %add3A_534 = arith.addi %mul3A_287, %add3A_533 : i32
        %get3A_535 = arith.index_cast %add3A_534 : i32 to index
        %get3A_536 = arith.constant 16 : index
        %get3A_537 = tpu.vector_load %arg8[%get3A_535, %get3A_536] {strides = array<i32>} : memref<200x64xf32, #tpu.memory_space<vmem>>, vector<1x16xf32>,
        %get3A_538 = vector.shape_cast %get3A_537 : vector<1x16xf32> to vector<16xf32>
        %mul3A_539 = arith.mulf %get3A_538, %get3A_21 : vector<16xf32>
        %mul3A_540 = arith.mulf %get3A_462, %get3A_9 : vector<16xf32>
        %add3A_541 = arith.addf %mul3A_539, %mul3A_540 : vector<16xf32>
        %max3A_542 = arith.constant 0.000000e+00 : f32
        %max3A_543 = vector.broadcast %max3A_542 : f32 to vector<16xf32>
        %max3A_544 = arith.maximumf %add3A_541, %max3A_543 : vector<16xf32>
        %add3A_545 = arith.constant 3 : i32
        %add3A_546 = arith.addi %mul3A_287, %add3A_545 : i32
        %swap3A_547 = arith.index_cast %add3A_546 : i32 to index
        %swap3A_548 = arith.constant 16 : index
        %swap3A_549 = tpu.vector_load %arg12[%swap3A_547, %swap3A_548] {strides = array<i32>} : memref<200x64xf32, #tpu.memory_space<vmem>>, vector<1x16xf32>,
        %swap3A_550 = vector.shape_cast %swap3A_549 : vector<1x16xf32> to vector<16xf32>
        %swap3A_551 = vector.shape_cast %max3A_544 : vector<16xf32> to vector<1x16xf32>
        tpu.vector_store %arg12[%swap3A_547, %swap3A_548], %swap3A_551 {strides = array<i32>} : memref<200x64xf32, #tpu.memory_space<vmem>>, vector<1x16xf32>,
        %add3A_552 = arith.constant 3 : i32
        %add3A_553 = arith.addi %mul3A_287, %add3A_552 : i32
        %get3A_554 = arith.index_cast %add3A_553 : i32 to index
        %get3A_555 = arith.constant 32 : index
        %get3A_556 = tpu.vector_load %arg8[%get3A_554, %get3A_555] {strides = array<i32>} : memref<200x64xf32, #tpu.memory_space<vmem>>, vector<1x16xf32>,
        %get3A_557 = vector.shape_cast %get3A_556 : vector<1x16xf32> to vector<16xf32>
        %mul3A_558 = arith.mulf %get3A_557, %get3A_24 : vector<16xf32>
        %mul3A_559 = arith.mulf %get3A_481, %get3A_12 : vector<16xf32>
        %add3A_560 = arith.addf %mul3A_558, %mul3A_559 : vector<16xf32>
        %max3A_561 = arith.constant 0.000000e+00 : f32
        %max3A_562 = vector.broadcast %max3A_561 : f32 to vector<16xf32>
        %max3A_563 = arith.maximumf %add3A_560, %max3A_562 : vector<16xf32>
        %add3A_564 = arith.constant 3 : i32
        %add3A_565 = arith.addi %mul3A_287, %add3A_564 : i32
        %swap3A_566 = arith.index_cast %add3A_565 : i32 to index
        %swap3A_567 = arith.constant 32 : index
        %swap3A_568 = tpu.vector_load %arg12[%swap3A_566, %swap3A_567] {strides = array<i32>} : memref<200x64xf32, #tpu.memory_space<vmem>>, vector<1x16xf32>,
        %swap3A_569 = vector.shape_cast %swap3A_568 : vector<1x16xf32> to vector<16xf32>
        %swap3A_570 = vector.shape_cast %max3A_563 : vector<16xf32> to vector<1x16xf32>
        tpu.vector_store %arg12[%swap3A_566, %swap3A_567], %swap3A_570 {strides = array<i32>} : memref<200x64xf32, #tpu.memory_space<vmem>>, vector<1x16xf32>,
        %add3A_571 = arith.constant 3 : i32
        %add3A_572 = arith.addi %mul3A_287, %add3A_571 : i32
        %get3A_573 = arith.index_cast %add3A_572 : i32 to index
        %get3A_574 = arith.constant 48 : index
        %get3A_575 = tpu.vector_load %arg8[%get3A_573, %get3A_574] {strides = array<i32>} : memref<200x64xf32, #tpu.memory_space<vmem>>, vector<1x16xf32>,
        %get3A_576 = vector.shape_cast %get3A_575 : vector<1x16xf32> to vector<16xf32>
        %mul3A_577 = arith.mulf %get3A_576, %get3A_27 : vector<16xf32>
        %mul3A_578 = arith.mulf %get3A_500, %get3A_15 : vector<16xf32>
        %add3A_579 = arith.addf %mul3A_577, %mul3A_578 : vector<16xf32>
        %max3A_580 = arith.constant 0.000000e+00 : f32
        %max3A_581 = vector.broadcast %max3A_580 : f32 to vector<16xf32>
        %max3A_582 = arith.maximumf %add3A_579, %max3A_581 : vector<16xf32>
        %add3A_583 = arith.constant 3 : i32
        %add3A_584 = arith.addi %mul3A_287, %add3A_583 : i32
        %swap3A_585 = arith.index_cast %add3A_584 : i32 to index
        %swap3A_586 = arith.constant 48 : index
        %swap3A_587 = tpu.vector_load %arg12[%swap3A_585, %swap3A_586] {strides = array<i32>} : memref<200x64xf32, #tpu.memory_space<vmem>>, vector<1x16xf32>,
        %swap3A_588 = vector.shape_cast %swap3A_587 : vector<1x16xf32> to vector<16xf32>
        %swap3A_589 = vector.shape_cast %max3A_582 : vector<16xf32> to vector<1x16xf32>
        tpu.vector_store %arg12[%swap3A_585, %swap3A_586], %swap3A_589 {strides = array<i32>} : memref<200x64xf32, #tpu.memory_space<vmem>>, vector<1x16xf32>,
        %add3A_590 = arith.constant 4 : i32
        %add3A_591 = arith.addi %mul3A_287, %add3A_590 : i32
        %get3A_592 = arith.index_cast %add3A_591 : i32 to index
        %get3A_593 = arith.constant 0 : index
        %get3A_594 = tpu.vector_load %arg8[%get3A_592, %get3A_593] {strides = array<i32>} : memref<200x64xf32, #tpu.memory_space<vmem>>, vector<1x16xf32>,
        %get3A_595 = vector.shape_cast %get3A_594 : vector<1x16xf32> to vector<16xf32>
        %mul3A_596 = arith.mulf %get3A_595, %get3A_18 : vector<16xf32>
        %mul3A_597 = arith.mulf %get3A_519, %get3A_6 : vector<16xf32>
        %add3A_598 = arith.addf %mul3A_596, %mul3A_597 : vector<16xf32>
        %max3A_599 = arith.constant 0.000000e+00 : f32
        %max3A_600 = vector.broadcast %max3A_599 : f32 to vector<16xf32>
        %max3A_601 = arith.maximumf %add3A_598, %max3A_600 : vector<16xf32>
        %add3A_602 = arith.constant 4 : i32
        %add3A_603 = arith.addi %mul3A_287, %add3A_602 : i32
        %swap3A_604 = arith.index_cast %add3A_603 : i32 to index
        %swap3A_605 = arith.constant 0 : index
        %swap3A_606 = tpu.vector_load %arg12[%swap3A_604, %swap3A_605] {strides = array<i32>} : memref<200x64xf32, #tpu.memory_space<vmem>>, vector<1x16xf32>,
        %swap3A_607 = vector.shape_cast %swap3A_606 : vector<1x16xf32> to vector<16xf32>
        %swap3A_608 = vector.shape_cast %max3A_601 : vector<16xf32> to vector<1x16xf32>
        tpu.vector_store %arg12[%swap3A_604, %swap3A_605], %swap3A_608 {strides = array<i32>} : memref<200x64xf32, #tpu.memory_space<vmem>>, vector<1x16xf32>,
        %add3A_609 = arith.constant 4 : i32
        %add3A_610 = arith.addi %mul3A_287, %add3A_609 : i32
        %get3A_611 = arith.index_cast %add3A_610 : i32 to index
        %get3A_612 = arith.constant 16 : index
        %get3A_613 = tpu.vector_load %arg8[%get3A_611, %get3A_612] {strides = array<i32>} : memref<200x64xf32, #tpu.memory_space<vmem>>, vector<1x16xf32>,
        %get3A_614 = vector.shape_cast %get3A_613 : vector<1x16xf32> to vector<16xf32>
        %mul3A_615 = arith.mulf %get3A_614, %get3A_21 : vector<16xf32>
        %mul3A_616 = arith.mulf %get3A_538, %get3A_9 : vector<16xf32>
        %add3A_617 = arith.addf %mul3A_615, %mul3A_616 : vector<16xf32>
        %max3A_618 = arith.constant 0.000000e+00 : f32
        %max3A_619 = vector.broadcast %max3A_618 : f32 to vector<16xf32>
        %max3A_620 = arith.maximumf %add3A_617, %max3A_619 : vector<16xf32>
        %add3A_621 = arith.constant 4 : i32
        %add3A_622 = arith.addi %mul3A_287, %add3A_621 : i32
        %swap3A_623 = arith.index_cast %add3A_622 : i32 to index
        %swap3A_624 = arith.constant 16 : index
        %swap3A_625 = tpu.vector_load %arg12[%swap3A_623, %swap3A_624] {strides = array<i32>} : memref<200x64xf32, #tpu.memory_space<vmem>>, vector<1x16xf32>,
        %swap3A_626 = vector.shape_cast %swap3A_625 : vector<1x16xf32> to vector<16xf32>
        %swap3A_627 = vector.shape_cast %max3A_620 : vector<16xf32> to vector<1x16xf32>
        tpu.vector_store %arg12[%swap3A_623, %swap3A_624], %swap3A_627 {strides = array<i32>} : memref<200x64xf32, #tpu.memory_space<vmem>>, vector<1x16xf32>,
        %add3A_628 = arith.constant 4 : i32
        %add3A_629 = arith.addi %mul3A_287, %add3A_628 : i32
        %get3A_630 = arith.index_cast %add3A_629 : i32 to index
        %get3A_631 = arith.constant 32 : index
        %get3A_632 = tpu.vector_load %arg8[%get3A_630, %get3A_631] {strides = array<i32>} : memref<200x64xf32, #tpu.memory_space<vmem>>, vector<1x16xf32>,
        %get3A_633 = vector.shape_cast %get3A_632 : vector<1x16xf32> to vector<16xf32>
        %mul3A_634 = arith.mulf %get3A_633, %get3A_24 : vector<16xf32>
        %mul3A_635 = arith.mulf %get3A_557, %get3A_12 : vector<16xf32>
        %add3A_636 = arith.addf %mul3A_634, %mul3A_635 : vector<16xf32>
        %max3A_637 = arith.constant 0.000000e+00 : f32
        %max3A_638 = vector.broadcast %max3A_637 : f32 to vector<16xf32>
        %max3A_639 = arith.maximumf %add3A_636, %max3A_638 : vector<16xf32>
        %add3A_640 = arith.constant 4 : i32
        %add3A_641 = arith.addi %mul3A_287, %add3A_640 : i32
        %swap3A_642 = arith.index_cast %add3A_641 : i32 to index
        %swap3A_643 = arith.constant 32 : index
        %swap3A_644 = tpu.vector_load %arg12[%swap3A_642, %swap3A_643] {strides = array<i32>} : memref<200x64xf32, #tpu.memory_space<vmem>>, vector<1x16xf32>,
        %swap3A_645 = vector.shape_cast %swap3A_644 : vector<1x16xf32> to vector<16xf32>
        %swap3A_646 = vector.shape_cast %max3A_639 : vector<16xf32> to vector<1x16xf32>
        tpu.vector_store %arg12[%swap3A_642, %swap3A_643], %swap3A_646 {strides = array<i32>} : memref<200x64xf32, #tpu.memory_space<vmem>>, vector<1x16xf32>,
        %add3A_647 = arith.constant 4 : i32
        %add3A_648 = arith.addi %mul3A_287, %add3A_647 : i32
        %get3A_649 = arith.index_cast %add3A_648 : i32 to index
        %get3A_650 = arith.constant 48 : index
        %get3A_651 = tpu.vector_load %arg8[%get3A_649, %get3A_650] {strides = array<i32>} : memref<200x64xf32, #tpu.memory_space<vmem>>, vector<1x16xf32>,
        %get3A_652 = vector.shape_cast %get3A_651 : vector<1x16xf32> to vector<16xf32>
        %mul3A_653 = arith.mulf %get3A_652, %get3A_27 : vector<16xf32>
        %mul3A_654 = arith.mulf %get3A_576, %get3A_15 : vector<16xf32>
        %add3A_655 = arith.addf %mul3A_653, %mul3A_654 : vector<16xf32>
        %max3A_656 = arith.constant 0.000000e+00 : f32
        %max3A_657 = vector.broadcast %max3A_656 : f32 to vector<16xf32>
        %max3A_658 = arith.maximumf %add3A_655, %max3A_657 : vector<16xf32>
        %add3A_659 = arith.constant 4 : i32
        %add3A_660 = arith.addi %mul3A_287, %add3A_659 : i32
        %swap3A_661 = arith.index_cast %add3A_660 : i32 to index
        %swap3A_662 = arith.constant 48 : index
        %swap3A_663 = tpu.vector_load %arg12[%swap3A_661, %swap3A_662] {strides = array<i32>} : memref<200x64xf32, #tpu.memory_space<vmem>>, vector<1x16xf32>,
        %swap3A_664 = vector.shape_cast %swap3A_663 : vector<1x16xf32> to vector<16xf32>
        %swap3A_665 = vector.shape_cast %max3A_658 : vector<16xf32> to vector<1x16xf32>
        tpu.vector_store %arg12[%swap3A_661, %swap3A_662], %swap3A_665 {strides = array<i32>} : memref<200x64xf32, #tpu.memory_space<vmem>>, vector<1x16xf32>,
        %add3A_666 = arith.constant 5 : i32
        %add3A_667 = arith.addi %mul3A_287, %add3A_666 : i32
        %get3A_668 = arith.index_cast %add3A_667 : i32 to index
        %get3A_669 = arith.constant 0 : index
        %get3A_670 = tpu.vector_load %arg8[%get3A_668, %get3A_669] {strides = array<i32>} : memref<200x64xf32, #tpu.memory_space<vmem>>, vector<1x16xf32>,
        %get3A_671 = vector.shape_cast %get3A_670 : vector<1x16xf32> to vector<16xf32>
        %mul3A_672 = arith.mulf %get3A_671, %get3A_18 : vector<16xf32>
        %mul3A_673 = arith.mulf %get3A_595, %get3A_6 : vector<16xf32>
        %add3A_674 = arith.addf %mul3A_672, %mul3A_673 : vector<16xf32>
        %max3A_675 = arith.constant 0.000000e+00 : f32
        %max3A_676 = vector.broadcast %max3A_675 : f32 to vector<16xf32>
        %max3A_677 = arith.maximumf %add3A_674, %max3A_676 : vector<16xf32>
        %add3A_678 = arith.constant 5 : i32
        %add3A_679 = arith.addi %mul3A_287, %add3A_678 : i32
        %swap3A_680 = arith.index_cast %add3A_679 : i32 to index
        %swap3A_681 = arith.constant 0 : index
        %swap3A_682 = tpu.vector_load %arg12[%swap3A_680, %swap3A_681] {strides = array<i32>} : memref<200x64xf32, #tpu.memory_space<vmem>>, vector<1x16xf32>,
        %swap3A_683 = vector.shape_cast %swap3A_682 : vector<1x16xf32> to vector<16xf32>
        %swap3A_684 = vector.shape_cast %max3A_677 : vector<16xf32> to vector<1x16xf32>
        tpu.vector_store %arg12[%swap3A_680, %swap3A_681], %swap3A_684 {strides = array<i32>} : memref<200x64xf32, #tpu.memory_space<vmem>>, vector<1x16xf32>,
        %add3A_685 = arith.constant 5 : i32
        %add3A_686 = arith.addi %mul3A_287, %add3A_685 : i32
        %get3A_687 = arith.index_cast %add3A_686 : i32 to index
        %get3A_688 = arith.constant 16 : index
        %get3A_689 = tpu.vector_load %arg8[%get3A_687, %get3A_688] {strides = array<i32>} : memref<200x64xf32, #tpu.memory_space<vmem>>, vector<1x16xf32>,
        %get3A_690 = vector.shape_cast %get3A_689 : vector<1x16xf32> to vector<16xf32>
        %mul3A_691 = arith.mulf %get3A_690, %get3A_21 : vector<16xf32>
        %mul3A_692 = arith.mulf %get3A_614, %get3A_9 : vector<16xf32>
        %add3A_693 = arith.addf %mul3A_691, %mul3A_692 : vector<16xf32>
        %max3A_694 = arith.constant 0.000000e+00 : f32
        %max3A_695 = vector.broadcast %max3A_694 : f32 to vector<16xf32>
        %max3A_696 = arith.maximumf %add3A_693, %max3A_695 : vector<16xf32>
        %add3A_697 = arith.constant 5 : i32
        %add3A_698 = arith.addi %mul3A_287, %add3A_697 : i32
        %swap3A_699 = arith.index_cast %add3A_698 : i32 to index
        %swap3A_700 = arith.constant 16 : index
        %swap3A_701 = tpu.vector_load %arg12[%swap3A_699, %swap3A_700] {strides = array<i32>} : memref<200x64xf32, #tpu.memory_space<vmem>>, vector<1x16xf32>,
        %swap3A_702 = vector.shape_cast %swap3A_701 : vector<1x16xf32> to vector<16xf32>
        %swap3A_703 = vector.shape_cast %max3A_696 : vector<16xf32> to vector<1x16xf32>
        tpu.vector_store %arg12[%swap3A_699, %swap3A_700], %swap3A_703 {strides = array<i32>} : memref<200x64xf32, #tpu.memory_space<vmem>>, vector<1x16xf32>,
        %add3A_704 = arith.constant 5 : i32
        %add3A_705 = arith.addi %mul3A_287, %add3A_704 : i32
        %get3A_706 = arith.index_cast %add3A_705 : i32 to index
        %get3A_707 = arith.constant 32 : index
        %get3A_708 = tpu.vector_load %arg8[%get3A_706, %get3A_707] {strides = array<i32>} : memref<200x64xf32, #tpu.memory_space<vmem>>, vector<1x16xf32>,
        %get3A_709 = vector.shape_cast %get3A_708 : vector<1x16xf32> to vector<16xf32>
        %mul3A_710 = arith.mulf %get3A_709, %get3A_24 : vector<16xf32>
        %mul3A_711 = arith.mulf %get3A_633, %get3A_12 : vector<16xf32>
        %add3A_712 = arith.addf %mul3A_710, %mul3A_711 : vector<16xf32>
        %max3A_713 = arith.constant 0.000000e+00 : f32
        %max3A_714 = vector.broadcast %max3A_713 : f32 to vector<16xf32>
        %max3A_715 = arith.maximumf %add3A_712, %max3A_714 : vector<16xf32>
        %add3A_716 = arith.constant 5 : i32
        %add3A_717 = arith.addi %mul3A_287, %add3A_716 : i32
        %swap3A_718 = arith.index_cast %add3A_717 : i32 to index
        %swap3A_719 = arith.constant 32 : index
        %swap3A_720 = tpu.vector_load %arg12[%swap3A_718, %swap3A_719] {strides = array<i32>} : memref<200x64xf32, #tpu.memory_space<vmem>>, vector<1x16xf32>,
        %swap3A_721 = vector.shape_cast %swap3A_720 : vector<1x16xf32> to vector<16xf32>
        %swap3A_722 = vector.shape_cast %max3A_715 : vector<16xf32> to vector<1x16xf32>
        tpu.vector_store %arg12[%swap3A_718, %swap3A_719], %swap3A_722 {strides = array<i32>} : memref<200x64xf32, #tpu.memory_space<vmem>>, vector<1x16xf32>,
        %add3A_723 = arith.constant 5 : i32
        %add3A_724 = arith.addi %mul3A_287, %add3A_723 : i32
        %get3A_725 = arith.index_cast %add3A_724 : i32 to index
        %get3A_726 = arith.constant 48 : index
        %get3A_727 = tpu.vector_load %arg8[%get3A_725, %get3A_726] {strides = array<i32>} : memref<200x64xf32, #tpu.memory_space<vmem>>, vector<1x16xf32>,
        %get3A_728 = vector.shape_cast %get3A_727 : vector<1x16xf32> to vector<16xf32>
        %mul3A_729 = arith.mulf %get3A_728, %get3A_27 : vector<16xf32>
        %mul3A_730 = arith.mulf %get3A_652, %get3A_15 : vector<16xf32>
        %add3A_731 = arith.addf %mul3A_729, %mul3A_730 : vector<16xf32>
        %max3A_732 = arith.constant 0.000000e+00 : f32
        %max3A_733 = vector.broadcast %max3A_732 : f32 to vector<16xf32>
        %max3A_734 = arith.maximumf %add3A_731, %max3A_733 : vector<16xf32>
        %add3A_735 = arith.constant 5 : i32
        %add3A_736 = arith.addi %mul3A_287, %add3A_735 : i32
        %swap3A_737 = arith.index_cast %add3A_736 : i32 to index
        %swap3A_738 = arith.constant 48 : index
        %swap3A_739 = tpu.vector_load %arg12[%swap3A_737, %swap3A_738] {strides = array<i32>} : memref<200x64xf32, #tpu.memory_space<vmem>>, vector<1x16xf32>,
        %swap3A_740 = vector.shape_cast %swap3A_739 : vector<1x16xf32> to vector<16xf32>
        %swap3A_741 = vector.shape_cast %max3A_734 : vector<16xf32> to vector<1x16xf32>
        tpu.vector_store %arg12[%swap3A_737, %swap3A_738], %swap3A_741 {strides = array<i32>} : memref<200x64xf32, #tpu.memory_space<vmem>>, vector<1x16xf32>,
        %add3A_742 = arith.constant 6 : i32
        %add3A_743 = arith.addi %mul3A_287, %add3A_742 : i32
        %get3A_744 = arith.index_cast %add3A_743 : i32 to index
        %get3A_745 = arith.constant 0 : index
        %get3A_746 = tpu.vector_load %arg8[%get3A_744, %get3A_745] {strides = array<i32>} : memref<200x64xf32, #tpu.memory_space<vmem>>, vector<1x16xf32>,
        %get3A_747 = vector.shape_cast %get3A_746 : vector<1x16xf32> to vector<16xf32>
        %mul3A_748 = arith.mulf %get3A_747, %get3A_18 : vector<16xf32>
        %mul3A_749 = arith.mulf %get3A_671, %get3A_6 : vector<16xf32>
        %add3A_750 = arith.addf %mul3A_748, %mul3A_749 : vector<16xf32>
        %max3A_751 = arith.constant 0.000000e+00 : f32
        %max3A_752 = vector.broadcast %max3A_751 : f32 to vector<16xf32>
        %max3A_753 = arith.maximumf %add3A_750, %max3A_752 : vector<16xf32>
        %add3A_754 = arith.constant 6 : i32
        %add3A_755 = arith.addi %mul3A_287, %add3A_754 : i32
        %swap3A_756 = arith.index_cast %add3A_755 : i32 to index
        %swap3A_757 = arith.constant 0 : index
        %swap3A_758 = tpu.vector_load %arg12[%swap3A_756, %swap3A_757] {strides = array<i32>} : memref<200x64xf32, #tpu.memory_space<vmem>>, vector<1x16xf32>,
        %swap3A_759 = vector.shape_cast %swap3A_758 : vector<1x16xf32> to vector<16xf32>
        %swap3A_760 = vector.shape_cast %max3A_753 : vector<16xf32> to vector<1x16xf32>
        tpu.vector_store %arg12[%swap3A_756, %swap3A_757], %swap3A_760 {strides = array<i32>} : memref<200x64xf32, #tpu.memory_space<vmem>>, vector<1x16xf32>,
        %add3A_761 = arith.constant 6 : i32
        %add3A_762 = arith.addi %mul3A_287, %add3A_761 : i32
        %get3A_763 = arith.index_cast %add3A_762 : i32 to index
        %get3A_764 = arith.constant 16 : index
        %get3A_765 = tpu.vector_load %arg8[%get3A_763, %get3A_764] {strides = array<i32>} : memref<200x64xf32, #tpu.memory_space<vmem>>, vector<1x16xf32>,
        %get3A_766 = vector.shape_cast %get3A_765 : vector<1x16xf32> to vector<16xf32>
        %mul3A_767 = arith.mulf %get3A_766, %get3A_21 : vector<16xf32>
        %mul3A_768 = arith.mulf %get3A_690, %get3A_9 : vector<16xf32>
        %add3A_769 = arith.addf %mul3A_767, %mul3A_768 : vector<16xf32>
        %max3A_770 = arith.constant 0.000000e+00 : f32
        %max3A_771 = vector.broadcast %max3A_770 : f32 to vector<16xf32>
        %max3A_772 = arith.maximumf %add3A_769, %max3A_771 : vector<16xf32>
        %add3A_773 = arith.constant 6 : i32
        %add3A_774 = arith.addi %mul3A_287, %add3A_773 : i32
        %swap3A_775 = arith.index_cast %add3A_774 : i32 to index
        %swap3A_776 = arith.constant 16 : index
        %swap3A_777 = tpu.vector_load %arg12[%swap3A_775, %swap3A_776] {strides = array<i32>} : memref<200x64xf32, #tpu.memory_space<vmem>>, vector<1x16xf32>,
        %swap3A_778 = vector.shape_cast %swap3A_777 : vector<1x16xf32> to vector<16xf32>
        %swap3A_779 = vector.shape_cast %max3A_772 : vector<16xf32> to vector<1x16xf32>
        tpu.vector_store %arg12[%swap3A_775, %swap3A_776], %swap3A_779 {strides = array<i32>} : memref<200x64xf32, #tpu.memory_space<vmem>>, vector<1x16xf32>,
        %add3A_780 = arith.constant 6 : i32
        %add3A_781 = arith.addi %mul3A_287, %add3A_780 : i32
        %get3A_782 = arith.index_cast %add3A_781 : i32 to index
        %get3A_783 = arith.constant 32 : index
        %get3A_784 = tpu.vector_load %arg8[%get3A_782, %get3A_783] {strides = array<i32>} : memref<200x64xf32, #tpu.memory_space<vmem>>, vector<1x16xf32>,
        %get3A_785 = vector.shape_cast %get3A_784 : vector<1x16xf32> to vector<16xf32>
        %mul3A_786 = arith.mulf %get3A_785, %get3A_24 : vector<16xf32>
        %mul3A_787 = arith.mulf %get3A_709, %get3A_12 : vector<16xf32>
        %add3A_788 = arith.addf %mul3A_786, %mul3A_787 : vector<16xf32>
        %max3A_789 = arith.constant 0.000000e+00 : f32
        %max3A_790 = vector.broadcast %max3A_789 : f32 to vector<16xf32>
        %max3A_791 = arith.maximumf %add3A_788, %max3A_790 : vector<16xf32>
        %add3A_792 = arith.constant 6 : i32
        %add3A_793 = arith.addi %mul3A_287, %add3A_792 : i32
        %swap3A_794 = arith.index_cast %add3A_793 : i32 to index
        %swap3A_795 = arith.constant 32 : index
        %swap3A_796 = tpu.vector_load %arg12[%swap3A_794, %swap3A_795] {strides = array<i32>} : memref<200x64xf32, #tpu.memory_space<vmem>>, vector<1x16xf32>,
        %swap3A_797 = vector.shape_cast %swap3A_796 : vector<1x16xf32> to vector<16xf32>
        %swap3A_798 = vector.shape_cast %max3A_791 : vector<16xf32> to vector<1x16xf32>
        tpu.vector_store %arg12[%swap3A_794, %swap3A_795], %swap3A_798 {strides = array<i32>} : memref<200x64xf32, #tpu.memory_space<vmem>>, vector<1x16xf32>,
        %add3A_799 = arith.constant 6 : i32
        %add3A_800 = arith.addi %mul3A_287, %add3A_799 : i32
        %get3A_801 = arith.index_cast %add3A_800 : i32 to index
        %get3A_802 = arith.constant 48 : index
        %get3A_803 = tpu.vector_load %arg8[%get3A_801, %get3A_802] {strides = array<i32>} : memref<200x64xf32, #tpu.memory_space<vmem>>, vector<1x16xf32>,
        %get3A_804 = vector.shape_cast %get3A_803 : vector<1x16xf32> to vector<16xf32>
        %mul3A_805 = arith.mulf %get3A_804, %get3A_27 : vector<16xf32>
        %mul3A_806 = arith.mulf %get3A_728, %get3A_15 : vector<16xf32>
        %add3A_807 = arith.addf %mul3A_805, %mul3A_806 : vector<16xf32>
        %max3A_808 = arith.constant 0.000000e+00 : f32
        %max3A_809 = vector.broadcast %max3A_808 : f32 to vector<16xf32>
        %max3A_810 = arith.maximumf %add3A_807, %max3A_809 : vector<16xf32>
        %add3A_811 = arith.constant 6 : i32
        %add3A_812 = arith.addi %mul3A_287, %add3A_811 : i32
        %swap3A_813 = arith.index_cast %add3A_812 : i32 to index
        %swap3A_814 = arith.constant 48 : index
        %swap3A_815 = tpu.vector_load %arg12[%swap3A_813, %swap3A_814] {strides = array<i32>} : memref<200x64xf32, #tpu.memory_space<vmem>>, vector<1x16xf32>,
        %swap3A_816 = vector.shape_cast %swap3A_815 : vector<1x16xf32> to vector<16xf32>
        %swap3A_817 = vector.shape_cast %max3A_810 : vector<16xf32> to vector<1x16xf32>
        tpu.vector_store %arg12[%swap3A_813, %swap3A_814], %swap3A_817 {strides = array<i32>} : memref<200x64xf32, #tpu.memory_space<vmem>>, vector<1x16xf32>,
        %add3A_818 = arith.constant 7 : i32
        %add3A_819 = arith.addi %mul3A_287, %add3A_818 : i32
        %get3A_820 = arith.index_cast %add3A_819 : i32 to index
        %get3A_821 = arith.constant 0 : index
        %get3A_822 = tpu.vector_load %arg8[%get3A_820, %get3A_821] {strides = array<i32>} : memref<200x64xf32, #tpu.memory_space<vmem>>, vector<1x16xf32>,
        %get3A_823 = vector.shape_cast %get3A_822 : vector<1x16xf32> to vector<16xf32>
        %mul3A_824 = arith.mulf %get3A_823, %get3A_18 : vector<16xf32>
        %mul3A_825 = arith.mulf %get3A_747, %get3A_6 : vector<16xf32>
        %add3A_826 = arith.addf %mul3A_824, %mul3A_825 : vector<16xf32>
        %max3A_827 = arith.constant 0.000000e+00 : f32
        %max3A_828 = vector.broadcast %max3A_827 : f32 to vector<16xf32>
        %max3A_829 = arith.maximumf %add3A_826, %max3A_828 : vector<16xf32>
        %add3A_830 = arith.constant 7 : i32
        %add3A_831 = arith.addi %mul3A_287, %add3A_830 : i32
        %swap3A_832 = arith.index_cast %add3A_831 : i32 to index
        %swap3A_833 = arith.constant 0 : index
        %swap3A_834 = tpu.vector_load %arg12[%swap3A_832, %swap3A_833] {strides = array<i32>} : memref<200x64xf32, #tpu.memory_space<vmem>>, vector<1x16xf32>,
        %swap3A_835 = vector.shape_cast %swap3A_834 : vector<1x16xf32> to vector<16xf32>
        %swap3A_836 = vector.shape_cast %max3A_829 : vector<16xf32> to vector<1x16xf32>
        tpu.vector_store %arg12[%swap3A_832, %swap3A_833], %swap3A_836 {strides = array<i32>} : memref<200x64xf32, #tpu.memory_space<vmem>>, vector<1x16xf32>,
        %add3A_837 = arith.constant 7 : i32
        %add3A_838 = arith.addi %mul3A_287, %add3A_837 : i32
        %get3A_839 = arith.index_cast %add3A_838 : i32 to index
        %get3A_840 = arith.constant 16 : index
        %get3A_841 = tpu.vector_load %arg8[%get3A_839, %get3A_840] {strides = array<i32>} : memref<200x64xf32, #tpu.memory_space<vmem>>, vector<1x16xf32>,
        %get3A_842 = vector.shape_cast %get3A_841 : vector<1x16xf32> to vector<16xf32>
        %mul3A_843 = arith.mulf %get3A_842, %get3A_21 : vector<16xf32>
        %mul3A_844 = arith.mulf %get3A_766, %get3A_9 : vector<16xf32>
        %add3A_845 = arith.addf %mul3A_843, %mul3A_844 : vector<16xf32>
        %max3A_846 = arith.constant 0.000000e+00 : f32
        %max3A_847 = vector.broadcast %max3A_846 : f32 to vector<16xf32>
        %max3A_848 = arith.maximumf %add3A_845, %max3A_847 : vector<16xf32>
        %add3A_849 = arith.constant 7 : i32
        %add3A_850 = arith.addi %mul3A_287, %add3A_849 : i32
        %swap3A_851 = arith.index_cast %add3A_850 : i32 to index
        %swap3A_852 = arith.constant 16 : index
        %swap3A_853 = tpu.vector_load %arg12[%swap3A_851, %swap3A_852] {strides = array<i32>} : memref<200x64xf32, #tpu.memory_space<vmem>>, vector<1x16xf32>,
        %swap3A_854 = vector.shape_cast %swap3A_853 : vector<1x16xf32> to vector<16xf32>
        %swap3A_855 = vector.shape_cast %max3A_848 : vector<16xf32> to vector<1x16xf32>
        tpu.vector_store %arg12[%swap3A_851, %swap3A_852], %swap3A_855 {strides = array<i32>} : memref<200x64xf32, #tpu.memory_space<vmem>>, vector<1x16xf32>,
        %add3A_856 = arith.constant 7 : i32
        %add3A_857 = arith.addi %mul3A_287, %add3A_856 : i32
        %get3A_858 = arith.index_cast %add3A_857 : i32 to index
        %get3A_859 = arith.constant 32 : index
        %get3A_860 = tpu.vector_load %arg8[%get3A_858, %get3A_859] {strides = array<i32>} : memref<200x64xf32, #tpu.memory_space<vmem>>, vector<1x16xf32>,
        %get3A_861 = vector.shape_cast %get3A_860 : vector<1x16xf32> to vector<16xf32>
        %mul3A_862 = arith.mulf %get3A_861, %get3A_24 : vector<16xf32>
        %mul3A_863 = arith.mulf %get3A_785, %get3A_12 : vector<16xf32>
        %add3A_864 = arith.addf %mul3A_862, %mul3A_863 : vector<16xf32>
        %max3A_865 = arith.constant 0.000000e+00 : f32
        %max3A_866 = vector.broadcast %max3A_865 : f32 to vector<16xf32>
        %max3A_867 = arith.maximumf %add3A_864, %max3A_866 : vector<16xf32>
        %add3A_868 = arith.constant 7 : i32
        %add3A_869 = arith.addi %mul3A_287, %add3A_868 : i32
        %swap3A_870 = arith.index_cast %add3A_869 : i32 to index
        %swap3A_871 = arith.constant 32 : index
        %swap3A_872 = tpu.vector_load %arg12[%swap3A_870, %swap3A_871] {strides = array<i32>} : memref<200x64xf32, #tpu.memory_space<vmem>>, vector<1x16xf32>,
        %swap3A_873 = vector.shape_cast %swap3A_872 : vector<1x16xf32> to vector<16xf32>
        %swap3A_874 = vector.shape_cast %max3A_867 : vector<16xf32> to vector<1x16xf32>
        tpu.vector_store %arg12[%swap3A_870, %swap3A_871], %swap3A_874 {strides = array<i32>} : memref<200x64xf32, #tpu.memory_space<vmem>>, vector<1x16xf32>,
        %add3A_875 = arith.constant 7 : i32
        %add3A_876 = arith.addi %mul3A_287, %add3A_875 : i32
        %get3A_877 = arith.index_cast %add3A_876 : i32 to index
        %get3A_878 = arith.constant 48 : index
        %get3A_879 = tpu.vector_load %arg8[%get3A_877, %get3A_878] {strides = array<i32>} : memref<200x64xf32, #tpu.memory_space<vmem>>, vector<1x16xf32>,
        %get3A_880 = vector.shape_cast %get3A_879 : vector<1x16xf32> to vector<16xf32>
        %mul3A_881 = arith.mulf %get3A_880, %get3A_27 : vector<16xf32>
        %mul3A_882 = arith.mulf %get3A_804, %get3A_15 : vector<16xf32>
        %add3A_883 = arith.addf %mul3A_881, %mul3A_882 : vector<16xf32>
        %max3A_884 = arith.constant 0.000000e+00 : f32
        %max3A_885 = vector.broadcast %max3A_884 : f32 to vector<16xf32>
        %max3A_886 = arith.maximumf %add3A_883, %max3A_885 : vector<16xf32>
        %add3A_887 = arith.constant 7 : i32
        %add3A_888 = arith.addi %mul3A_287, %add3A_887 : i32
        %swap3A_889 = arith.index_cast %add3A_888 : i32 to index
        %swap3A_890 = arith.constant 48 : index
        %swap3A_891 = tpu.vector_load %arg12[%swap3A_889, %swap3A_890] {strides = array<i32>} : memref<200x64xf32, #tpu.memory_space<vmem>>, vector<1x16xf32>,
        %swap3A_892 = vector.shape_cast %swap3A_891 : vector<1x16xf32> to vector<16xf32>
        %swap3A_893 = vector.shape_cast %max3A_886 : vector<16xf32> to vector<1x16xf32>
        tpu.vector_store %arg12[%swap3A_889, %swap3A_890], %swap3A_893 {strides = array<i32>} : memref<200x64xf32, #tpu.memory_space<vmem>>, vector<1x16xf32>,
        scf.yield %get3A_823, %get3A_842, %get3A_861, %get3A_880 : vector<16xf32>, vector<16xf32>, vector<16xf32>, vector<16xf32>
      }
      %scan3A_132 = arith.constant 25 : i32
      %mul3A_133 = arith.constant 200 : i32
      %mul3A_134 = arith.muli %add3A_108, %mul3A_133 : i32
      %add3A_135 = arith.addi %mul3A_4, %mul3A_134 : i32
      %dma_start3A_136 = arith.constant 0 : i32
      %dma_start3A_137 = tpu.memref_slice %arg6[%add3A_135, %dma_start3A_136] : memref<819200x64xf32, #tpu.memory_space<hbm>> -> memref<200x64xf32, #tpu.memory_space<hbm>>
      %dma_start3A_138 = arith.constant 0 : i32
      %dma_start3A_139 = tpu.memref_slice %arg6[%add3A_135, %dma_start3A_138] : memref<819200x64xf32, #tpu.memory_space<hbm>> -> memref<200x64xf32, #tpu.memory_space<hbm>>
      tpu.enqueue_dma source(%arg12 : memref<200x64xf32, #tpu.memory_space<vmem>>) target(%dma_start3A_139 : memref<200x64xf32, #tpu.memory_space<hbm>>) target_semaphore(%arg20 : memref<!tpu.dma_semaphore, #tpu.memory_space<semaphore_mem>>)
      %add3A_140 = arith.constant 4 : i32
      %add3A_141 = arith.addi %add3A_108, %add3A_140 : i32
      %lt3A = arith.constant 128 : i32
      %lt3A_142 = arith.cmpi slt, %add3A_141, %lt3A : i32
      %convert_element_type3A_143 = arith.extui %lt3A_142 : i1 to i32
      %cond3A_144 = arith.constant 0 : i32
      %cond3A_145 = arith.cmpi ne, %convert_element_type3A_143, %cond3A_144 : i32
      scf.if %cond3A_145 {
        %add3A_281 = arith.constant 4 : i32
        %add3A_282 = arith.addi %add3A_108, %add3A_281 : i32
        %mul3A_283 = arith.constant 200 : i32
        %mul3A_284 = arith.muli %add3A_282, %mul3A_283 : i32
        %dma_start3A_285 = arith.constant 0 : i32
        %dma_start3A_286 = arith.constant 0 : i32
        %dma_start3A_287 = tpu.memref_slice %arg8[%dma_start3A_285, %dma_start3A_286] : memref<200x64xf32, #tpu.memory_space<vmem>> -> memref<128x64xf32, #tpu.memory_space<vmem>>
        %dma_start3A_288 = tpu.memref_slice %arg7[%mul3A_284] : memref<25600xi32, #tpu.memory_space<vmem>> -> memref<128xi32, #tpu.memory_space<vmem>>
        %dma_start3A_289 = arith.constant 0 : i32
        %dma_start3A_290 = arith.constant 0 : i32
        %dma_start3A_291 = tpu.memref_slice %arg3[%dma_start3A_289, %dma_start3A_290] : memref<1000000x64xf32, #tpu.memory_space<hbm>> -> memref<1000000x64xf32, #tpu.memory_space<hbm>>
        tpu.enqueue_indirect_dma source(%dma_start3A_291 : memref<1000000x64xf32, #tpu.memory_space<hbm>>) target(%dma_start3A_287 : memref<128x64xf32, #tpu.memory_space<vmem>>) offsets(%dma_start3A_288 : memref<128xi32, #tpu.memory_space<vmem>>) semaphore(%arg16 : memref<!tpu.dma_semaphore, #tpu.memory_space<semaphore_mem>>)
        %add3A_292 = arith.constant 128 : i32
        %add3A_293 = arith.addi %mul3A_284, %add3A_292 : i32
        %dma_start3A_294 = arith.constant 128 : i32
        %dma_start3A_295 = arith.constant 0 : i32
        %dma_start3A_296 = tpu.memref_slice %arg8[%dma_start3A_294, %dma_start3A_295] : memref<200x64xf32, #tpu.memory_space<vmem>> -> memref<72x64xf32, #tpu.memory_space<vmem>>
        %dma_start3A_297 = tpu.memref_slice %arg7[%add3A_293] : memref<25600xi32, #tpu.memory_space<vmem>> -> memref<72xi32, #tpu.memory_space<vmem>>
        %dma_start3A_298 = arith.constant 0 : i32
        %dma_start3A_299 = arith.constant 0 : i32
        %dma_start3A_300 = tpu.memref_slice %arg3[%dma_start3A_298, %dma_start3A_299] : memref<1000000x64xf32, #tpu.memory_space<hbm>> -> memref<1000000x64xf32, #tpu.memory_space<hbm>>
        tpu.enqueue_indirect_dma source(%dma_start3A_300 : memref<1000000x64xf32, #tpu.memory_space<hbm>>) target(%dma_start3A_296 : memref<72x64xf32, #tpu.memory_space<vmem>>) offsets(%dma_start3A_297 : memref<72xi32, #tpu.memory_space<vmem>>) semaphore(%arg16 : memref<!tpu.dma_semaphore, #tpu.memory_space<semaphore_mem>>)
      } else {
      }
      %mul3A_146 = arith.constant 4 : i32
      %mul3A_147 = arith.muli %mul3A_146, %scan3A_104 : i32
      %add3A_148 = arith.constant 1 : i32
      %add3A_149 = arith.addi %mul3A_147, %add3A_148 : i32
      %dma_wait3A_150 = arith.constant 0 : i32
      %dma_wait3A_151 = arith.constant 0 : i32
      %dma_wait3A_152 = tpu.memref_slice %arg9[%dma_wait3A_150, %dma_wait3A_151] : memref<200x64xf32, #tpu.memory_space<vmem>> -> memref<128x64xf32, #tpu.memory_space<vmem>>
      %dma_wait3A_153 = arith.constant 0 : i32
      %dma_wait3A_154 = tpu.memref_slice %arg7[%dma_wait3A_153] : memref<25600xi32, #tpu.memory_space<vmem>> -> memref<128xi32, #tpu.memory_space<vmem>>
      %dma_wait3A_155 = arith.constant 0 : i32
      %dma_wait3A_156 = arith.constant 0 : i32
      %dma_wait3A_157 = tpu.memref_slice %arg3[%dma_wait3A_155, %dma_wait3A_156] : memref<1000000x64xf32, #tpu.memory_space<hbm>> -> memref<1000000x64xf32, #tpu.memory_space<hbm>>
      tpu.wait_indirect_dma semaphore(%arg17 : memref<!tpu.dma_semaphore, #tpu.memory_space<semaphore_mem>>) src(%dma_wait3A_157 : memref<1000000x64xf32, #tpu.memory_space<hbm>>) dst(%dma_wait3A_152 : memref<128x64xf32, #tpu.memory_space<vmem>>)
      %dma_wait3A_158 = arith.constant 128 : i32
      %dma_wait3A_159 = arith.constant 0 : i32
      %dma_wait3A_160 = tpu.memref_slice %arg9[%dma_wait3A_158, %dma_wait3A_159] : memref<200x64xf32, #tpu.memory_space<vmem>> -> memref<72x64xf32, #tpu.memory_space<vmem>>
      %dma_wait3A_161 = arith.constant 128 : i32
      %dma_wait3A_162 = tpu.memref_slice %arg7[%dma_wait3A_161] : memref<25600xi32, #tpu.memory_space<vmem>> -> memref<72xi32, #tpu.memory_space<vmem>>
      %dma_wait3A_163 = arith.constant 0 : i32
      %dma_wait3A_164 = arith.constant 0 : i32
      %dma_wait3A_165 = tpu.memref_slice %arg3[%dma_wait3A_163, %dma_wait3A_164] : memref<1000000x64xf32, #tpu.memory_space<hbm>> -> memref<1000000x64xf32, #tpu.memory_space<hbm>>
      tpu.wait_indirect_dma semaphore(%arg17 : memref<!tpu.dma_semaphore, #tpu.memory_space<semaphore_mem>>) src(%dma_wait3A_165 : memref<1000000x64xf32, #tpu.memory_space<hbm>>) dst(%dma_wait3A_160 : memref<72x64xf32, #tpu.memory_space<vmem>>)
      %ge3A_166 = arith.constant 2 : i32
      %ge3A_167 = arith.cmpi sge, %add3A_149, %ge3A_166 : i32
      %convert_element_type3A_168 = arith.extui %ge3A_167 : i1 to i32
      %cond3A_169 = arith.constant 0 : i32
      %cond3A_170 = arith.cmpi ne, %convert_element_type3A_168, %cond3A_169 : i32
      scf.if %cond3A_170 {
        %dma_wait3A_281 = arith.constant 0 : i32
        %dma_wait3A_282 = tpu.memref_slice %arg6[%mul3A_4, %dma_wait3A_281] : memref<819200x64xf32, #tpu.memory_space<hbm>> -> memref<200x64xf32, #tpu.memory_space<hbm>>
        %dma_wait3A_283 = arith.constant 0 : i32
        %dma_wait3A_284 = tpu.memref_slice %arg6[%mul3A_4, %dma_wait3A_283] : memref<819200x64xf32, #tpu.memory_space<hbm>> -> memref<200x64xf32, #tpu.memory_space<hbm>>
        tpu.wait_dma2 semaphore(%arg21 : memref<!tpu.dma_semaphore, #tpu.memory_space<semaphore_mem>>) src(%arg13 : memref<200x64xf32, #tpu.memory_space<vmem>>) dst(%dma_wait3A_284 : memref<200x64xf32, #tpu.memory_space<hbm>>)
      } else {
      }
      %scan3A_171 = arith.constant 0 : i32
      %scan3A_172 = arith.constant 25 : i32
      %scan3A_173 = arith.addi %scan3A_171, %scan3A_172 : i32
      %scan3A_174 = arith.constant 1 : i32
      %scan3A_175:4 = scf.for %scan3A_281 = %scan3A_171 to %scan3A_173 step %scan3A_174 iter_args(%scan3A_282 = %broadcast_in_dim3A_28, %scan3A_283 = %broadcast_in_dim3A_28, %scan3A_284 = %broadcast_in_dim3A_28, %scan3A_285 = %broadcast_in_dim3A_28) -> (vector<16xf32>, vector<16xf32>, vector<16xf32>, vector<16xf32>)  : i32 {
        %mul3A_286 = arith.constant 8 : i32
        %mul3A_287 = arith.muli %scan3A_281, %mul3A_286 : i32
        %add3A_288 = arith.constant 0 : i32
        %add3A_289 = arith.addi %mul3A_287, %add3A_288 : i32
        %get3A_290 = arith.index_cast %add3A_289 : i32 to index
        %get3A_291 = arith.constant 0 : index
        %get3A_292 = tpu.vector_load %arg9[%get3A_290, %get3A_291] {strides = array<i32>} : memref<200x64xf32, #tpu.memory_space<vmem>>, vector<1x16xf32>,
        %get3A_293 = vector.shape_cast %get3A_292 : vector<1x16xf32> to vector<16xf32>
        %mul3A_294 = arith.mulf %get3A_293, %get3A_18 : vector<16xf32>
        %mul3A_295 = arith.mulf %scan3A_282, %get3A_6 : vector<16xf32>
        %add3A_296 = arith.addf %mul3A_294, %mul3A_295 : vector<16xf32>
        %max3A = arith.constant 0.000000e+00 : f32
        %max3A_297 = vector.broadcast %max3A : f32 to vector<16xf32>
        %max3A_298 = arith.maximumf %add3A_296, %max3A_297 : vector<16xf32>
        %add3A_299 = arith.constant 0 : i32
        %add3A_300 = arith.addi %mul3A_287, %add3A_299 : i32
        %swap3A = arith.index_cast %add3A_300 : i32 to index
        %swap3A_301 = arith.constant 0 : index
        %swap3A_302 = tpu.vector_load %arg13[%swap3A, %swap3A_301] {strides = array<i32>} : memref<200x64xf32, #tpu.memory_space<vmem>>, vector<1x16xf32>,
        %swap3A_303 = vector.shape_cast %swap3A_302 : vector<1x16xf32> to vector<16xf32>
        %swap3A_304 = vector.shape_cast %max3A_298 : vector<16xf32> to vector<1x16xf32>
        tpu.vector_store %arg13[%swap3A, %swap3A_301], %swap3A_304 {strides = array<i32>} : memref<200x64xf32, #tpu.memory_space<vmem>>, vector<1x16xf32>,
        %add3A_305 = arith.constant 0 : i32
        %add3A_306 = arith.addi %mul3A_287, %add3A_305 : i32
        %get3A_307 = arith.index_cast %add3A_306 : i32 to index
        %get3A_308 = arith.constant 16 : index
        %get3A_309 = tpu.vector_load %arg9[%get3A_307, %get3A_308] {strides = array<i32>} : memref<200x64xf32, #tpu.memory_space<vmem>>, vector<1x16xf32>,
        %get3A_310 = vector.shape_cast %get3A_309 : vector<1x16xf32> to vector<16xf32>
        %mul3A_311 = arith.mulf %get3A_310, %get3A_21 : vector<16xf32>
        %mul3A_312 = arith.mulf %scan3A_283, %get3A_9 : vector<16xf32>
        %add3A_313 = arith.addf %mul3A_311, %mul3A_312 : vector<16xf32>
        %max3A_314 = arith.constant 0.000000e+00 : f32
        %max3A_315 = vector.broadcast %max3A_314 : f32 to vector<16xf32>
        %max3A_316 = arith.maximumf %add3A_313, %max3A_315 : vector<16xf32>
        %add3A_317 = arith.constant 0 : i32
        %add3A_318 = arith.addi %mul3A_287, %add3A_317 : i32
        %swap3A_319 = arith.index_cast %add3A_318 : i32 to index
        %swap3A_320 = arith.constant 16 : index
        %swap3A_321 = tpu.vector_load %arg13[%swap3A_319, %swap3A_320] {strides = array<i32>} : memref<200x64xf32, #tpu.memory_space<vmem>>, vector<1x16xf32>,
        %swap3A_322 = vector.shape_cast %swap3A_321 : vector<1x16xf32> to vector<16xf32>
        %swap3A_323 = vector.shape_cast %max3A_316 : vector<16xf32> to vector<1x16xf32>
        tpu.vector_store %arg13[%swap3A_319, %swap3A_320], %swap3A_323 {strides = array<i32>} : memref<200x64xf32, #tpu.memory_space<vmem>>, vector<1x16xf32>,
        %add3A_324 = arith.constant 0 : i32
        %add3A_325 = arith.addi %mul3A_287, %add3A_324 : i32
        %get3A_326 = arith.index_cast %add3A_325 : i32 to index
        %get3A_327 = arith.constant 32 : index
        %get3A_328 = tpu.vector_load %arg9[%get3A_326, %get3A_327] {strides = array<i32>} : memref<200x64xf32, #tpu.memory_space<vmem>>, vector<1x16xf32>,
        %get3A_329 = vector.shape_cast %get3A_328 : vector<1x16xf32> to vector<16xf32>
        %mul3A_330 = arith.mulf %get3A_329, %get3A_24 : vector<16xf32>
        %mul3A_331 = arith.mulf %scan3A_284, %get3A_12 : vector<16xf32>
        %add3A_332 = arith.addf %mul3A_330, %mul3A_331 : vector<16xf32>
        %max3A_333 = arith.constant 0.000000e+00 : f32
        %max3A_334 = vector.broadcast %max3A_333 : f32 to vector<16xf32>
        %max3A_335 = arith.maximumf %add3A_332, %max3A_334 : vector<16xf32>
        %add3A_336 = arith.constant 0 : i32
        %add3A_337 = arith.addi %mul3A_287, %add3A_336 : i32
        %swap3A_338 = arith.index_cast %add3A_337 : i32 to index
        %swap3A_339 = arith.constant 32 : index
        %swap3A_340 = tpu.vector_load %arg13[%swap3A_338, %swap3A_339] {strides = array<i32>} : memref<200x64xf32, #tpu.memory_space<vmem>>, vector<1x16xf32>,
        %swap3A_341 = vector.shape_cast %swap3A_340 : vector<1x16xf32> to vector<16xf32>
        %swap3A_342 = vector.shape_cast %max3A_335 : vector<16xf32> to vector<1x16xf32>
        tpu.vector_store %arg13[%swap3A_338, %swap3A_339], %swap3A_342 {strides = array<i32>} : memref<200x64xf32, #tpu.memory_space<vmem>>, vector<1x16xf32>,
        %add3A_343 = arith.constant 0 : i32
        %add3A_344 = arith.addi %mul3A_287, %add3A_343 : i32
        %get3A_345 = arith.index_cast %add3A_344 : i32 to index
        %get3A_346 = arith.constant 48 : index
        %get3A_347 = tpu.vector_load %arg9[%get3A_345, %get3A_346] {strides = array<i32>} : memref<200x64xf32, #tpu.memory_space<vmem>>, vector<1x16xf32>,
        %get3A_348 = vector.shape_cast %get3A_347 : vector<1x16xf32> to vector<16xf32>
        %mul3A_349 = arith.mulf %get3A_348, %get3A_27 : vector<16xf32>
        %mul3A_350 = arith.mulf %scan3A_285, %get3A_15 : vector<16xf32>
        %add3A_351 = arith.addf %mul3A_349, %mul3A_350 : vector<16xf32>
        %max3A_352 = arith.constant 0.000000e+00 : f32
        %max3A_353 = vector.broadcast %max3A_352 : f32 to vector<16xf32>
        %max3A_354 = arith.maximumf %add3A_351, %max3A_353 : vector<16xf32>
        %add3A_355 = arith.constant 0 : i32
        %add3A_356 = arith.addi %mul3A_287, %add3A_355 : i32
        %swap3A_357 = arith.index_cast %add3A_356 : i32 to index
        %swap3A_358 = arith.constant 48 : index
        %swap3A_359 = tpu.vector_load %arg13[%swap3A_357, %swap3A_358] {strides = array<i32>} : memref<200x64xf32, #tpu.memory_space<vmem>>, vector<1x16xf32>,
        %swap3A_360 = vector.shape_cast %swap3A_359 : vector<1x16xf32> to vector<16xf32>
        %swap3A_361 = vector.shape_cast %max3A_354 : vector<16xf32> to vector<1x16xf32>
        tpu.vector_store %arg13[%swap3A_357, %swap3A_358], %swap3A_361 {strides = array<i32>} : memref<200x64xf32, #tpu.memory_space<vmem>>, vector<1x16xf32>,
        %add3A_362 = arith.constant 1 : i32
        %add3A_363 = arith.addi %mul3A_287, %add3A_362 : i32
        %get3A_364 = arith.index_cast %add3A_363 : i32 to index
        %get3A_365 = arith.constant 0 : index
        %get3A_366 = tpu.vector_load %arg9[%get3A_364, %get3A_365] {strides = array<i32>} : memref<200x64xf32, #tpu.memory_space<vmem>>, vector<1x16xf32>,
        %get3A_367 = vector.shape_cast %get3A_366 : vector<1x16xf32> to vector<16xf32>
        %mul3A_368 = arith.mulf %get3A_367, %get3A_18 : vector<16xf32>
        %mul3A_369 = arith.mulf %get3A_293, %get3A_6 : vector<16xf32>
        %add3A_370 = arith.addf %mul3A_368, %mul3A_369 : vector<16xf32>
        %max3A_371 = arith.constant 0.000000e+00 : f32
        %max3A_372 = vector.broadcast %max3A_371 : f32 to vector<16xf32>
        %max3A_373 = arith.maximumf %add3A_370, %max3A_372 : vector<16xf32>
        %add3A_374 = arith.constant 1 : i32
        %add3A_375 = arith.addi %mul3A_287, %add3A_374 : i32
        %swap3A_376 = arith.index_cast %add3A_375 : i32 to index
        %swap3A_377 = arith.constant 0 : index
        %swap3A_378 = tpu.vector_load %arg13[%swap3A_376, %swap3A_377] {strides = array<i32>} : memref<200x64xf32, #tpu.memory_space<vmem>>, vector<1x16xf32>,
        %swap3A_379 = vector.shape_cast %swap3A_378 : vector<1x16xf32> to vector<16xf32>
        %swap3A_380 = vector.shape_cast %max3A_373 : vector<16xf32> to vector<1x16xf32>
        tpu.vector_store %arg13[%swap3A_376, %swap3A_377], %swap3A_380 {strides = array<i32>} : memref<200x64xf32, #tpu.memory_space<vmem>>, vector<1x16xf32>,
        %add3A_381 = arith.constant 1 : i32
        %add3A_382 = arith.addi %mul3A_287, %add3A_381 : i32
        %get3A_383 = arith.index_cast %add3A_382 : i32 to index
        %get3A_384 = arith.constant 16 : index
        %get3A_385 = tpu.vector_load %arg9[%get3A_383, %get3A_384] {strides = array<i32>} : memref<200x64xf32, #tpu.memory_space<vmem>>, vector<1x16xf32>,
        %get3A_386 = vector.shape_cast %get3A_385 : vector<1x16xf32> to vector<16xf32>
        %mul3A_387 = arith.mulf %get3A_386, %get3A_21 : vector<16xf32>
        %mul3A_388 = arith.mulf %get3A_310, %get3A_9 : vector<16xf32>
        %add3A_389 = arith.addf %mul3A_387, %mul3A_388 : vector<16xf32>
        %max3A_390 = arith.constant 0.000000e+00 : f32
        %max3A_391 = vector.broadcast %max3A_390 : f32 to vector<16xf32>
        %max3A_392 = arith.maximumf %add3A_389, %max3A_391 : vector<16xf32>
        %add3A_393 = arith.constant 1 : i32
        %add3A_394 = arith.addi %mul3A_287, %add3A_393 : i32
        %swap3A_395 = arith.index_cast %add3A_394 : i32 to index
        %swap3A_396 = arith.constant 16 : index
        %swap3A_397 = tpu.vector_load %arg13[%swap3A_395, %swap3A_396] {strides = array<i32>} : memref<200x64xf32, #tpu.memory_space<vmem>>, vector<1x16xf32>,
        %swap3A_398 = vector.shape_cast %swap3A_397 : vector<1x16xf32> to vector<16xf32>
        %swap3A_399 = vector.shape_cast %max3A_392 : vector<16xf32> to vector<1x16xf32>
        tpu.vector_store %arg13[%swap3A_395, %swap3A_396], %swap3A_399 {strides = array<i32>} : memref<200x64xf32, #tpu.memory_space<vmem>>, vector<1x16xf32>,
        %add3A_400 = arith.constant 1 : i32
        %add3A_401 = arith.addi %mul3A_287, %add3A_400 : i32
        %get3A_402 = arith.index_cast %add3A_401 : i32 to index
        %get3A_403 = arith.constant 32 : index
        %get3A_404 = tpu.vector_load %arg9[%get3A_402, %get3A_403] {strides = array<i32>} : memref<200x64xf32, #tpu.memory_space<vmem>>, vector<1x16xf32>,
        %get3A_405 = vector.shape_cast %get3A_404 : vector<1x16xf32> to vector<16xf32>
        %mul3A_406 = arith.mulf %get3A_405, %get3A_24 : vector<16xf32>
        %mul3A_407 = arith.mulf %get3A_329, %get3A_12 : vector<16xf32>
        %add3A_408 = arith.addf %mul3A_406, %mul3A_407 : vector<16xf32>
        %max3A_409 = arith.constant 0.000000e+00 : f32
        %max3A_410 = vector.broadcast %max3A_409 : f32 to vector<16xf32>
        %max3A_411 = arith.maximumf %add3A_408, %max3A_410 : vector<16xf32>
        %add3A_412 = arith.constant 1 : i32
        %add3A_413 = arith.addi %mul3A_287, %add3A_412 : i32
        %swap3A_414 = arith.index_cast %add3A_413 : i32 to index
        %swap3A_415 = arith.constant 32 : index
        %swap3A_416 = tpu.vector_load %arg13[%swap3A_414, %swap3A_415] {strides = array<i32>} : memref<200x64xf32, #tpu.memory_space<vmem>>, vector<1x16xf32>,
        %swap3A_417 = vector.shape_cast %swap3A_416 : vector<1x16xf32> to vector<16xf32>
        %swap3A_418 = vector.shape_cast %max3A_411 : vector<16xf32> to vector<1x16xf32>
        tpu.vector_store %arg13[%swap3A_414, %swap3A_415], %swap3A_418 {strides = array<i32>} : memref<200x64xf32, #tpu.memory_space<vmem>>, vector<1x16xf32>,
        %add3A_419 = arith.constant 1 : i32
        %add3A_420 = arith.addi %mul3A_287, %add3A_419 : i32
        %get3A_421 = arith.index_cast %add3A_420 : i32 to index
        %get3A_422 = arith.constant 48 : index
        %get3A_423 = tpu.vector_load %arg9[%get3A_421, %get3A_422] {strides = array<i32>} : memref<200x64xf32, #tpu.memory_space<vmem>>, vector<1x16xf32>,
        %get3A_424 = vector.shape_cast %get3A_423 : vector<1x16xf32> to vector<16xf32>
        %mul3A_425 = arith.mulf %get3A_424, %get3A_27 : vector<16xf32>
        %mul3A_426 = arith.mulf %get3A_348, %get3A_15 : vector<16xf32>
        %add3A_427 = arith.addf %mul3A_425, %mul3A_426 : vector<16xf32>
        %max3A_428 = arith.constant 0.000000e+00 : f32
        %max3A_429 = vector.broadcast %max3A_428 : f32 to vector<16xf32>
        %max3A_430 = arith.maximumf %add3A_427, %max3A_429 : vector<16xf32>
        %add3A_431 = arith.constant 1 : i32
        %add3A_432 = arith.addi %mul3A_287, %add3A_431 : i32
        %swap3A_433 = arith.index_cast %add3A_432 : i32 to index
        %swap3A_434 = arith.constant 48 : index
        %swap3A_435 = tpu.vector_load %arg13[%swap3A_433, %swap3A_434] {strides = array<i32>} : memref<200x64xf32, #tpu.memory_space<vmem>>, vector<1x16xf32>,
        %swap3A_436 = vector.shape_cast %swap3A_435 : vector<1x16xf32> to vector<16xf32>
        %swap3A_437 = vector.shape_cast %max3A_430 : vector<16xf32> to vector<1x16xf32>
        tpu.vector_store %arg13[%swap3A_433, %swap3A_434], %swap3A_437 {strides = array<i32>} : memref<200x64xf32, #tpu.memory_space<vmem>>, vector<1x16xf32>,
        %add3A_438 = arith.constant 2 : i32
        %add3A_439 = arith.addi %mul3A_287, %add3A_438 : i32
        %get3A_440 = arith.index_cast %add3A_439 : i32 to index
        %get3A_441 = arith.constant 0 : index
        %get3A_442 = tpu.vector_load %arg9[%get3A_440, %get3A_441] {strides = array<i32>} : memref<200x64xf32, #tpu.memory_space<vmem>>, vector<1x16xf32>,
        %get3A_443 = vector.shape_cast %get3A_442 : vector<1x16xf32> to vector<16xf32>
        %mul3A_444 = arith.mulf %get3A_443, %get3A_18 : vector<16xf32>
        %mul3A_445 = arith.mulf %get3A_367, %get3A_6 : vector<16xf32>
        %add3A_446 = arith.addf %mul3A_444, %mul3A_445 : vector<16xf32>
        %max3A_447 = arith.constant 0.000000e+00 : f32
        %max3A_448 = vector.broadcast %max3A_447 : f32 to vector<16xf32>
        %max3A_449 = arith.maximumf %add3A_446, %max3A_448 : vector<16xf32>
        %add3A_450 = arith.constant 2 : i32
        %add3A_451 = arith.addi %mul3A_287, %add3A_450 : i32
        %swap3A_452 = arith.index_cast %add3A_451 : i32 to index
        %swap3A_453 = arith.constant 0 : index
        %swap3A_454 = tpu.vector_load %arg13[%swap3A_452, %swap3A_453] {strides = array<i32>} : memref<200x64xf32, #tpu.memory_space<vmem>>, vector<1x16xf32>,
        %swap3A_455 = vector.shape_cast %swap3A_454 : vector<1x16xf32> to vector<16xf32>
        %swap3A_456 = vector.shape_cast %max3A_449 : vector<16xf32> to vector<1x16xf32>
        tpu.vector_store %arg13[%swap3A_452, %swap3A_453], %swap3A_456 {strides = array<i32>} : memref<200x64xf32, #tpu.memory_space<vmem>>, vector<1x16xf32>,
        %add3A_457 = arith.constant 2 : i32
        %add3A_458 = arith.addi %mul3A_287, %add3A_457 : i32
        %get3A_459 = arith.index_cast %add3A_458 : i32 to index
        %get3A_460 = arith.constant 16 : index
        %get3A_461 = tpu.vector_load %arg9[%get3A_459, %get3A_460] {strides = array<i32>} : memref<200x64xf32, #tpu.memory_space<vmem>>, vector<1x16xf32>,
        %get3A_462 = vector.shape_cast %get3A_461 : vector<1x16xf32> to vector<16xf32>
        %mul3A_463 = arith.mulf %get3A_462, %get3A_21 : vector<16xf32>
        %mul3A_464 = arith.mulf %get3A_386, %get3A_9 : vector<16xf32>
        %add3A_465 = arith.addf %mul3A_463, %mul3A_464 : vector<16xf32>
        %max3A_466 = arith.constant 0.000000e+00 : f32
        %max3A_467 = vector.broadcast %max3A_466 : f32 to vector<16xf32>
        %max3A_468 = arith.maximumf %add3A_465, %max3A_467 : vector<16xf32>
        %add3A_469 = arith.constant 2 : i32
        %add3A_470 = arith.addi %mul3A_287, %add3A_469 : i32
        %swap3A_471 = arith.index_cast %add3A_470 : i32 to index
        %swap3A_472 = arith.constant 16 : index
        %swap3A_473 = tpu.vector_load %arg13[%swap3A_471, %swap3A_472] {strides = array<i32>} : memref<200x64xf32, #tpu.memory_space<vmem>>, vector<1x16xf32>,
        %swap3A_474 = vector.shape_cast %swap3A_473 : vector<1x16xf32> to vector<16xf32>
        %swap3A_475 = vector.shape_cast %max3A_468 : vector<16xf32> to vector<1x16xf32>
        tpu.vector_store %arg13[%swap3A_471, %swap3A_472], %swap3A_475 {strides = array<i32>} : memref<200x64xf32, #tpu.memory_space<vmem>>, vector<1x16xf32>,
        %add3A_476 = arith.constant 2 : i32
        %add3A_477 = arith.addi %mul3A_287, %add3A_476 : i32
        %get3A_478 = arith.index_cast %add3A_477 : i32 to index
        %get3A_479 = arith.constant 32 : index
        %get3A_480 = tpu.vector_load %arg9[%get3A_478, %get3A_479] {strides = array<i32>} : memref<200x64xf32, #tpu.memory_space<vmem>>, vector<1x16xf32>,
        %get3A_481 = vector.shape_cast %get3A_480 : vector<1x16xf32> to vector<16xf32>
        %mul3A_482 = arith.mulf %get3A_481, %get3A_24 : vector<16xf32>
        %mul3A_483 = arith.mulf %get3A_405, %get3A_12 : vector<16xf32>
        %add3A_484 = arith.addf %mul3A_482, %mul3A_483 : vector<16xf32>
        %max3A_485 = arith.constant 0.000000e+00 : f32
        %max3A_486 = vector.broadcast %max3A_485 : f32 to vector<16xf32>
        %max3A_487 = arith.maximumf %add3A_484, %max3A_486 : vector<16xf32>
        %add3A_488 = arith.constant 2 : i32
        %add3A_489 = arith.addi %mul3A_287, %add3A_488 : i32
        %swap3A_490 = arith.index_cast %add3A_489 : i32 to index
        %swap3A_491 = arith.constant 32 : index
        %swap3A_492 = tpu.vector_load %arg13[%swap3A_490, %swap3A_491] {strides = array<i32>} : memref<200x64xf32, #tpu.memory_space<vmem>>, vector<1x16xf32>,
        %swap3A_493 = vector.shape_cast %swap3A_492 : vector<1x16xf32> to vector<16xf32>
        %swap3A_494 = vector.shape_cast %max3A_487 : vector<16xf32> to vector<1x16xf32>
        tpu.vector_store %arg13[%swap3A_490, %swap3A_491], %swap3A_494 {strides = array<i32>} : memref<200x64xf32, #tpu.memory_space<vmem>>, vector<1x16xf32>,
        %add3A_495 = arith.constant 2 : i32
        %add3A_496 = arith.addi %mul3A_287, %add3A_495 : i32
        %get3A_497 = arith.index_cast %add3A_496 : i32 to index
        %get3A_498 = arith.constant 48 : index
        %get3A_499 = tpu.vector_load %arg9[%get3A_497, %get3A_498] {strides = array<i32>} : memref<200x64xf32, #tpu.memory_space<vmem>>, vector<1x16xf32>,
        %get3A_500 = vector.shape_cast %get3A_499 : vector<1x16xf32> to vector<16xf32>
        %mul3A_501 = arith.mulf %get3A_500, %get3A_27 : vector<16xf32>
        %mul3A_502 = arith.mulf %get3A_424, %get3A_15 : vector<16xf32>
        %add3A_503 = arith.addf %mul3A_501, %mul3A_502 : vector<16xf32>
        %max3A_504 = arith.constant 0.000000e+00 : f32
        %max3A_505 = vector.broadcast %max3A_504 : f32 to vector<16xf32>
        %max3A_506 = arith.maximumf %add3A_503, %max3A_505 : vector<16xf32>
        %add3A_507 = arith.constant 2 : i32
        %add3A_508 = arith.addi %mul3A_287, %add3A_507 : i32
        %swap3A_509 = arith.index_cast %add3A_508 : i32 to index
        %swap3A_510 = arith.constant 48 : index
        %swap3A_511 = tpu.vector_load %arg13[%swap3A_509, %swap3A_510] {strides = array<i32>} : memref<200x64xf32, #tpu.memory_space<vmem>>, vector<1x16xf32>,
        %swap3A_512 = vector.shape_cast %swap3A_511 : vector<1x16xf32> to vector<16xf32>
        %swap3A_513 = vector.shape_cast %max3A_506 : vector<16xf32> to vector<1x16xf32>
        tpu.vector_store %arg13[%swap3A_509, %swap3A_510], %swap3A_513 {strides = array<i32>} : memref<200x64xf32, #tpu.memory_space<vmem>>, vector<1x16xf32>,
        %add3A_514 = arith.constant 3 : i32
        %add3A_515 = arith.addi %mul3A_287, %add3A_514 : i32
        %get3A_516 = arith.index_cast %add3A_515 : i32 to index
        %get3A_517 = arith.constant 0 : index
        %get3A_518 = tpu.vector_load %arg9[%get3A_516, %get3A_517] {strides = array<i32>} : memref<200x64xf32, #tpu.memory_space<vmem>>, vector<1x16xf32>,
        %get3A_519 = vector.shape_cast %get3A_518 : vector<1x16xf32> to vector<16xf32>
        %mul3A_520 = arith.mulf %get3A_519, %get3A_18 : vector<16xf32>
        %mul3A_521 = arith.mulf %get3A_443, %get3A_6 : vector<16xf32>
        %add3A_522 = arith.addf %mul3A_520, %mul3A_521 : vector<16xf32>
        %max3A_523 = arith.constant 0.000000e+00 : f32
        %max3A_524 = vector.broadcast %max3A_523 : f32 to vector<16xf32>
        %max3A_525 = arith.maximumf %add3A_522, %max3A_524 : vector<16xf32>
        %add3A_526 = arith.constant 3 : i32
        %add3A_527 = arith.addi %mul3A_287, %add3A_526 : i32
        %swap3A_528 = arith.index_cast %add3A_527 : i32 to index
        %swap3A_529 = arith.constant 0 : index
        %swap3A_530 = tpu.vector_load %arg13[%swap3A_528, %swap3A_529] {strides = array<i32>} : memref<200x64xf32, #tpu.memory_space<vmem>>, vector<1x16xf32>,
        %swap3A_531 = vector.shape_cast %swap3A_530 : vector<1x16xf32> to vector<16xf32>
        %swap3A_532 = vector.shape_cast %max3A_525 : vector<16xf32> to vector<1x16xf32>
        tpu.vector_store %arg13[%swap3A_528, %swap3A_529], %swap3A_532 {strides = array<i32>} : memref<200x64xf32, #tpu.memory_space<vmem>>, vector<1x16xf32>,
        %add3A_533 = arith.constant 3 : i32
        %add3A_534 = arith.addi %mul3A_287, %add3A_533 : i32
        %get3A_535 = arith.index_cast %add3A_534 : i32 to index
        %get3A_536 = arith.constant 16 : index
        %get3A_537 = tpu.vector_load %arg9[%get3A_535, %get3A_536] {strides = array<i32>} : memref<200x64xf32, #tpu.memory_space<vmem>>, vector<1x16xf32>,
        %get3A_538 = vector.shape_cast %get3A_537 : vector<1x16xf32> to vector<16xf32>
        %mul3A_539 = arith.mulf %get3A_538, %get3A_21 : vector<16xf32>
        %mul3A_540 = arith.mulf %get3A_462, %get3A_9 : vector<16xf32>
        %add3A_541 = arith.addf %mul3A_539, %mul3A_540 : vector<16xf32>
        %max3A_542 = arith.constant 0.000000e+00 : f32
        %max3A_543 = vector.broadcast %max3A_542 : f32 to vector<16xf32>
        %max3A_544 = arith.maximumf %add3A_541, %max3A_543 : vector<16xf32>
        %add3A_545 = arith.constant 3 : i32
        %add3A_546 = arith.addi %mul3A_287, %add3A_545 : i32
        %swap3A_547 = arith.index_cast %add3A_546 : i32 to index
        %swap3A_548 = arith.constant 16 : index
        %swap3A_549 = tpu.vector_load %arg13[%swap3A_547, %swap3A_548] {strides = array<i32>} : memref<200x64xf32, #tpu.memory_space<vmem>>, vector<1x16xf32>,
        %swap3A_550 = vector.shape_cast %swap3A_549 : vector<1x16xf32> to vector<16xf32>
        %swap3A_551 = vector.shape_cast %max3A_544 : vector<16xf32> to vector<1x16xf32>
        tpu.vector_store %arg13[%swap3A_547, %swap3A_548], %swap3A_551 {strides = array<i32>} : memref<200x64xf32, #tpu.memory_space<vmem>>, vector<1x16xf32>,
        %add3A_552 = arith.constant 3 : i32
        %add3A_553 = arith.addi %mul3A_287, %add3A_552 : i32
        %get3A_554 = arith.index_cast %add3A_553 : i32 to index
        %get3A_555 = arith.constant 32 : index
        %get3A_556 = tpu.vector_load %arg9[%get3A_554, %get3A_555] {strides = array<i32>} : memref<200x64xf32, #tpu.memory_space<vmem>>, vector<1x16xf32>,
        %get3A_557 = vector.shape_cast %get3A_556 : vector<1x16xf32> to vector<16xf32>
        %mul3A_558 = arith.mulf %get3A_557, %get3A_24 : vector<16xf32>
        %mul3A_559 = arith.mulf %get3A_481, %get3A_12 : vector<16xf32>
        %add3A_560 = arith.addf %mul3A_558, %mul3A_559 : vector<16xf32>
        %max3A_561 = arith.constant 0.000000e+00 : f32
        %max3A_562 = vector.broadcast %max3A_561 : f32 to vector<16xf32>
        %max3A_563 = arith.maximumf %add3A_560, %max3A_562 : vector<16xf32>
        %add3A_564 = arith.constant 3 : i32
        %add3A_565 = arith.addi %mul3A_287, %add3A_564 : i32
        %swap3A_566 = arith.index_cast %add3A_565 : i32 to index
        %swap3A_567 = arith.constant 32 : index
        %swap3A_568 = tpu.vector_load %arg13[%swap3A_566, %swap3A_567] {strides = array<i32>} : memref<200x64xf32, #tpu.memory_space<vmem>>, vector<1x16xf32>,
        %swap3A_569 = vector.shape_cast %swap3A_568 : vector<1x16xf32> to vector<16xf32>
        %swap3A_570 = vector.shape_cast %max3A_563 : vector<16xf32> to vector<1x16xf32>
        tpu.vector_store %arg13[%swap3A_566, %swap3A_567], %swap3A_570 {strides = array<i32>} : memref<200x64xf32, #tpu.memory_space<vmem>>, vector<1x16xf32>,
        %add3A_571 = arith.constant 3 : i32
        %add3A_572 = arith.addi %mul3A_287, %add3A_571 : i32
        %get3A_573 = arith.index_cast %add3A_572 : i32 to index
        %get3A_574 = arith.constant 48 : index
        %get3A_575 = tpu.vector_load %arg9[%get3A_573, %get3A_574] {strides = array<i32>} : memref<200x64xf32, #tpu.memory_space<vmem>>, vector<1x16xf32>,
        %get3A_576 = vector.shape_cast %get3A_575 : vector<1x16xf32> to vector<16xf32>
        %mul3A_577 = arith.mulf %get3A_576, %get3A_27 : vector<16xf32>
        %mul3A_578 = arith.mulf %get3A_500, %get3A_15 : vector<16xf32>
        %add3A_579 = arith.addf %mul3A_577, %mul3A_578 : vector<16xf32>
        %max3A_580 = arith.constant 0.000000e+00 : f32
        %max3A_581 = vector.broadcast %max3A_580 : f32 to vector<16xf32>
        %max3A_582 = arith.maximumf %add3A_579, %max3A_581 : vector<16xf32>
        %add3A_583 = arith.constant 3 : i32
        %add3A_584 = arith.addi %mul3A_287, %add3A_583 : i32
        %swap3A_585 = arith.index_cast %add3A_584 : i32 to index
        %swap3A_586 = arith.constant 48 : index
        %swap3A_587 = tpu.vector_load %arg13[%swap3A_585, %swap3A_586] {strides = array<i32>} : memref<200x64xf32, #tpu.memory_space<vmem>>, vector<1x16xf32>,
        %swap3A_588 = vector.shape_cast %swap3A_587 : vector<1x16xf32> to vector<16xf32>
        %swap3A_589 = vector.shape_cast %max3A_582 : vector<16xf32> to vector<1x16xf32>
        tpu.vector_store %arg13[%swap3A_585, %swap3A_586], %swap3A_589 {strides = array<i32>} : memref<200x64xf32, #tpu.memory_space<vmem>>, vector<1x16xf32>,
        %add3A_590 = arith.constant 4 : i32
        %add3A_591 = arith.addi %mul3A_287, %add3A_590 : i32
        %get3A_592 = arith.index_cast %add3A_591 : i32 to index
        %get3A_593 = arith.constant 0 : index
        %get3A_594 = tpu.vector_load %arg9[%get3A_592, %get3A_593] {strides = array<i32>} : memref<200x64xf32, #tpu.memory_space<vmem>>, vector<1x16xf32>,
        %get3A_595 = vector.shape_cast %get3A_594 : vector<1x16xf32> to vector<16xf32>
        %mul3A_596 = arith.mulf %get3A_595, %get3A_18 : vector<16xf32>
        %mul3A_597 = arith.mulf %get3A_519, %get3A_6 : vector<16xf32>
        %add3A_598 = arith.addf %mul3A_596, %mul3A_597 : vector<16xf32>
        %max3A_599 = arith.constant 0.000000e+00 : f32
        %max3A_600 = vector.broadcast %max3A_599 : f32 to vector<16xf32>
        %max3A_601 = arith.maximumf %add3A_598, %max3A_600 : vector<16xf32>
        %add3A_602 = arith.constant 4 : i32
        %add3A_603 = arith.addi %mul3A_287, %add3A_602 : i32
        %swap3A_604 = arith.index_cast %add3A_603 : i32 to index
        %swap3A_605 = arith.constant 0 : index
        %swap3A_606 = tpu.vector_load %arg13[%swap3A_604, %swap3A_605] {strides = array<i32>} : memref<200x64xf32, #tpu.memory_space<vmem>>, vector<1x16xf32>,
        %swap3A_607 = vector.shape_cast %swap3A_606 : vector<1x16xf32> to vector<16xf32>
        %swap3A_608 = vector.shape_cast %max3A_601 : vector<16xf32> to vector<1x16xf32>
        tpu.vector_store %arg13[%swap3A_604, %swap3A_605], %swap3A_608 {strides = array<i32>} : memref<200x64xf32, #tpu.memory_space<vmem>>, vector<1x16xf32>,
        %add3A_609 = arith.constant 4 : i32
        %add3A_610 = arith.addi %mul3A_287, %add3A_609 : i32
        %get3A_611 = arith.index_cast %add3A_610 : i32 to index
        %get3A_612 = arith.constant 16 : index
        %get3A_613 = tpu.vector_load %arg9[%get3A_611, %get3A_612] {strides = array<i32>} : memref<200x64xf32, #tpu.memory_space<vmem>>, vector<1x16xf32>,
        %get3A_614 = vector.shape_cast %get3A_613 : vector<1x16xf32> to vector<16xf32>
        %mul3A_615 = arith.mulf %get3A_614, %get3A_21 : vector<16xf32>
        %mul3A_616 = arith.mulf %get3A_538, %get3A_9 : vector<16xf32>
        %add3A_617 = arith.addf %mul3A_615, %mul3A_616 : vector<16xf32>
        %max3A_618 = arith.constant 0.000000e+00 : f32
        %max3A_619 = vector.broadcast %max3A_618 : f32 to vector<16xf32>
        %max3A_620 = arith.maximumf %add3A_617, %max3A_619 : vector<16xf32>
        %add3A_621 = arith.constant 4 : i32
        %add3A_622 = arith.addi %mul3A_287, %add3A_621 : i32
        %swap3A_623 = arith.index_cast %add3A_622 : i32 to index
        %swap3A_624 = arith.constant 16 : index
        %swap3A_625 = tpu.vector_load %arg13[%swap3A_623, %swap3A_624] {strides = array<i32>} : memref<200x64xf32, #tpu.memory_space<vmem>>, vector<1x16xf32>,
        %swap3A_626 = vector.shape_cast %swap3A_625 : vector<1x16xf32> to vector<16xf32>
        %swap3A_627 = vector.shape_cast %max3A_620 : vector<16xf32> to vector<1x16xf32>
        tpu.vector_store %arg13[%swap3A_623, %swap3A_624], %swap3A_627 {strides = array<i32>} : memref<200x64xf32, #tpu.memory_space<vmem>>, vector<1x16xf32>,
        %add3A_628 = arith.constant 4 : i32
        %add3A_629 = arith.addi %mul3A_287, %add3A_628 : i32
        %get3A_630 = arith.index_cast %add3A_629 : i32 to index
        %get3A_631 = arith.constant 32 : index
        %get3A_632 = tpu.vector_load %arg9[%get3A_630, %get3A_631] {strides = array<i32>} : memref<200x64xf32, #tpu.memory_space<vmem>>, vector<1x16xf32>,
        %get3A_633 = vector.shape_cast %get3A_632 : vector<1x16xf32> to vector<16xf32>
        %mul3A_634 = arith.mulf %get3A_633, %get3A_24 : vector<16xf32>
        %mul3A_635 = arith.mulf %get3A_557, %get3A_12 : vector<16xf32>
        %add3A_636 = arith.addf %mul3A_634, %mul3A_635 : vector<16xf32>
        %max3A_637 = arith.constant 0.000000e+00 : f32
        %max3A_638 = vector.broadcast %max3A_637 : f32 to vector<16xf32>
        %max3A_639 = arith.maximumf %add3A_636, %max3A_638 : vector<16xf32>
        %add3A_640 = arith.constant 4 : i32
        %add3A_641 = arith.addi %mul3A_287, %add3A_640 : i32
        %swap3A_642 = arith.index_cast %add3A_641 : i32 to index
        %swap3A_643 = arith.constant 32 : index
        %swap3A_644 = tpu.vector_load %arg13[%swap3A_642, %swap3A_643] {strides = array<i32>} : memref<200x64xf32, #tpu.memory_space<vmem>>, vector<1x16xf32>,
        %swap3A_645 = vector.shape_cast %swap3A_644 : vector<1x16xf32> to vector<16xf32>
        %swap3A_646 = vector.shape_cast %max3A_639 : vector<16xf32> to vector<1x16xf32>
        tpu.vector_store %arg13[%swap3A_642, %swap3A_643], %swap3A_646 {strides = array<i32>} : memref<200x64xf32, #tpu.memory_space<vmem>>, vector<1x16xf32>,
        %add3A_647 = arith.constant 4 : i32
        %add3A_648 = arith.addi %mul3A_287, %add3A_647 : i32
        %get3A_649 = arith.index_cast %add3A_648 : i32 to index
        %get3A_650 = arith.constant 48 : index
        %get3A_651 = tpu.vector_load %arg9[%get3A_649, %get3A_650] {strides = array<i32>} : memref<200x64xf32, #tpu.memory_space<vmem>>, vector<1x16xf32>,
        %get3A_652 = vector.shape_cast %get3A_651 : vector<1x16xf32> to vector<16xf32>
        %mul3A_653 = arith.mulf %get3A_652, %get3A_27 : vector<16xf32>
        %mul3A_654 = arith.mulf %get3A_576, %get3A_15 : vector<16xf32>
        %add3A_655 = arith.addf %mul3A_653, %mul3A_654 : vector<16xf32>
        %max3A_656 = arith.constant 0.000000e+00 : f32
        %max3A_657 = vector.broadcast %max3A_656 : f32 to vector<16xf32>
        %max3A_658 = arith.maximumf %add3A_655, %max3A_657 : vector<16xf32>
        %add3A_659 = arith.constant 4 : i32
        %add3A_660 = arith.addi %mul3A_287, %add3A_659 : i32
        %swap3A_661 = arith.index_cast %add3A_660 : i32 to index
        %swap3A_662 = arith.constant 48 : index
        %swap3A_663 = tpu.vector_load %arg13[%swap3A_661, %swap3A_662] {strides = array<i32>} : memref<200x64xf32, #tpu.memory_space<vmem>>, vector<1x16xf32>,
        %swap3A_664 = vector.shape_cast %swap3A_663 : vector<1x16xf32> to vector<16xf32>
        %swap3A_665 = vector.shape_cast %max3A_658 : vector<16xf32> to vector<1x16xf32>
        tpu.vector_store %arg13[%swap3A_661, %swap3A_662], %swap3A_665 {strides = array<i32>} : memref<200x64xf32, #tpu.memory_space<vmem>>, vector<1x16xf32>,
        %add3A_666 = arith.constant 5 : i32
        %add3A_667 = arith.addi %mul3A_287, %add3A_666 : i32
        %get3A_668 = arith.index_cast %add3A_667 : i32 to index
        %get3A_669 = arith.constant 0 : index
        %get3A_670 = tpu.vector_load %arg9[%get3A_668, %get3A_669] {strides = array<i32>} : memref<200x64xf32, #tpu.memory_space<vmem>>, vector<1x16xf32>,
        %get3A_671 = vector.shape_cast %get3A_670 : vector<1x16xf32> to vector<16xf32>
        %mul3A_672 = arith.mulf %get3A_671, %get3A_18 : vector<16xf32>
        %mul3A_673 = arith.mulf %get3A_595, %get3A_6 : vector<16xf32>
        %add3A_674 = arith.addf %mul3A_672, %mul3A_673 : vector<16xf32>
        %max3A_675 = arith.constant 0.000000e+00 : f32
        %max3A_676 = vector.broadcast %max3A_675 : f32 to vector<16xf32>
        %max3A_677 = arith.maximumf %add3A_674, %max3A_676 : vector<16xf32>
        %add3A_678 = arith.constant 5 : i32
        %add3A_679 = arith.addi %mul3A_287, %add3A_678 : i32
        %swap3A_680 = arith.index_cast %add3A_679 : i32 to index
        %swap3A_681 = arith.constant 0 : index
        %swap3A_682 = tpu.vector_load %arg13[%swap3A_680, %swap3A_681] {strides = array<i32>} : memref<200x64xf32, #tpu.memory_space<vmem>>, vector<1x16xf32>,
        %swap3A_683 = vector.shape_cast %swap3A_682 : vector<1x16xf32> to vector<16xf32>
        %swap3A_684 = vector.shape_cast %max3A_677 : vector<16xf32> to vector<1x16xf32>
        tpu.vector_store %arg13[%swap3A_680, %swap3A_681], %swap3A_684 {strides = array<i32>} : memref<200x64xf32, #tpu.memory_space<vmem>>, vector<1x16xf32>,
        %add3A_685 = arith.constant 5 : i32
        %add3A_686 = arith.addi %mul3A_287, %add3A_685 : i32
        %get3A_687 = arith.index_cast %add3A_686 : i32 to index
        %get3A_688 = arith.constant 16 : index
        %get3A_689 = tpu.vector_load %arg9[%get3A_687, %get3A_688] {strides = array<i32>} : memref<200x64xf32, #tpu.memory_space<vmem>>, vector<1x16xf32>,
        %get3A_690 = vector.shape_cast %get3A_689 : vector<1x16xf32> to vector<16xf32>
        %mul3A_691 = arith.mulf %get3A_690, %get3A_21 : vector<16xf32>
        %mul3A_692 = arith.mulf %get3A_614, %get3A_9 : vector<16xf32>
        %add3A_693 = arith.addf %mul3A_691, %mul3A_692 : vector<16xf32>
        %max3A_694 = arith.constant 0.000000e+00 : f32
        %max3A_695 = vector.broadcast %max3A_694 : f32 to vector<16xf32>
        %max3A_696 = arith.maximumf %add3A_693, %max3A_695 : vector<16xf32>
        %add3A_697 = arith.constant 5 : i32
        %add3A_698 = arith.addi %mul3A_287, %add3A_697 : i32
        %swap3A_699 = arith.index_cast %add3A_698 : i32 to index
        %swap3A_700 = arith.constant 16 : index
        %swap3A_701 = tpu.vector_load %arg13[%swap3A_699, %swap3A_700] {strides = array<i32>} : memref<200x64xf32, #tpu.memory_space<vmem>>, vector<1x16xf32>,
        %swap3A_702 = vector.shape_cast %swap3A_701 : vector<1x16xf32> to vector<16xf32>
        %swap3A_703 = vector.shape_cast %max3A_696 : vector<16xf32> to vector<1x16xf32>
        tpu.vector_store %arg13[%swap3A_699, %swap3A_700], %swap3A_703 {strides = array<i32>} : memref<200x64xf32, #tpu.memory_space<vmem>>, vector<1x16xf32>,
        %add3A_704 = arith.constant 5 : i32
        %add3A_705 = arith.addi %mul3A_287, %add3A_704 : i32
        %get3A_706 = arith.index_cast %add3A_705 : i32 to index
        %get3A_707 = arith.constant 32 : index
        %get3A_708 = tpu.vector_load %arg9[%get3A_706, %get3A_707] {strides = array<i32>} : memref<200x64xf32, #tpu.memory_space<vmem>>, vector<1x16xf32>,
        %get3A_709 = vector.shape_cast %get3A_708 : vector<1x16xf32> to vector<16xf32>
        %mul3A_710 = arith.mulf %get3A_709, %get3A_24 : vector<16xf32>
        %mul3A_711 = arith.mulf %get3A_633, %get3A_12 : vector<16xf32>
        %add3A_712 = arith.addf %mul3A_710, %mul3A_711 : vector<16xf32>
        %max3A_713 = arith.constant 0.000000e+00 : f32
        %max3A_714 = vector.broadcast %max3A_713 : f32 to vector<16xf32>
        %max3A_715 = arith.maximumf %add3A_712, %max3A_714 : vector<16xf32>
        %add3A_716 = arith.constant 5 : i32
        %add3A_717 = arith.addi %mul3A_287, %add3A_716 : i32
        %swap3A_718 = arith.index_cast %add3A_717 : i32 to index
        %swap3A_719 = arith.constant 32 : index
        %swap3A_720 = tpu.vector_load %arg13[%swap3A_718, %swap3A_719] {strides = array<i32>} : memref<200x64xf32, #tpu.memory_space<vmem>>, vector<1x16xf32>,
        %swap3A_721 = vector.shape_cast %swap3A_720 : vector<1x16xf32> to vector<16xf32>
        %swap3A_722 = vector.shape_cast %max3A_715 : vector<16xf32> to vector<1x16xf32>
        tpu.vector_store %arg13[%swap3A_718, %swap3A_719], %swap3A_722 {strides = array<i32>} : memref<200x64xf32, #tpu.memory_space<vmem>>, vector<1x16xf32>,
        %add3A_723 = arith.constant 5 : i32
        %add3A_724 = arith.addi %mul3A_287, %add3A_723 : i32
        %get3A_725 = arith.index_cast %add3A_724 : i32 to index
        %get3A_726 = arith.constant 48 : index
        %get3A_727 = tpu.vector_load %arg9[%get3A_725, %get3A_726] {strides = array<i32>} : memref<200x64xf32, #tpu.memory_space<vmem>>, vector<1x16xf32>,
        %get3A_728 = vector.shape_cast %get3A_727 : vector<1x16xf32> to vector<16xf32>
        %mul3A_729 = arith.mulf %get3A_728, %get3A_27 : vector<16xf32>
        %mul3A_730 = arith.mulf %get3A_652, %get3A_15 : vector<16xf32>
        %add3A_731 = arith.addf %mul3A_729, %mul3A_730 : vector<16xf32>
        %max3A_732 = arith.constant 0.000000e+00 : f32
        %max3A_733 = vector.broadcast %max3A_732 : f32 to vector<16xf32>
        %max3A_734 = arith.maximumf %add3A_731, %max3A_733 : vector<16xf32>
        %add3A_735 = arith.constant 5 : i32
        %add3A_736 = arith.addi %mul3A_287, %add3A_735 : i32
        %swap3A_737 = arith.index_cast %add3A_736 : i32 to index
        %swap3A_738 = arith.constant 48 : index
        %swap3A_739 = tpu.vector_load %arg13[%swap3A_737, %swap3A_738] {strides = array<i32>} : memref<200x64xf32, #tpu.memory_space<vmem>>, vector<1x16xf32>,
        %swap3A_740 = vector.shape_cast %swap3A_739 : vector<1x16xf32> to vector<16xf32>
        %swap3A_741 = vector.shape_cast %max3A_734 : vector<16xf32> to vector<1x16xf32>
        tpu.vector_store %arg13[%swap3A_737, %swap3A_738], %swap3A_741 {strides = array<i32>} : memref<200x64xf32, #tpu.memory_space<vmem>>, vector<1x16xf32>,
        %add3A_742 = arith.constant 6 : i32
        %add3A_743 = arith.addi %mul3A_287, %add3A_742 : i32
        %get3A_744 = arith.index_cast %add3A_743 : i32 to index
        %get3A_745 = arith.constant 0 : index
        %get3A_746 = tpu.vector_load %arg9[%get3A_744, %get3A_745] {strides = array<i32>} : memref<200x64xf32, #tpu.memory_space<vmem>>, vector<1x16xf32>,
        %get3A_747 = vector.shape_cast %get3A_746 : vector<1x16xf32> to vector<16xf32>
        %mul3A_748 = arith.mulf %get3A_747, %get3A_18 : vector<16xf32>
        %mul3A_749 = arith.mulf %get3A_671, %get3A_6 : vector<16xf32>
        %add3A_750 = arith.addf %mul3A_748, %mul3A_749 : vector<16xf32>
        %max3A_751 = arith.constant 0.000000e+00 : f32
        %max3A_752 = vector.broadcast %max3A_751 : f32 to vector<16xf32>
        %max3A_753 = arith.maximumf %add3A_750, %max3A_752 : vector<16xf32>
        %add3A_754 = arith.constant 6 : i32
        %add3A_755 = arith.addi %mul3A_287, %add3A_754 : i32
        %swap3A_756 = arith.index_cast %add3A_755 : i32 to index
        %swap3A_757 = arith.constant 0 : index
        %swap3A_758 = tpu.vector_load %arg13[%swap3A_756, %swap3A_757] {strides = array<i32>} : memref<200x64xf32, #tpu.memory_space<vmem>>, vector<1x16xf32>,
        %swap3A_759 = vector.shape_cast %swap3A_758 : vector<1x16xf32> to vector<16xf32>
        %swap3A_760 = vector.shape_cast %max3A_753 : vector<16xf32> to vector<1x16xf32>
        tpu.vector_store %arg13[%swap3A_756, %swap3A_757], %swap3A_760 {strides = array<i32>} : memref<200x64xf32, #tpu.memory_space<vmem>>, vector<1x16xf32>,
        %add3A_761 = arith.constant 6 : i32
        %add3A_762 = arith.addi %mul3A_287, %add3A_761 : i32
        %get3A_763 = arith.index_cast %add3A_762 : i32 to index
        %get3A_764 = arith.constant 16 : index
        %get3A_765 = tpu.vector_load %arg9[%get3A_763, %get3A_764] {strides = array<i32>} : memref<200x64xf32, #tpu.memory_space<vmem>>, vector<1x16xf32>,
        %get3A_766 = vector.shape_cast %get3A_765 : vector<1x16xf32> to vector<16xf32>
        %mul3A_767 = arith.mulf %get3A_766, %get3A_21 : vector<16xf32>
        %mul3A_768 = arith.mulf %get3A_690, %get3A_9 : vector<16xf32>
        %add3A_769 = arith.addf %mul3A_767, %mul3A_768 : vector<16xf32>
        %max3A_770 = arith.constant 0.000000e+00 : f32
        %max3A_771 = vector.broadcast %max3A_770 : f32 to vector<16xf32>
        %max3A_772 = arith.maximumf %add3A_769, %max3A_771 : vector<16xf32>
        %add3A_773 = arith.constant 6 : i32
        %add3A_774 = arith.addi %mul3A_287, %add3A_773 : i32
        %swap3A_775 = arith.index_cast %add3A_774 : i32 to index
        %swap3A_776 = arith.constant 16 : index
        %swap3A_777 = tpu.vector_load %arg13[%swap3A_775, %swap3A_776] {strides = array<i32>} : memref<200x64xf32, #tpu.memory_space<vmem>>, vector<1x16xf32>,
        %swap3A_778 = vector.shape_cast %swap3A_777 : vector<1x16xf32> to vector<16xf32>
        %swap3A_779 = vector.shape_cast %max3A_772 : vector<16xf32> to vector<1x16xf32>
        tpu.vector_store %arg13[%swap3A_775, %swap3A_776], %swap3A_779 {strides = array<i32>} : memref<200x64xf32, #tpu.memory_space<vmem>>, vector<1x16xf32>,
        %add3A_780 = arith.constant 6 : i32
        %add3A_781 = arith.addi %mul3A_287, %add3A_780 : i32
        %get3A_782 = arith.index_cast %add3A_781 : i32 to index
        %get3A_783 = arith.constant 32 : index
        %get3A_784 = tpu.vector_load %arg9[%get3A_782, %get3A_783] {strides = array<i32>} : memref<200x64xf32, #tpu.memory_space<vmem>>, vector<1x16xf32>,
        %get3A_785 = vector.shape_cast %get3A_784 : vector<1x16xf32> to vector<16xf32>
        %mul3A_786 = arith.mulf %get3A_785, %get3A_24 : vector<16xf32>
        %mul3A_787 = arith.mulf %get3A_709, %get3A_12 : vector<16xf32>
        %add3A_788 = arith.addf %mul3A_786, %mul3A_787 : vector<16xf32>
        %max3A_789 = arith.constant 0.000000e+00 : f32
        %max3A_790 = vector.broadcast %max3A_789 : f32 to vector<16xf32>
        %max3A_791 = arith.maximumf %add3A_788, %max3A_790 : vector<16xf32>
        %add3A_792 = arith.constant 6 : i32
        %add3A_793 = arith.addi %mul3A_287, %add3A_792 : i32
        %swap3A_794 = arith.index_cast %add3A_793 : i32 to index
        %swap3A_795 = arith.constant 32 : index
        %swap3A_796 = tpu.vector_load %arg13[%swap3A_794, %swap3A_795] {strides = array<i32>} : memref<200x64xf32, #tpu.memory_space<vmem>>, vector<1x16xf32>,
        %swap3A_797 = vector.shape_cast %swap3A_796 : vector<1x16xf32> to vector<16xf32>
        %swap3A_798 = vector.shape_cast %max3A_791 : vector<16xf32> to vector<1x16xf32>
        tpu.vector_store %arg13[%swap3A_794, %swap3A_795], %swap3A_798 {strides = array<i32>} : memref<200x64xf32, #tpu.memory_space<vmem>>, vector<1x16xf32>,
        %add3A_799 = arith.constant 6 : i32
        %add3A_800 = arith.addi %mul3A_287, %add3A_799 : i32
        %get3A_801 = arith.index_cast %add3A_800 : i32 to index
        %get3A_802 = arith.constant 48 : index
        %get3A_803 = tpu.vector_load %arg9[%get3A_801, %get3A_802] {strides = array<i32>} : memref<200x64xf32, #tpu.memory_space<vmem>>, vector<1x16xf32>,
        %get3A_804 = vector.shape_cast %get3A_803 : vector<1x16xf32> to vector<16xf32>
        %mul3A_805 = arith.mulf %get3A_804, %get3A_27 : vector<16xf32>
        %mul3A_806 = arith.mulf %get3A_728, %get3A_15 : vector<16xf32>
        %add3A_807 = arith.addf %mul3A_805, %mul3A_806 : vector<16xf32>
        %max3A_808 = arith.constant 0.000000e+00 : f32
        %max3A_809 = vector.broadcast %max3A_808 : f32 to vector<16xf32>
        %max3A_810 = arith.maximumf %add3A_807, %max3A_809 : vector<16xf32>
        %add3A_811 = arith.constant 6 : i32
        %add3A_812 = arith.addi %mul3A_287, %add3A_811 : i32
        %swap3A_813 = arith.index_cast %add3A_812 : i32 to index
        %swap3A_814 = arith.constant 48 : index
        %swap3A_815 = tpu.vector_load %arg13[%swap3A_813, %swap3A_814] {strides = array<i32>} : memref<200x64xf32, #tpu.memory_space<vmem>>, vector<1x16xf32>,
        %swap3A_816 = vector.shape_cast %swap3A_815 : vector<1x16xf32> to vector<16xf32>
        %swap3A_817 = vector.shape_cast %max3A_810 : vector<16xf32> to vector<1x16xf32>
        tpu.vector_store %arg13[%swap3A_813, %swap3A_814], %swap3A_817 {strides = array<i32>} : memref<200x64xf32, #tpu.memory_space<vmem>>, vector<1x16xf32>,
        %add3A_818 = arith.constant 7 : i32
        %add3A_819 = arith.addi %mul3A_287, %add3A_818 : i32
        %get3A_820 = arith.index_cast %add3A_819 : i32 to index
        %get3A_821 = arith.constant 0 : index
        %get3A_822 = tpu.vector_load %arg9[%get3A_820, %get3A_821] {strides = array<i32>} : memref<200x64xf32, #tpu.memory_space<vmem>>, vector<1x16xf32>,
        %get3A_823 = vector.shape_cast %get3A_822 : vector<1x16xf32> to vector<16xf32>
        %mul3A_824 = arith.mulf %get3A_823, %get3A_18 : vector<16xf32>
        %mul3A_825 = arith.mulf %get3A_747, %get3A_6 : vector<16xf32>
        %add3A_826 = arith.addf %mul3A_824, %mul3A_825 : vector<16xf32>
        %max3A_827 = arith.constant 0.000000e+00 : f32
        %max3A_828 = vector.broadcast %max3A_827 : f32 to vector<16xf32>
        %max3A_829 = arith.maximumf %add3A_826, %max3A_828 : vector<16xf32>
        %add3A_830 = arith.constant 7 : i32
        %add3A_831 = arith.addi %mul3A_287, %add3A_830 : i32
        %swap3A_832 = arith.index_cast %add3A_831 : i32 to index
        %swap3A_833 = arith.constant 0 : index
        %swap3A_834 = tpu.vector_load %arg13[%swap3A_832, %swap3A_833] {strides = array<i32>} : memref<200x64xf32, #tpu.memory_space<vmem>>, vector<1x16xf32>,
        %swap3A_835 = vector.shape_cast %swap3A_834 : vector<1x16xf32> to vector<16xf32>
        %swap3A_836 = vector.shape_cast %max3A_829 : vector<16xf32> to vector<1x16xf32>
        tpu.vector_store %arg13[%swap3A_832, %swap3A_833], %swap3A_836 {strides = array<i32>} : memref<200x64xf32, #tpu.memory_space<vmem>>, vector<1x16xf32>,
        %add3A_837 = arith.constant 7 : i32
        %add3A_838 = arith.addi %mul3A_287, %add3A_837 : i32
        %get3A_839 = arith.index_cast %add3A_838 : i32 to index
        %get3A_840 = arith.constant 16 : index
        %get3A_841 = tpu.vector_load %arg9[%get3A_839, %get3A_840] {strides = array<i32>} : memref<200x64xf32, #tpu.memory_space<vmem>>, vector<1x16xf32>,
        %get3A_842 = vector.shape_cast %get3A_841 : vector<1x16xf32> to vector<16xf32>
        %mul3A_843 = arith.mulf %get3A_842, %get3A_21 : vector<16xf32>
        %mul3A_844 = arith.mulf %get3A_766, %get3A_9 : vector<16xf32>
        %add3A_845 = arith.addf %mul3A_843, %mul3A_844 : vector<16xf32>
        %max3A_846 = arith.constant 0.000000e+00 : f32
        %max3A_847 = vector.broadcast %max3A_846 : f32 to vector<16xf32>
        %max3A_848 = arith.maximumf %add3A_845, %max3A_847 : vector<16xf32>
        %add3A_849 = arith.constant 7 : i32
        %add3A_850 = arith.addi %mul3A_287, %add3A_849 : i32
        %swap3A_851 = arith.index_cast %add3A_850 : i32 to index
        %swap3A_852 = arith.constant 16 : index
        %swap3A_853 = tpu.vector_load %arg13[%swap3A_851, %swap3A_852] {strides = array<i32>} : memref<200x64xf32, #tpu.memory_space<vmem>>, vector<1x16xf32>,
        %swap3A_854 = vector.shape_cast %swap3A_853 : vector<1x16xf32> to vector<16xf32>
        %swap3A_855 = vector.shape_cast %max3A_848 : vector<16xf32> to vector<1x16xf32>
        tpu.vector_store %arg13[%swap3A_851, %swap3A_852], %swap3A_855 {strides = array<i32>} : memref<200x64xf32, #tpu.memory_space<vmem>>, vector<1x16xf32>,
        %add3A_856 = arith.constant 7 : i32
        %add3A_857 = arith.addi %mul3A_287, %add3A_856 : i32
        %get3A_858 = arith.index_cast %add3A_857 : i32 to index
        %get3A_859 = arith.constant 32 : index
        %get3A_860 = tpu.vector_load %arg9[%get3A_858, %get3A_859] {strides = array<i32>} : memref<200x64xf32, #tpu.memory_space<vmem>>, vector<1x16xf32>,
        %get3A_861 = vector.shape_cast %get3A_860 : vector<1x16xf32> to vector<16xf32>
        %mul3A_862 = arith.mulf %get3A_861, %get3A_24 : vector<16xf32>
        %mul3A_863 = arith.mulf %get3A_785, %get3A_12 : vector<16xf32>
        %add3A_864 = arith.addf %mul3A_862, %mul3A_863 : vector<16xf32>
        %max3A_865 = arith.constant 0.000000e+00 : f32
        %max3A_866 = vector.broadcast %max3A_865 : f32 to vector<16xf32>
        %max3A_867 = arith.maximumf %add3A_864, %max3A_866 : vector<16xf32>
        %add3A_868 = arith.constant 7 : i32
        %add3A_869 = arith.addi %mul3A_287, %add3A_868 : i32
        %swap3A_870 = arith.index_cast %add3A_869 : i32 to index
        %swap3A_871 = arith.constant 32 : index
        %swap3A_872 = tpu.vector_load %arg13[%swap3A_870, %swap3A_871] {strides = array<i32>} : memref<200x64xf32, #tpu.memory_space<vmem>>, vector<1x16xf32>,
        %swap3A_873 = vector.shape_cast %swap3A_872 : vector<1x16xf32> to vector<16xf32>
        %swap3A_874 = vector.shape_cast %max3A_867 : vector<16xf32> to vector<1x16xf32>
        tpu.vector_store %arg13[%swap3A_870, %swap3A_871], %swap3A_874 {strides = array<i32>} : memref<200x64xf32, #tpu.memory_space<vmem>>, vector<1x16xf32>,
        %add3A_875 = arith.constant 7 : i32
        %add3A_876 = arith.addi %mul3A_287, %add3A_875 : i32
        %get3A_877 = arith.index_cast %add3A_876 : i32 to index
        %get3A_878 = arith.constant 48 : index
        %get3A_879 = tpu.vector_load %arg9[%get3A_877, %get3A_878] {strides = array<i32>} : memref<200x64xf32, #tpu.memory_space<vmem>>, vector<1x16xf32>,
        %get3A_880 = vector.shape_cast %get3A_879 : vector<1x16xf32> to vector<16xf32>
        %mul3A_881 = arith.mulf %get3A_880, %get3A_27 : vector<16xf32>
        %mul3A_882 = arith.mulf %get3A_804, %get3A_15 : vector<16xf32>
        %add3A_883 = arith.addf %mul3A_881, %mul3A_882 : vector<16xf32>
        %max3A_884 = arith.constant 0.000000e+00 : f32
        %max3A_885 = vector.broadcast %max3A_884 : f32 to vector<16xf32>
        %max3A_886 = arith.maximumf %add3A_883, %max3A_885 : vector<16xf32>
        %add3A_887 = arith.constant 7 : i32
        %add3A_888 = arith.addi %mul3A_287, %add3A_887 : i32
        %swap3A_889 = arith.index_cast %add3A_888 : i32 to index
        %swap3A_890 = arith.constant 48 : index
        %swap3A_891 = tpu.vector_load %arg13[%swap3A_889, %swap3A_890] {strides = array<i32>} : memref<200x64xf32, #tpu.memory_space<vmem>>, vector<1x16xf32>,
        %swap3A_892 = vector.shape_cast %swap3A_891 : vector<1x16xf32> to vector<16xf32>
        %swap3A_893 = vector.shape_cast %max3A_886 : vector<16xf32> to vector<1x16xf32>
        tpu.vector_store %arg13[%swap3A_889, %swap3A_890], %swap3A_893 {strides = array<i32>} : memref<200x64xf32, #tpu.memory_space<vmem>>, vector<1x16xf32>,
        scf.yield %get3A_823, %get3A_842, %get3A_861, %get3A_880 : vector<16xf32>, vector<16xf32>, vector<16xf32>, vector<16xf32>
      }
      %scan3A_176 = arith.constant 25 : i32
      %mul3A_177 = arith.constant 200 : i32
      %mul3A_178 = arith.muli %add3A_149, %mul3A_177 : i32
      %add3A_179 = arith.addi %mul3A_4, %mul3A_178 : i32
      %dma_start3A_180 = arith.constant 0 : i32
      %dma_start3A_181 = tpu.memref_slice %arg6[%add3A_179, %dma_start3A_180] : memref<819200x64xf32, #tpu.memory_space<hbm>> -> memref<200x64xf32, #tpu.memory_space<hbm>>
      %dma_start3A_182 = arith.constant 0 : i32
      %dma_start3A_183 = tpu.memref_slice %arg6[%add3A_179, %dma_start3A_182] : memref<819200x64xf32, #tpu.memory_space<hbm>> -> memref<200x64xf32, #tpu.memory_space<hbm>>
      tpu.enqueue_dma source(%arg13 : memref<200x64xf32, #tpu.memory_space<vmem>>) target(%dma_start3A_183 : memref<200x64xf32, #tpu.memory_space<hbm>>) target_semaphore(%arg21 : memref<!tpu.dma_semaphore, #tpu.memory_space<semaphore_mem>>)
      %add3A_184 = arith.constant 4 : i32
      %add3A_185 = arith.addi %add3A_149, %add3A_184 : i32
      %lt3A_186 = arith.constant 128 : i32
      %lt3A_187 = arith.cmpi slt, %add3A_185, %lt3A_186 : i32
      %convert_element_type3A_188 = arith.extui %lt3A_187 : i1 to i32
      %cond3A_189 = arith.constant 0 : i32
      %cond3A_190 = arith.cmpi ne, %convert_element_type3A_188, %cond3A_189 : i32
      scf.if %cond3A_190 {
        %add3A_281 = arith.constant 4 : i32
        %add3A_282 = arith.addi %add3A_149, %add3A_281 : i32
        %mul3A_283 = arith.constant 200 : i32
        %mul3A_284 = arith.muli %add3A_282, %mul3A_283 : i32
        %dma_start3A_285 = arith.constant 0 : i32
        %dma_start3A_286 = arith.constant 0 : i32
        %dma_start3A_287 = tpu.memref_slice %arg9[%dma_start3A_285, %dma_start3A_286] : memref<200x64xf32, #tpu.memory_space<vmem>> -> memref<128x64xf32, #tpu.memory_space<vmem>>
        %dma_start3A_288 = tpu.memref_slice %arg7[%mul3A_284] : memref<25600xi32, #tpu.memory_space<vmem>> -> memref<128xi32, #tpu.memory_space<vmem>>
        %dma_start3A_289 = arith.constant 0 : i32
        %dma_start3A_290 = arith.constant 0 : i32
        %dma_start3A_291 = tpu.memref_slice %arg3[%dma_start3A_289, %dma_start3A_290] : memref<1000000x64xf32, #tpu.memory_space<hbm>> -> memref<1000000x64xf32, #tpu.memory_space<hbm>>
        tpu.enqueue_indirect_dma source(%dma_start3A_291 : memref<1000000x64xf32, #tpu.memory_space<hbm>>) target(%dma_start3A_287 : memref<128x64xf32, #tpu.memory_space<vmem>>) offsets(%dma_start3A_288 : memref<128xi32, #tpu.memory_space<vmem>>) semaphore(%arg17 : memref<!tpu.dma_semaphore, #tpu.memory_space<semaphore_mem>>)
        %add3A_292 = arith.constant 128 : i32
        %add3A_293 = arith.addi %mul3A_284, %add3A_292 : i32
        %dma_start3A_294 = arith.constant 128 : i32
        %dma_start3A_295 = arith.constant 0 : i32
        %dma_start3A_296 = tpu.memref_slice %arg9[%dma_start3A_294, %dma_start3A_295] : memref<200x64xf32, #tpu.memory_space<vmem>> -> memref<72x64xf32, #tpu.memory_space<vmem>>
        %dma_start3A_297 = tpu.memref_slice %arg7[%add3A_293] : memref<25600xi32, #tpu.memory_space<vmem>> -> memref<72xi32, #tpu.memory_space<vmem>>
        %dma_start3A_298 = arith.constant 0 : i32
        %dma_start3A_299 = arith.constant 0 : i32
        %dma_start3A_300 = tpu.memref_slice %arg3[%dma_start3A_298, %dma_start3A_299] : memref<1000000x64xf32, #tpu.memory_space<hbm>> -> memref<1000000x64xf32, #tpu.memory_space<hbm>>
        tpu.enqueue_indirect_dma source(%dma_start3A_300 : memref<1000000x64xf32, #tpu.memory_space<hbm>>) target(%dma_start3A_296 : memref<72x64xf32, #tpu.memory_space<vmem>>) offsets(%dma_start3A_297 : memref<72xi32, #tpu.memory_space<vmem>>) semaphore(%arg17 : memref<!tpu.dma_semaphore, #tpu.memory_space<semaphore_mem>>)
      } else {
      }
      %mul3A_191 = arith.constant 4 : i32
      %mul3A_192 = arith.muli %mul3A_191, %scan3A_104 : i32
      %add3A_193 = arith.constant 2 : i32
      %add3A_194 = arith.addi %mul3A_192, %add3A_193 : i32
      %dma_wait3A_195 = arith.constant 0 : i32
      %dma_wait3A_196 = arith.constant 0 : i32
      %dma_wait3A_197 = tpu.memref_slice %arg10[%dma_wait3A_195, %dma_wait3A_196] : memref<200x64xf32, #tpu.memory_space<vmem>> -> memref<128x64xf32, #tpu.memory_space<vmem>>
      %dma_wait3A_198 = arith.constant 0 : i32
      %dma_wait3A_199 = tpu.memref_slice %arg7[%dma_wait3A_198] : memref<25600xi32, #tpu.memory_space<vmem>> -> memref<128xi32, #tpu.memory_space<vmem>>
      %dma_wait3A_200 = arith.constant 0 : i32
      %dma_wait3A_201 = arith.constant 0 : i32
      %dma_wait3A_202 = tpu.memref_slice %arg3[%dma_wait3A_200, %dma_wait3A_201] : memref<1000000x64xf32, #tpu.memory_space<hbm>> -> memref<1000000x64xf32, #tpu.memory_space<hbm>>
      tpu.wait_indirect_dma semaphore(%arg18 : memref<!tpu.dma_semaphore, #tpu.memory_space<semaphore_mem>>) src(%dma_wait3A_202 : memref<1000000x64xf32, #tpu.memory_space<hbm>>) dst(%dma_wait3A_197 : memref<128x64xf32, #tpu.memory_space<vmem>>)
      %dma_wait3A_203 = arith.constant 128 : i32
      %dma_wait3A_204 = arith.constant 0 : i32
      %dma_wait3A_205 = tpu.memref_slice %arg10[%dma_wait3A_203, %dma_wait3A_204] : memref<200x64xf32, #tpu.memory_space<vmem>> -> memref<72x64xf32, #tpu.memory_space<vmem>>
      %dma_wait3A_206 = arith.constant 128 : i32
      %dma_wait3A_207 = tpu.memref_slice %arg7[%dma_wait3A_206] : memref<25600xi32, #tpu.memory_space<vmem>> -> memref<72xi32, #tpu.memory_space<vmem>>
      %dma_wait3A_208 = arith.constant 0 : i32
      %dma_wait3A_209 = arith.constant 0 : i32
      %dma_wait3A_210 = tpu.memref_slice %arg3[%dma_wait3A_208, %dma_wait3A_209] : memref<1000000x64xf32, #tpu.memory_space<hbm>> -> memref<1000000x64xf32, #tpu.memory_space<hbm>>
      tpu.wait_indirect_dma semaphore(%arg18 : memref<!tpu.dma_semaphore, #tpu.memory_space<semaphore_mem>>) src(%dma_wait3A_210 : memref<1000000x64xf32, #tpu.memory_space<hbm>>) dst(%dma_wait3A_205 : memref<72x64xf32, #tpu.memory_space<vmem>>)
      %ge3A_211 = arith.constant 2 : i32
      %ge3A_212 = arith.cmpi sge, %add3A_194, %ge3A_211 : i32
      %convert_element_type3A_213 = arith.extui %ge3A_212 : i1 to i32
      %cond3A_214 = arith.constant 0 : i32
      %cond3A_215 = arith.cmpi ne, %convert_element_type3A_213, %cond3A_214 : i32
      scf.if %cond3A_215 {
        %dma_wait3A_281 = arith.constant 0 : i32
        %dma_wait3A_282 = tpu.memref_slice %arg6[%mul3A_4, %dma_wait3A_281] : memref<819200x64xf32, #tpu.memory_space<hbm>> -> memref<200x64xf32, #tpu.memory_space<hbm>>
        %dma_wait3A_283 = arith.constant 0 : i32
        %dma_wait3A_284 = tpu.memref_slice %arg6[%mul3A_4, %dma_wait3A_283] : memref<819200x64xf32, #tpu.memory_space<hbm>> -> memref<200x64xf32, #tpu.memory_space<hbm>>
        tpu.wait_dma2 semaphore(%arg20 : memref<!tpu.dma_semaphore, #tpu.memory_space<semaphore_mem>>) src(%arg12 : memref<200x64xf32, #tpu.memory_space<vmem>>) dst(%dma_wait3A_284 : memref<200x64xf32, #tpu.memory_space<hbm>>)
      } else {
      }
      %scan3A_216 = arith.constant 0 : i32
      %scan3A_217 = arith.constant 25 : i32
      %scan3A_218 = arith.addi %scan3A_216, %scan3A_217 : i32
      %scan3A_219 = arith.constant 1 : i32
      %scan3A_220:4 = scf.for %scan3A_281 = %scan3A_216 to %scan3A_218 step %scan3A_219 iter_args(%scan3A_282 = %broadcast_in_dim3A_28, %scan3A_283 = %broadcast_in_dim3A_28, %scan3A_284 = %broadcast_in_dim3A_28, %scan3A_285 = %broadcast_in_dim3A_28) -> (vector<16xf32>, vector<16xf32>, vector<16xf32>, vector<16xf32>)  : i32 {
        %mul3A_286 = arith.constant 8 : i32
        %mul3A_287 = arith.muli %scan3A_281, %mul3A_286 : i32
        %add3A_288 = arith.constant 0 : i32
        %add3A_289 = arith.addi %mul3A_287, %add3A_288 : i32
        %get3A_290 = arith.index_cast %add3A_289 : i32 to index
        %get3A_291 = arith.constant 0 : index
        %get3A_292 = tpu.vector_load %arg10[%get3A_290, %get3A_291] {strides = array<i32>} : memref<200x64xf32, #tpu.memory_space<vmem>>, vector<1x16xf32>,
        %get3A_293 = vector.shape_cast %get3A_292 : vector<1x16xf32> to vector<16xf32>
        %mul3A_294 = arith.mulf %get3A_293, %get3A_18 : vector<16xf32>
        %mul3A_295 = arith.mulf %scan3A_282, %get3A_6 : vector<16xf32>
        %add3A_296 = arith.addf %mul3A_294, %mul3A_295 : vector<16xf32>
        %max3A = arith.constant 0.000000e+00 : f32
        %max3A_297 = vector.broadcast %max3A : f32 to vector<16xf32>
        %max3A_298 = arith.maximumf %add3A_296, %max3A_297 : vector<16xf32>
        %add3A_299 = arith.constant 0 : i32
        %add3A_300 = arith.addi %mul3A_287, %add3A_299 : i32
        %swap3A = arith.index_cast %add3A_300 : i32 to index
        %swap3A_301 = arith.constant 0 : index
        %swap3A_302 = tpu.vector_load %arg12[%swap3A, %swap3A_301] {strides = array<i32>} : memref<200x64xf32, #tpu.memory_space<vmem>>, vector<1x16xf32>,
        %swap3A_303 = vector.shape_cast %swap3A_302 : vector<1x16xf32> to vector<16xf32>
        %swap3A_304 = vector.shape_cast %max3A_298 : vector<16xf32> to vector<1x16xf32>
        tpu.vector_store %arg12[%swap3A, %swap3A_301], %swap3A_304 {strides = array<i32>} : memref<200x64xf32, #tpu.memory_space<vmem>>, vector<1x16xf32>,
        %add3A_305 = arith.constant 0 : i32
        %add3A_306 = arith.addi %mul3A_287, %add3A_305 : i32
        %get3A_307 = arith.index_cast %add3A_306 : i32 to index
        %get3A_308 = arith.constant 16 : index
        %get3A_309 = tpu.vector_load %arg10[%get3A_307, %get3A_308] {strides = array<i32>} : memref<200x64xf32, #tpu.memory_space<vmem>>, vector<1x16xf32>,
        %get3A_310 = vector.shape_cast %get3A_309 : vector<1x16xf32> to vector<16xf32>
        %mul3A_311 = arith.mulf %get3A_310, %get3A_21 : vector<16xf32>
        %mul3A_312 = arith.mulf %scan3A_283, %get3A_9 : vector<16xf32>
        %add3A_313 = arith.addf %mul3A_311, %mul3A_312 : vector<16xf32>
        %max3A_314 = arith.constant 0.000000e+00 : f32
        %max3A_315 = vector.broadcast %max3A_314 : f32 to vector<16xf32>
        %max3A_316 = arith.maximumf %add3A_313, %max3A_315 : vector<16xf32>
        %add3A_317 = arith.constant 0 : i32
        %add3A_318 = arith.addi %mul3A_287, %add3A_317 : i32
        %swap3A_319 = arith.index_cast %add3A_318 : i32 to index
        %swap3A_320 = arith.constant 16 : index
        %swap3A_321 = tpu.vector_load %arg12[%swap3A_319, %swap3A_320] {strides = array<i32>} : memref<200x64xf32, #tpu.memory_space<vmem>>, vector<1x16xf32>,
        %swap3A_322 = vector.shape_cast %swap3A_321 : vector<1x16xf32> to vector<16xf32>
        %swap3A_323 = vector.shape_cast %max3A_316 : vector<16xf32> to vector<1x16xf32>
        tpu.vector_store %arg12[%swap3A_319, %swap3A_320], %swap3A_323 {strides = array<i32>} : memref<200x64xf32, #tpu.memory_space<vmem>>, vector<1x16xf32>,
        %add3A_324 = arith.constant 0 : i32
        %add3A_325 = arith.addi %mul3A_287, %add3A_324 : i32
        %get3A_326 = arith.index_cast %add3A_325 : i32 to index
        %get3A_327 = arith.constant 32 : index
        %get3A_328 = tpu.vector_load %arg10[%get3A_326, %get3A_327] {strides = array<i32>} : memref<200x64xf32, #tpu.memory_space<vmem>>, vector<1x16xf32>,
        %get3A_329 = vector.shape_cast %get3A_328 : vector<1x16xf32> to vector<16xf32>
        %mul3A_330 = arith.mulf %get3A_329, %get3A_24 : vector<16xf32>
        %mul3A_331 = arith.mulf %scan3A_284, %get3A_12 : vector<16xf32>
        %add3A_332 = arith.addf %mul3A_330, %mul3A_331 : vector<16xf32>
        %max3A_333 = arith.constant 0.000000e+00 : f32
        %max3A_334 = vector.broadcast %max3A_333 : f32 to vector<16xf32>
        %max3A_335 = arith.maximumf %add3A_332, %max3A_334 : vector<16xf32>
        %add3A_336 = arith.constant 0 : i32
        %add3A_337 = arith.addi %mul3A_287, %add3A_336 : i32
        %swap3A_338 = arith.index_cast %add3A_337 : i32 to index
        %swap3A_339 = arith.constant 32 : index
        %swap3A_340 = tpu.vector_load %arg12[%swap3A_338, %swap3A_339] {strides = array<i32>} : memref<200x64xf32, #tpu.memory_space<vmem>>, vector<1x16xf32>,
        %swap3A_341 = vector.shape_cast %swap3A_340 : vector<1x16xf32> to vector<16xf32>
        %swap3A_342 = vector.shape_cast %max3A_335 : vector<16xf32> to vector<1x16xf32>
        tpu.vector_store %arg12[%swap3A_338, %swap3A_339], %swap3A_342 {strides = array<i32>} : memref<200x64xf32, #tpu.memory_space<vmem>>, vector<1x16xf32>,
        %add3A_343 = arith.constant 0 : i32
        %add3A_344 = arith.addi %mul3A_287, %add3A_343 : i32
        %get3A_345 = arith.index_cast %add3A_344 : i32 to index
        %get3A_346 = arith.constant 48 : index
        %get3A_347 = tpu.vector_load %arg10[%get3A_345, %get3A_346] {strides = array<i32>} : memref<200x64xf32, #tpu.memory_space<vmem>>, vector<1x16xf32>,
        %get3A_348 = vector.shape_cast %get3A_347 : vector<1x16xf32> to vector<16xf32>
        %mul3A_349 = arith.mulf %get3A_348, %get3A_27 : vector<16xf32>
        %mul3A_350 = arith.mulf %scan3A_285, %get3A_15 : vector<16xf32>
        %add3A_351 = arith.addf %mul3A_349, %mul3A_350 : vector<16xf32>
        %max3A_352 = arith.constant 0.000000e+00 : f32
        %max3A_353 = vector.broadcast %max3A_352 : f32 to vector<16xf32>
        %max3A_354 = arith.maximumf %add3A_351, %max3A_353 : vector<16xf32>
        %add3A_355 = arith.constant 0 : i32
        %add3A_356 = arith.addi %mul3A_287, %add3A_355 : i32
        %swap3A_357 = arith.index_cast %add3A_356 : i32 to index
        %swap3A_358 = arith.constant 48 : index
        %swap3A_359 = tpu.vector_load %arg12[%swap3A_357, %swap3A_358] {strides = array<i32>} : memref<200x64xf32, #tpu.memory_space<vmem>>, vector<1x16xf32>,
        %swap3A_360 = vector.shape_cast %swap3A_359 : vector<1x16xf32> to vector<16xf32>
        %swap3A_361 = vector.shape_cast %max3A_354 : vector<16xf32> to vector<1x16xf32>
        tpu.vector_store %arg12[%swap3A_357, %swap3A_358], %swap3A_361 {strides = array<i32>} : memref<200x64xf32, #tpu.memory_space<vmem>>, vector<1x16xf32>,
        %add3A_362 = arith.constant 1 : i32
        %add3A_363 = arith.addi %mul3A_287, %add3A_362 : i32
        %get3A_364 = arith.index_cast %add3A_363 : i32 to index
        %get3A_365 = arith.constant 0 : index
        %get3A_366 = tpu.vector_load %arg10[%get3A_364, %get3A_365] {strides = array<i32>} : memref<200x64xf32, #tpu.memory_space<vmem>>, vector<1x16xf32>,
        %get3A_367 = vector.shape_cast %get3A_366 : vector<1x16xf32> to vector<16xf32>
        %mul3A_368 = arith.mulf %get3A_367, %get3A_18 : vector<16xf32>
        %mul3A_369 = arith.mulf %get3A_293, %get3A_6 : vector<16xf32>
        %add3A_370 = arith.addf %mul3A_368, %mul3A_369 : vector<16xf32>
        %max3A_371 = arith.constant 0.000000e+00 : f32
        %max3A_372 = vector.broadcast %max3A_371 : f32 to vector<16xf32>
        %max3A_373 = arith.maximumf %add3A_370, %max3A_372 : vector<16xf32>
        %add3A_374 = arith.constant 1 : i32
        %add3A_375 = arith.addi %mul3A_287, %add3A_374 : i32
        %swap3A_376 = arith.index_cast %add3A_375 : i32 to index
        %swap3A_377 = arith.constant 0 : index
        %swap3A_378 = tpu.vector_load %arg12[%swap3A_376, %swap3A_377] {strides = array<i32>} : memref<200x64xf32, #tpu.memory_space<vmem>>, vector<1x16xf32>,
        %swap3A_379 = vector.shape_cast %swap3A_378 : vector<1x16xf32> to vector<16xf32>
        %swap3A_380 = vector.shape_cast %max3A_373 : vector<16xf32> to vector<1x16xf32>
        tpu.vector_store %arg12[%swap3A_376, %swap3A_377], %swap3A_380 {strides = array<i32>} : memref<200x64xf32, #tpu.memory_space<vmem>>, vector<1x16xf32>,
        %add3A_381 = arith.constant 1 : i32
        %add3A_382 = arith.addi %mul3A_287, %add3A_381 : i32
        %get3A_383 = arith.index_cast %add3A_382 : i32 to index
        %get3A_384 = arith.constant 16 : index
        %get3A_385 = tpu.vector_load %arg10[%get3A_383, %get3A_384] {strides = array<i32>} : memref<200x64xf32, #tpu.memory_space<vmem>>, vector<1x16xf32>,
        %get3A_386 = vector.shape_cast %get3A_385 : vector<1x16xf32> to vector<16xf32>
        %mul3A_387 = arith.mulf %get3A_386, %get3A_21 : vector<16xf32>
        %mul3A_388 = arith.mulf %get3A_310, %get3A_9 : vector<16xf32>
        %add3A_389 = arith.addf %mul3A_387, %mul3A_388 : vector<16xf32>
        %max3A_390 = arith.constant 0.000000e+00 : f32
        %max3A_391 = vector.broadcast %max3A_390 : f32 to vector<16xf32>
        %max3A_392 = arith.maximumf %add3A_389, %max3A_391 : vector<16xf32>
        %add3A_393 = arith.constant 1 : i32
        %add3A_394 = arith.addi %mul3A_287, %add3A_393 : i32
        %swap3A_395 = arith.index_cast %add3A_394 : i32 to index
        %swap3A_396 = arith.constant 16 : index
        %swap3A_397 = tpu.vector_load %arg12[%swap3A_395, %swap3A_396] {strides = array<i32>} : memref<200x64xf32, #tpu.memory_space<vmem>>, vector<1x16xf32>,
        %swap3A_398 = vector.shape_cast %swap3A_397 : vector<1x16xf32> to vector<16xf32>
        %swap3A_399 = vector.shape_cast %max3A_392 : vector<16xf32> to vector<1x16xf32>
        tpu.vector_store %arg12[%swap3A_395, %swap3A_396], %swap3A_399 {strides = array<i32>} : memref<200x64xf32, #tpu.memory_space<vmem>>, vector<1x16xf32>,
        %add3A_400 = arith.constant 1 : i32
        %add3A_401 = arith.addi %mul3A_287, %add3A_400 : i32
        %get3A_402 = arith.index_cast %add3A_401 : i32 to index
        %get3A_403 = arith.constant 32 : index
        %get3A_404 = tpu.vector_load %arg10[%get3A_402, %get3A_403] {strides = array<i32>} : memref<200x64xf32, #tpu.memory_space<vmem>>, vector<1x16xf32>,
        %get3A_405 = vector.shape_cast %get3A_404 : vector<1x16xf32> to vector<16xf32>
        %mul3A_406 = arith.mulf %get3A_405, %get3A_24 : vector<16xf32>
        %mul3A_407 = arith.mulf %get3A_329, %get3A_12 : vector<16xf32>
        %add3A_408 = arith.addf %mul3A_406, %mul3A_407 : vector<16xf32>
        %max3A_409 = arith.constant 0.000000e+00 : f32
        %max3A_410 = vector.broadcast %max3A_409 : f32 to vector<16xf32>
        %max3A_411 = arith.maximumf %add3A_408, %max3A_410 : vector<16xf32>
        %add3A_412 = arith.constant 1 : i32
        %add3A_413 = arith.addi %mul3A_287, %add3A_412 : i32
        %swap3A_414 = arith.index_cast %add3A_413 : i32 to index
        %swap3A_415 = arith.constant 32 : index
        %swap3A_416 = tpu.vector_load %arg12[%swap3A_414, %swap3A_415] {strides = array<i32>} : memref<200x64xf32, #tpu.memory_space<vmem>>, vector<1x16xf32>,
        %swap3A_417 = vector.shape_cast %swap3A_416 : vector<1x16xf32> to vector<16xf32>
        %swap3A_418 = vector.shape_cast %max3A_411 : vector<16xf32> to vector<1x16xf32>
        tpu.vector_store %arg12[%swap3A_414, %swap3A_415], %swap3A_418 {strides = array<i32>} : memref<200x64xf32, #tpu.memory_space<vmem>>, vector<1x16xf32>,
        %add3A_419 = arith.constant 1 : i32
        %add3A_420 = arith.addi %mul3A_287, %add3A_419 : i32
        %get3A_421 = arith.index_cast %add3A_420 : i32 to index
        %get3A_422 = arith.constant 48 : index
        %get3A_423 = tpu.vector_load %arg10[%get3A_421, %get3A_422] {strides = array<i32>} : memref<200x64xf32, #tpu.memory_space<vmem>>, vector<1x16xf32>,
        %get3A_424 = vector.shape_cast %get3A_423 : vector<1x16xf32> to vector<16xf32>
        %mul3A_425 = arith.mulf %get3A_424, %get3A_27 : vector<16xf32>
        %mul3A_426 = arith.mulf %get3A_348, %get3A_15 : vector<16xf32>
        %add3A_427 = arith.addf %mul3A_425, %mul3A_426 : vector<16xf32>
        %max3A_428 = arith.constant 0.000000e+00 : f32
        %max3A_429 = vector.broadcast %max3A_428 : f32 to vector<16xf32>
        %max3A_430 = arith.maximumf %add3A_427, %max3A_429 : vector<16xf32>
        %add3A_431 = arith.constant 1 : i32
        %add3A_432 = arith.addi %mul3A_287, %add3A_431 : i32
        %swap3A_433 = arith.index_cast %add3A_432 : i32 to index
        %swap3A_434 = arith.constant 48 : index
        %swap3A_435 = tpu.vector_load %arg12[%swap3A_433, %swap3A_434] {strides = array<i32>} : memref<200x64xf32, #tpu.memory_space<vmem>>, vector<1x16xf32>,
        %swap3A_436 = vector.shape_cast %swap3A_435 : vector<1x16xf32> to vector<16xf32>
        %swap3A_437 = vector.shape_cast %max3A_430 : vector<16xf32> to vector<1x16xf32>
        tpu.vector_store %arg12[%swap3A_433, %swap3A_434], %swap3A_437 {strides = array<i32>} : memref<200x64xf32, #tpu.memory_space<vmem>>, vector<1x16xf32>,
        %add3A_438 = arith.constant 2 : i32
        %add3A_439 = arith.addi %mul3A_287, %add3A_438 : i32
        %get3A_440 = arith.index_cast %add3A_439 : i32 to index
        %get3A_441 = arith.constant 0 : index
        %get3A_442 = tpu.vector_load %arg10[%get3A_440, %get3A_441] {strides = array<i32>} : memref<200x64xf32, #tpu.memory_space<vmem>>, vector<1x16xf32>,
        %get3A_443 = vector.shape_cast %get3A_442 : vector<1x16xf32> to vector<16xf32>
        %mul3A_444 = arith.mulf %get3A_443, %get3A_18 : vector<16xf32>
        %mul3A_445 = arith.mulf %get3A_367, %get3A_6 : vector<16xf32>
        %add3A_446 = arith.addf %mul3A_444, %mul3A_445 : vector<16xf32>
        %max3A_447 = arith.constant 0.000000e+00 : f32
        %max3A_448 = vector.broadcast %max3A_447 : f32 to vector<16xf32>
        %max3A_449 = arith.maximumf %add3A_446, %max3A_448 : vector<16xf32>
        %add3A_450 = arith.constant 2 : i32
        %add3A_451 = arith.addi %mul3A_287, %add3A_450 : i32
        %swap3A_452 = arith.index_cast %add3A_451 : i32 to index
        %swap3A_453 = arith.constant 0 : index
        %swap3A_454 = tpu.vector_load %arg12[%swap3A_452, %swap3A_453] {strides = array<i32>} : memref<200x64xf32, #tpu.memory_space<vmem>>, vector<1x16xf32>,
        %swap3A_455 = vector.shape_cast %swap3A_454 : vector<1x16xf32> to vector<16xf32>
        %swap3A_456 = vector.shape_cast %max3A_449 : vector<16xf32> to vector<1x16xf32>
        tpu.vector_store %arg12[%swap3A_452, %swap3A_453], %swap3A_456 {strides = array<i32>} : memref<200x64xf32, #tpu.memory_space<vmem>>, vector<1x16xf32>,
        %add3A_457 = arith.constant 2 : i32
        %add3A_458 = arith.addi %mul3A_287, %add3A_457 : i32
        %get3A_459 = arith.index_cast %add3A_458 : i32 to index
        %get3A_460 = arith.constant 16 : index
        %get3A_461 = tpu.vector_load %arg10[%get3A_459, %get3A_460] {strides = array<i32>} : memref<200x64xf32, #tpu.memory_space<vmem>>, vector<1x16xf32>,
        %get3A_462 = vector.shape_cast %get3A_461 : vector<1x16xf32> to vector<16xf32>
        %mul3A_463 = arith.mulf %get3A_462, %get3A_21 : vector<16xf32>
        %mul3A_464 = arith.mulf %get3A_386, %get3A_9 : vector<16xf32>
        %add3A_465 = arith.addf %mul3A_463, %mul3A_464 : vector<16xf32>
        %max3A_466 = arith.constant 0.000000e+00 : f32
        %max3A_467 = vector.broadcast %max3A_466 : f32 to vector<16xf32>
        %max3A_468 = arith.maximumf %add3A_465, %max3A_467 : vector<16xf32>
        %add3A_469 = arith.constant 2 : i32
        %add3A_470 = arith.addi %mul3A_287, %add3A_469 : i32
        %swap3A_471 = arith.index_cast %add3A_470 : i32 to index
        %swap3A_472 = arith.constant 16 : index
        %swap3A_473 = tpu.vector_load %arg12[%swap3A_471, %swap3A_472] {strides = array<i32>} : memref<200x64xf32, #tpu.memory_space<vmem>>, vector<1x16xf32>,
        %swap3A_474 = vector.shape_cast %swap3A_473 : vector<1x16xf32> to vector<16xf32>
        %swap3A_475 = vector.shape_cast %max3A_468 : vector<16xf32> to vector<1x16xf32>
        tpu.vector_store %arg12[%swap3A_471, %swap3A_472], %swap3A_475 {strides = array<i32>} : memref<200x64xf32, #tpu.memory_space<vmem>>, vector<1x16xf32>,
        %add3A_476 = arith.constant 2 : i32
        %add3A_477 = arith.addi %mul3A_287, %add3A_476 : i32
        %get3A_478 = arith.index_cast %add3A_477 : i32 to index
        %get3A_479 = arith.constant 32 : index
        %get3A_480 = tpu.vector_load %arg10[%get3A_478, %get3A_479] {strides = array<i32>} : memref<200x64xf32, #tpu.memory_space<vmem>>, vector<1x16xf32>,
        %get3A_481 = vector.shape_cast %get3A_480 : vector<1x16xf32> to vector<16xf32>
        %mul3A_482 = arith.mulf %get3A_481, %get3A_24 : vector<16xf32>
        %mul3A_483 = arith.mulf %get3A_405, %get3A_12 : vector<16xf32>
        %add3A_484 = arith.addf %mul3A_482, %mul3A_483 : vector<16xf32>
        %max3A_485 = arith.constant 0.000000e+00 : f32
        %max3A_486 = vector.broadcast %max3A_485 : f32 to vector<16xf32>
        %max3A_487 = arith.maximumf %add3A_484, %max3A_486 : vector<16xf32>
        %add3A_488 = arith.constant 2 : i32
        %add3A_489 = arith.addi %mul3A_287, %add3A_488 : i32
        %swap3A_490 = arith.index_cast %add3A_489 : i32 to index
        %swap3A_491 = arith.constant 32 : index
        %swap3A_492 = tpu.vector_load %arg12[%swap3A_490, %swap3A_491] {strides = array<i32>} : memref<200x64xf32, #tpu.memory_space<vmem>>, vector<1x16xf32>,
        %swap3A_493 = vector.shape_cast %swap3A_492 : vector<1x16xf32> to vector<16xf32>
        %swap3A_494 = vector.shape_cast %max3A_487 : vector<16xf32> to vector<1x16xf32>
        tpu.vector_store %arg12[%swap3A_490, %swap3A_491], %swap3A_494 {strides = array<i32>} : memref<200x64xf32, #tpu.memory_space<vmem>>, vector<1x16xf32>,
        %add3A_495 = arith.constant 2 : i32
        %add3A_496 = arith.addi %mul3A_287, %add3A_495 : i32
        %get3A_497 = arith.index_cast %add3A_496 : i32 to index
        %get3A_498 = arith.constant 48 : index
        %get3A_499 = tpu.vector_load %arg10[%get3A_497, %get3A_498] {strides = array<i32>} : memref<200x64xf32, #tpu.memory_space<vmem>>, vector<1x16xf32>,
        %get3A_500 = vector.shape_cast %get3A_499 : vector<1x16xf32> to vector<16xf32>
        %mul3A_501 = arith.mulf %get3A_500, %get3A_27 : vector<16xf32>
        %mul3A_502 = arith.mulf %get3A_424, %get3A_15 : vector<16xf32>
        %add3A_503 = arith.addf %mul3A_501, %mul3A_502 : vector<16xf32>
        %max3A_504 = arith.constant 0.000000e+00 : f32
        %max3A_505 = vector.broadcast %max3A_504 : f32 to vector<16xf32>
        %max3A_506 = arith.maximumf %add3A_503, %max3A_505 : vector<16xf32>
        %add3A_507 = arith.constant 2 : i32
        %add3A_508 = arith.addi %mul3A_287, %add3A_507 : i32
        %swap3A_509 = arith.index_cast %add3A_508 : i32 to index
        %swap3A_510 = arith.constant 48 : index
        %swap3A_511 = tpu.vector_load %arg12[%swap3A_509, %swap3A_510] {strides = array<i32>} : memref<200x64xf32, #tpu.memory_space<vmem>>, vector<1x16xf32>,
        %swap3A_512 = vector.shape_cast %swap3A_511 : vector<1x16xf32> to vector<16xf32>
        %swap3A_513 = vector.shape_cast %max3A_506 : vector<16xf32> to vector<1x16xf32>
        tpu.vector_store %arg12[%swap3A_509, %swap3A_510], %swap3A_513 {strides = array<i32>} : memref<200x64xf32, #tpu.memory_space<vmem>>, vector<1x16xf32>,
        %add3A_514 = arith.constant 3 : i32
        %add3A_515 = arith.addi %mul3A_287, %add3A_514 : i32
        %get3A_516 = arith.index_cast %add3A_515 : i32 to index
        %get3A_517 = arith.constant 0 : index
        %get3A_518 = tpu.vector_load %arg10[%get3A_516, %get3A_517] {strides = array<i32>} : memref<200x64xf32, #tpu.memory_space<vmem>>, vector<1x16xf32>,
        %get3A_519 = vector.shape_cast %get3A_518 : vector<1x16xf32> to vector<16xf32>
        %mul3A_520 = arith.mulf %get3A_519, %get3A_18 : vector<16xf32>
        %mul3A_521 = arith.mulf %get3A_443, %get3A_6 : vector<16xf32>
        %add3A_522 = arith.addf %mul3A_520, %mul3A_521 : vector<16xf32>
        %max3A_523 = arith.constant 0.000000e+00 : f32
        %max3A_524 = vector.broadcast %max3A_523 : f32 to vector<16xf32>
        %max3A_525 = arith.maximumf %add3A_522, %max3A_524 : vector<16xf32>
        %add3A_526 = arith.constant 3 : i32
        %add3A_527 = arith.addi %mul3A_287, %add3A_526 : i32
        %swap3A_528 = arith.index_cast %add3A_527 : i32 to index
        %swap3A_529 = arith.constant 0 : index
        %swap3A_530 = tpu.vector_load %arg12[%swap3A_528, %swap3A_529] {strides = array<i32>} : memref<200x64xf32, #tpu.memory_space<vmem>>, vector<1x16xf32>,
        %swap3A_531 = vector.shape_cast %swap3A_530 : vector<1x16xf32> to vector<16xf32>
        %swap3A_532 = vector.shape_cast %max3A_525 : vector<16xf32> to vector<1x16xf32>
        tpu.vector_store %arg12[%swap3A_528, %swap3A_529], %swap3A_532 {strides = array<i32>} : memref<200x64xf32, #tpu.memory_space<vmem>>, vector<1x16xf32>,
        %add3A_533 = arith.constant 3 : i32
        %add3A_534 = arith.addi %mul3A_287, %add3A_533 : i32
        %get3A_535 = arith.index_cast %add3A_534 : i32 to index
        %get3A_536 = arith.constant 16 : index
        %get3A_537 = tpu.vector_load %arg10[%get3A_535, %get3A_536] {strides = array<i32>} : memref<200x64xf32, #tpu.memory_space<vmem>>, vector<1x16xf32>,
        %get3A_538 = vector.shape_cast %get3A_537 : vector<1x16xf32> to vector<16xf32>
        %mul3A_539 = arith.mulf %get3A_538, %get3A_21 : vector<16xf32>
        %mul3A_540 = arith.mulf %get3A_462, %get3A_9 : vector<16xf32>
        %add3A_541 = arith.addf %mul3A_539, %mul3A_540 : vector<16xf32>
        %max3A_542 = arith.constant 0.000000e+00 : f32
        %max3A_543 = vector.broadcast %max3A_542 : f32 to vector<16xf32>
        %max3A_544 = arith.maximumf %add3A_541, %max3A_543 : vector<16xf32>
        %add3A_545 = arith.constant 3 : i32
        %add3A_546 = arith.addi %mul3A_287, %add3A_545 : i32
        %swap3A_547 = arith.index_cast %add3A_546 : i32 to index
        %swap3A_548 = arith.constant 16 : index
        %swap3A_549 = tpu.vector_load %arg12[%swap3A_547, %swap3A_548] {strides = array<i32>} : memref<200x64xf32, #tpu.memory_space<vmem>>, vector<1x16xf32>,
        %swap3A_550 = vector.shape_cast %swap3A_549 : vector<1x16xf32> to vector<16xf32>
        %swap3A_551 = vector.shape_cast %max3A_544 : vector<16xf32> to vector<1x16xf32>
        tpu.vector_store %arg12[%swap3A_547, %swap3A_548], %swap3A_551 {strides = array<i32>} : memref<200x64xf32, #tpu.memory_space<vmem>>, vector<1x16xf32>,
        %add3A_552 = arith.constant 3 : i32
        %add3A_553 = arith.addi %mul3A_287, %add3A_552 : i32
        %get3A_554 = arith.index_cast %add3A_553 : i32 to index
        %get3A_555 = arith.constant 32 : index
        %get3A_556 = tpu.vector_load %arg10[%get3A_554, %get3A_555] {strides = array<i32>} : memref<200x64xf32, #tpu.memory_space<vmem>>, vector<1x16xf32>,
        %get3A_557 = vector.shape_cast %get3A_556 : vector<1x16xf32> to vector<16xf32>
        %mul3A_558 = arith.mulf %get3A_557, %get3A_24 : vector<16xf32>
        %mul3A_559 = arith.mulf %get3A_481, %get3A_12 : vector<16xf32>
        %add3A_560 = arith.addf %mul3A_558, %mul3A_559 : vector<16xf32>
        %max3A_561 = arith.constant 0.000000e+00 : f32
        %max3A_562 = vector.broadcast %max3A_561 : f32 to vector<16xf32>
        %max3A_563 = arith.maximumf %add3A_560, %max3A_562 : vector<16xf32>
        %add3A_564 = arith.constant 3 : i32
        %add3A_565 = arith.addi %mul3A_287, %add3A_564 : i32
        %swap3A_566 = arith.index_cast %add3A_565 : i32 to index
        %swap3A_567 = arith.constant 32 : index
        %swap3A_568 = tpu.vector_load %arg12[%swap3A_566, %swap3A_567] {strides = array<i32>} : memref<200x64xf32, #tpu.memory_space<vmem>>, vector<1x16xf32>,
        %swap3A_569 = vector.shape_cast %swap3A_568 : vector<1x16xf32> to vector<16xf32>
        %swap3A_570 = vector.shape_cast %max3A_563 : vector<16xf32> to vector<1x16xf32>
        tpu.vector_store %arg12[%swap3A_566, %swap3A_567], %swap3A_570 {strides = array<i32>} : memref<200x64xf32, #tpu.memory_space<vmem>>, vector<1x16xf32>,
        %add3A_571 = arith.constant 3 : i32
        %add3A_572 = arith.addi %mul3A_287, %add3A_571 : i32
        %get3A_573 = arith.index_cast %add3A_572 : i32 to index
        %get3A_574 = arith.constant 48 : index
        %get3A_575 = tpu.vector_load %arg10[%get3A_573, %get3A_574] {strides = array<i32>} : memref<200x64xf32, #tpu.memory_space<vmem>>, vector<1x16xf32>,
        %get3A_576 = vector.shape_cast %get3A_575 : vector<1x16xf32> to vector<16xf32>
        %mul3A_577 = arith.mulf %get3A_576, %get3A_27 : vector<16xf32>
        %mul3A_578 = arith.mulf %get3A_500, %get3A_15 : vector<16xf32>
        %add3A_579 = arith.addf %mul3A_577, %mul3A_578 : vector<16xf32>
        %max3A_580 = arith.constant 0.000000e+00 : f32
        %max3A_581 = vector.broadcast %max3A_580 : f32 to vector<16xf32>
        %max3A_582 = arith.maximumf %add3A_579, %max3A_581 : vector<16xf32>
        %add3A_583 = arith.constant 3 : i32
        %add3A_584 = arith.addi %mul3A_287, %add3A_583 : i32
        %swap3A_585 = arith.index_cast %add3A_584 : i32 to index
        %swap3A_586 = arith.constant 48 : index
        %swap3A_587 = tpu.vector_load %arg12[%swap3A_585, %swap3A_586] {strides = array<i32>} : memref<200x64xf32, #tpu.memory_space<vmem>>, vector<1x16xf32>,
        %swap3A_588 = vector.shape_cast %swap3A_587 : vector<1x16xf32> to vector<16xf32>
        %swap3A_589 = vector.shape_cast %max3A_582 : vector<16xf32> to vector<1x16xf32>
        tpu.vector_store %arg12[%swap3A_585, %swap3A_586], %swap3A_589 {strides = array<i32>} : memref<200x64xf32, #tpu.memory_space<vmem>>, vector<1x16xf32>,
        %add3A_590 = arith.constant 4 : i32
        %add3A_591 = arith.addi %mul3A_287, %add3A_590 : i32
        %get3A_592 = arith.index_cast %add3A_591 : i32 to index
        %get3A_593 = arith.constant 0 : index
        %get3A_594 = tpu.vector_load %arg10[%get3A_592, %get3A_593] {strides = array<i32>} : memref<200x64xf32, #tpu.memory_space<vmem>>, vector<1x16xf32>,
        %get3A_595 = vector.shape_cast %get3A_594 : vector<1x16xf32> to vector<16xf32>
        %mul3A_596 = arith.mulf %get3A_595, %get3A_18 : vector<16xf32>
        %mul3A_597 = arith.mulf %get3A_519, %get3A_6 : vector<16xf32>
        %add3A_598 = arith.addf %mul3A_596, %mul3A_597 : vector<16xf32>
        %max3A_599 = arith.constant 0.000000e+00 : f32
        %max3A_600 = vector.broadcast %max3A_599 : f32 to vector<16xf32>
        %max3A_601 = arith.maximumf %add3A_598, %max3A_600 : vector<16xf32>
        %add3A_602 = arith.constant 4 : i32
        %add3A_603 = arith.addi %mul3A_287, %add3A_602 : i32
        %swap3A_604 = arith.index_cast %add3A_603 : i32 to index
        %swap3A_605 = arith.constant 0 : index
        %swap3A_606 = tpu.vector_load %arg12[%swap3A_604, %swap3A_605] {strides = array<i32>} : memref<200x64xf32, #tpu.memory_space<vmem>>, vector<1x16xf32>,
        %swap3A_607 = vector.shape_cast %swap3A_606 : vector<1x16xf32> to vector<16xf32>
        %swap3A_608 = vector.shape_cast %max3A_601 : vector<16xf32> to vector<1x16xf32>
        tpu.vector_store %arg12[%swap3A_604, %swap3A_605], %swap3A_608 {strides = array<i32>} : memref<200x64xf32, #tpu.memory_space<vmem>>, vector<1x16xf32>,
        %add3A_609 = arith.constant 4 : i32
        %add3A_610 = arith.addi %mul3A_287, %add3A_609 : i32
        %get3A_611 = arith.index_cast %add3A_610 : i32 to index
        %get3A_612 = arith.constant 16 : index
        %get3A_613 = tpu.vector_load %arg10[%get3A_611, %get3A_612] {strides = array<i32>} : memref<200x64xf32, #tpu.memory_space<vmem>>, vector<1x16xf32>,
        %get3A_614 = vector.shape_cast %get3A_613 : vector<1x16xf32> to vector<16xf32>
        %mul3A_615 = arith.mulf %get3A_614, %get3A_21 : vector<16xf32>
        %mul3A_616 = arith.mulf %get3A_538, %get3A_9 : vector<16xf32>
        %add3A_617 = arith.addf %mul3A_615, %mul3A_616 : vector<16xf32>
        %max3A_618 = arith.constant 0.000000e+00 : f32
        %max3A_619 = vector.broadcast %max3A_618 : f32 to vector<16xf32>
        %max3A_620 = arith.maximumf %add3A_617, %max3A_619 : vector<16xf32>
        %add3A_621 = arith.constant 4 : i32
        %add3A_622 = arith.addi %mul3A_287, %add3A_621 : i32
        %swap3A_623 = arith.index_cast %add3A_622 : i32 to index
        %swap3A_624 = arith.constant 16 : index
        %swap3A_625 = tpu.vector_load %arg12[%swap3A_623, %swap3A_624] {strides = array<i32>} : memref<200x64xf32, #tpu.memory_space<vmem>>, vector<1x16xf32>,
        %swap3A_626 = vector.shape_cast %swap3A_625 : vector<1x16xf32> to vector<16xf32>
        %swap3A_627 = vector.shape_cast %max3A_620 : vector<16xf32> to vector<1x16xf32>
        tpu.vector_store %arg12[%swap3A_623, %swap3A_624], %swap3A_627 {strides = array<i32>} : memref<200x64xf32, #tpu.memory_space<vmem>>, vector<1x16xf32>,
        %add3A_628 = arith.constant 4 : i32
        %add3A_629 = arith.addi %mul3A_287, %add3A_628 : i32
        %get3A_630 = arith.index_cast %add3A_629 : i32 to index
        %get3A_631 = arith.constant 32 : index
        %get3A_632 = tpu.vector_load %arg10[%get3A_630, %get3A_631] {strides = array<i32>} : memref<200x64xf32, #tpu.memory_space<vmem>>, vector<1x16xf32>,
        %get3A_633 = vector.shape_cast %get3A_632 : vector<1x16xf32> to vector<16xf32>
        %mul3A_634 = arith.mulf %get3A_633, %get3A_24 : vector<16xf32>
        %mul3A_635 = arith.mulf %get3A_557, %get3A_12 : vector<16xf32>
        %add3A_636 = arith.addf %mul3A_634, %mul3A_635 : vector<16xf32>
        %max3A_637 = arith.constant 0.000000e+00 : f32
        %max3A_638 = vector.broadcast %max3A_637 : f32 to vector<16xf32>
        %max3A_639 = arith.maximumf %add3A_636, %max3A_638 : vector<16xf32>
        %add3A_640 = arith.constant 4 : i32
        %add3A_641 = arith.addi %mul3A_287, %add3A_640 : i32
        %swap3A_642 = arith.index_cast %add3A_641 : i32 to index
        %swap3A_643 = arith.constant 32 : index
        %swap3A_644 = tpu.vector_load %arg12[%swap3A_642, %swap3A_643] {strides = array<i32>} : memref<200x64xf32, #tpu.memory_space<vmem>>, vector<1x16xf32>,
        %swap3A_645 = vector.shape_cast %swap3A_644 : vector<1x16xf32> to vector<16xf32>
        %swap3A_646 = vector.shape_cast %max3A_639 : vector<16xf32> to vector<1x16xf32>
        tpu.vector_store %arg12[%swap3A_642, %swap3A_643], %swap3A_646 {strides = array<i32>} : memref<200x64xf32, #tpu.memory_space<vmem>>, vector<1x16xf32>,
        %add3A_647 = arith.constant 4 : i32
        %add3A_648 = arith.addi %mul3A_287, %add3A_647 : i32
        %get3A_649 = arith.index_cast %add3A_648 : i32 to index
        %get3A_650 = arith.constant 48 : index
        %get3A_651 = tpu.vector_load %arg10[%get3A_649, %get3A_650] {strides = array<i32>} : memref<200x64xf32, #tpu.memory_space<vmem>>, vector<1x16xf32>,
        %get3A_652 = vector.shape_cast %get3A_651 : vector<1x16xf32> to vector<16xf32>
        %mul3A_653 = arith.mulf %get3A_652, %get3A_27 : vector<16xf32>
        %mul3A_654 = arith.mulf %get3A_576, %get3A_15 : vector<16xf32>
        %add3A_655 = arith.addf %mul3A_653, %mul3A_654 : vector<16xf32>
        %max3A_656 = arith.constant 0.000000e+00 : f32
        %max3A_657 = vector.broadcast %max3A_656 : f32 to vector<16xf32>
        %max3A_658 = arith.maximumf %add3A_655, %max3A_657 : vector<16xf32>
        %add3A_659 = arith.constant 4 : i32
        %add3A_660 = arith.addi %mul3A_287, %add3A_659 : i32
        %swap3A_661 = arith.index_cast %add3A_660 : i32 to index
        %swap3A_662 = arith.constant 48 : index
        %swap3A_663 = tpu.vector_load %arg12[%swap3A_661, %swap3A_662] {strides = array<i32>} : memref<200x64xf32, #tpu.memory_space<vmem>>, vector<1x16xf32>,
        %swap3A_664 = vector.shape_cast %swap3A_663 : vector<1x16xf32> to vector<16xf32>
        %swap3A_665 = vector.shape_cast %max3A_658 : vector<16xf32> to vector<1x16xf32>
        tpu.vector_store %arg12[%swap3A_661, %swap3A_662], %swap3A_665 {strides = array<i32>} : memref<200x64xf32, #tpu.memory_space<vmem>>, vector<1x16xf32>,
        %add3A_666 = arith.constant 5 : i32
        %add3A_667 = arith.addi %mul3A_287, %add3A_666 : i32
        %get3A_668 = arith.index_cast %add3A_667 : i32 to index
        %get3A_669 = arith.constant 0 : index
        %get3A_670 = tpu.vector_load %arg10[%get3A_668, %get3A_669] {strides = array<i32>} : memref<200x64xf32, #tpu.memory_space<vmem>>, vector<1x16xf32>,
        %get3A_671 = vector.shape_cast %get3A_670 : vector<1x16xf32> to vector<16xf32>
        %mul3A_672 = arith.mulf %get3A_671, %get3A_18 : vector<16xf32>
        %mul3A_673 = arith.mulf %get3A_595, %get3A_6 : vector<16xf32>
        %add3A_674 = arith.addf %mul3A_672, %mul3A_673 : vector<16xf32>
        %max3A_675 = arith.constant 0.000000e+00 : f32
        %max3A_676 = vector.broadcast %max3A_675 : f32 to vector<16xf32>
        %max3A_677 = arith.maximumf %add3A_674, %max3A_676 : vector<16xf32>
        %add3A_678 = arith.constant 5 : i32
        %add3A_679 = arith.addi %mul3A_287, %add3A_678 : i32
        %swap3A_680 = arith.index_cast %add3A_679 : i32 to index
        %swap3A_681 = arith.constant 0 : index
        %swap3A_682 = tpu.vector_load %arg12[%swap3A_680, %swap3A_681] {strides = array<i32>} : memref<200x64xf32, #tpu.memory_space<vmem>>, vector<1x16xf32>,
        %swap3A_683 = vector.shape_cast %swap3A_682 : vector<1x16xf32> to vector<16xf32>
        %swap3A_684 = vector.shape_cast %max3A_677 : vector<16xf32> to vector<1x16xf32>
        tpu.vector_store %arg12[%swap3A_680, %swap3A_681], %swap3A_684 {strides = array<i32>} : memref<200x64xf32, #tpu.memory_space<vmem>>, vector<1x16xf32>,
        %add3A_685 = arith.constant 5 : i32
        %add3A_686 = arith.addi %mul3A_287, %add3A_685 : i32
        %get3A_687 = arith.index_cast %add3A_686 : i32 to index
        %get3A_688 = arith.constant 16 : index
        %get3A_689 = tpu.vector_load %arg10[%get3A_687, %get3A_688] {strides = array<i32>} : memref<200x64xf32, #tpu.memory_space<vmem>>, vector<1x16xf32>,
        %get3A_690 = vector.shape_cast %get3A_689 : vector<1x16xf32> to vector<16xf32>
        %mul3A_691 = arith.mulf %get3A_690, %get3A_21 : vector<16xf32>
        %mul3A_692 = arith.mulf %get3A_614, %get3A_9 : vector<16xf32>
        %add3A_693 = arith.addf %mul3A_691, %mul3A_692 : vector<16xf32>
        %max3A_694 = arith.constant 0.000000e+00 : f32
        %max3A_695 = vector.broadcast %max3A_694 : f32 to vector<16xf32>
        %max3A_696 = arith.maximumf %add3A_693, %max3A_695 : vector<16xf32>
        %add3A_697 = arith.constant 5 : i32
        %add3A_698 = arith.addi %mul3A_287, %add3A_697 : i32
        %swap3A_699 = arith.index_cast %add3A_698 : i32 to index
        %swap3A_700 = arith.constant 16 : index
        %swap3A_701 = tpu.vector_load %arg12[%swap3A_699, %swap3A_700] {strides = array<i32>} : memref<200x64xf32, #tpu.memory_space<vmem>>, vector<1x16xf32>,
        %swap3A_702 = vector.shape_cast %swap3A_701 : vector<1x16xf32> to vector<16xf32>
        %swap3A_703 = vector.shape_cast %max3A_696 : vector<16xf32> to vector<1x16xf32>
        tpu.vector_store %arg12[%swap3A_699, %swap3A_700], %swap3A_703 {strides = array<i32>} : memref<200x64xf32, #tpu.memory_space<vmem>>, vector<1x16xf32>,
        %add3A_704 = arith.constant 5 : i32
        %add3A_705 = arith.addi %mul3A_287, %add3A_704 : i32
        %get3A_706 = arith.index_cast %add3A_705 : i32 to index
        %get3A_707 = arith.constant 32 : index
        %get3A_708 = tpu.vector_load %arg10[%get3A_706, %get3A_707] {strides = array<i32>} : memref<200x64xf32, #tpu.memory_space<vmem>>, vector<1x16xf32>,
        %get3A_709 = vector.shape_cast %get3A_708 : vector<1x16xf32> to vector<16xf32>
        %mul3A_710 = arith.mulf %get3A_709, %get3A_24 : vector<16xf32>
        %mul3A_711 = arith.mulf %get3A_633, %get3A_12 : vector<16xf32>
        %add3A_712 = arith.addf %mul3A_710, %mul3A_711 : vector<16xf32>
        %max3A_713 = arith.constant 0.000000e+00 : f32
        %max3A_714 = vector.broadcast %max3A_713 : f32 to vector<16xf32>
        %max3A_715 = arith.maximumf %add3A_712, %max3A_714 : vector<16xf32>
        %add3A_716 = arith.constant 5 : i32
        %add3A_717 = arith.addi %mul3A_287, %add3A_716 : i32
        %swap3A_718 = arith.index_cast %add3A_717 : i32 to index
        %swap3A_719 = arith.constant 32 : index
        %swap3A_720 = tpu.vector_load %arg12[%swap3A_718, %swap3A_719] {strides = array<i32>} : memref<200x64xf32, #tpu.memory_space<vmem>>, vector<1x16xf32>,
        %swap3A_721 = vector.shape_cast %swap3A_720 : vector<1x16xf32> to vector<16xf32>
        %swap3A_722 = vector.shape_cast %max3A_715 : vector<16xf32> to vector<1x16xf32>
        tpu.vector_store %arg12[%swap3A_718, %swap3A_719], %swap3A_722 {strides = array<i32>} : memref<200x64xf32, #tpu.memory_space<vmem>>, vector<1x16xf32>,
        %add3A_723 = arith.constant 5 : i32
        %add3A_724 = arith.addi %mul3A_287, %add3A_723 : i32
        %get3A_725 = arith.index_cast %add3A_724 : i32 to index
        %get3A_726 = arith.constant 48 : index
        %get3A_727 = tpu.vector_load %arg10[%get3A_725, %get3A_726] {strides = array<i32>} : memref<200x64xf32, #tpu.memory_space<vmem>>, vector<1x16xf32>,
        %get3A_728 = vector.shape_cast %get3A_727 : vector<1x16xf32> to vector<16xf32>
        %mul3A_729 = arith.mulf %get3A_728, %get3A_27 : vector<16xf32>
        %mul3A_730 = arith.mulf %get3A_652, %get3A_15 : vector<16xf32>
        %add3A_731 = arith.addf %mul3A_729, %mul3A_730 : vector<16xf32>
        %max3A_732 = arith.constant 0.000000e+00 : f32
        %max3A_733 = vector.broadcast %max3A_732 : f32 to vector<16xf32>
        %max3A_734 = arith.maximumf %add3A_731, %max3A_733 : vector<16xf32>
        %add3A_735 = arith.constant 5 : i32
        %add3A_736 = arith.addi %mul3A_287, %add3A_735 : i32
        %swap3A_737 = arith.index_cast %add3A_736 : i32 to index
        %swap3A_738 = arith.constant 48 : index
        %swap3A_739 = tpu.vector_load %arg12[%swap3A_737, %swap3A_738] {strides = array<i32>} : memref<200x64xf32, #tpu.memory_space<vmem>>, vector<1x16xf32>,
        %swap3A_740 = vector.shape_cast %swap3A_739 : vector<1x16xf32> to vector<16xf32>
        %swap3A_741 = vector.shape_cast %max3A_734 : vector<16xf32> to vector<1x16xf32>
        tpu.vector_store %arg12[%swap3A_737, %swap3A_738], %swap3A_741 {strides = array<i32>} : memref<200x64xf32, #tpu.memory_space<vmem>>, vector<1x16xf32>,
        %add3A_742 = arith.constant 6 : i32
        %add3A_743 = arith.addi %mul3A_287, %add3A_742 : i32
        %get3A_744 = arith.index_cast %add3A_743 : i32 to index
        %get3A_745 = arith.constant 0 : index
        %get3A_746 = tpu.vector_load %arg10[%get3A_744, %get3A_745] {strides = array<i32>} : memref<200x64xf32, #tpu.memory_space<vmem>>, vector<1x16xf32>,
        %get3A_747 = vector.shape_cast %get3A_746 : vector<1x16xf32> to vector<16xf32>
        %mul3A_748 = arith.mulf %get3A_747, %get3A_18 : vector<16xf32>
        %mul3A_749 = arith.mulf %get3A_671, %get3A_6 : vector<16xf32>
        %add3A_750 = arith.addf %mul3A_748, %mul3A_749 : vector<16xf32>
        %max3A_751 = arith.constant 0.000000e+00 : f32
        %max3A_752 = vector.broadcast %max3A_751 : f32 to vector<16xf32>
        %max3A_753 = arith.maximumf %add3A_750, %max3A_752 : vector<16xf32>
        %add3A_754 = arith.constant 6 : i32
        %add3A_755 = arith.addi %mul3A_287, %add3A_754 : i32
        %swap3A_756 = arith.index_cast %add3A_755 : i32 to index
        %swap3A_757 = arith.constant 0 : index
        %swap3A_758 = tpu.vector_load %arg12[%swap3A_756, %swap3A_757] {strides = array<i32>} : memref<200x64xf32, #tpu.memory_space<vmem>>, vector<1x16xf32>,
        %swap3A_759 = vector.shape_cast %swap3A_758 : vector<1x16xf32> to vector<16xf32>
        %swap3A_760 = vector.shape_cast %max3A_753 : vector<16xf32> to vector<1x16xf32>
        tpu.vector_store %arg12[%swap3A_756, %swap3A_757], %swap3A_760 {strides = array<i32>} : memref<200x64xf32, #tpu.memory_space<vmem>>, vector<1x16xf32>,
        %add3A_761 = arith.constant 6 : i32
        %add3A_762 = arith.addi %mul3A_287, %add3A_761 : i32
        %get3A_763 = arith.index_cast %add3A_762 : i32 to index
        %get3A_764 = arith.constant 16 : index
        %get3A_765 = tpu.vector_load %arg10[%get3A_763, %get3A_764] {strides = array<i32>} : memref<200x64xf32, #tpu.memory_space<vmem>>, vector<1x16xf32>,
        %get3A_766 = vector.shape_cast %get3A_765 : vector<1x16xf32> to vector<16xf32>
        %mul3A_767 = arith.mulf %get3A_766, %get3A_21 : vector<16xf32>
        %mul3A_768 = arith.mulf %get3A_690, %get3A_9 : vector<16xf32>
        %add3A_769 = arith.addf %mul3A_767, %mul3A_768 : vector<16xf32>
        %max3A_770 = arith.constant 0.000000e+00 : f32
        %max3A_771 = vector.broadcast %max3A_770 : f32 to vector<16xf32>
        %max3A_772 = arith.maximumf %add3A_769, %max3A_771 : vector<16xf32>
        %add3A_773 = arith.constant 6 : i32
        %add3A_774 = arith.addi %mul3A_287, %add3A_773 : i32
        %swap3A_775 = arith.index_cast %add3A_774 : i32 to index
        %swap3A_776 = arith.constant 16 : index
        %swap3A_777 = tpu.vector_load %arg12[%swap3A_775, %swap3A_776] {strides = array<i32>} : memref<200x64xf32, #tpu.memory_space<vmem>>, vector<1x16xf32>,
        %swap3A_778 = vector.shape_cast %swap3A_777 : vector<1x16xf32> to vector<16xf32>
        %swap3A_779 = vector.shape_cast %max3A_772 : vector<16xf32> to vector<1x16xf32>
        tpu.vector_store %arg12[%swap3A_775, %swap3A_776], %swap3A_779 {strides = array<i32>} : memref<200x64xf32, #tpu.memory_space<vmem>>, vector<1x16xf32>,
        %add3A_780 = arith.constant 6 : i32
        %add3A_781 = arith.addi %mul3A_287, %add3A_780 : i32
        %get3A_782 = arith.index_cast %add3A_781 : i32 to index
        %get3A_783 = arith.constant 32 : index
        %get3A_784 = tpu.vector_load %arg10[%get3A_782, %get3A_783] {strides = array<i32>} : memref<200x64xf32, #tpu.memory_space<vmem>>, vector<1x16xf32>,
        %get3A_785 = vector.shape_cast %get3A_784 : vector<1x16xf32> to vector<16xf32>
        %mul3A_786 = arith.mulf %get3A_785, %get3A_24 : vector<16xf32>
        %mul3A_787 = arith.mulf %get3A_709, %get3A_12 : vector<16xf32>
        %add3A_788 = arith.addf %mul3A_786, %mul3A_787 : vector<16xf32>
        %max3A_789 = arith.constant 0.000000e+00 : f32
        %max3A_790 = vector.broadcast %max3A_789 : f32 to vector<16xf32>
        %max3A_791 = arith.maximumf %add3A_788, %max3A_790 : vector<16xf32>
        %add3A_792 = arith.constant 6 : i32
        %add3A_793 = arith.addi %mul3A_287, %add3A_792 : i32
        %swap3A_794 = arith.index_cast %add3A_793 : i32 to index
        %swap3A_795 = arith.constant 32 : index
        %swap3A_796 = tpu.vector_load %arg12[%swap3A_794, %swap3A_795] {strides = array<i32>} : memref<200x64xf32, #tpu.memory_space<vmem>>, vector<1x16xf32>,
        %swap3A_797 = vector.shape_cast %swap3A_796 : vector<1x16xf32> to vector<16xf32>
        %swap3A_798 = vector.shape_cast %max3A_791 : vector<16xf32> to vector<1x16xf32>
        tpu.vector_store %arg12[%swap3A_794, %swap3A_795], %swap3A_798 {strides = array<i32>} : memref<200x64xf32, #tpu.memory_space<vmem>>, vector<1x16xf32>,
        %add3A_799 = arith.constant 6 : i32
        %add3A_800 = arith.addi %mul3A_287, %add3A_799 : i32
        %get3A_801 = arith.index_cast %add3A_800 : i32 to index
        %get3A_802 = arith.constant 48 : index
        %get3A_803 = tpu.vector_load %arg10[%get3A_801, %get3A_802] {strides = array<i32>} : memref<200x64xf32, #tpu.memory_space<vmem>>, vector<1x16xf32>,
        %get3A_804 = vector.shape_cast %get3A_803 : vector<1x16xf32> to vector<16xf32>
        %mul3A_805 = arith.mulf %get3A_804, %get3A_27 : vector<16xf32>
        %mul3A_806 = arith.mulf %get3A_728, %get3A_15 : vector<16xf32>
        %add3A_807 = arith.addf %mul3A_805, %mul3A_806 : vector<16xf32>
        %max3A_808 = arith.constant 0.000000e+00 : f32
        %max3A_809 = vector.broadcast %max3A_808 : f32 to vector<16xf32>
        %max3A_810 = arith.maximumf %add3A_807, %max3A_809 : vector<16xf32>
        %add3A_811 = arith.constant 6 : i32
        %add3A_812 = arith.addi %mul3A_287, %add3A_811 : i32
        %swap3A_813 = arith.index_cast %add3A_812 : i32 to index
        %swap3A_814 = arith.constant 48 : index
        %swap3A_815 = tpu.vector_load %arg12[%swap3A_813, %swap3A_814] {strides = array<i32>} : memref<200x64xf32, #tpu.memory_space<vmem>>, vector<1x16xf32>,
        %swap3A_816 = vector.shape_cast %swap3A_815 : vector<1x16xf32> to vector<16xf32>
        %swap3A_817 = vector.shape_cast %max3A_810 : vector<16xf32> to vector<1x16xf32>
        tpu.vector_store %arg12[%swap3A_813, %swap3A_814], %swap3A_817 {strides = array<i32>} : memref<200x64xf32, #tpu.memory_space<vmem>>, vector<1x16xf32>,
        %add3A_818 = arith.constant 7 : i32
        %add3A_819 = arith.addi %mul3A_287, %add3A_818 : i32
        %get3A_820 = arith.index_cast %add3A_819 : i32 to index
        %get3A_821 = arith.constant 0 : index
        %get3A_822 = tpu.vector_load %arg10[%get3A_820, %get3A_821] {strides = array<i32>} : memref<200x64xf32, #tpu.memory_space<vmem>>, vector<1x16xf32>,
        %get3A_823 = vector.shape_cast %get3A_822 : vector<1x16xf32> to vector<16xf32>
        %mul3A_824 = arith.mulf %get3A_823, %get3A_18 : vector<16xf32>
        %mul3A_825 = arith.mulf %get3A_747, %get3A_6 : vector<16xf32>
        %add3A_826 = arith.addf %mul3A_824, %mul3A_825 : vector<16xf32>
        %max3A_827 = arith.constant 0.000000e+00 : f32
        %max3A_828 = vector.broadcast %max3A_827 : f32 to vector<16xf32>
        %max3A_829 = arith.maximumf %add3A_826, %max3A_828 : vector<16xf32>
        %add3A_830 = arith.constant 7 : i32
        %add3A_831 = arith.addi %mul3A_287, %add3A_830 : i32
        %swap3A_832 = arith.index_cast %add3A_831 : i32 to index
        %swap3A_833 = arith.constant 0 : index
        %swap3A_834 = tpu.vector_load %arg12[%swap3A_832, %swap3A_833] {strides = array<i32>} : memref<200x64xf32, #tpu.memory_space<vmem>>, vector<1x16xf32>,
        %swap3A_835 = vector.shape_cast %swap3A_834 : vector<1x16xf32> to vector<16xf32>
        %swap3A_836 = vector.shape_cast %max3A_829 : vector<16xf32> to vector<1x16xf32>
        tpu.vector_store %arg12[%swap3A_832, %swap3A_833], %swap3A_836 {strides = array<i32>} : memref<200x64xf32, #tpu.memory_space<vmem>>, vector<1x16xf32>,
        %add3A_837 = arith.constant 7 : i32
        %add3A_838 = arith.addi %mul3A_287, %add3A_837 : i32
        %get3A_839 = arith.index_cast %add3A_838 : i32 to index
        %get3A_840 = arith.constant 16 : index
        %get3A_841 = tpu.vector_load %arg10[%get3A_839, %get3A_840] {strides = array<i32>} : memref<200x64xf32, #tpu.memory_space<vmem>>, vector<1x16xf32>,
        %get3A_842 = vector.shape_cast %get3A_841 : vector<1x16xf32> to vector<16xf32>
        %mul3A_843 = arith.mulf %get3A_842, %get3A_21 : vector<16xf32>
        %mul3A_844 = arith.mulf %get3A_766, %get3A_9 : vector<16xf32>
        %add3A_845 = arith.addf %mul3A_843, %mul3A_844 : vector<16xf32>
        %max3A_846 = arith.constant 0.000000e+00 : f32
        %max3A_847 = vector.broadcast %max3A_846 : f32 to vector<16xf32>
        %max3A_848 = arith.maximumf %add3A_845, %max3A_847 : vector<16xf32>
        %add3A_849 = arith.constant 7 : i32
        %add3A_850 = arith.addi %mul3A_287, %add3A_849 : i32
        %swap3A_851 = arith.index_cast %add3A_850 : i32 to index
        %swap3A_852 = arith.constant 16 : index
        %swap3A_853 = tpu.vector_load %arg12[%swap3A_851, %swap3A_852] {strides = array<i32>} : memref<200x64xf32, #tpu.memory_space<vmem>>, vector<1x16xf32>,
        %swap3A_854 = vector.shape_cast %swap3A_853 : vector<1x16xf32> to vector<16xf32>
        %swap3A_855 = vector.shape_cast %max3A_848 : vector<16xf32> to vector<1x16xf32>
        tpu.vector_store %arg12[%swap3A_851, %swap3A_852], %swap3A_855 {strides = array<i32>} : memref<200x64xf32, #tpu.memory_space<vmem>>, vector<1x16xf32>,
        %add3A_856 = arith.constant 7 : i32
        %add3A_857 = arith.addi %mul3A_287, %add3A_856 : i32
        %get3A_858 = arith.index_cast %add3A_857 : i32 to index
        %get3A_859 = arith.constant 32 : index
        %get3A_860 = tpu.vector_load %arg10[%get3A_858, %get3A_859] {strides = array<i32>} : memref<200x64xf32, #tpu.memory_space<vmem>>, vector<1x16xf32>,
        %get3A_861 = vector.shape_cast %get3A_860 : vector<1x16xf32> to vector<16xf32>
        %mul3A_862 = arith.mulf %get3A_861, %get3A_24 : vector<16xf32>
        %mul3A_863 = arith.mulf %get3A_785, %get3A_12 : vector<16xf32>
        %add3A_864 = arith.addf %mul3A_862, %mul3A_863 : vector<16xf32>
        %max3A_865 = arith.constant 0.000000e+00 : f32
        %max3A_866 = vector.broadcast %max3A_865 : f32 to vector<16xf32>
        %max3A_867 = arith.maximumf %add3A_864, %max3A_866 : vector<16xf32>
        %add3A_868 = arith.constant 7 : i32
        %add3A_869 = arith.addi %mul3A_287, %add3A_868 : i32
        %swap3A_870 = arith.index_cast %add3A_869 : i32 to index
        %swap3A_871 = arith.constant 32 : index
        %swap3A_872 = tpu.vector_load %arg12[%swap3A_870, %swap3A_871] {strides = array<i32>} : memref<200x64xf32, #tpu.memory_space<vmem>>, vector<1x16xf32>,
        %swap3A_873 = vector.shape_cast %swap3A_872 : vector<1x16xf32> to vector<16xf32>
        %swap3A_874 = vector.shape_cast %max3A_867 : vector<16xf32> to vector<1x16xf32>
        tpu.vector_store %arg12[%swap3A_870, %swap3A_871], %swap3A_874 {strides = array<i32>} : memref<200x64xf32, #tpu.memory_space<vmem>>, vector<1x16xf32>,
        %add3A_875 = arith.constant 7 : i32
        %add3A_876 = arith.addi %mul3A_287, %add3A_875 : i32
        %get3A_877 = arith.index_cast %add3A_876 : i32 to index
        %get3A_878 = arith.constant 48 : index
        %get3A_879 = tpu.vector_load %arg10[%get3A_877, %get3A_878] {strides = array<i32>} : memref<200x64xf32, #tpu.memory_space<vmem>>, vector<1x16xf32>,
        %get3A_880 = vector.shape_cast %get3A_879 : vector<1x16xf32> to vector<16xf32>
        %mul3A_881 = arith.mulf %get3A_880, %get3A_27 : vector<16xf32>
        %mul3A_882 = arith.mulf %get3A_804, %get3A_15 : vector<16xf32>
        %add3A_883 = arith.addf %mul3A_881, %mul3A_882 : vector<16xf32>
        %max3A_884 = arith.constant 0.000000e+00 : f32
        %max3A_885 = vector.broadcast %max3A_884 : f32 to vector<16xf32>
        %max3A_886 = arith.maximumf %add3A_883, %max3A_885 : vector<16xf32>
        %add3A_887 = arith.constant 7 : i32
        %add3A_888 = arith.addi %mul3A_287, %add3A_887 : i32
        %swap3A_889 = arith.index_cast %add3A_888 : i32 to index
        %swap3A_890 = arith.constant 48 : index
        %swap3A_891 = tpu.vector_load %arg12[%swap3A_889, %swap3A_890] {strides = array<i32>} : memref<200x64xf32, #tpu.memory_space<vmem>>, vector<1x16xf32>,
        %swap3A_892 = vector.shape_cast %swap3A_891 : vector<1x16xf32> to vector<16xf32>
        %swap3A_893 = vector.shape_cast %max3A_886 : vector<16xf32> to vector<1x16xf32>
        tpu.vector_store %arg12[%swap3A_889, %swap3A_890], %swap3A_893 {strides = array<i32>} : memref<200x64xf32, #tpu.memory_space<vmem>>, vector<1x16xf32>,
        scf.yield %get3A_823, %get3A_842, %get3A_861, %get3A_880 : vector<16xf32>, vector<16xf32>, vector<16xf32>, vector<16xf32>
      }
      %scan3A_221 = arith.constant 25 : i32
      %mul3A_222 = arith.constant 200 : i32
      %mul3A_223 = arith.muli %add3A_194, %mul3A_222 : i32
      %add3A_224 = arith.addi %mul3A_4, %mul3A_223 : i32
      %dma_start3A_225 = arith.constant 0 : i32
      %dma_start3A_226 = tpu.memref_slice %arg6[%add3A_224, %dma_start3A_225] : memref<819200x64xf32, #tpu.memory_space<hbm>> -> memref<200x64xf32, #tpu.memory_space<hbm>>
      %dma_start3A_227 = arith.constant 0 : i32
      %dma_start3A_228 = tpu.memref_slice %arg6[%add3A_224, %dma_start3A_227] : memref<819200x64xf32, #tpu.memory_space<hbm>> -> memref<200x64xf32, #tpu.memory_space<hbm>>
      tpu.enqueue_dma source(%arg12 : memref<200x64xf32, #tpu.memory_space<vmem>>) target(%dma_start3A_228 : memref<200x64xf32, #tpu.memory_space<hbm>>) target_semaphore(%arg20 : memref<!tpu.dma_semaphore, #tpu.memory_space<semaphore_mem>>)
      %add3A_229 = arith.constant 4 : i32
      %add3A_230 = arith.addi %add3A_194, %add3A_229 : i32
      %lt3A_231 = arith.constant 128 : i32
      %lt3A_232 = arith.cmpi slt, %add3A_230, %lt3A_231 : i32
      %convert_element_type3A_233 = arith.extui %lt3A_232 : i1 to i32
      %cond3A_234 = arith.constant 0 : i32
      %cond3A_235 = arith.cmpi ne, %convert_element_type3A_233, %cond3A_234 : i32
      scf.if %cond3A_235 {
        %add3A_281 = arith.constant 4 : i32
        %add3A_282 = arith.addi %add3A_194, %add3A_281 : i32
        %mul3A_283 = arith.constant 200 : i32
        %mul3A_284 = arith.muli %add3A_282, %mul3A_283 : i32
        %dma_start3A_285 = arith.constant 0 : i32
        %dma_start3A_286 = arith.constant 0 : i32
        %dma_start3A_287 = tpu.memref_slice %arg10[%dma_start3A_285, %dma_start3A_286] : memref<200x64xf32, #tpu.memory_space<vmem>> -> memref<128x64xf32, #tpu.memory_space<vmem>>
        %dma_start3A_288 = tpu.memref_slice %arg7[%mul3A_284] : memref<25600xi32, #tpu.memory_space<vmem>> -> memref<128xi32, #tpu.memory_space<vmem>>
        %dma_start3A_289 = arith.constant 0 : i32
        %dma_start3A_290 = arith.constant 0 : i32
        %dma_start3A_291 = tpu.memref_slice %arg3[%dma_start3A_289, %dma_start3A_290] : memref<1000000x64xf32, #tpu.memory_space<hbm>> -> memref<1000000x64xf32, #tpu.memory_space<hbm>>
        tpu.enqueue_indirect_dma source(%dma_start3A_291 : memref<1000000x64xf32, #tpu.memory_space<hbm>>) target(%dma_start3A_287 : memref<128x64xf32, #tpu.memory_space<vmem>>) offsets(%dma_start3A_288 : memref<128xi32, #tpu.memory_space<vmem>>) semaphore(%arg18 : memref<!tpu.dma_semaphore, #tpu.memory_space<semaphore_mem>>)
        %add3A_292 = arith.constant 128 : i32
        %add3A_293 = arith.addi %mul3A_284, %add3A_292 : i32
        %dma_start3A_294 = arith.constant 128 : i32
        %dma_start3A_295 = arith.constant 0 : i32
        %dma_start3A_296 = tpu.memref_slice %arg10[%dma_start3A_294, %dma_start3A_295] : memref<200x64xf32, #tpu.memory_space<vmem>> -> memref<72x64xf32, #tpu.memory_space<vmem>>
        %dma_start3A_297 = tpu.memref_slice %arg7[%add3A_293] : memref<25600xi32, #tpu.memory_space<vmem>> -> memref<72xi32, #tpu.memory_space<vmem>>
        %dma_start3A_298 = arith.constant 0 : i32
        %dma_start3A_299 = arith.constant 0 : i32
        %dma_start3A_300 = tpu.memref_slice %arg3[%dma_start3A_298, %dma_start3A_299] : memref<1000000x64xf32, #tpu.memory_space<hbm>> -> memref<1000000x64xf32, #tpu.memory_space<hbm>>
        tpu.enqueue_indirect_dma source(%dma_start3A_300 : memref<1000000x64xf32, #tpu.memory_space<hbm>>) target(%dma_start3A_296 : memref<72x64xf32, #tpu.memory_space<vmem>>) offsets(%dma_start3A_297 : memref<72xi32, #tpu.memory_space<vmem>>) semaphore(%arg18 : memref<!tpu.dma_semaphore, #tpu.memory_space<semaphore_mem>>)
      } else {
      }
      %mul3A_236 = arith.constant 4 : i32
      %mul3A_237 = arith.muli %mul3A_236, %scan3A_104 : i32
      %add3A_238 = arith.constant 3 : i32
      %add3A_239 = arith.addi %mul3A_237, %add3A_238 : i32
      %dma_wait3A_240 = arith.constant 0 : i32
      %dma_wait3A_241 = arith.constant 0 : i32
      %dma_wait3A_242 = tpu.memref_slice %arg11[%dma_wait3A_240, %dma_wait3A_241] : memref<200x64xf32, #tpu.memory_space<vmem>> -> memref<128x64xf32, #tpu.memory_space<vmem>>
      %dma_wait3A_243 = arith.constant 0 : i32
      %dma_wait3A_244 = tpu.memref_slice %arg7[%dma_wait3A_243] : memref<25600xi32, #tpu.memory_space<vmem>> -> memref<128xi32, #tpu.memory_space<vmem>>
      %dma_wait3A_245 = arith.constant 0 : i32
      %dma_wait3A_246 = arith.constant 0 : i32
      %dma_wait3A_247 = tpu.memref_slice %arg3[%dma_wait3A_245, %dma_wait3A_246] : memref<1000000x64xf32, #tpu.memory_space<hbm>> -> memref<1000000x64xf32, #tpu.memory_space<hbm>>
      tpu.wait_indirect_dma semaphore(%arg19 : memref<!tpu.dma_semaphore, #tpu.memory_space<semaphore_mem>>) src(%dma_wait3A_247 : memref<1000000x64xf32, #tpu.memory_space<hbm>>) dst(%dma_wait3A_242 : memref<128x64xf32, #tpu.memory_space<vmem>>)
      %dma_wait3A_248 = arith.constant 128 : i32
      %dma_wait3A_249 = arith.constant 0 : i32
      %dma_wait3A_250 = tpu.memref_slice %arg11[%dma_wait3A_248, %dma_wait3A_249] : memref<200x64xf32, #tpu.memory_space<vmem>> -> memref<72x64xf32, #tpu.memory_space<vmem>>
      %dma_wait3A_251 = arith.constant 128 : i32
      %dma_wait3A_252 = tpu.memref_slice %arg7[%dma_wait3A_251] : memref<25600xi32, #tpu.memory_space<vmem>> -> memref<72xi32, #tpu.memory_space<vmem>>
      %dma_wait3A_253 = arith.constant 0 : i32
      %dma_wait3A_254 = arith.constant 0 : i32
      %dma_wait3A_255 = tpu.memref_slice %arg3[%dma_wait3A_253, %dma_wait3A_254] : memref<1000000x64xf32, #tpu.memory_space<hbm>> -> memref<1000000x64xf32, #tpu.memory_space<hbm>>
      tpu.wait_indirect_dma semaphore(%arg19 : memref<!tpu.dma_semaphore, #tpu.memory_space<semaphore_mem>>) src(%dma_wait3A_255 : memref<1000000x64xf32, #tpu.memory_space<hbm>>) dst(%dma_wait3A_250 : memref<72x64xf32, #tpu.memory_space<vmem>>)
      %ge3A_256 = arith.constant 2 : i32
      %ge3A_257 = arith.cmpi sge, %add3A_239, %ge3A_256 : i32
      %convert_element_type3A_258 = arith.extui %ge3A_257 : i1 to i32
      %cond3A_259 = arith.constant 0 : i32
      %cond3A_260 = arith.cmpi ne, %convert_element_type3A_258, %cond3A_259 : i32
      scf.if %cond3A_260 {
        %dma_wait3A_281 = arith.constant 0 : i32
        %dma_wait3A_282 = tpu.memref_slice %arg6[%mul3A_4, %dma_wait3A_281] : memref<819200x64xf32, #tpu.memory_space<hbm>> -> memref<200x64xf32, #tpu.memory_space<hbm>>
        %dma_wait3A_283 = arith.constant 0 : i32
        %dma_wait3A_284 = tpu.memref_slice %arg6[%mul3A_4, %dma_wait3A_283] : memref<819200x64xf32, #tpu.memory_space<hbm>> -> memref<200x64xf32, #tpu.memory_space<hbm>>
        tpu.wait_dma2 semaphore(%arg21 : memref<!tpu.dma_semaphore, #tpu.memory_space<semaphore_mem>>) src(%arg13 : memref<200x64xf32, #tpu.memory_space<vmem>>) dst(%dma_wait3A_284 : memref<200x64xf32, #tpu.memory_space<hbm>>)
      } else {
      }
      %scan3A_261 = arith.constant 0 : i32
      %scan3A_262 = arith.constant 25 : i32
      %scan3A_263 = arith.addi %scan3A_261, %scan3A_262 : i32
      %scan3A_264 = arith.constant 1 : i32
      %scan3A_265:4 = scf.for %scan3A_281 = %scan3A_261 to %scan3A_263 step %scan3A_264 iter_args(%scan3A_282 = %broadcast_in_dim3A_28, %scan3A_283 = %broadcast_in_dim3A_28, %scan3A_284 = %broadcast_in_dim3A_28, %scan3A_285 = %broadcast_in_dim3A_28) -> (vector<16xf32>, vector<16xf32>, vector<16xf32>, vector<16xf32>)  : i32 {
        %mul3A_286 = arith.constant 8 : i32
        %mul3A_287 = arith.muli %scan3A_281, %mul3A_286 : i32
        %add3A_288 = arith.constant 0 : i32
        %add3A_289 = arith.addi %mul3A_287, %add3A_288 : i32
        %get3A_290 = arith.index_cast %add3A_289 : i32 to index
        %get3A_291 = arith.constant 0 : index
        %get3A_292 = tpu.vector_load %arg11[%get3A_290, %get3A_291] {strides = array<i32>} : memref<200x64xf32, #tpu.memory_space<vmem>>, vector<1x16xf32>,
        %get3A_293 = vector.shape_cast %get3A_292 : vector<1x16xf32> to vector<16xf32>
        %mul3A_294 = arith.mulf %get3A_293, %get3A_18 : vector<16xf32>
        %mul3A_295 = arith.mulf %scan3A_282, %get3A_6 : vector<16xf32>
        %add3A_296 = arith.addf %mul3A_294, %mul3A_295 : vector<16xf32>
        %max3A = arith.constant 0.000000e+00 : f32
        %max3A_297 = vector.broadcast %max3A : f32 to vector<16xf32>
        %max3A_298 = arith.maximumf %add3A_296, %max3A_297 : vector<16xf32>
        %add3A_299 = arith.constant 0 : i32
        %add3A_300 = arith.addi %mul3A_287, %add3A_299 : i32
        %swap3A = arith.index_cast %add3A_300 : i32 to index
        %swap3A_301 = arith.constant 0 : index
        %swap3A_302 = tpu.vector_load %arg13[%swap3A, %swap3A_301] {strides = array<i32>} : memref<200x64xf32, #tpu.memory_space<vmem>>, vector<1x16xf32>,
        %swap3A_303 = vector.shape_cast %swap3A_302 : vector<1x16xf32> to vector<16xf32>
        %swap3A_304 = vector.shape_cast %max3A_298 : vector<16xf32> to vector<1x16xf32>
        tpu.vector_store %arg13[%swap3A, %swap3A_301], %swap3A_304 {strides = array<i32>} : memref<200x64xf32, #tpu.memory_space<vmem>>, vector<1x16xf32>,
        %add3A_305 = arith.constant 0 : i32
        %add3A_306 = arith.addi %mul3A_287, %add3A_305 : i32
        %get3A_307 = arith.index_cast %add3A_306 : i32 to index
        %get3A_308 = arith.constant 16 : index
        %get3A_309 = tpu.vector_load %arg11[%get3A_307, %get3A_308] {strides = array<i32>} : memref<200x64xf32, #tpu.memory_space<vmem>>, vector<1x16xf32>,
        %get3A_310 = vector.shape_cast %get3A_309 : vector<1x16xf32> to vector<16xf32>
        %mul3A_311 = arith.mulf %get3A_310, %get3A_21 : vector<16xf32>
        %mul3A_312 = arith.mulf %scan3A_283, %get3A_9 : vector<16xf32>
        %add3A_313 = arith.addf %mul3A_311, %mul3A_312 : vector<16xf32>
        %max3A_314 = arith.constant 0.000000e+00 : f32
        %max3A_315 = vector.broadcast %max3A_314 : f32 to vector<16xf32>
        %max3A_316 = arith.maximumf %add3A_313, %max3A_315 : vector<16xf32>
        %add3A_317 = arith.constant 0 : i32
        %add3A_318 = arith.addi %mul3A_287, %add3A_317 : i32
        %swap3A_319 = arith.index_cast %add3A_318 : i32 to index
        %swap3A_320 = arith.constant 16 : index
        %swap3A_321 = tpu.vector_load %arg13[%swap3A_319, %swap3A_320] {strides = array<i32>} : memref<200x64xf32, #tpu.memory_space<vmem>>, vector<1x16xf32>,
        %swap3A_322 = vector.shape_cast %swap3A_321 : vector<1x16xf32> to vector<16xf32>
        %swap3A_323 = vector.shape_cast %max3A_316 : vector<16xf32> to vector<1x16xf32>
        tpu.vector_store %arg13[%swap3A_319, %swap3A_320], %swap3A_323 {strides = array<i32>} : memref<200x64xf32, #tpu.memory_space<vmem>>, vector<1x16xf32>,
        %add3A_324 = arith.constant 0 : i32
        %add3A_325 = arith.addi %mul3A_287, %add3A_324 : i32
        %get3A_326 = arith.index_cast %add3A_325 : i32 to index
        %get3A_327 = arith.constant 32 : index
        %get3A_328 = tpu.vector_load %arg11[%get3A_326, %get3A_327] {strides = array<i32>} : memref<200x64xf32, #tpu.memory_space<vmem>>, vector<1x16xf32>,
        %get3A_329 = vector.shape_cast %get3A_328 : vector<1x16xf32> to vector<16xf32>
        %mul3A_330 = arith.mulf %get3A_329, %get3A_24 : vector<16xf32>
        %mul3A_331 = arith.mulf %scan3A_284, %get3A_12 : vector<16xf32>
        %add3A_332 = arith.addf %mul3A_330, %mul3A_331 : vector<16xf32>
        %max3A_333 = arith.constant 0.000000e+00 : f32
        %max3A_334 = vector.broadcast %max3A_333 : f32 to vector<16xf32>
        %max3A_335 = arith.maximumf %add3A_332, %max3A_334 : vector<16xf32>
        %add3A_336 = arith.constant 0 : i32
        %add3A_337 = arith.addi %mul3A_287, %add3A_336 : i32
        %swap3A_338 = arith.index_cast %add3A_337 : i32 to index
        %swap3A_339 = arith.constant 32 : index
        %swap3A_340 = tpu.vector_load %arg13[%swap3A_338, %swap3A_339] {strides = array<i32>} : memref<200x64xf32, #tpu.memory_space<vmem>>, vector<1x16xf32>,
        %swap3A_341 = vector.shape_cast %swap3A_340 : vector<1x16xf32> to vector<16xf32>
        %swap3A_342 = vector.shape_cast %max3A_335 : vector<16xf32> to vector<1x16xf32>
        tpu.vector_store %arg13[%swap3A_338, %swap3A_339], %swap3A_342 {strides = array<i32>} : memref<200x64xf32, #tpu.memory_space<vmem>>, vector<1x16xf32>,
        %add3A_343 = arith.constant 0 : i32
        %add3A_344 = arith.addi %mul3A_287, %add3A_343 : i32
        %get3A_345 = arith.index_cast %add3A_344 : i32 to index
        %get3A_346 = arith.constant 48 : index
        %get3A_347 = tpu.vector_load %arg11[%get3A_345, %get3A_346] {strides = array<i32>} : memref<200x64xf32, #tpu.memory_space<vmem>>, vector<1x16xf32>,
        %get3A_348 = vector.shape_cast %get3A_347 : vector<1x16xf32> to vector<16xf32>
        %mul3A_349 = arith.mulf %get3A_348, %get3A_27 : vector<16xf32>
        %mul3A_350 = arith.mulf %scan3A_285, %get3A_15 : vector<16xf32>
        %add3A_351 = arith.addf %mul3A_349, %mul3A_350 : vector<16xf32>
        %max3A_352 = arith.constant 0.000000e+00 : f32
        %max3A_353 = vector.broadcast %max3A_352 : f32 to vector<16xf32>
        %max3A_354 = arith.maximumf %add3A_351, %max3A_353 : vector<16xf32>
        %add3A_355 = arith.constant 0 : i32
        %add3A_356 = arith.addi %mul3A_287, %add3A_355 : i32
        %swap3A_357 = arith.index_cast %add3A_356 : i32 to index
        %swap3A_358 = arith.constant 48 : index
        %swap3A_359 = tpu.vector_load %arg13[%swap3A_357, %swap3A_358] {strides = array<i32>} : memref<200x64xf32, #tpu.memory_space<vmem>>, vector<1x16xf32>,
        %swap3A_360 = vector.shape_cast %swap3A_359 : vector<1x16xf32> to vector<16xf32>
        %swap3A_361 = vector.shape_cast %max3A_354 : vector<16xf32> to vector<1x16xf32>
        tpu.vector_store %arg13[%swap3A_357, %swap3A_358], %swap3A_361 {strides = array<i32>} : memref<200x64xf32, #tpu.memory_space<vmem>>, vector<1x16xf32>,
        %add3A_362 = arith.constant 1 : i32
        %add3A_363 = arith.addi %mul3A_287, %add3A_362 : i32
        %get3A_364 = arith.index_cast %add3A_363 : i32 to index
        %get3A_365 = arith.constant 0 : index
        %get3A_366 = tpu.vector_load %arg11[%get3A_364, %get3A_365] {strides = array<i32>} : memref<200x64xf32, #tpu.memory_space<vmem>>, vector<1x16xf32>,
        %get3A_367 = vector.shape_cast %get3A_366 : vector<1x16xf32> to vector<16xf32>
        %mul3A_368 = arith.mulf %get3A_367, %get3A_18 : vector<16xf32>
        %mul3A_369 = arith.mulf %get3A_293, %get3A_6 : vector<16xf32>
        %add3A_370 = arith.addf %mul3A_368, %mul3A_369 : vector<16xf32>
        %max3A_371 = arith.constant 0.000000e+00 : f32
        %max3A_372 = vector.broadcast %max3A_371 : f32 to vector<16xf32>
        %max3A_373 = arith.maximumf %add3A_370, %max3A_372 : vector<16xf32>
        %add3A_374 = arith.constant 1 : i32
        %add3A_375 = arith.addi %mul3A_287, %add3A_374 : i32
        %swap3A_376 = arith.index_cast %add3A_375 : i32 to index
        %swap3A_377 = arith.constant 0 : index
        %swap3A_378 = tpu.vector_load %arg13[%swap3A_376, %swap3A_377] {strides = array<i32>} : memref<200x64xf32, #tpu.memory_space<vmem>>, vector<1x16xf32>,
        %swap3A_379 = vector.shape_cast %swap3A_378 : vector<1x16xf32> to vector<16xf32>
        %swap3A_380 = vector.shape_cast %max3A_373 : vector<16xf32> to vector<1x16xf32>
        tpu.vector_store %arg13[%swap3A_376, %swap3A_377], %swap3A_380 {strides = array<i32>} : memref<200x64xf32, #tpu.memory_space<vmem>>, vector<1x16xf32>,
        %add3A_381 = arith.constant 1 : i32
        %add3A_382 = arith.addi %mul3A_287, %add3A_381 : i32
        %get3A_383 = arith.index_cast %add3A_382 : i32 to index
        %get3A_384 = arith.constant 16 : index
        %get3A_385 = tpu.vector_load %arg11[%get3A_383, %get3A_384] {strides = array<i32>} : memref<200x64xf32, #tpu.memory_space<vmem>>, vector<1x16xf32>,
        %get3A_386 = vector.shape_cast %get3A_385 : vector<1x16xf32> to vector<16xf32>
        %mul3A_387 = arith.mulf %get3A_386, %get3A_21 : vector<16xf32>
        %mul3A_388 = arith.mulf %get3A_310, %get3A_9 : vector<16xf32>
        %add3A_389 = arith.addf %mul3A_387, %mul3A_388 : vector<16xf32>
        %max3A_390 = arith.constant 0.000000e+00 : f32
        %max3A_391 = vector.broadcast %max3A_390 : f32 to vector<16xf32>
        %max3A_392 = arith.maximumf %add3A_389, %max3A_391 : vector<16xf32>
        %add3A_393 = arith.constant 1 : i32
        %add3A_394 = arith.addi %mul3A_287, %add3A_393 : i32
        %swap3A_395 = arith.index_cast %add3A_394 : i32 to index
        %swap3A_396 = arith.constant 16 : index
        %swap3A_397 = tpu.vector_load %arg13[%swap3A_395, %swap3A_396] {strides = array<i32>} : memref<200x64xf32, #tpu.memory_space<vmem>>, vector<1x16xf32>,
        %swap3A_398 = vector.shape_cast %swap3A_397 : vector<1x16xf32> to vector<16xf32>
        %swap3A_399 = vector.shape_cast %max3A_392 : vector<16xf32> to vector<1x16xf32>
        tpu.vector_store %arg13[%swap3A_395, %swap3A_396], %swap3A_399 {strides = array<i32>} : memref<200x64xf32, #tpu.memory_space<vmem>>, vector<1x16xf32>,
        %add3A_400 = arith.constant 1 : i32
        %add3A_401 = arith.addi %mul3A_287, %add3A_400 : i32
        %get3A_402 = arith.index_cast %add3A_401 : i32 to index
        %get3A_403 = arith.constant 32 : index
        %get3A_404 = tpu.vector_load %arg11[%get3A_402, %get3A_403] {strides = array<i32>} : memref<200x64xf32, #tpu.memory_space<vmem>>, vector<1x16xf32>,
        %get3A_405 = vector.shape_cast %get3A_404 : vector<1x16xf32> to vector<16xf32>
        %mul3A_406 = arith.mulf %get3A_405, %get3A_24 : vector<16xf32>
        %mul3A_407 = arith.mulf %get3A_329, %get3A_12 : vector<16xf32>
        %add3A_408 = arith.addf %mul3A_406, %mul3A_407 : vector<16xf32>
        %max3A_409 = arith.constant 0.000000e+00 : f32
        %max3A_410 = vector.broadcast %max3A_409 : f32 to vector<16xf32>
        %max3A_411 = arith.maximumf %add3A_408, %max3A_410 : vector<16xf32>
        %add3A_412 = arith.constant 1 : i32
        %add3A_413 = arith.addi %mul3A_287, %add3A_412 : i32
        %swap3A_414 = arith.index_cast %add3A_413 : i32 to index
        %swap3A_415 = arith.constant 32 : index
        %swap3A_416 = tpu.vector_load %arg13[%swap3A_414, %swap3A_415] {strides = array<i32>} : memref<200x64xf32, #tpu.memory_space<vmem>>, vector<1x16xf32>,
        %swap3A_417 = vector.shape_cast %swap3A_416 : vector<1x16xf32> to vector<16xf32>
        %swap3A_418 = vector.shape_cast %max3A_411 : vector<16xf32> to vector<1x16xf32>
        tpu.vector_store %arg13[%swap3A_414, %swap3A_415], %swap3A_418 {strides = array<i32>} : memref<200x64xf32, #tpu.memory_space<vmem>>, vector<1x16xf32>,
        %add3A_419 = arith.constant 1 : i32
        %add3A_420 = arith.addi %mul3A_287, %add3A_419 : i32
        %get3A_421 = arith.index_cast %add3A_420 : i32 to index
        %get3A_422 = arith.constant 48 : index
        %get3A_423 = tpu.vector_load %arg11[%get3A_421, %get3A_422] {strides = array<i32>} : memref<200x64xf32, #tpu.memory_space<vmem>>, vector<1x16xf32>,
        %get3A_424 = vector.shape_cast %get3A_423 : vector<1x16xf32> to vector<16xf32>
        %mul3A_425 = arith.mulf %get3A_424, %get3A_27 : vector<16xf32>
        %mul3A_426 = arith.mulf %get3A_348, %get3A_15 : vector<16xf32>
        %add3A_427 = arith.addf %mul3A_425, %mul3A_426 : vector<16xf32>
        %max3A_428 = arith.constant 0.000000e+00 : f32
        %max3A_429 = vector.broadcast %max3A_428 : f32 to vector<16xf32>
        %max3A_430 = arith.maximumf %add3A_427, %max3A_429 : vector<16xf32>
        %add3A_431 = arith.constant 1 : i32
        %add3A_432 = arith.addi %mul3A_287, %add3A_431 : i32
        %swap3A_433 = arith.index_cast %add3A_432 : i32 to index
        %swap3A_434 = arith.constant 48 : index
        %swap3A_435 = tpu.vector_load %arg13[%swap3A_433, %swap3A_434] {strides = array<i32>} : memref<200x64xf32, #tpu.memory_space<vmem>>, vector<1x16xf32>,
        %swap3A_436 = vector.shape_cast %swap3A_435 : vector<1x16xf32> to vector<16xf32>
        %swap3A_437 = vector.shape_cast %max3A_430 : vector<16xf32> to vector<1x16xf32>
        tpu.vector_store %arg13[%swap3A_433, %swap3A_434], %swap3A_437 {strides = array<i32>} : memref<200x64xf32, #tpu.memory_space<vmem>>, vector<1x16xf32>,
        %add3A_438 = arith.constant 2 : i32
        %add3A_439 = arith.addi %mul3A_287, %add3A_438 : i32
        %get3A_440 = arith.index_cast %add3A_439 : i32 to index
        %get3A_441 = arith.constant 0 : index
        %get3A_442 = tpu.vector_load %arg11[%get3A_440, %get3A_441] {strides = array<i32>} : memref<200x64xf32, #tpu.memory_space<vmem>>, vector<1x16xf32>,
        %get3A_443 = vector.shape_cast %get3A_442 : vector<1x16xf32> to vector<16xf32>
        %mul3A_444 = arith.mulf %get3A_443, %get3A_18 : vector<16xf32>
        %mul3A_445 = arith.mulf %get3A_367, %get3A_6 : vector<16xf32>
        %add3A_446 = arith.addf %mul3A_444, %mul3A_445 : vector<16xf32>
        %max3A_447 = arith.constant 0.000000e+00 : f32
        %max3A_448 = vector.broadcast %max3A_447 : f32 to vector<16xf32>
        %max3A_449 = arith.maximumf %add3A_446, %max3A_448 : vector<16xf32>
        %add3A_450 = arith.constant 2 : i32
        %add3A_451 = arith.addi %mul3A_287, %add3A_450 : i32
        %swap3A_452 = arith.index_cast %add3A_451 : i32 to index
        %swap3A_453 = arith.constant 0 : index
        %swap3A_454 = tpu.vector_load %arg13[%swap3A_452, %swap3A_453] {strides = array<i32>} : memref<200x64xf32, #tpu.memory_space<vmem>>, vector<1x16xf32>,
        %swap3A_455 = vector.shape_cast %swap3A_454 : vector<1x16xf32> to vector<16xf32>
        %swap3A_456 = vector.shape_cast %max3A_449 : vector<16xf32> to vector<1x16xf32>
        tpu.vector_store %arg13[%swap3A_452, %swap3A_453], %swap3A_456 {strides = array<i32>} : memref<200x64xf32, #tpu.memory_space<vmem>>, vector<1x16xf32>,
        %add3A_457 = arith.constant 2 : i32
        %add3A_458 = arith.addi %mul3A_287, %add3A_457 : i32
        %get3A_459 = arith.index_cast %add3A_458 : i32 to index
        %get3A_460 = arith.constant 16 : index
        %get3A_461 = tpu.vector_load %arg11[%get3A_459, %get3A_460] {strides = array<i32>} : memref<200x64xf32, #tpu.memory_space<vmem>>, vector<1x16xf32>,
        %get3A_462 = vector.shape_cast %get3A_461 : vector<1x16xf32> to vector<16xf32>
        %mul3A_463 = arith.mulf %get3A_462, %get3A_21 : vector<16xf32>
        %mul3A_464 = arith.mulf %get3A_386, %get3A_9 : vector<16xf32>
        %add3A_465 = arith.addf %mul3A_463, %mul3A_464 : vector<16xf32>
        %max3A_466 = arith.constant 0.000000e+00 : f32
        %max3A_467 = vector.broadcast %max3A_466 : f32 to vector<16xf32>
        %max3A_468 = arith.maximumf %add3A_465, %max3A_467 : vector<16xf32>
        %add3A_469 = arith.constant 2 : i32
        %add3A_470 = arith.addi %mul3A_287, %add3A_469 : i32
        %swap3A_471 = arith.index_cast %add3A_470 : i32 to index
        %swap3A_472 = arith.constant 16 : index
        %swap3A_473 = tpu.vector_load %arg13[%swap3A_471, %swap3A_472] {strides = array<i32>} : memref<200x64xf32, #tpu.memory_space<vmem>>, vector<1x16xf32>,
        %swap3A_474 = vector.shape_cast %swap3A_473 : vector<1x16xf32> to vector<16xf32>
        %swap3A_475 = vector.shape_cast %max3A_468 : vector<16xf32> to vector<1x16xf32>
        tpu.vector_store %arg13[%swap3A_471, %swap3A_472], %swap3A_475 {strides = array<i32>} : memref<200x64xf32, #tpu.memory_space<vmem>>, vector<1x16xf32>,
        %add3A_476 = arith.constant 2 : i32
        %add3A_477 = arith.addi %mul3A_287, %add3A_476 : i32
        %get3A_478 = arith.index_cast %add3A_477 : i32 to index
        %get3A_479 = arith.constant 32 : index
        %get3A_480 = tpu.vector_load %arg11[%get3A_478, %get3A_479] {strides = array<i32>} : memref<200x64xf32, #tpu.memory_space<vmem>>, vector<1x16xf32>,
        %get3A_481 = vector.shape_cast %get3A_480 : vector<1x16xf32> to vector<16xf32>
        %mul3A_482 = arith.mulf %get3A_481, %get3A_24 : vector<16xf32>
        %mul3A_483 = arith.mulf %get3A_405, %get3A_12 : vector<16xf32>
        %add3A_484 = arith.addf %mul3A_482, %mul3A_483 : vector<16xf32>
        %max3A_485 = arith.constant 0.000000e+00 : f32
        %max3A_486 = vector.broadcast %max3A_485 : f32 to vector<16xf32>
        %max3A_487 = arith.maximumf %add3A_484, %max3A_486 : vector<16xf32>
        %add3A_488 = arith.constant 2 : i32
        %add3A_489 = arith.addi %mul3A_287, %add3A_488 : i32
        %swap3A_490 = arith.index_cast %add3A_489 : i32 to index
        %swap3A_491 = arith.constant 32 : index
        %swap3A_492 = tpu.vector_load %arg13[%swap3A_490, %swap3A_491] {strides = array<i32>} : memref<200x64xf32, #tpu.memory_space<vmem>>, vector<1x16xf32>,
        %swap3A_493 = vector.shape_cast %swap3A_492 : vector<1x16xf32> to vector<16xf32>
        %swap3A_494 = vector.shape_cast %max3A_487 : vector<16xf32> to vector<1x16xf32>
        tpu.vector_store %arg13[%swap3A_490, %swap3A_491], %swap3A_494 {strides = array<i32>} : memref<200x64xf32, #tpu.memory_space<vmem>>, vector<1x16xf32>,
        %add3A_495 = arith.constant 2 : i32
        %add3A_496 = arith.addi %mul3A_287, %add3A_495 : i32
        %get3A_497 = arith.index_cast %add3A_496 : i32 to index
        %get3A_498 = arith.constant 48 : index
        %get3A_499 = tpu.vector_load %arg11[%get3A_497, %get3A_498] {strides = array<i32>} : memref<200x64xf32, #tpu.memory_space<vmem>>, vector<1x16xf32>,
        %get3A_500 = vector.shape_cast %get3A_499 : vector<1x16xf32> to vector<16xf32>
        %mul3A_501 = arith.mulf %get3A_500, %get3A_27 : vector<16xf32>
        %mul3A_502 = arith.mulf %get3A_424, %get3A_15 : vector<16xf32>
        %add3A_503 = arith.addf %mul3A_501, %mul3A_502 : vector<16xf32>
        %max3A_504 = arith.constant 0.000000e+00 : f32
        %max3A_505 = vector.broadcast %max3A_504 : f32 to vector<16xf32>
        %max3A_506 = arith.maximumf %add3A_503, %max3A_505 : vector<16xf32>
        %add3A_507 = arith.constant 2 : i32
        %add3A_508 = arith.addi %mul3A_287, %add3A_507 : i32
        %swap3A_509 = arith.index_cast %add3A_508 : i32 to index
        %swap3A_510 = arith.constant 48 : index
        %swap3A_511 = tpu.vector_load %arg13[%swap3A_509, %swap3A_510] {strides = array<i32>} : memref<200x64xf32, #tpu.memory_space<vmem>>, vector<1x16xf32>,
        %swap3A_512 = vector.shape_cast %swap3A_511 : vector<1x16xf32> to vector<16xf32>
        %swap3A_513 = vector.shape_cast %max3A_506 : vector<16xf32> to vector<1x16xf32>
        tpu.vector_store %arg13[%swap3A_509, %swap3A_510], %swap3A_513 {strides = array<i32>} : memref<200x64xf32, #tpu.memory_space<vmem>>, vector<1x16xf32>,
        %add3A_514 = arith.constant 3 : i32
        %add3A_515 = arith.addi %mul3A_287, %add3A_514 : i32
        %get3A_516 = arith.index_cast %add3A_515 : i32 to index
        %get3A_517 = arith.constant 0 : index
        %get3A_518 = tpu.vector_load %arg11[%get3A_516, %get3A_517] {strides = array<i32>} : memref<200x64xf32, #tpu.memory_space<vmem>>, vector<1x16xf32>,
        %get3A_519 = vector.shape_cast %get3A_518 : vector<1x16xf32> to vector<16xf32>
        %mul3A_520 = arith.mulf %get3A_519, %get3A_18 : vector<16xf32>
        %mul3A_521 = arith.mulf %get3A_443, %get3A_6 : vector<16xf32>
        %add3A_522 = arith.addf %mul3A_520, %mul3A_521 : vector<16xf32>
        %max3A_523 = arith.constant 0.000000e+00 : f32
        %max3A_524 = vector.broadcast %max3A_523 : f32 to vector<16xf32>
        %max3A_525 = arith.maximumf %add3A_522, %max3A_524 : vector<16xf32>
        %add3A_526 = arith.constant 3 : i32
        %add3A_527 = arith.addi %mul3A_287, %add3A_526 : i32
        %swap3A_528 = arith.index_cast %add3A_527 : i32 to index
        %swap3A_529 = arith.constant 0 : index
        %swap3A_530 = tpu.vector_load %arg13[%swap3A_528, %swap3A_529] {strides = array<i32>} : memref<200x64xf32, #tpu.memory_space<vmem>>, vector<1x16xf32>,
        %swap3A_531 = vector.shape_cast %swap3A_530 : vector<1x16xf32> to vector<16xf32>
        %swap3A_532 = vector.shape_cast %max3A_525 : vector<16xf32> to vector<1x16xf32>
        tpu.vector_store %arg13[%swap3A_528, %swap3A_529], %swap3A_532 {strides = array<i32>} : memref<200x64xf32, #tpu.memory_space<vmem>>, vector<1x16xf32>,
        %add3A_533 = arith.constant 3 : i32
        %add3A_534 = arith.addi %mul3A_287, %add3A_533 : i32
        %get3A_535 = arith.index_cast %add3A_534 : i32 to index
        %get3A_536 = arith.constant 16 : index
        %get3A_537 = tpu.vector_load %arg11[%get3A_535, %get3A_536] {strides = array<i32>} : memref<200x64xf32, #tpu.memory_space<vmem>>, vector<1x16xf32>,
        %get3A_538 = vector.shape_cast %get3A_537 : vector<1x16xf32> to vector<16xf32>
        %mul3A_539 = arith.mulf %get3A_538, %get3A_21 : vector<16xf32>
        %mul3A_540 = arith.mulf %get3A_462, %get3A_9 : vector<16xf32>
        %add3A_541 = arith.addf %mul3A_539, %mul3A_540 : vector<16xf32>
        %max3A_542 = arith.constant 0.000000e+00 : f32
        %max3A_543 = vector.broadcast %max3A_542 : f32 to vector<16xf32>
        %max3A_544 = arith.maximumf %add3A_541, %max3A_543 : vector<16xf32>
        %add3A_545 = arith.constant 3 : i32
        %add3A_546 = arith.addi %mul3A_287, %add3A_545 : i32
        %swap3A_547 = arith.index_cast %add3A_546 : i32 to index
        %swap3A_548 = arith.constant 16 : index
        %swap3A_549 = tpu.vector_load %arg13[%swap3A_547, %swap3A_548] {strides = array<i32>} : memref<200x64xf32, #tpu.memory_space<vmem>>, vector<1x16xf32>,
        %swap3A_550 = vector.shape_cast %swap3A_549 : vector<1x16xf32> to vector<16xf32>
        %swap3A_551 = vector.shape_cast %max3A_544 : vector<16xf32> to vector<1x16xf32>
        tpu.vector_store %arg13[%swap3A_547, %swap3A_548], %swap3A_551 {strides = array<i32>} : memref<200x64xf32, #tpu.memory_space<vmem>>, vector<1x16xf32>,
        %add3A_552 = arith.constant 3 : i32
        %add3A_553 = arith.addi %mul3A_287, %add3A_552 : i32
        %get3A_554 = arith.index_cast %add3A_553 : i32 to index
        %get3A_555 = arith.constant 32 : index
        %get3A_556 = tpu.vector_load %arg11[%get3A_554, %get3A_555] {strides = array<i32>} : memref<200x64xf32, #tpu.memory_space<vmem>>, vector<1x16xf32>,
        %get3A_557 = vector.shape_cast %get3A_556 : vector<1x16xf32> to vector<16xf32>
        %mul3A_558 = arith.mulf %get3A_557, %get3A_24 : vector<16xf32>
        %mul3A_559 = arith.mulf %get3A_481, %get3A_12 : vector<16xf32>
        %add3A_560 = arith.addf %mul3A_558, %mul3A_559 : vector<16xf32>
        %max3A_561 = arith.constant 0.000000e+00 : f32
        %max3A_562 = vector.broadcast %max3A_561 : f32 to vector<16xf32>
        %max3A_563 = arith.maximumf %add3A_560, %max3A_562 : vector<16xf32>
        %add3A_564 = arith.constant 3 : i32
        %add3A_565 = arith.addi %mul3A_287, %add3A_564 : i32
        %swap3A_566 = arith.index_cast %add3A_565 : i32 to index
        %swap3A_567 = arith.constant 32 : index
        %swap3A_568 = tpu.vector_load %arg13[%swap3A_566, %swap3A_567] {strides = array<i32>} : memref<200x64xf32, #tpu.memory_space<vmem>>, vector<1x16xf32>,
        %swap3A_569 = vector.shape_cast %swap3A_568 : vector<1x16xf32> to vector<16xf32>
        %swap3A_570 = vector.shape_cast %max3A_563 : vector<16xf32> to vector<1x16xf32>
        tpu.vector_store %arg13[%swap3A_566, %swap3A_567], %swap3A_570 {strides = array<i32>} : memref<200x64xf32, #tpu.memory_space<vmem>>, vector<1x16xf32>,
        %add3A_571 = arith.constant 3 : i32
        %add3A_572 = arith.addi %mul3A_287, %add3A_571 : i32
        %get3A_573 = arith.index_cast %add3A_572 : i32 to index
        %get3A_574 = arith.constant 48 : index
        %get3A_575 = tpu.vector_load %arg11[%get3A_573, %get3A_574] {strides = array<i32>} : memref<200x64xf32, #tpu.memory_space<vmem>>, vector<1x16xf32>,
        %get3A_576 = vector.shape_cast %get3A_575 : vector<1x16xf32> to vector<16xf32>
        %mul3A_577 = arith.mulf %get3A_576, %get3A_27 : vector<16xf32>
        %mul3A_578 = arith.mulf %get3A_500, %get3A_15 : vector<16xf32>
        %add3A_579 = arith.addf %mul3A_577, %mul3A_578 : vector<16xf32>
        %max3A_580 = arith.constant 0.000000e+00 : f32
        %max3A_581 = vector.broadcast %max3A_580 : f32 to vector<16xf32>
        %max3A_582 = arith.maximumf %add3A_579, %max3A_581 : vector<16xf32>
        %add3A_583 = arith.constant 3 : i32
        %add3A_584 = arith.addi %mul3A_287, %add3A_583 : i32
        %swap3A_585 = arith.index_cast %add3A_584 : i32 to index
        %swap3A_586 = arith.constant 48 : index
        %swap3A_587 = tpu.vector_load %arg13[%swap3A_585, %swap3A_586] {strides = array<i32>} : memref<200x64xf32, #tpu.memory_space<vmem>>, vector<1x16xf32>,
        %swap3A_588 = vector.shape_cast %swap3A_587 : vector<1x16xf32> to vector<16xf32>
        %swap3A_589 = vector.shape_cast %max3A_582 : vector<16xf32> to vector<1x16xf32>
        tpu.vector_store %arg13[%swap3A_585, %swap3A_586], %swap3A_589 {strides = array<i32>} : memref<200x64xf32, #tpu.memory_space<vmem>>, vector<1x16xf32>,
        %add3A_590 = arith.constant 4 : i32
        %add3A_591 = arith.addi %mul3A_287, %add3A_590 : i32
        %get3A_592 = arith.index_cast %add3A_591 : i32 to index
        %get3A_593 = arith.constant 0 : index
        %get3A_594 = tpu.vector_load %arg11[%get3A_592, %get3A_593] {strides = array<i32>} : memref<200x64xf32, #tpu.memory_space<vmem>>, vector<1x16xf32>,
        %get3A_595 = vector.shape_cast %get3A_594 : vector<1x16xf32> to vector<16xf32>
        %mul3A_596 = arith.mulf %get3A_595, %get3A_18 : vector<16xf32>
        %mul3A_597 = arith.mulf %get3A_519, %get3A_6 : vector<16xf32>
        %add3A_598 = arith.addf %mul3A_596, %mul3A_597 : vector<16xf32>
        %max3A_599 = arith.constant 0.000000e+00 : f32
        %max3A_600 = vector.broadcast %max3A_599 : f32 to vector<16xf32>
        %max3A_601 = arith.maximumf %add3A_598, %max3A_600 : vector<16xf32>
        %add3A_602 = arith.constant 4 : i32
        %add3A_603 = arith.addi %mul3A_287, %add3A_602 : i32
        %swap3A_604 = arith.index_cast %add3A_603 : i32 to index
        %swap3A_605 = arith.constant 0 : index
        %swap3A_606 = tpu.vector_load %arg13[%swap3A_604, %swap3A_605] {strides = array<i32>} : memref<200x64xf32, #tpu.memory_space<vmem>>, vector<1x16xf32>,
        %swap3A_607 = vector.shape_cast %swap3A_606 : vector<1x16xf32> to vector<16xf32>
        %swap3A_608 = vector.shape_cast %max3A_601 : vector<16xf32> to vector<1x16xf32>
        tpu.vector_store %arg13[%swap3A_604, %swap3A_605], %swap3A_608 {strides = array<i32>} : memref<200x64xf32, #tpu.memory_space<vmem>>, vector<1x16xf32>,
        %add3A_609 = arith.constant 4 : i32
        %add3A_610 = arith.addi %mul3A_287, %add3A_609 : i32
        %get3A_611 = arith.index_cast %add3A_610 : i32 to index
        %get3A_612 = arith.constant 16 : index
        %get3A_613 = tpu.vector_load %arg11[%get3A_611, %get3A_612] {strides = array<i32>} : memref<200x64xf32, #tpu.memory_space<vmem>>, vector<1x16xf32>,
        %get3A_614 = vector.shape_cast %get3A_613 : vector<1x16xf32> to vector<16xf32>
        %mul3A_615 = arith.mulf %get3A_614, %get3A_21 : vector<16xf32>
        %mul3A_616 = arith.mulf %get3A_538, %get3A_9 : vector<16xf32>
        %add3A_617 = arith.addf %mul3A_615, %mul3A_616 : vector<16xf32>
        %max3A_618 = arith.constant 0.000000e+00 : f32
        %max3A_619 = vector.broadcast %max3A_618 : f32 to vector<16xf32>
        %max3A_620 = arith.maximumf %add3A_617, %max3A_619 : vector<16xf32>
        %add3A_621 = arith.constant 4 : i32
        %add3A_622 = arith.addi %mul3A_287, %add3A_621 : i32
        %swap3A_623 = arith.index_cast %add3A_622 : i32 to index
        %swap3A_624 = arith.constant 16 : index
        %swap3A_625 = tpu.vector_load %arg13[%swap3A_623, %swap3A_624] {strides = array<i32>} : memref<200x64xf32, #tpu.memory_space<vmem>>, vector<1x16xf32>,
        %swap3A_626 = vector.shape_cast %swap3A_625 : vector<1x16xf32> to vector<16xf32>
        %swap3A_627 = vector.shape_cast %max3A_620 : vector<16xf32> to vector<1x16xf32>
        tpu.vector_store %arg13[%swap3A_623, %swap3A_624], %swap3A_627 {strides = array<i32>} : memref<200x64xf32, #tpu.memory_space<vmem>>, vector<1x16xf32>,
        %add3A_628 = arith.constant 4 : i32
        %add3A_629 = arith.addi %mul3A_287, %add3A_628 : i32
        %get3A_630 = arith.index_cast %add3A_629 : i32 to index
        %get3A_631 = arith.constant 32 : index
        %get3A_632 = tpu.vector_load %arg11[%get3A_630, %get3A_631] {strides = array<i32>} : memref<200x64xf32, #tpu.memory_space<vmem>>, vector<1x16xf32>,
        %get3A_633 = vector.shape_cast %get3A_632 : vector<1x16xf32> to vector<16xf32>
        %mul3A_634 = arith.mulf %get3A_633, %get3A_24 : vector<16xf32>
        %mul3A_635 = arith.mulf %get3A_557, %get3A_12 : vector<16xf32>
        %add3A_636 = arith.addf %mul3A_634, %mul3A_635 : vector<16xf32>
        %max3A_637 = arith.constant 0.000000e+00 : f32
        %max3A_638 = vector.broadcast %max3A_637 : f32 to vector<16xf32>
        %max3A_639 = arith.maximumf %add3A_636, %max3A_638 : vector<16xf32>
        %add3A_640 = arith.constant 4 : i32
        %add3A_641 = arith.addi %mul3A_287, %add3A_640 : i32
        %swap3A_642 = arith.index_cast %add3A_641 : i32 to index
        %swap3A_643 = arith.constant 32 : index
        %swap3A_644 = tpu.vector_load %arg13[%swap3A_642, %swap3A_643] {strides = array<i32>} : memref<200x64xf32, #tpu.memory_space<vmem>>, vector<1x16xf32>,
        %swap3A_645 = vector.shape_cast %swap3A_644 : vector<1x16xf32> to vector<16xf32>
        %swap3A_646 = vector.shape_cast %max3A_639 : vector<16xf32> to vector<1x16xf32>
        tpu.vector_store %arg13[%swap3A_642, %swap3A_643], %swap3A_646 {strides = array<i32>} : memref<200x64xf32, #tpu.memory_space<vmem>>, vector<1x16xf32>,
        %add3A_647 = arith.constant 4 : i32
        %add3A_648 = arith.addi %mul3A_287, %add3A_647 : i32
        %get3A_649 = arith.index_cast %add3A_648 : i32 to index
        %get3A_650 = arith.constant 48 : index
        %get3A_651 = tpu.vector_load %arg11[%get3A_649, %get3A_650] {strides = array<i32>} : memref<200x64xf32, #tpu.memory_space<vmem>>, vector<1x16xf32>,
        %get3A_652 = vector.shape_cast %get3A_651 : vector<1x16xf32> to vector<16xf32>
        %mul3A_653 = arith.mulf %get3A_652, %get3A_27 : vector<16xf32>
        %mul3A_654 = arith.mulf %get3A_576, %get3A_15 : vector<16xf32>
        %add3A_655 = arith.addf %mul3A_653, %mul3A_654 : vector<16xf32>
        %max3A_656 = arith.constant 0.000000e+00 : f32
        %max3A_657 = vector.broadcast %max3A_656 : f32 to vector<16xf32>
        %max3A_658 = arith.maximumf %add3A_655, %max3A_657 : vector<16xf32>
        %add3A_659 = arith.constant 4 : i32
        %add3A_660 = arith.addi %mul3A_287, %add3A_659 : i32
        %swap3A_661 = arith.index_cast %add3A_660 : i32 to index
        %swap3A_662 = arith.constant 48 : index
        %swap3A_663 = tpu.vector_load %arg13[%swap3A_661, %swap3A_662] {strides = array<i32>} : memref<200x64xf32, #tpu.memory_space<vmem>>, vector<1x16xf32>,
        %swap3A_664 = vector.shape_cast %swap3A_663 : vector<1x16xf32> to vector<16xf32>
        %swap3A_665 = vector.shape_cast %max3A_658 : vector<16xf32> to vector<1x16xf32>
        tpu.vector_store %arg13[%swap3A_661, %swap3A_662], %swap3A_665 {strides = array<i32>} : memref<200x64xf32, #tpu.memory_space<vmem>>, vector<1x16xf32>,
        %add3A_666 = arith.constant 5 : i32
        %add3A_667 = arith.addi %mul3A_287, %add3A_666 : i32
        %get3A_668 = arith.index_cast %add3A_667 : i32 to index
        %get3A_669 = arith.constant 0 : index
        %get3A_670 = tpu.vector_load %arg11[%get3A_668, %get3A_669] {strides = array<i32>} : memref<200x64xf32, #tpu.memory_space<vmem>>, vector<1x16xf32>,
        %get3A_671 = vector.shape_cast %get3A_670 : vector<1x16xf32> to vector<16xf32>
        %mul3A_672 = arith.mulf %get3A_671, %get3A_18 : vector<16xf32>
        %mul3A_673 = arith.mulf %get3A_595, %get3A_6 : vector<16xf32>
        %add3A_674 = arith.addf %mul3A_672, %mul3A_673 : vector<16xf32>
        %max3A_675 = arith.constant 0.000000e+00 : f32
        %max3A_676 = vector.broadcast %max3A_675 : f32 to vector<16xf32>
        %max3A_677 = arith.maximumf %add3A_674, %max3A_676 : vector<16xf32>
        %add3A_678 = arith.constant 5 : i32
        %add3A_679 = arith.addi %mul3A_287, %add3A_678 : i32
        %swap3A_680 = arith.index_cast %add3A_679 : i32 to index
        %swap3A_681 = arith.constant 0 : index
        %swap3A_682 = tpu.vector_load %arg13[%swap3A_680, %swap3A_681] {strides = array<i32>} : memref<200x64xf32, #tpu.memory_space<vmem>>, vector<1x16xf32>,
        %swap3A_683 = vector.shape_cast %swap3A_682 : vector<1x16xf32> to vector<16xf32>
        %swap3A_684 = vector.shape_cast %max3A_677 : vector<16xf32> to vector<1x16xf32>
        tpu.vector_store %arg13[%swap3A_680, %swap3A_681], %swap3A_684 {strides = array<i32>} : memref<200x64xf32, #tpu.memory_space<vmem>>, vector<1x16xf32>,
        %add3A_685 = arith.constant 5 : i32
        %add3A_686 = arith.addi %mul3A_287, %add3A_685 : i32
        %get3A_687 = arith.index_cast %add3A_686 : i32 to index
        %get3A_688 = arith.constant 16 : index
        %get3A_689 = tpu.vector_load %arg11[%get3A_687, %get3A_688] {strides = array<i32>} : memref<200x64xf32, #tpu.memory_space<vmem>>, vector<1x16xf32>,
        %get3A_690 = vector.shape_cast %get3A_689 : vector<1x16xf32> to vector<16xf32>
        %mul3A_691 = arith.mulf %get3A_690, %get3A_21 : vector<16xf32>
        %mul3A_692 = arith.mulf %get3A_614, %get3A_9 : vector<16xf32>
        %add3A_693 = arith.addf %mul3A_691, %mul3A_692 : vector<16xf32>
        %max3A_694 = arith.constant 0.000000e+00 : f32
        %max3A_695 = vector.broadcast %max3A_694 : f32 to vector<16xf32>
        %max3A_696 = arith.maximumf %add3A_693, %max3A_695 : vector<16xf32>
        %add3A_697 = arith.constant 5 : i32
        %add3A_698 = arith.addi %mul3A_287, %add3A_697 : i32
        %swap3A_699 = arith.index_cast %add3A_698 : i32 to index
        %swap3A_700 = arith.constant 16 : index
        %swap3A_701 = tpu.vector_load %arg13[%swap3A_699, %swap3A_700] {strides = array<i32>} : memref<200x64xf32, #tpu.memory_space<vmem>>, vector<1x16xf32>,
        %swap3A_702 = vector.shape_cast %swap3A_701 : vector<1x16xf32> to vector<16xf32>
        %swap3A_703 = vector.shape_cast %max3A_696 : vector<16xf32> to vector<1x16xf32>
        tpu.vector_store %arg13[%swap3A_699, %swap3A_700], %swap3A_703 {strides = array<i32>} : memref<200x64xf32, #tpu.memory_space<vmem>>, vector<1x16xf32>,
        %add3A_704 = arith.constant 5 : i32
        %add3A_705 = arith.addi %mul3A_287, %add3A_704 : i32
        %get3A_706 = arith.index_cast %add3A_705 : i32 to index
        %get3A_707 = arith.constant 32 : index
        %get3A_708 = tpu.vector_load %arg11[%get3A_706, %get3A_707] {strides = array<i32>} : memref<200x64xf32, #tpu.memory_space<vmem>>, vector<1x16xf32>,
        %get3A_709 = vector.shape_cast %get3A_708 : vector<1x16xf32> to vector<16xf32>
        %mul3A_710 = arith.mulf %get3A_709, %get3A_24 : vector<16xf32>
        %mul3A_711 = arith.mulf %get3A_633, %get3A_12 : vector<16xf32>
        %add3A_712 = arith.addf %mul3A_710, %mul3A_711 : vector<16xf32>
        %max3A_713 = arith.constant 0.000000e+00 : f32
        %max3A_714 = vector.broadcast %max3A_713 : f32 to vector<16xf32>
        %max3A_715 = arith.maximumf %add3A_712, %max3A_714 : vector<16xf32>
        %add3A_716 = arith.constant 5 : i32
        %add3A_717 = arith.addi %mul3A_287, %add3A_716 : i32
        %swap3A_718 = arith.index_cast %add3A_717 : i32 to index
        %swap3A_719 = arith.constant 32 : index
        %swap3A_720 = tpu.vector_load %arg13[%swap3A_718, %swap3A_719] {strides = array<i32>} : memref<200x64xf32, #tpu.memory_space<vmem>>, vector<1x16xf32>,
        %swap3A_721 = vector.shape_cast %swap3A_720 : vector<1x16xf32> to vector<16xf32>
        %swap3A_722 = vector.shape_cast %max3A_715 : vector<16xf32> to vector<1x16xf32>
        tpu.vector_store %arg13[%swap3A_718, %swap3A_719], %swap3A_722 {strides = array<i32>} : memref<200x64xf32, #tpu.memory_space<vmem>>, vector<1x16xf32>,
        %add3A_723 = arith.constant 5 : i32
        %add3A_724 = arith.addi %mul3A_287, %add3A_723 : i32
        %get3A_725 = arith.index_cast %add3A_724 : i32 to index
        %get3A_726 = arith.constant 48 : index
        %get3A_727 = tpu.vector_load %arg11[%get3A_725, %get3A_726] {strides = array<i32>} : memref<200x64xf32, #tpu.memory_space<vmem>>, vector<1x16xf32>,
        %get3A_728 = vector.shape_cast %get3A_727 : vector<1x16xf32> to vector<16xf32>
        %mul3A_729 = arith.mulf %get3A_728, %get3A_27 : vector<16xf32>
        %mul3A_730 = arith.mulf %get3A_652, %get3A_15 : vector<16xf32>
        %add3A_731 = arith.addf %mul3A_729, %mul3A_730 : vector<16xf32>
        %max3A_732 = arith.constant 0.000000e+00 : f32
        %max3A_733 = vector.broadcast %max3A_732 : f32 to vector<16xf32>
        %max3A_734 = arith.maximumf %add3A_731, %max3A_733 : vector<16xf32>
        %add3A_735 = arith.constant 5 : i32
        %add3A_736 = arith.addi %mul3A_287, %add3A_735 : i32
        %swap3A_737 = arith.index_cast %add3A_736 : i32 to index
        %swap3A_738 = arith.constant 48 : index
        %swap3A_739 = tpu.vector_load %arg13[%swap3A_737, %swap3A_738] {strides = array<i32>} : memref<200x64xf32, #tpu.memory_space<vmem>>, vector<1x16xf32>,
        %swap3A_740 = vector.shape_cast %swap3A_739 : vector<1x16xf32> to vector<16xf32>
        %swap3A_741 = vector.shape_cast %max3A_734 : vector<16xf32> to vector<1x16xf32>
        tpu.vector_store %arg13[%swap3A_737, %swap3A_738], %swap3A_741 {strides = array<i32>} : memref<200x64xf32, #tpu.memory_space<vmem>>, vector<1x16xf32>,
        %add3A_742 = arith.constant 6 : i32
        %add3A_743 = arith.addi %mul3A_287, %add3A_742 : i32
        %get3A_744 = arith.index_cast %add3A_743 : i32 to index
        %get3A_745 = arith.constant 0 : index
        %get3A_746 = tpu.vector_load %arg11[%get3A_744, %get3A_745] {strides = array<i32>} : memref<200x64xf32, #tpu.memory_space<vmem>>, vector<1x16xf32>,
        %get3A_747 = vector.shape_cast %get3A_746 : vector<1x16xf32> to vector<16xf32>
        %mul3A_748 = arith.mulf %get3A_747, %get3A_18 : vector<16xf32>
        %mul3A_749 = arith.mulf %get3A_671, %get3A_6 : vector<16xf32>
        %add3A_750 = arith.addf %mul3A_748, %mul3A_749 : vector<16xf32>
        %max3A_751 = arith.constant 0.000000e+00 : f32
        %max3A_752 = vector.broadcast %max3A_751 : f32 to vector<16xf32>
        %max3A_753 = arith.maximumf %add3A_750, %max3A_752 : vector<16xf32>
        %add3A_754 = arith.constant 6 : i32
        %add3A_755 = arith.addi %mul3A_287, %add3A_754 : i32
        %swap3A_756 = arith.index_cast %add3A_755 : i32 to index
        %swap3A_757 = arith.constant 0 : index
        %swap3A_758 = tpu.vector_load %arg13[%swap3A_756, %swap3A_757] {strides = array<i32>} : memref<200x64xf32, #tpu.memory_space<vmem>>, vector<1x16xf32>,
        %swap3A_759 = vector.shape_cast %swap3A_758 : vector<1x16xf32> to vector<16xf32>
        %swap3A_760 = vector.shape_cast %max3A_753 : vector<16xf32> to vector<1x16xf32>
        tpu.vector_store %arg13[%swap3A_756, %swap3A_757], %swap3A_760 {strides = array<i32>} : memref<200x64xf32, #tpu.memory_space<vmem>>, vector<1x16xf32>,
        %add3A_761 = arith.constant 6 : i32
        %add3A_762 = arith.addi %mul3A_287, %add3A_761 : i32
        %get3A_763 = arith.index_cast %add3A_762 : i32 to index
        %get3A_764 = arith.constant 16 : index
        %get3A_765 = tpu.vector_load %arg11[%get3A_763, %get3A_764] {strides = array<i32>} : memref<200x64xf32, #tpu.memory_space<vmem>>, vector<1x16xf32>,
        %get3A_766 = vector.shape_cast %get3A_765 : vector<1x16xf32> to vector<16xf32>
        %mul3A_767 = arith.mulf %get3A_766, %get3A_21 : vector<16xf32>
        %mul3A_768 = arith.mulf %get3A_690, %get3A_9 : vector<16xf32>
        %add3A_769 = arith.addf %mul3A_767, %mul3A_768 : vector<16xf32>
        %max3A_770 = arith.constant 0.000000e+00 : f32
        %max3A_771 = vector.broadcast %max3A_770 : f32 to vector<16xf32>
        %max3A_772 = arith.maximumf %add3A_769, %max3A_771 : vector<16xf32>
        %add3A_773 = arith.constant 6 : i32
        %add3A_774 = arith.addi %mul3A_287, %add3A_773 : i32
        %swap3A_775 = arith.index_cast %add3A_774 : i32 to index
        %swap3A_776 = arith.constant 16 : index
        %swap3A_777 = tpu.vector_load %arg13[%swap3A_775, %swap3A_776] {strides = array<i32>} : memref<200x64xf32, #tpu.memory_space<vmem>>, vector<1x16xf32>,
        %swap3A_778 = vector.shape_cast %swap3A_777 : vector<1x16xf32> to vector<16xf32>
        %swap3A_779 = vector.shape_cast %max3A_772 : vector<16xf32> to vector<1x16xf32>
        tpu.vector_store %arg13[%swap3A_775, %swap3A_776], %swap3A_779 {strides = array<i32>} : memref<200x64xf32, #tpu.memory_space<vmem>>, vector<1x16xf32>,
        %add3A_780 = arith.constant 6 : i32
        %add3A_781 = arith.addi %mul3A_287, %add3A_780 : i32
        %get3A_782 = arith.index_cast %add3A_781 : i32 to index
        %get3A_783 = arith.constant 32 : index
        %get3A_784 = tpu.vector_load %arg11[%get3A_782, %get3A_783] {strides = array<i32>} : memref<200x64xf32, #tpu.memory_space<vmem>>, vector<1x16xf32>,
        %get3A_785 = vector.shape_cast %get3A_784 : vector<1x16xf32> to vector<16xf32>
        %mul3A_786 = arith.mulf %get3A_785, %get3A_24 : vector<16xf32>
        %mul3A_787 = arith.mulf %get3A_709, %get3A_12 : vector<16xf32>
        %add3A_788 = arith.addf %mul3A_786, %mul3A_787 : vector<16xf32>
        %max3A_789 = arith.constant 0.000000e+00 : f32
        %max3A_790 = vector.broadcast %max3A_789 : f32 to vector<16xf32>
        %max3A_791 = arith.maximumf %add3A_788, %max3A_790 : vector<16xf32>
        %add3A_792 = arith.constant 6 : i32
        %add3A_793 = arith.addi %mul3A_287, %add3A_792 : i32
        %swap3A_794 = arith.index_cast %add3A_793 : i32 to index
        %swap3A_795 = arith.constant 32 : index
        %swap3A_796 = tpu.vector_load %arg13[%swap3A_794, %swap3A_795] {strides = array<i32>} : memref<200x64xf32, #tpu.memory_space<vmem>>, vector<1x16xf32>,
        %swap3A_797 = vector.shape_cast %swap3A_796 : vector<1x16xf32> to vector<16xf32>
        %swap3A_798 = vector.shape_cast %max3A_791 : vector<16xf32> to vector<1x16xf32>
        tpu.vector_store %arg13[%swap3A_794, %swap3A_795], %swap3A_798 {strides = array<i32>} : memref<200x64xf32, #tpu.memory_space<vmem>>, vector<1x16xf32>,
        %add3A_799 = arith.constant 6 : i32
        %add3A_800 = arith.addi %mul3A_287, %add3A_799 : i32
        %get3A_801 = arith.index_cast %add3A_800 : i32 to index
        %get3A_802 = arith.constant 48 : index
        %get3A_803 = tpu.vector_load %arg11[%get3A_801, %get3A_802] {strides = array<i32>} : memref<200x64xf32, #tpu.memory_space<vmem>>, vector<1x16xf32>,
        %get3A_804 = vector.shape_cast %get3A_803 : vector<1x16xf32> to vector<16xf32>
        %mul3A_805 = arith.mulf %get3A_804, %get3A_27 : vector<16xf32>
        %mul3A_806 = arith.mulf %get3A_728, %get3A_15 : vector<16xf32>
        %add3A_807 = arith.addf %mul3A_805, %mul3A_806 : vector<16xf32>
        %max3A_808 = arith.constant 0.000000e+00 : f32
        %max3A_809 = vector.broadcast %max3A_808 : f32 to vector<16xf32>
        %max3A_810 = arith.maximumf %add3A_807, %max3A_809 : vector<16xf32>
        %add3A_811 = arith.constant 6 : i32
        %add3A_812 = arith.addi %mul3A_287, %add3A_811 : i32
        %swap3A_813 = arith.index_cast %add3A_812 : i32 to index
        %swap3A_814 = arith.constant 48 : index
        %swap3A_815 = tpu.vector_load %arg13[%swap3A_813, %swap3A_814] {strides = array<i32>} : memref<200x64xf32, #tpu.memory_space<vmem>>, vector<1x16xf32>,
        %swap3A_816 = vector.shape_cast %swap3A_815 : vector<1x16xf32> to vector<16xf32>
        %swap3A_817 = vector.shape_cast %max3A_810 : vector<16xf32> to vector<1x16xf32>
        tpu.vector_store %arg13[%swap3A_813, %swap3A_814], %swap3A_817 {strides = array<i32>} : memref<200x64xf32, #tpu.memory_space<vmem>>, vector<1x16xf32>,
        %add3A_818 = arith.constant 7 : i32
        %add3A_819 = arith.addi %mul3A_287, %add3A_818 : i32
        %get3A_820 = arith.index_cast %add3A_819 : i32 to index
        %get3A_821 = arith.constant 0 : index
        %get3A_822 = tpu.vector_load %arg11[%get3A_820, %get3A_821] {strides = array<i32>} : memref<200x64xf32, #tpu.memory_space<vmem>>, vector<1x16xf32>,
        %get3A_823 = vector.shape_cast %get3A_822 : vector<1x16xf32> to vector<16xf32>
        %mul3A_824 = arith.mulf %get3A_823, %get3A_18 : vector<16xf32>
        %mul3A_825 = arith.mulf %get3A_747, %get3A_6 : vector<16xf32>
        %add3A_826 = arith.addf %mul3A_824, %mul3A_825 : vector<16xf32>
        %max3A_827 = arith.constant 0.000000e+00 : f32
        %max3A_828 = vector.broadcast %max3A_827 : f32 to vector<16xf32>
        %max3A_829 = arith.maximumf %add3A_826, %max3A_828 : vector<16xf32>
        %add3A_830 = arith.constant 7 : i32
        %add3A_831 = arith.addi %mul3A_287, %add3A_830 : i32
        %swap3A_832 = arith.index_cast %add3A_831 : i32 to index
        %swap3A_833 = arith.constant 0 : index
        %swap3A_834 = tpu.vector_load %arg13[%swap3A_832, %swap3A_833] {strides = array<i32>} : memref<200x64xf32, #tpu.memory_space<vmem>>, vector<1x16xf32>,
        %swap3A_835 = vector.shape_cast %swap3A_834 : vector<1x16xf32> to vector<16xf32>
        %swap3A_836 = vector.shape_cast %max3A_829 : vector<16xf32> to vector<1x16xf32>
        tpu.vector_store %arg13[%swap3A_832, %swap3A_833], %swap3A_836 {strides = array<i32>} : memref<200x64xf32, #tpu.memory_space<vmem>>, vector<1x16xf32>,
        %add3A_837 = arith.constant 7 : i32
        %add3A_838 = arith.addi %mul3A_287, %add3A_837 : i32
        %get3A_839 = arith.index_cast %add3A_838 : i32 to index
        %get3A_840 = arith.constant 16 : index
        %get3A_841 = tpu.vector_load %arg11[%get3A_839, %get3A_840] {strides = array<i32>} : memref<200x64xf32, #tpu.memory_space<vmem>>, vector<1x16xf32>,
        %get3A_842 = vector.shape_cast %get3A_841 : vector<1x16xf32> to vector<16xf32>
        %mul3A_843 = arith.mulf %get3A_842, %get3A_21 : vector<16xf32>
        %mul3A_844 = arith.mulf %get3A_766, %get3A_9 : vector<16xf32>
        %add3A_845 = arith.addf %mul3A_843, %mul3A_844 : vector<16xf32>
        %max3A_846 = arith.constant 0.000000e+00 : f32
        %max3A_847 = vector.broadcast %max3A_846 : f32 to vector<16xf32>
        %max3A_848 = arith.maximumf %add3A_845, %max3A_847 : vector<16xf32>
        %add3A_849 = arith.constant 7 : i32
        %add3A_850 = arith.addi %mul3A_287, %add3A_849 : i32
        %swap3A_851 = arith.index_cast %add3A_850 : i32 to index
        %swap3A_852 = arith.constant 16 : index
        %swap3A_853 = tpu.vector_load %arg13[%swap3A_851, %swap3A_852] {strides = array<i32>} : memref<200x64xf32, #tpu.memory_space<vmem>>, vector<1x16xf32>,
        %swap3A_854 = vector.shape_cast %swap3A_853 : vector<1x16xf32> to vector<16xf32>
        %swap3A_855 = vector.shape_cast %max3A_848 : vector<16xf32> to vector<1x16xf32>
        tpu.vector_store %arg13[%swap3A_851, %swap3A_852], %swap3A_855 {strides = array<i32>} : memref<200x64xf32, #tpu.memory_space<vmem>>, vector<1x16xf32>,
        %add3A_856 = arith.constant 7 : i32
        %add3A_857 = arith.addi %mul3A_287, %add3A_856 : i32
        %get3A_858 = arith.index_cast %add3A_857 : i32 to index
        %get3A_859 = arith.constant 32 : index
        %get3A_860 = tpu.vector_load %arg11[%get3A_858, %get3A_859] {strides = array<i32>} : memref<200x64xf32, #tpu.memory_space<vmem>>, vector<1x16xf32>,
        %get3A_861 = vector.shape_cast %get3A_860 : vector<1x16xf32> to vector<16xf32>
        %mul3A_862 = arith.mulf %get3A_861, %get3A_24 : vector<16xf32>
        %mul3A_863 = arith.mulf %get3A_785, %get3A_12 : vector<16xf32>
        %add3A_864 = arith.addf %mul3A_862, %mul3A_863 : vector<16xf32>
        %max3A_865 = arith.constant 0.000000e+00 : f32
        %max3A_866 = vector.broadcast %max3A_865 : f32 to vector<16xf32>
        %max3A_867 = arith.maximumf %add3A_864, %max3A_866 : vector<16xf32>
        %add3A_868 = arith.constant 7 : i32
        %add3A_869 = arith.addi %mul3A_287, %add3A_868 : i32
        %swap3A_870 = arith.index_cast %add3A_869 : i32 to index
        %swap3A_871 = arith.constant 32 : index
        %swap3A_872 = tpu.vector_load %arg13[%swap3A_870, %swap3A_871] {strides = array<i32>} : memref<200x64xf32, #tpu.memory_space<vmem>>, vector<1x16xf32>,
        %swap3A_873 = vector.shape_cast %swap3A_872 : vector<1x16xf32> to vector<16xf32>
        %swap3A_874 = vector.shape_cast %max3A_867 : vector<16xf32> to vector<1x16xf32>
        tpu.vector_store %arg13[%swap3A_870, %swap3A_871], %swap3A_874 {strides = array<i32>} : memref<200x64xf32, #tpu.memory_space<vmem>>, vector<1x16xf32>,
        %add3A_875 = arith.constant 7 : i32
        %add3A_876 = arith.addi %mul3A_287, %add3A_875 : i32
        %get3A_877 = arith.index_cast %add3A_876 : i32 to index
        %get3A_878 = arith.constant 48 : index
        %get3A_879 = tpu.vector_load %arg11[%get3A_877, %get3A_878] {strides = array<i32>} : memref<200x64xf32, #tpu.memory_space<vmem>>, vector<1x16xf32>,
        %get3A_880 = vector.shape_cast %get3A_879 : vector<1x16xf32> to vector<16xf32>
        %mul3A_881 = arith.mulf %get3A_880, %get3A_27 : vector<16xf32>
        %mul3A_882 = arith.mulf %get3A_804, %get3A_15 : vector<16xf32>
        %add3A_883 = arith.addf %mul3A_881, %mul3A_882 : vector<16xf32>
        %max3A_884 = arith.constant 0.000000e+00 : f32
        %max3A_885 = vector.broadcast %max3A_884 : f32 to vector<16xf32>
        %max3A_886 = arith.maximumf %add3A_883, %max3A_885 : vector<16xf32>
        %add3A_887 = arith.constant 7 : i32
        %add3A_888 = arith.addi %mul3A_287, %add3A_887 : i32
        %swap3A_889 = arith.index_cast %add3A_888 : i32 to index
        %swap3A_890 = arith.constant 48 : index
        %swap3A_891 = tpu.vector_load %arg13[%swap3A_889, %swap3A_890] {strides = array<i32>} : memref<200x64xf32, #tpu.memory_space<vmem>>, vector<1x16xf32>,
        %swap3A_892 = vector.shape_cast %swap3A_891 : vector<1x16xf32> to vector<16xf32>
        %swap3A_893 = vector.shape_cast %max3A_886 : vector<16xf32> to vector<1x16xf32>
        tpu.vector_store %arg13[%swap3A_889, %swap3A_890], %swap3A_893 {strides = array<i32>} : memref<200x64xf32, #tpu.memory_space<vmem>>, vector<1x16xf32>,
        scf.yield %get3A_823, %get3A_842, %get3A_861, %get3A_880 : vector<16xf32>, vector<16xf32>, vector<16xf32>, vector<16xf32>
      }
      %scan3A_266 = arith.constant 25 : i32
      %mul3A_267 = arith.constant 200 : i32
      %mul3A_268 = arith.muli %add3A_239, %mul3A_267 : i32
      %add3A_269 = arith.addi %mul3A_4, %mul3A_268 : i32
      %dma_start3A_270 = arith.constant 0 : i32
      %dma_start3A_271 = tpu.memref_slice %arg6[%add3A_269, %dma_start3A_270] : memref<819200x64xf32, #tpu.memory_space<hbm>> -> memref<200x64xf32, #tpu.memory_space<hbm>>
      %dma_start3A_272 = arith.constant 0 : i32
      %dma_start3A_273 = tpu.memref_slice %arg6[%add3A_269, %dma_start3A_272] : memref<819200x64xf32, #tpu.memory_space<hbm>> -> memref<200x64xf32, #tpu.memory_space<hbm>>
      tpu.enqueue_dma source(%arg13 : memref<200x64xf32, #tpu.memory_space<vmem>>) target(%dma_start3A_273 : memref<200x64xf32, #tpu.memory_space<hbm>>) target_semaphore(%arg21 : memref<!tpu.dma_semaphore, #tpu.memory_space<semaphore_mem>>)
      %add3A_274 = arith.constant 4 : i32
      %add3A_275 = arith.addi %add3A_239, %add3A_274 : i32
      %lt3A_276 = arith.constant 128 : i32
      %lt3A_277 = arith.cmpi slt, %add3A_275, %lt3A_276 : i32
      %convert_element_type3A_278 = arith.extui %lt3A_277 : i1 to i32
      %cond3A_279 = arith.constant 0 : i32
      %cond3A_280 = arith.cmpi ne, %convert_element_type3A_278, %cond3A_279 : i32
      scf.if %cond3A_280 {
        %add3A_281 = arith.constant 4 : i32
        %add3A_282 = arith.addi %add3A_239, %add3A_281 : i32
        %mul3A_283 = arith.constant 200 : i32
        %mul3A_284 = arith.muli %add3A_282, %mul3A_283 : i32
        %dma_start3A_285 = arith.constant 0 : i32
        %dma_start3A_286 = arith.constant 0 : i32
        %dma_start3A_287 = tpu.memref_slice %arg11[%dma_start3A_285, %dma_start3A_286] : memref<200x64xf32, #tpu.memory_space<vmem>> -> memref<128x64xf32, #tpu.memory_space<vmem>>
        %dma_start3A_288 = tpu.memref_slice %arg7[%mul3A_284] : memref<25600xi32, #tpu.memory_space<vmem>> -> memref<128xi32, #tpu.memory_space<vmem>>
        %dma_start3A_289 = arith.constant 0 : i32
        %dma_start3A_290 = arith.constant 0 : i32
        %dma_start3A_291 = tpu.memref_slice %arg3[%dma_start3A_289, %dma_start3A_290] : memref<1000000x64xf32, #tpu.memory_space<hbm>> -> memref<1000000x64xf32, #tpu.memory_space<hbm>>
        tpu.enqueue_indirect_dma source(%dma_start3A_291 : memref<1000000x64xf32, #tpu.memory_space<hbm>>) target(%dma_start3A_287 : memref<128x64xf32, #tpu.memory_space<vmem>>) offsets(%dma_start3A_288 : memref<128xi32, #tpu.memory_space<vmem>>) semaphore(%arg19 : memref<!tpu.dma_semaphore, #tpu.memory_space<semaphore_mem>>)
        %add3A_292 = arith.constant 128 : i32
        %add3A_293 = arith.addi %mul3A_284, %add3A_292 : i32
        %dma_start3A_294 = arith.constant 128 : i32
        %dma_start3A_295 = arith.constant 0 : i32
        %dma_start3A_296 = tpu.memref_slice %arg11[%dma_start3A_294, %dma_start3A_295] : memref<200x64xf32, #tpu.memory_space<vmem>> -> memref<72x64xf32, #tpu.memory_space<vmem>>
        %dma_start3A_297 = tpu.memref_slice %arg7[%add3A_293] : memref<25600xi32, #tpu.memory_space<vmem>> -> memref<72xi32, #tpu.memory_space<vmem>>
        %dma_start3A_298 = arith.constant 0 : i32
        %dma_start3A_299 = arith.constant 0 : i32
        %dma_start3A_300 = tpu.memref_slice %arg3[%dma_start3A_298, %dma_start3A_299] : memref<1000000x64xf32, #tpu.memory_space<hbm>> -> memref<1000000x64xf32, #tpu.memory_space<hbm>>
        tpu.enqueue_indirect_dma source(%dma_start3A_300 : memref<1000000x64xf32, #tpu.memory_space<hbm>>) target(%dma_start3A_296 : memref<72x64xf32, #tpu.memory_space<vmem>>) offsets(%dma_start3A_297 : memref<72xi32, #tpu.memory_space<vmem>>) semaphore(%arg19 : memref<!tpu.dma_semaphore, #tpu.memory_space<semaphore_mem>>)
      } else {
      }
    }
    %scan3A_96 = arith.constant 32 : i32
    %dma_wait3A = arith.constant 0 : i32
    %dma_wait3A_97 = tpu.memref_slice %arg6[%mul3A_4, %dma_wait3A] : memref<819200x64xf32, #tpu.memory_space<hbm>> -> memref<200x64xf32, #tpu.memory_space<hbm>>
    %dma_wait3A_98 = arith.constant 0 : i32
    %dma_wait3A_99 = tpu.memref_slice %arg6[%mul3A_4, %dma_wait3A_98] : memref<819200x64xf32, #tpu.memory_space<hbm>> -> memref<200x64xf32, #tpu.memory_space<hbm>>
    tpu.wait_dma2 semaphore(%arg20 : memref<!tpu.dma_semaphore, #tpu.memory_space<semaphore_mem>>) src(%arg12 : memref<200x64xf32, #tpu.memory_space<vmem>>) dst(%dma_wait3A_99 : memref<200x64xf32, #tpu.memory_space<hbm>>)
    %dma_wait3A_100 = arith.constant 0 : i32
    %dma_wait3A_101 = tpu.memref_slice %arg6[%mul3A_4, %dma_wait3A_100] : memref<819200x64xf32, #tpu.memory_space<hbm>> -> memref<200x64xf32, #tpu.memory_space<hbm>>
    %dma_wait3A_102 = arith.constant 0 : i32
    %dma_wait3A_103 = tpu.memref_slice %arg6[%mul3A_4, %dma_wait3A_102] : memref<819200x64xf32, #tpu.memory_space<hbm>> -> memref<200x64xf32, #tpu.memory_space<hbm>>
    tpu.wait_dma2 semaphore(%arg21 : memref<!tpu.dma_semaphore, #tpu.memory_space<semaphore_mem>>) src(%arg13 : memref<200x64xf32, #tpu.memory_space<vmem>>) dst(%dma_wait3A_103 : memref<200x64xf32, #tpu.memory_space<hbm>>)
    return
  }
}

</mosaic_0001>

<sc_bundles>
// kernel: kernel.3.cloned.1.call-start
scs
__scs_entry_jumppad:
0x0: {  	(pc) =	sbr.rel $0x88, $3  }
0x1: {  	(tag) =	ssettag $0x0;
	lr =	simm.s32 $0x1  }
0x2: {  	[smem:$0x3F9E] =	sst lr;
	_ =	strace $0xD0000000  }
0x3: {  	_ = 	snop  }
0x4: {  	_ = 	snop  }
0x5: {  	_ = 	snop  }
0x6: {  	_ = 	snop  }
0x7: {  	_ = 	snop  }
__scs_overlays_trampoline_lowered:
0x8: {  	[smem:$0x3FAD] =	sst s0  }
0x9: {  	[smem:$0x3FAE] =	sst s1  }
0xa: {  	[smem:$0x3FAF] =	sst s2  }
0xb: {  	[smem:$0x3FB0] =	sst s3  }
0xc: {  	[smem:$0x3FB1] =	sst s4  }
0xd: {  	[smem:$0x3FB2] =	sst s5  }
0xe: {  	[smem:$0x3FB3] =	sst s6  }
0xf: {  	[smem:$0x3FB4] =	sst s7  }
0x10: {  	[smem:$0x3FB5] =	sst s8  }
0x11: {  	[smem:$0x3FB6] =	sst s9;
	s0 =	simm.s32 @!p0 $0x0  }
0x12: {  	s1 =	sld [smem:$0x3F9C];
	s0 =	simm.s32 @p0 $0x1  }
0x13: {  	[smem:$0x3FB7] =	sst s0;
	s0 =	simm.s32 @!p1 $0x0  }
0x14: {  	s2 =	sld [smem:$0x3F9B];
	s0 =	simm.s32 @p1 $0x1  }
0x15: {  	[smem:$0x3FB8] =	sst s0;
	s0 =	simm.s32 @!p2 $0x0  }
0x16: {  	s3 =	sld [smem:$0x3FDB];
	s0 =	simm.s32 @p2 $0x1  }
0x17: {  	s4 =	simm.s32 $0x1BF5;
	[smem:$0x3FBA] =	sst s0  }
0x18: {  	s0 =	sld [smem:$0x3F9D];
	_ =	swait.ge [sflag:s4], $0x0  }
0x19: {  	s7 =	sld [smem:$0x3F9E]  }
0x1a: {  	s8 =	sadd.s32 $0xFFFFE003, lr  }
0x1b: {  	s9 =	sadd.s32 $0xFFFFFEF7, lr;
	s5 =	simm.s32 $0xFFFFFFFF;
	p2 =	slt.u32 s8, $0xFFFFF086  }
0x1c: {  	p1 =	slt.u32 s9, $0xF7A;
	s5 =	simm.s32 @!p2 $0x0  }
0x1d: {  	s5 =	simm.s32 @p1 $0x1;
	p0 =	seq.s32 s7, s2  }
0x1e: {  	s7 =	smul.u32 @!p0 $0xF7A, s2;
	p2 =	seq.s32 @!p0 s5, $0x0  }
0x1f: {  	s9 =	smul.u32 $0xF7A, s1;
	s8 =	simm.s32 @!p0 $0x1BF5;
	p2 =	por !p2, p0  }
0x20: {  	[sflag:s8] =	ssyncset.s32 @!p0 $0xFFFFF086;
	s6 =	sadd.s32 @!p0 s3, s7;
	s7 =	simm.s32 @!p0 $0x108  }
0x21: {  	s3 =	sadd.s32 s3, s9;
	s6 =	sadd.s32 @!p0 $0x88, s6;
	s7 =	simm.s32 @p2 $0x1082  }
0x22: {  	[simem:s7], [sflag:s8] =	dma.local @!p0 [hbm:s6], $0xF7A  }
0x23: {  	s9 =	sor.u32 $0xD0000000, s2;
	s6 =	simm.s32 $0x108;
	_ =	swait.ge @!p0 [sflag:s8], $0x0  }
0x24: {  	s3 =	sadd.s32 $0x88, s3;
	s6 =	simm.s32 @!p1 $0x1082;
	[sflag:s4] =	ssyncset.s32 $0xFFFFF086  }
0x25: {  	[simem:s6], [sflag:s4] =	dma.local [hbm:s3], $0xF7A  }
0x26: {  	[smem:$0x3F9E] =	sst s1;
	(tag) =	ssettag s2;
	_ =	strace s9  }
0x27: {  	s1 =	sld [smem:$0x3FAE]  }
0x28: {  	s2 =	sld [smem:$0x3FAF]  }
0x29: {  	s4 =	sld [smem:$0x3FB1]  }
0x2a: {  	p0 =	seq.s32 s5, $0x0;
	s5 =	sld [smem:$0x3FB2]  }
0x2b: {  	s6 =	sld [smem:$0x3FB3]  }
0x2c: {  	s7 =	sld [smem:$0x3FB4]  }
0x2d: {  	s3 =	simm.s32 $0x108;
	s8 =	sld [smem:$0x3FB5]  }
0x2e: {  	s3 =	simm.s32 @!p0 $0x1082;
	s9 =	sld [smem:$0x3FB6]  }
0x2f: {  	lr =	sadd.s32 s0, s3;
	s0 =	sld [smem:$0x3FAD]  }
0x30: {  	s3 =	sld [smem:$0x3FB0]  }
0x31: {  	[smem:$0x3FB9] =	sst s10  }
0x32: {  	s10 =	sld [smem:$0x3FB7];
	_ =	sdelay $0x3  }
0x33: {  	p0 =	seq.s32 s10, $0x1;
	s10 =	sld [smem:$0x3FB9];
	_ =	sdelay $0x3  }
0x34: {  	[smem:$0x3FB9] =	sst s10  }
0x35: {  	s10 =	sld [smem:$0x3FB8];
	_ =	sdelay $0x3  }
0x36: {  	p1 =	seq.s32 s10, $0x1;
	s10 =	sld [smem:$0x3FB9];
	_ =	sdelay $0x3  }
0x37: {  	[smem:$0x3FB9] =	sst s10  }
0x38: {  	s10 =	sld [smem:$0x3FBA]  }
0x39: {  	_ = 	snop;
	(pc) =	sbr.ind lr, $3  }
0x3a: {  	_ = 	snop  }
0x3b: {  	_ = 	snop  }
0x3c: {  	p2 =	seq.s32 s10, $0x1;
	s10 =	sld [smem:$0x3FB9]  }
0x3d: {  	_ =	shalt  }
0x3e: {  	_ =	shalt  }
0x3f: {  	_ =	shalt  }
0x40: {  	_ =	shalt  }
0x41: {  	_ =	shalt  }
0x42: {  	_ =	shalt  }
0x43: {  	_ =	shalt  }
0x44: {  	_ =	shalt  }
0x45: {  	_ =	shalt  }
0x46: {  	_ =	shalt  }
0x47: {  	_ =	shalt  }
0x48: {  	_ =	shalt  }
0x49: {  	_ =	shalt  }
0x4a: {  	_ =	shalt  }
0x4b: {  	_ =	shalt  }
0x4c: {  	_ =	shalt  }
0x4d: {  	_ =	shalt  }
0x4e: {  	_ =	shalt  }
0x4f: {  	_ =	shalt  }
0x50: {  	_ =	shalt  }
0x51: {  	_ =	shalt  }
0x52: {  	_ =	shalt  }
0x53: {  	_ =	shalt  }
0x54: {  	_ =	shalt  }
0x55: {  	_ =	shalt  }
0x56: {  	_ =	shalt  }
0x57: {  	_ =	shalt  }
0x58: {  	_ =	shalt  }
0x59: {  	_ =	shalt  }
0x5a: {  	_ =	shalt  }
0x5b: {  	_ =	shalt  }
0x5c: {  	_ =	shalt  }
0x5d: {  	_ =	shalt  }
0x5e: {  	_ =	shalt  }
0x5f: {  	_ =	shalt  }
0x60: {  	_ =	shalt  }
0x61: {  	_ =	shalt  }
0x62: {  	_ =	shalt  }
0x63: {  	_ =	shalt  }
0x64: {  	_ =	shalt  }
0x65: {  	_ =	shalt  }
0x66: {  	_ =	shalt  }
0x67: {  	_ =	shalt  }
0x68: {  	_ =	shalt  }
0x69: {  	_ =	shalt  }
0x6a: {  	_ =	shalt  }
0x6b: {  	_ =	shalt  }
0x6c: {  	_ =	shalt  }
0x6d: {  	_ =	shalt  }
0x6e: {  	_ =	shalt  }
0x6f: {  	_ =	shalt  }
0x70: {  	_ =	shalt  }
0x71: {  	_ =	shalt  }
0x72: {  	_ =	shalt  }
0x73: {  	_ =	shalt  }
0x74: {  	_ =	shalt  }
0x75: {  	_ =	shalt  }
0x76: {  	_ =	shalt  }
0x77: {  	_ =	shalt  }
0x78: {  	_ =	shalt  }
0x79: {  	_ =	shalt  }
0x7a: {  	_ =	shalt  }
0x7b: {  	_ =	shalt  }
0x7c: {  	_ =	shalt  }
0x7d: {  	_ =	shalt  }
0x7e: {  	_ =	shalt  }
0x7f: {  	_ =	shalt  }
0x80: {  	_ =	shalt  }
0x81: {  	_ =	shalt  }
0x82: {  	_ =	shalt  }
0x83: {  	_ =	shalt  }
0x84: {  	_ =	shalt  }
0x85: {  	_ =	shalt  }
0x86: {  	_ =	shalt  }
0x87: {  	_ =	shalt  }
.Lfunc_end0:
.L_simem_size_0:
called_computation.1_lowered:
.L_overlay_start_0:
0x88: {  	s2 =	sld [smem:$0x3FD9]  }
0x89: {  	s3 =	sld [smem:$0x3FFE];
	_ =	sdelay $0x1  }
0x8a: {  	s1 =	srdreg.scid  }
0x8b: {  	s0 =	sand.u32 $0x1, s1  }
0x8c: {  	s17 =	sshll.u32 s0, $0xA;
	s2 =	sadd.s32 s3, s2  }
0x8d: {  	s2 =	sadd.s32 s2, s17  }
0x8e: {  	[smem:$0x3FC5] =	sst s2  }
0x8f: {  	_ = 	snop  }
0x90: {  	s2 =	sld [smem:$0x3FD0];
	(tm) =	ssettm $0x1  }
0x91: {  	s18 =	sld [smem:$0x3FFB];
	_ =	sdelay $0x3  }
0x92: {  	_ =	strace s18  }
0x93: {  	s3 =	sld [smem:$0x3FFC];
	_ =	sdelay $0x3  }
0x94: {  	_ =	strace s3  }
0x95: {  	s3 =	sld [smem:$0x3FFD];
	_ =	sdelay $0x3  }
0x96: {  	_ =	strace s3  }
0x97: {  	_ =	strace $0x8FFFFFFF  }
0x98: {  	s19 =	sld [smem:$0x3FDB];
	_ =	sdelay $0x1  }
0x99: {  	s4 =	simm.s32 $_scs_section_size  }
0x9a: {  	s5 =	simm.s32 $_size__tile_overlayer_lowered;
	s6 =	simm.s32 $_tile_overlayer_lowered  }
0x9b: {  	s22 =	simm.s32 $0x1BFF;
	s21 =	sshll.u32 s6, $0x1;
	s3 =	sadd.s32 s4, s19  }
0x9c: {  	s7 =	simm.s32 $0x0;
	s20 =	sshll.u32 s5, $0x1;
	s5 =	sadd.s32 s21, s3  }
0x9d: {  	[timem:s7], [sflag:s22] =	dma.local [hbm:s5], s20  }
0x9e: {  	_ =	swait.ge [sflag:s22], s20  }
0x9f: {  	s4 =	ssub.s32 $0x0, s20;
	[sflag:s22] =	ssyncset.done $0x0  }
0xa0: {  	[sflag:s22] =	ssyncadd.s32 s4;
	_ =	sdelay $0x1  }
0xa1: {  	s23 =	simm.s32 $0x1B8B  }
0xa2: {  	_ =	swait.ge [sflag:s23], $0x1  }
0xa3: {  	[sflag:s23] =	ssyncset.done $0x0  }
0xa4: {  	s25 =	simm.s32 $0x1B8E;
	s24 =	sld [smem:$0x3FFE];
	[sflag:s23] =	ssyncadd.s32 $0xFFFFFFFF  }
0xa5: {  	s26 =	simm.s32 $execute0_lowered;
	[smem:$0x3FD2] =	sst s25  }
0xa6: {  	s5 =	sshll.u32 s26, $0x1;
	_ =	strace $0x80000046;
	[dreg:$0x1] =	wrdreg $0xFFFFFFFF  }
0xa7: {  	s28 =	simm.s32 $_size_execute0_lowered;
	s3 =	sadd.s32 s3, s5;
	[dreg:$0x0] =	wrdreg $0x0  }
0xa8: {  	s5 =	sshll.u32 s28, $0x1;
	[dreg:$0x2] =	wrdreg s3  }
0xa9: {  	[dreg:$0x3] =	wrdreg s5  }
0xaa: {  	[dreg:$0x4] =	wrdreg $0xC0  }
0xab: {  	_ =	task [dreg:s7], $0x5FFFF  }
0xac: {  	[dreg:$0x1] =	wrdreg $0xFFFFFFFF  }
0xad: {  	[dreg:$0x0] =	wrdreg $0x60  }
0xae: {  	[dreg:$0x2] =	wrdreg s24  }
0xaf: {  	[dreg:$0x3] =	wrdreg s2  }
0xb0: {  	[dreg:$0x4] =	wrdreg $0x9  }
0xb1: {  	_ =	task.clear_ibuf [dreg:s7], $0x5FFFF;
	_ =	strace $0x90000046  }
0xb2: {  	s29 =	simm.s32 $0x9;
	_ =	strace $0x80000048  }
0xb3: {  	_ =	swait.ge [sflag:s29], $0x1  }
0xb4: {  	[sflag:s29] =	ssyncadd.s32 $0xFFFFFFFF  }
0xb5: {  	_ =	strace $0x90000048  }
0xb6: {  	_ =	sfence  }
0xb7: {  	s30 =	sld [smem:$0x0];
	_ =	sdelay $0x2  }
0xb8: {  	s31 =	sshll.u32 s1, $0xD;
	s1 =	sshrl.u32 s1, $0x2  }
0xb9: {  	s3 =	sand.u32 $0x4000, s31;
	s1 =	sadd.s32 s1, s30  }
0xba: {  	s0 =	sor.u32 s3, s0;
	s1 =	sshll.u32 s1, $0x11  }
0xbb: {  	s0 =	sor.u32 s1, s0  }
0xbc: {  	s0 =	sadd.s32 $0x8F2B, s0  }
0xbd: {  	[sflag:s0] =	ssyncadd.remote.s32 $0x1  }
0xbe: {  	_ =	sfence.sel $0xFFFF  }
0xbf: {  	[dreg:$0x0] =	wrdreg $0xFFFFFFFF;
	(pc) =	sbr.abs _section_cstart, $3  }
0xc0: {  	[dreg:$0x1] =	wrdreg $0xFFFFFFFF  }
0xc1: {  	_ =	task.clear_ibuf [dreg:s7], $0x2FFFF;
	_ =	strace $0x9FFFFFFF  }
0xc2: {  	(tm) =	ssettm $0x7FFFFFFF  }
0xc3: {  	_ =	shalt  }
tec
execute0_lowered:
.L_overlay_start_1:
0x0: {  	(tag) =	ssettag $0x1  }
0x1: {  	s0 =	srdreg.scid  }
0x2: {  	s2 =	stileid.u32;
	s1 =	rddreg [dreg:$0x0];
	s14 =	simm.s32 $0x7  }
0x3: {  	s16 =	simm.s32 $0x80;
	s18 =	simm.s32 $0x48;
	s30 =	simm.s32 $0xFA00  }
0x4: {  	s31 =	simm.s32 $0x2D8;
	s13 =	simm.s32 $0x12C00;
	s15 =	simm.s32 $0x2  }
0x5: {  	s17 =	simm.s32 $0x15E00;
	s19 =	simm.s32 $0x3;
	s20 =	simm.s32 $0x5  }
0x6: {  	s21 =	simm.s32 $0x4;
	s22 =	simm.s32 $0x6;
	s23 =	simm.s32 $0x0  }
0x7: {  	s0 =	sand.u32 $0x1, s0;
	s3 =	sshll.u32 s2, $0x1;
	s2 =	rddreg [dreg:$0x1]  }
0x8: {  	s6 =	sadd.s32 $0xE00, s1;
	s7 =	sadd.s32 $0xC00, s1;
	s4 =	sor.u32 s0, s3  }
0x9: {  	s3 =	simm.s32 $0x0;
	s0 =	ssub.s32 $0x2, s0;
	s4 =	smul.u32 $0x6400, s4  }
.Ltmp0:
0xa: {  	[smem:$0x7FF] =	sst s3;
	s9 =	sshrl.u32 s0, $0x1;
	(pc) =	sbr.rel .LBB2_1-.Ltmp0, $4  }
0xb: {  	_ =	strace $0x80000047;
	s0 =	ssub.s32 s0, s9;
	s5 =	sshrl.u32 s4, $0x3  }
0xc: {  	s9 =	sor.u32 $0xC8, s4;
	s10 =	sor.u32 $0x190, s4;
	s11 =	sor.u32 $0x258, s4  }
0xd: {  	s12 =	smax.u32 s0, $0x1;
	s0 =	simm.s32 $0x1;
	s8 =	sadd.s32 s5, s1  }
0xe: {  	s5 =	sadd.s32 $0xF43400, s1;
	s1 =	simm.s32 $0x11A00;
	s8 =	sadd.s32 $0x1000, s8  }
.LBB2_12:
0xf: {  	s23 =	sadd.s32 $0x1, s23  }
0x10: {  	_ =	swait.ge [sflag:s20], $0x3200;
	p0 =	sne.s32 s23, s12  }
.Ltmp1:
0x11: {  	[sflag:s20] =	ssyncset.done $0x0;
	(pc) =	sbr.rel @!p0 .LBB2_13-.Ltmp1, $4  }
0x12: {  	[sflag:s20] =	ssyncadd.s32 $0xFFFFCE00  }
0x13: {  	_ =	swait.ge [sflag:s22], $0x3200  }
0x14: {  	[sflag:s22] =	ssyncset.done $0x0  }
0x15: {  	[sflag:s22] =	ssyncadd.s32 $0xFFFFCE00  }
.LBB2_1:
0x16: {  	s24 =	simm.s32 $0x19000  }
0x17: {  	[tilespmem:s24], [sflag:$0x7] =	stream.linear.gather [hbm4b:s6+s3], $0x40, $0x38;
	[tilespmem:$0x19080] =	vst v63  }
0x18: {  	_ =	swait.ge [sflag:s14], $0x40  }
0x19: {  	[sflag:s14] =	ssyncset.done $0x0  }
0x1a: {  	s25 =	simm.s32 $0x19040;
	[sflag:s14] =	ssyncadd.s32 $0xFFFFFFC0  }
0x1b: {  	[tilespmem:s25], [sflag:$0x7] =	stream.linear.gather [hbm4b:s7+s3], $0x40, $0x38;
	[tilespmem:$0x19080] =	vst v63  }
0x1c: {  	_ =	swait.ge [sflag:s14], $0x40  }
0x1d: {  	[sflag:s14] =	ssyncset.done $0x0  }
0x1e: {  	[sflag:s14] =	ssyncadd.s32 $0xFFFFFFC0  }
0x1f: {  	[tilespmem:s3], [sflag:$0x7] =	stream.linear.gather [hbm4b:s8+s3], $0x6400, $0x38;
	[tilespmem:$0x19080] =	vst v63  }
0x20: {  	_ =	swait.ge [sflag:s14], $0x6400  }
0x21: {  	[sflag:s14] =	ssyncset.done $0x0  }
0x22: {  	[sflag:s14] =	ssyncadd.s32 $0xFFFF9C00  }
0x23: {  	v0 =	vld [tilespmem:$0x19000]  }
0x24: {  	v1 =	vld [tilespmem:$0x19010]  }
0x25: {  	v2 =	vld [tilespmem:$0x19020]  }
0x26: {  	v3 =	vld [tilespmem:$0x19030]  }
0x27: {  	v4 =	vld [tilespmem:$0x19040]  }
0x28: {  	v5 =	vld [tilespmem:$0x19050]  }
0x29: {  	s26 =	simm.s32 $0x6400;
	v6 =	vld [tilespmem:$0x19060]  }
0x2a: {  	v7 =	vld [tilespmem:$0x19070];
	[tilespmem:s26], [sflag:$0x1] =	stream.indirect.gather [hbm4b:s5+s16], $0x40, s3, s16, $0xb8  }
0x2b: {  	s28 =	simm.s32 $0x8400  }
0x2c: {  	[tilespmem:s28], [sflag:$0x1] =	stream.indirect.gather [hbm4b:s5+s18], $0x40, s16, s18, $0xb8;
	[tilespmem:$0x19080] =	vst v63  }
0x2d: {  	s29 =	simm.s32 $0xC8;
	s25 =	simm.s32 $0x9600  }
0x2e: {  	[tilespmem:s25], [sflag:$0x2] =	stream.indirect.gather [hbm4b:s5+s16], $0x40, s29, s16, $0xb8;
	[tilespmem:$0x19080] =	vst v63  }
0x2f: {  	s26 =	simm.s32 $0xB600;
	s25 =	simm.s32 $0x148  }
0x30: {  	[tilespmem:s26], [sflag:$0x2] =	stream.indirect.gather [hbm4b:s5+s18], $0x40, s25, s18, $0xb8;
	[tilespmem:$0x19080] =	vst v63  }
0x31: {  	s28 =	simm.s32 $0x190;
	s29 =	simm.s32 $0xC800  }
0x32: {  	[tilespmem:s29], [sflag:$0x3] =	stream.indirect.gather [hbm4b:s5+s16], $0x40, s28, s16, $0xb8;
	[tilespmem:$0x19080] =	vst v63  }
0x33: {  	s26 =	simm.s32 $0x210;
	s28 =	simm.s32 $0xE800  }
0x34: {  	[tilespmem:s28], [sflag:$0x3] =	stream.indirect.gather [hbm4b:s5+s18], $0x40, s26, s18, $0xb8;
	[tilespmem:$0x19080] =	vst v63  }
0x35: {  	s29 =	simm.s32 $0x258  }
0x36: {  	[tilespmem:s30], [sflag:$0x4] =	stream.indirect.gather [hbm4b:s5+s16], $0x40, s29, s16, $0xb8;
	[tilespmem:$0x19080] =	vst v63  }
0x37: {  	s24 =	simm.s32 $0x0  }
0x38: {  	[tilespmem:s1], [sflag:$0x4] =	stream.indirect.gather [hbm4b:s5+s18], $0x40, s31, s18, $0xb8;
	[tilespmem:$0x19080] =	vst v63  }
.LBB2_2:
0x39: {  	_ =	swait.ge [sflag:s0], $0x2000  }
0x3a: {  	[sflag:s0] =	ssyncset.done $0x0  }
0x3b: {  	[sflag:s0] =	ssyncadd.s32 $0xFFFFE000  }
0x3c: {  	_ =	swait.ge [sflag:s0], $0x1200  }
0x3d: {  	p1 =	seq.s32 s24, $0x0;
	[sflag:s0] =	ssyncset.done $0x0  }
0x3e: {  	s25 =	simm.s32 @!p1 $0x5;
	[sflag:s0] =	ssyncadd.s32 $0xFFFFEE00  }
0x3f: {  	_ =	swait.ge @!p1 [sflag:s25], $0x3200  }
0x40: {  	[sflag:s25] =	ssyncset.done @!p1 $0x0  }
0x41: {  	[sflag:s25] =	ssyncadd.s32 @!p1 $0xFFFFCE00;
	s25 =	simm.s32 $0x0  }
0x42: {  	v9 =	vld [tilespmem:s25+$0x65B0]  }
0x43: {  	v8 =	vld [tilespmem:s25+$0x65F0]  }
0x44: {  	v10 =	vld [tilespmem:s25+$0x6400]  }
0x45: {  	v11 =	vimm.f32 $0.0e+00;
	v12 =	vld [tilespmem:s25+$0x6410]  }
0x46: {  	v13 =	vmul.f32 v11, v0;
	v17 =	vld [tilespmem:s25+$0x6430]  }
0x47: {  	v15 =	vmul.f32 v11, v1;
	v16 =	vmul.f32 v11, v2;
	v47 =	vld [tilespmem:s25+$0x65C0]  }
0x48: {  	v11 =	vmul.f32 v11, v3;
	v49 =	vld [tilespmem:s25+$0x65E0];
	v22 =	vmul.f32 v9, v7  }
0x49: {  	v14 =	vld [tilespmem:s25+$0x6420];
	v19 =	vmul.f32 v8, v7;
	v9 =	vmul.f32 v9, v3  }
0x4a: {  	v18 =	vld [tilespmem:s25+$0x6440];
	v21 =	vmul.f32 v10, v4;
	v10 =	vmul.f32 v10, v0  }
0x4b: {  	v23 =	vld [tilespmem:s25+$0x6460];
	v24 =	vmul.f32 v12, v5;
	v12 =	vmul.f32 v12, v1  }
0x4c: {  	v25 =	vmul.f32 v17, v7;
	v17 =	vmul.f32 v17, v3  }
0x4d: {  	v20 =	vld [tilespmem:s25+$0x6450];
	v62 =	vmul.f32 v47, v4;
	v63 =	vmul.f32 v49, v6  }
0x4e: {  	v27 =	vld [tilespmem:s25+$0x6490];
	v8 =	vmul.f32 v8, v3;
	v9 =	vadd.f32 v19, v9;
	v26 =	vadd.f32 v21, v13  }
0x4f: {  	v13 =	vmul.f32 v14, v6;
	v14 =	vmul.f32 v14, v2;
	v28 =	vadd.f32 v24, v15  }
0x50: {  	v19 =	vld [tilespmem:s25+$0x6470];
	v15 =	vmul.f32 v18, v4;
	v30 =	vadd.f32 v25, v11;
	v11 =	vmul.f32 v23, v6  }
0x51: {  	v21 =	vld [tilespmem:s25+$0x6480];
	v18 =	vmul.f32 v18, v0;
	v9 =	vmax.f32 v9, $0.0e+00;
	v29 =	vadd.f32 v13, v16  }
0x52: {  	v24 =	vld [tilespmem:s25+$0x64D0];
	v13 =	vmul.f32 v20, v1;
	v31 =	vadd.f32 v15, v10;
	v32 =	vadd.f32 v11, v14  }
0x53: {  	v16 =	vld [tilespmem:s25+$0x64A0];
	v11 =	vmul.f32 v27, v5;
	v14 =	vmul.f32 v27, v1;
	v28 =	vmax.f32 v28, $0.0e+00  }
0x54: {  	v30 =	vmax.f32 v30, $0.0e+00;
	[tilespmem:s25+$0x12DF0] =	vst v9;
	v9 =	vmul.f32 v20, v5;
	v20 =	vmul.f32 v23, v2;
	v23 =	vld [tilespmem:s25+$0x64B0]  }
0x55: {  	v25 =	vld [tilespmem:s25+$0x64E0];
	v35 =	vadd.f32 v11, v13;
	v29 =	vmax.f32 v29, $0.0e+00;
	v31 =	vmax.f32 v31, $0.0e+00  }
0x56: {  	v10 =	vmul.f32 v19, v7;
	v15 =	vmul.f32 v19, v3;
	v19 =	vld [tilespmem:s25+$0x64C0];
	v12 =	vadd.f32 v9, v12  }
0x57: {  	v27 =	vld [tilespmem:s25+$0x6550];
	v9 =	vmul.f32 v21, v4;
	v21 =	vmul.f32 v21, v0;
	v35 =	vmax.f32 v35, $0.0e+00  }
0x58: {  	v33 =	vadd.f32 v10, v17;
	v10 =	vmul.f32 v16, v6;
	v16 =	vmul.f32 v16, v2;
	v17 =	vld [tilespmem:s25+$0x64F0]  }
0x59: {  	v34 =	vadd.f32 v9, v18;
	v9 =	vmul.f32 v23, v7;
	v18 =	vmul.f32 v23, v3;
	v23 =	vld [tilespmem:s25+$0x6500]  }
0x5a: {  	v40 =	vadd.f32 v10, v20;
	v10 =	vmul.f32 v24, v5;
	v20 =	vmul.f32 v24, v1;
	v24 =	vld [tilespmem:s25+$0x6520]  }
0x5b: {  	v11 =	vmul.f32 v19, v4;
	v13 =	vmul.f32 v19, v0;
	v19 =	vld [tilespmem:s25+$0x6510];
	v41 =	vadd.f32 v9, v15  }
0x5c: {  	v9 =	vmul.f32 v25, v6;
	v15 =	vmul.f32 v25, v2;
	v25 =	vld [tilespmem:s25+$0x6530];
	v43 =	vadd.f32 v10, v14  }
0x5d: {  	v42 =	vadd.f32 v11, v21;
	v11 =	vmul.f32 v17, v7;
	v17 =	vmul.f32 v17, v3;
	v21 =	vld [tilespmem:s25+$0x6540]  }
0x5e: {  	v44 =	vadd.f32 v9, v16;
	v10 =	vmul.f32 v23, v4;
	v23 =	vmul.f32 v23, v0  }
0x5f: {  	v36 =	vld [tilespmem:s25+$0x6570];
	v45 =	vadd.f32 v11, v18;
	v11 =	vmul.f32 v24, v6;
	v24 =	vmul.f32 v24, v2  }
0x60: {  	v9 =	vmul.f32 v19, v5;
	v16 =	vmul.f32 v19, v1;
	v19 =	vld [tilespmem:s25+$0x6560];
	v13 =	vadd.f32 v10, v13  }
0x61: {  	v37 =	vld [tilespmem:s25+$0x6580];
	v10 =	vmul.f32 v25, v7;
	v25 =	vmul.f32 v25, v3;
	v15 =	vadd.f32 v11, v15  }
0x62: {  	v11 =	vmul.f32 v27, v5;
	v14 =	vadd.f32 v9, v20;
	v9 =	vmul.f32 v21, v4  }
0x63: {  	[tilespmem:s25+$0x12C20] =	vst v29;
	v29 =	vmax.f32 v44, $0.0e+00;
	v27 =	vmul.f32 v27, v1;
	v38 =	vmul.f32 v21, v0;
	v21 =	vld [tilespmem:s25+$0x6590]  }
0x64: {  	v39 =	vld [tilespmem:s25+$0x65A0];
	[tilespmem:s25+$0x12C30] =	vst v30;
	v30 =	vmax.f32 v45, $0.0e+00;
	v18 =	vadd.f32 v9, v23;
	v9 =	vmul.f32 v36, v7  }
0x65: {  	v48 =	vld [tilespmem:s25+$0x65D0];
	v17 =	vadd.f32 v10, v17;
	v36 =	vmul.f32 v36, v3;
	v10 =	vmul.f32 v19, v6  }
0x66: {  	v46 =	vmul.f32 v19, v2;
	v19 =	vadd.f32 v11, v16;
	v16 =	vmul.f32 v37, v4  }
0x67: {  	v37 =	vmul.f32 v37, v0;
	v11 =	vmul.f32 v47, v0;
	v20 =	vadd.f32 v10, v24  }
0x68: {  	v24 =	vmul.f32 v21, v5;
	v50 =	vmul.f32 v21, v1;
	v21 =	vadd.f32 v9, v25  }
0x69: {  	v25 =	vmul.f32 v39, v6;
	v39 =	vmul.f32 v39, v2;
	v23 =	vadd.f32 v16, v38  }
0x6a: {  	v10 =	vmul.f32 v48, v1;
	v9 =	vmul.f32 v49, v2;
	v16 =	vadd.f32 v22, v36  }
0x6b: {  	v22 =	vmax.f32 v26, $0.0e+00;
	v26 =	vadd.f32 v62, v37;
	v38 =	vmax.f32 v32, $0.0e+00  }
0x6c: {  	v37 =	vmax.f32 v33, $0.0e+00;
	v36 =	vmax.f32 v34, $0.0e+00;
	v34 =	vmax.f32 v40, $0.0e+00  }
0x6d: {  	[tilespmem:s25+$0x12C10] =	vst v28;
	v33 =	vmax.f32 v41, $0.0e+00;
	v24 =	vadd.f32 v24, v27;
	v27 =	vmul.f32 v48, v5  }
0x6e: {  	s26 =	simm.s32 $0x200;
	v32 =	vmax.f32 v42, $0.0e+00;
	[tilespmem:s25+$0x12C00] =	vst v22;
	v25 =	vadd.f32 v25, v46;
	v22 =	vadd.f32 v63, v39  }
0x6f: {  	s28 =	simm.s32 $0x1000;
	v39 =	vmax.f32 v12, $0.0e+00;
	v28 =	vld [tilespmem:s26+$0x65B0];
	[tilespmem:s25+$0x12C40] =	vst v31;
	v31 =	vmax.f32 v43, $0.0e+00;
	v27 =	vadd.f32 v27, v50  }
.LBB2_3:
0x70: {  	p0 =	sne.s32 s28, $0xC000;
	v12 =	vld [tilespmem:s26+$0x65F0];
	[tilespmem:s25+$0x12C50] =	vst v39;
	v13 =	vmax.f32 v13, $0.0e+00;
	v14 =	vmax.f32 v14, $0.0e+00;
	v15 =	vmax.f32 v15, $0.0e+00  }
0x71: {  	v17 =	vmax.f32 v17, $0.0e+00;
	v18 =	vmax.f32 v18, $0.0e+00;
	v19 =	vmax.f32 v19, $0.0e+00;
	v39 =	vld [tilespmem:s26+$0x6400];
	[tilespmem:s25+$0x12C60] =	vst v38  }
0x72: {  	v20 =	vmax.f32 v20, $0.0e+00;
	v21 =	vmax.f32 v21, $0.0e+00;
	v23 =	vmax.f32 v23, $0.0e+00;
	v38 =	vld [tilespmem:s26+$0x6410];
	[tilespmem:s25+$0x12C70] =	vst v37  }
0x73: {  	v24 =	vmax.f32 v24, $0.0e+00;
	v25 =	vmax.f32 v25, $0.0e+00;
	v37 =	vld [tilespmem:s26+$0x6420];
	[tilespmem:s25+$0x12C80] =	vst v36;
	v36 =	vmax.f32 v16, $0.0e+00  }
0x74: {  	v26 =	vmax.f32 v26, $0.0e+00;
	v27 =	vmax.f32 v27, $0.0e+00;
	v40 =	vld [tilespmem:s26+$0x6430];
	v16 =	vmul.f32 v28, v7;
	[tilespmem:s25+$0x12C90] =	vst v35  }
0x75: {  	v28 =	vmul.f32 v28, v3;
	v35 =	vld [tilespmem:s26+$0x6440];
	v41 =	vmul.f32 v12, v7;
	[tilespmem:s25+$0x12CA0] =	vst v34;
	v34 =	vmax.f32 v22, $0.0e+00  }
0x76: {  	v22 =	vmul.f32 v39, v4;
	v39 =	vmul.f32 v39, v0;
	v42 =	vld [tilespmem:s26+$0x6450];
	[tilespmem:s25+$0x12CB0] =	vst v33  }
0x77: {  	v33 =	vmul.f32 v38, v5;
	v38 =	vmul.f32 v38, v1;
	v43 =	vld [tilespmem:s26+$0x6460];
	v28 =	vadd.f32 v41, v28;
	[tilespmem:s25+$0x12CC0] =	vst v32  }
0x78: {  	v22 =	vadd.f32 v22, v11;
	v11 =	vmul.f32 v37, v6;
	v37 =	vmul.f32 v37, v2;
	v32 =	vld [tilespmem:s26+$0x6470];
	[tilespmem:s25+$0x12CD0] =	vst v31  }
0x79: {  	v31 =	vmul.f32 v40, v7;
	v40 =	vmul.f32 v40, v3;
	v41 =	vld [tilespmem:s26+$0x6480];
	v44 =	vmax.f32 v28, $0.0e+00;
	[tilespmem:s25+$0x12CE0] =	vst v29  }
0x7a: {  	v28 =	vadd.f32 v33, v10;
	v10 =	vmul.f32 v35, v4;
	v35 =	vmul.f32 v35, v0;
	v45 =	vld [tilespmem:s26+$0x6490];
	[tilespmem:s26+$0x12DF0] =	vst v44  }
0x7b: {  	v29 =	vadd.f32 v11, v9;
	v9 =	vmul.f32 v42, v5;
	v11 =	vmul.f32 v42, v1;
	v42 =	vld [tilespmem:s26+$0x64A0];
	[tilespmem:s25+$0x12CF0] =	vst v30  }
0x7c: {  	v30 =	vadd.f32 v31, v8;
	v8 =	vmul.f32 v43, v6;
	v43 =	vmul.f32 v43, v2;
	v44 =	vld [tilespmem:s26+$0x64B0];
	[tilespmem:s25+$0x12D00] =	vst v13  }
0x7d: {  	v31 =	vadd.f32 v10, v39;
	v10 =	vmul.f32 v32, v7;
	v13 =	vmul.f32 v32, v3;
	v39 =	vld [tilespmem:s26+$0x64C0];
	[tilespmem:s25+$0x12D10] =	vst v14  }
0x7e: {  	v32 =	vadd.f32 v9, v38;
	v9 =	vmul.f32 v41, v4;
	v14 =	vmul.f32 v41, v0;
	v38 =	vld [tilespmem:s26+$0x64D0];
	[tilespmem:s25+$0x12D20] =	vst v15  }
0x7f: {  	v33 =	vadd.f32 v8, v37;
	v8 =	vmul.f32 v45, v5;
	v15 =	vmul.f32 v45, v1;
	v37 =	vld [tilespmem:s26+$0x64E0];
	[tilespmem:s25+$0x12D30] =	vst v17  }
0x80: {  	v40 =	vadd.f32 v10, v40;
	v10 =	vmul.f32 v42, v6;
	v17 =	vmul.f32 v42, v2;
	v41 =	vld [tilespmem:s26+$0x64F0];
	[tilespmem:s25+$0x12D40] =	vst v18  }
0x81: {  	v35 =	vadd.f32 v9, v35;
	v9 =	vmul.f32 v44, v7;
	v18 =	vmul.f32 v44, v3;
	v42 =	vld [tilespmem:s26+$0x6500];
	[tilespmem:s25+$0x12D50] =	vst v19  }
0x82: {  	v44 =	vadd.f32 v8, v11;
	v8 =	vmul.f32 v39, v4;
	v11 =	vmul.f32 v39, v0;
	v19 =	vld [tilespmem:s26+$0x6510];
	[tilespmem:s25+$0x12D60] =	vst v20  }
0x83: {  	v43 =	vadd.f32 v10, v43;
	v10 =	vmul.f32 v38, v5;
	v20 =	vmul.f32 v38, v1;
	v38 =	vld [tilespmem:s26+$0x6520];
	[tilespmem:s25+$0x12D70] =	vst v21  }
0x84: {  	v45 =	vadd.f32 v9, v13;
	v9 =	vmul.f32 v37, v6;
	v21 =	vmul.f32 v37, v2;
	v37 =	vld [tilespmem:s26+$0x6530];
	[tilespmem:s25+$0x12D80] =	vst v23  }
0x85: {  	v46 =	vadd.f32 v8, v14;
	v8 =	vmul.f32 v41, v7;
	v23 =	vmul.f32 v41, v3;
	v39 =	vld [tilespmem:s26+$0x6540];
	[tilespmem:s25+$0x12D90] =	vst v24  }
0x86: {  	v41 =	vadd.f32 v10, v15;
	v10 =	vmul.f32 v42, v4;
	v24 =	vmul.f32 v42, v0;
	v42 =	vld [tilespmem:s26+$0x6550];
	[tilespmem:s25+$0x12DA0] =	vst v25  }
0x87: {  	v47 =	vadd.f32 v9, v17;
	v9 =	vmul.f32 v19, v5;
	v19 =	vmul.f32 v19, v1;
	v25 =	vld [tilespmem:s26+$0x6560];
	[tilespmem:s25+$0x12DB0] =	vst v36  }
0x88: {  	v48 =	vadd.f32 v8, v18;
	v8 =	vmul.f32 v38, v6;
	v36 =	vmul.f32 v38, v2;
	v38 =	vld [tilespmem:s26+$0x6570];
	[tilespmem:s25+$0x12DC0] =	vst v26  }
0x89: {  	v13 =	vadd.f32 v10, v11;
	v10 =	vmul.f32 v37, v7;
	v11 =	vmul.f32 v37, v3;
	v26 =	vld [tilespmem:s26+$0x6580];
	[tilespmem:s25+$0x12DD0] =	vst v27  }
0x8a: {  	v14 =	vadd.f32 v9, v20;
	v9 =	vmul.f32 v39, v4;
	v27 =	vmul.f32 v39, v0;
	v37 =	vld [tilespmem:s26+$0x6590];
	[tilespmem:s25+$0x12DE0] =	vst v34;
	s25 =	smov.u32 s26  }
0x8b: {  	v15 =	vadd.f32 v8, v21;
	v8 =	vmul.f32 v42, v5;
	v34 =	vmul.f32 v42, v1;
	v39 =	vld [tilespmem:s25+$0x65A0]  }
0x8c: {  	v17 =	vadd.f32 v10, v23;
	v10 =	vmul.f32 v25, v6;
	v25 =	vmul.f32 v25, v2;
	v42 =	vld [tilespmem:s25+$0x65C0]  }
0x8d: {  	v18 =	vadd.f32 v9, v24;
	v9 =	vmul.f32 v38, v7;
	v38 =	vmul.f32 v38, v3;
	v49 =	vld [tilespmem:s25+$0x65D0]  }
0x8e: {  	v19 =	vadd.f32 v8, v19;
	v8 =	vmul.f32 v26, v4;
	v26 =	vmul.f32 v26, v0;
	v50 =	vld [tilespmem:s25+$0x65E0]  }
0x8f: {  	v20 =	vadd.f32 v10, v36;
	v24 =	vmul.f32 v37, v5;
	v36 =	vmul.f32 v37, v1  }
0x90: {  	v21 =	vadd.f32 v9, v11;
	v37 =	vmul.f32 v39, v6;
	v39 =	vmul.f32 v39, v2  }
0x91: {  	v23 =	vadd.f32 v8, v27;
	v11 =	vmul.f32 v42, v0;
	v27 =	vmul.f32 v42, v4  }
0x92: {  	v24 =	vadd.f32 v24, v34;
	v10 =	vmul.f32 v49, v1;
	v34 =	vmul.f32 v49, v5  }
0x93: {  	v25 =	vadd.f32 v37, v25;
	v9 =	vmul.f32 v50, v2;
	v37 =	vmul.f32 v50, v6  }
0x94: {  	v16 =	vadd.f32 v16, v38;
	v8 =	vmul.f32 v12, v3;
	v26 =	vadd.f32 v27, v26  }
0x95: {  	v12 =	vmax.f32 v22, $0.0e+00;
	v27 =	vadd.f32 v34, v36;
	v22 =	vadd.f32 v37, v39  }
.Ltmp2:
0x96: {  	[tilespmem:s25+$0x12C00] =	vst v12;
	v12 =	vmax.f32 v28, $0.0e+00;
	v28 =	vmax.f32 v29, $0.0e+00;
	v29 =	vmax.f32 v30, $0.0e+00;
	(pc) =	sbr.rel @p0 .LBB2_3-.Ltmp2, $4  }
0x97: {  	v38 =	vmax.f32 v33, $0.0e+00;
	v39 =	vmax.f32 v32, $0.0e+00;
	[tilespmem:s25+$0x12C10] =	vst v12;
	v12 =	vmax.f32 v31, $0.0e+00  }
0x98: {  	v36 =	vmax.f32 v35, $0.0e+00;
	v35 =	vmax.f32 v44, $0.0e+00;
	v37 =	vmax.f32 v40, $0.0e+00;
	[tilespmem:s25+$0x12C20] =	vst v28  }
0x99: {  	s26 =	sshra.s32 s28, $0x2;
	v33 =	vmax.f32 v45, $0.0e+00;
	v34 =	vmax.f32 v43, $0.0e+00;
	v32 =	vmax.f32 v46, $0.0e+00;
	[tilespmem:s25+$0x12C30] =	vst v29  }
0x9a: {  	s28 =	sadd.s32 $0x800, s28;
	v30 =	vmax.f32 v48, $0.0e+00;
	v31 =	vmax.f32 v41, $0.0e+00;
	v29 =	vmax.f32 v47, $0.0e+00;
	v28 =	vld [tilespmem:s26+$0x65B0];
	[tilespmem:s25+$0x12C40] =	vst v12  }
0x9b: {  	v12 =	vld [tilespmem:s26+$0x65F0];
	[tilespmem:s25+$0x12C50] =	vst v39  }
0x9c: {  	v39 =	vld [tilespmem:s26+$0x6400];
	[tilespmem:s25+$0x12C60] =	vst v38  }
0x9d: {  	v38 =	vld [tilespmem:s26+$0x6410];
	[tilespmem:s25+$0x12C70] =	vst v37  }
0x9e: {  	v37 =	vld [tilespmem:s26+$0x6420];
	[tilespmem:s25+$0x12C80] =	vst v36  }
0x9f: {  	v36 =	vld [tilespmem:s26+$0x6430];
	[tilespmem:s25+$0x12C90] =	vst v35  }
0xa0: {  	v55 =	vmul.f32 v28, v3;
	v35 =	vld [tilespmem:s26+$0x6440];
	[tilespmem:s25+$0x12CA0] =	vst v34;
	v12 =	vmul.f32 v12, v7  }
0xa1: {  	v34 =	vld [tilespmem:s26+$0x6450];
	[tilespmem:s25+$0x12CB0] =	vst v33  }
0xa2: {  	v33 =	vld [tilespmem:s26+$0x6460];
	[tilespmem:s25+$0x12CC0] =	vst v32;
	v12 =	vadd.f32 v12, v55  }
0xa3: {  	v40 =	vld [tilespmem:s26+$0x6470];
	[tilespmem:s25+$0x12CD0] =	vst v31  }
0xa4: {  	v31 =	vld [tilespmem:s26+$0x6480];
	[tilespmem:s25+$0x12CE0] =	vst v29;
	v12 =	vmax.f32 v12, $0.0e+00  }
0xa5: {  	v29 =	vld [tilespmem:s26+$0x6490];
	[tilespmem:s26+$0x12DF0] =	vst v12  }
0xa6: {  	v25 =	vmax.f32 v25, $0.0e+00;
	v16 =	vmax.f32 v16, $0.0e+00;
	v56 =	vld [tilespmem:s26+$0x64A0];
	v12 =	vmax.f32 v13, $0.0e+00;
	[tilespmem:s25+$0x12CF0] =	vst v30  }
0xa7: {  	v26 =	vmax.f32 v26, $0.0e+00;
	v57 =	vmul.f32 v38, v5;
	v13 =	vld [tilespmem:s26+$0x64B0];
	[tilespmem:s25+$0x12D00] =	vst v12;
	v12 =	vmax.f32 v14, $0.0e+00  }
0xa8: {  	v22 =	vmax.f32 v22, $0.0e+00;
	v42 =	vmul.f32 v37, v6;
	v14 =	vld [tilespmem:s26+$0x64C0];
	[tilespmem:s25+$0x12D10] =	vst v12;
	v12 =	vmax.f32 v15, $0.0e+00  }
0xa9: {  	v38 =	vmul.f32 v38, v1;
	v10 =	vadd.f32 v57, v10;
	v15 =	vld [tilespmem:s26+$0x64D0];
	[tilespmem:s25+$0x12D20] =	vst v12;
	v12 =	vmax.f32 v17, $0.0e+00  }
0xaa: {  	v59 =	vmul.f32 v35, v4;
	v9 =	vadd.f32 v42, v9;
	v17 =	vld [tilespmem:s26+$0x64E0];
	[tilespmem:s25+$0x12D30] =	vst v12;
	v12 =	vmax.f32 v18, $0.0e+00  }
0xab: {  	v60 =	vmul.f32 v34, v5;
	v34 =	vmul.f32 v34, v1;
	v18 =	vld [tilespmem:s26+$0x64F0];
	[tilespmem:s25+$0x12D40] =	vst v12;
	v12 =	vmax.f32 v19, $0.0e+00  }
0xac: {  	v10 =	vmax.f32 v10, $0.0e+00;
	v62 =	vmul.f32 v40, v7;
	v19 =	vld [tilespmem:s26+$0x6500];
	[tilespmem:s25+$0x12D50] =	vst v12;
	v12 =	vmax.f32 v20, $0.0e+00  }
0xad: {  	v40 =	vmul.f32 v40, v3;
	v48 =	vmul.f32 v31, v4;
	v20 =	vld [tilespmem:s26+$0x6510];
	[tilespmem:s25+$0x12D60] =	vst v12;
	v12 =	vmax.f32 v21, $0.0e+00  }
0xae: {  	v49 =	vmul.f32 v56, v6;
	v32 =	vmul.f32 v56, v2;
	v21 =	vld [tilespmem:s26+$0x6520];
	[tilespmem:s25+$0x12D70] =	vst v12;
	v12 =	vmax.f32 v23, $0.0e+00  }
0xaf: {  	v50 =	vmul.f32 v13, v7;
	v13 =	vmul.f32 v13, v3;
	v23 =	vld [tilespmem:s26+$0x6530];
	[tilespmem:s25+$0x12D80] =	vst v12;
	v12 =	vmax.f32 v24, $0.0e+00  }
0xb0: {  	v9 =	vmax.f32 v9, $0.0e+00;
	v24 =	vld [tilespmem:s26+$0x6540];
	[tilespmem:s25+$0x12D90] =	vst v12;
	v12 =	vmul.f32 v28, v7;
	v28 =	vmul.f32 v39, v4  }
0xb1: {  	v45 =	vmul.f32 v14, v4;
	v30 =	vld [tilespmem:s26+$0x6550];
	[tilespmem:s25+$0x12DA0] =	vst v25;
	v25 =	vmax.f32 v27, $0.0e+00;
	v27 =	vmul.f32 v39, v0  }
0xb2: {  	v14 =	vmul.f32 v14, v0;
	v11 =	vadd.f32 v28, v11;
	v28 =	vmul.f32 v36, v7  }
0xb3: {  	v41 =	vld [tilespmem:s26+$0x6560];
	[tilespmem:s25+$0x12DB0] =	vst v16;
	v16 =	vmul.f32 v37, v2;
	v36 =	vmul.f32 v36, v3;
	v27 =	vadd.f32 v59, v27  }
0xb4: {  	v58 =	vld [tilespmem:s26+$0x6570];
	[tilespmem:s25+$0x12DC0] =	vst v26;
	v26 =	vmul.f32 v35, v0;
	v35 =	vadd.f32 v60, v38;
	v8 =	vadd.f32 v28, v8  }
0xb5: {  	v61 =	vld [tilespmem:s26+$0x6580];
	v28 =	vmul.f32 v33, v6;
	[tilespmem:s25+$0x12DD0] =	vst v25;
	v25 =	vmul.f32 v33, v2;
	v33 =	vadd.f32 v62, v36  }
0xb6: {  	v11 =	vmax.f32 v11, $0.0e+00;
	v63 =	vld [tilespmem:s26+$0x6590];
	[tilespmem:s25+$0x12DE0] =	vst v22;
	v22 =	vmul.f32 v31, v0;
	v26 =	vadd.f32 v48, v26  }
0xb7: {  	v27 =	vmax.f32 v27, $0.0e+00;
	v35 =	vmax.f32 v35, $0.0e+00;
	v16 =	vadd.f32 v28, v16;
	[tilespmem:s26+$0x12C00] =	vst v11  }
0xb8: {  	v28 =	vmul.f32 v29, v5;
	v29 =	vmul.f32 v29, v1;
	v11 =	vadd.f32 v49, v25;
	[tilespmem:s26+$0x12C10] =	vst v10  }
0xb9: {  	v25 =	vmul.f32 v15, v5;
	v10 =	vmul.f32 v15, v1;
	v15 =	vadd.f32 v50, v40;
	[tilespmem:s26+$0x12C20] =	vst v9  }
0xba: {  	v8 =	vmax.f32 v8, $0.0e+00;
	v9 =	vmul.f32 v17, v6;
	v17 =	vmul.f32 v17, v2;
	[tilespmem:s26+$0x12C40] =	vst v27  }
0xbb: {  	v27 =	vmul.f32 v19, v4;
	v19 =	vmul.f32 v19, v0;
	[tilespmem:s26+$0x12C30] =	vst v8;
	v8 =	vadd.f32 v45, v22  }
0xbc: {  	[tilespmem:s26+$0x12C50] =	vst v35;
	v22 =	vmul.f32 v18, v7;
	v18 =	vmul.f32 v18, v3;
	v26 =	vmax.f32 v26, $0.0e+00  }
0xbd: {  	v28 =	vadd.f32 v28, v34;
	v25 =	vadd.f32 v25, v29;
	v16 =	vmax.f32 v16, $0.0e+00;
	[tilespmem:s26+$0x12C80] =	vst v26  }
0xbe: {  	v29 =	vmax.f32 v33, $0.0e+00;
	v9 =	vadd.f32 v9, v32;
	v11 =	vmax.f32 v11, $0.0e+00;
	[tilespmem:s26+$0x12C60] =	vst v16  }
0xbf: {  	v26 =	vmul.f32 v21, v6;
	v21 =	vmul.f32 v21, v2;
	v15 =	vmax.f32 v15, $0.0e+00;
	[tilespmem:s26+$0x12CA0] =	vst v11  }
0xc0: {  	v14 =	vadd.f32 v27, v14;
	v16 =	vmul.f32 v20, v5;
	v8 =	vmax.f32 v8, $0.0e+00;
	[tilespmem:s26+$0x12CB0] =	vst v15  }
0xc1: {  	v20 =	vmul.f32 v20, v1;
	v13 =	vadd.f32 v22, v13;
	v22 =	vmax.f32 v28, $0.0e+00;
	[tilespmem:s26+$0x12CC0] =	vst v8  }
0xc2: {  	v11 =	vmul.f32 v23, v3;
	v15 =	vmul.f32 v24, v4;
	v9 =	vmax.f32 v9, $0.0e+00;
	[tilespmem:s26+$0x12C90] =	vst v22  }
0xc3: {  	v8 =	vadd.f32 v26, v17;
	v17 =	vmul.f32 v30, v5;
	v14 =	vmax.f32 v14, $0.0e+00;
	[tilespmem:s26+$0x12CE0] =	vst v9  }
0xc4: {  	v22 =	vmul.f32 v23, v7;
	v10 =	vadd.f32 v16, v10;
	v23 =	vmax.f32 v25, $0.0e+00;
	[tilespmem:s26+$0x12D00] =	vst v14  }
0xc5: {  	v16 =	vmul.f32 v24, v0;
	v13 =	vmax.f32 v13, $0.0e+00;
	v9 =	vmul.f32 v41, v6;
	[tilespmem:s26+$0x12CD0] =	vst v23  }
0xc6: {  	v14 =	vmul.f32 v58, v3;
	v23 =	vmul.f32 v30, v1;
	[tilespmem:s26+$0x12CF0] =	vst v13;
	v13 =	vadd.f32 v15, v19  }
0xc7: {  	v31 =	vld [tilespmem:s26+$0x65A0];
	[tilespmem:s26+$0x12C70] =	vst v29;
	v15 =	vmul.f32 v58, v7;
	v17 =	vadd.f32 v17, v20;
	v8 =	vmax.f32 v8, $0.0e+00  }
0xc8: {  	v19 =	vmul.f32 v61, v0;
	v18 =	vadd.f32 v22, v18;
	v10 =	vmax.f32 v10, $0.0e+00;
	[tilespmem:s26+$0x12D20] =	vst v8  }
0xc9: {  	v43 =	vld [tilespmem:s26+$0x65C0];
	v22 =	vmul.f32 v41, v2;
	v8 =	vadd.f32 v9, v21;
	[tilespmem:s26+$0x12D10] =	vst v10;
	v13 =	vmax.f32 v13, $0.0e+00  }
0xca: {  	v44 =	vld [tilespmem:s26+$0x65D0];
	v9 =	vmul.f32 v63, v5;
	v11 =	vadd.f32 v15, v11;
	v15 =	vmax.f32 v17, $0.0e+00;
	[tilespmem:s26+$0x12D40] =	vst v13  }
0xcb: {  	v51 =	vld [tilespmem:s26+$0x65E0];
	v12 =	vadd.f32 v12, v14;
	v10 =	vmul.f32 v61, v4;
	v18 =	vmax.f32 v18, $0.0e+00;
	[tilespmem:s26+$0x12D50] =	vst v15  }
0xcc: {  	v13 =	vmul.f32 v31, v6;
	v8 =	vmax.f32 v8, $0.0e+00;
	v9 =	vadd.f32 v9, v23;
	[tilespmem:s26+$0x12D30] =	vst v18  }
0xcd: {  	v15 =	vmul.f32 v31, v2;
	v10 =	vadd.f32 v10, v16;
	v11 =	vmax.f32 v11, $0.0e+00;
	[tilespmem:s26+$0x12D60] =	vst v8  }
0xce: {  	v8 =	vmul.f32 v43, v4;
	v13 =	vadd.f32 v13, v22;
	[tilespmem:s26+$0x12D70] =	vst v11;
	v9 =	vmax.f32 v9, $0.0e+00  }
0xcf: {  	v18 =	vmul.f32 v63, v1;
	v11 =	vmul.f32 v44, v5;
	v10 =	vmax.f32 v10, $0.0e+00;
	[tilespmem:s26+$0x12D90] =	vst v9  }
0xd0: {  	v8 =	vadd.f32 v8, v19;
	[tilespmem:s26+$0x12D80] =	vst v10;
	v10 =	vmul.f32 v51, v6;
	v13 =	vmax.f32 v13, $0.0e+00  }
0xd1: {  	s25 =	smul.u32 $0x320, s24;
	v9 =	vadd.f32 v11, v18;
	v11 =	vmax.f32 v12, $0.0e+00;
	[tilespmem:s26+$0x12DA0] =	vst v13  }
0xd2: {  	v8 =	vmax.f32 v8, $0.0e+00;
	[tilespmem:s26+$0x12DB0] =	vst v11;
	v10 =	vadd.f32 v10, v15  }
0xd3: {  	s28 =	sadd.s32 s4, s25;
	v9 =	vmax.f32 v9, $0.0e+00;
	[tilespmem:s26+$0x12DC0] =	vst v8  }
0xd4: {  	s28 =	sshll.u32 s28, $0x3;
	[tilespmem:s26+$0x12DD0] =	vst v9;
	v8 =	vmax.f32 v10, $0.0e+00  }
0xd5: {  	p0 =	seq.s32 s24, $0x1F;
	[tilespmem:s26+$0x12DE0] =	vst v8;
	s26 =	sadd.s32 s2, s28  }
0xd6: {  	[hbm4b:s26+s3] =	stream.linear.scatter [tilespmem:s13], [sflag:$0x5], $0x3200, $0x38;
	[tilespmem:$0x19080] =	vst v63  }
0xd7: {  	s29 =	simm.s32 @!p0 $0x6400;
	s28 =	simm.s32 @!p0 $0x80;
	s26 =	sadd.s32 @!p0 $0x320, s25  }
0xd8: {  	[tilespmem:s29], [sflag:$0x1] =	stream.indirect.gather @!p0 [hbm4b:s5+s28], $0x40, s26, s28, $0xb8;
	[tilespmem:$0x19080] =	vst v63  }
0xd9: {  	s26 =	sadd.s32 @!p0 $0x3A0, s25;
	s28 =	simm.s32 @!p0 $0x48;
	s29 =	simm.s32 @!p0 $0x8400  }
0xda: {  	[tilespmem:s29], [sflag:$0x1] =	stream.indirect.gather @!p0 [hbm4b:s5+s28], $0x40, s26, s28, $0xb8;
	[tilespmem:$0x19080] =	vst v63  }
0xdb: {  	_ =	swait.ge [sflag:s15], $0x2000  }
0xdc: {  	[sflag:s15] =	ssyncset.done $0x0  }
0xdd: {  	[sflag:s15] =	ssyncadd.s32 $0xFFFFE000  }
0xde: {  	_ =	swait.ge [sflag:s15], $0x1200  }
0xdf: {  	[sflag:s15] =	ssyncset.done $0x0  }
0xe0: {  	s26 =	simm.s32 @!p1 $0x6;
	[sflag:s15] =	ssyncadd.s32 $0xFFFFEE00  }
0xe1: {  	_ =	swait.ge @!p1 [sflag:s26], $0x3200  }
0xe2: {  	[sflag:s26] =	ssyncset.done @!p1 $0x0  }
0xe3: {  	[sflag:s26] =	ssyncadd.s32 @!p1 $0xFFFFCE00;
	s26 =	simm.s32 $0x0  }
0xe4: {  	v9 =	vld [tilespmem:s26+$0x97B0]  }
0xe5: {  	v8 =	vld [tilespmem:s26+$0x97F0]  }
0xe6: {  	v10 =	vld [tilespmem:s26+$0x9600]  }
0xe7: {  	v12 =	vld [tilespmem:s26+$0x9610]  }
0xe8: {  	v17 =	vld [tilespmem:s26+$0x9630]  }
0xe9: {  	v11 =	vimm.f32 $0.0e+00;
	v58 =	vld [tilespmem:s26+$0x9770]  }
0xea: {  	v13 =	vmul.f32 v11, v0;
	v15 =	vmul.f32 v11, v1;
	v59 =	vld [tilespmem:s26+$0x9780]  }
0xeb: {  	v16 =	vmul.f32 v11, v2;
	v11 =	vmul.f32 v11, v3;
	v61 =	vld [tilespmem:s26+$0x97A0]  }
0xec: {  	v47 =	vld [tilespmem:s26+$0x97C0];
	v22 =	vmul.f32 v9, v7;
	v19 =	vmul.f32 v8, v7  }
0xed: {  	v49 =	vld [tilespmem:s26+$0x97E0];
	v9 =	vmul.f32 v9, v3;
	v21 =	vmul.f32 v10, v4  }
0xee: {  	v14 =	vld [tilespmem:s26+$0x9620];
	v10 =	vmul.f32 v10, v0;
	v24 =	vmul.f32 v12, v5  }
0xef: {  	v18 =	vld [tilespmem:s26+$0x9640];
	v12 =	vmul.f32 v12, v1;
	v25 =	vmul.f32 v17, v7  }
0xf0: {  	v23 =	vld [tilespmem:s26+$0x9660];
	v17 =	vmul.f32 v17, v3;
	v36 =	vmul.f32 v58, v3  }
0xf1: {  	v37 =	vmul.f32 v59, v0;
	v39 =	vmul.f32 v61, v2  }
0xf2: {  	v20 =	vld [tilespmem:s26+$0x9650];
	v62 =	vmul.f32 v47, v4;
	v63 =	vmul.f32 v49, v6  }
0xf3: {  	v27 =	vld [tilespmem:s26+$0x9690];
	v8 =	vmul.f32 v8, v3;
	v9 =	vadd.f32 v19, v9;
	v26 =	vadd.f32 v21, v13  }
0xf4: {  	v13 =	vmul.f32 v14, v6;
	v14 =	vmul.f32 v14, v2;
	v28 =	vadd.f32 v24, v15  }
0xf5: {  	v15 =	vmul.f32 v18, v4;
	v30 =	vadd.f32 v25, v11;
	v11 =	vmul.f32 v23, v6  }
0xf6: {  	v19 =	vld [tilespmem:s26+$0x9670];
	v18 =	vmul.f32 v18, v0;
	v9 =	vmax.f32 v9, $0.0e+00;
	v29 =	vadd.f32 v13, v16  }
0xf7: {  	v21 =	vld [tilespmem:s26+$0x9680];
	v13 =	vmul.f32 v20, v1;
	v31 =	vadd.f32 v15, v10;
	v32 =	vadd.f32 v11, v14  }
0xf8: {  	v16 =	vld [tilespmem:s26+$0x96A0];
	v11 =	vmul.f32 v27, v5;
	v14 =	vmul.f32 v27, v1;
	v28 =	vmax.f32 v28, $0.0e+00  }
0xf9: {  	v30 =	vmax.f32 v30, $0.0e+00;
	[tilespmem:s26+$0x15FF0] =	vst v9;
	v9 =	vmul.f32 v20, v5;
	v20 =	vmul.f32 v23, v2;
	v23 =	vld [tilespmem:s26+$0x96B0]  }
0xfa: {  	v24 =	vld [tilespmem:s26+$0x96D0];
	v35 =	vadd.f32 v11, v13;
	v29 =	vmax.f32 v29, $0.0e+00;
	v31 =	vmax.f32 v31, $0.0e+00  }
0xfb: {  	v38 =	vmax.f32 v32, $0.0e+00;
	v10 =	vmul.f32 v19, v7;
	v15 =	vmul.f32 v19, v3;
	v19 =	vld [tilespmem:s26+$0x96C0]  }
0xfc: {  	v25 =	vld [tilespmem:s26+$0x96E0];
	v12 =	vadd.f32 v9, v12;
	v9 =	vmul.f32 v21, v4;
	v21 =	vmul.f32 v21, v0  }
0xfd: {  	v33 =	vadd.f32 v10, v17;
	v10 =	vmul.f32 v16, v6;
	v16 =	vmul.f32 v16, v2;
	v17 =	vld [tilespmem:s26+$0x96F0]  }
0xfe: {  	v34 =	vadd.f32 v9, v18;
	v9 =	vmul.f32 v23, v7;
	v18 =	vmul.f32 v23, v3;
	v23 =	vld [tilespmem:s26+$0x9700]  }
0xff: {  	v52 =	vadd.f32 v10, v20;
	v10 =	vmul.f32 v24, v5;
	v20 =	vmul.f32 v24, v1;
	v24 =	vld [tilespmem:s26+$0x9720]  }
0x100: {  	v11 =	vmul.f32 v19, v4;
	v13 =	vmul.f32 v19, v0;
	v19 =	vld [tilespmem:s26+$0x9710];
	v53 =	vadd.f32 v9, v15  }
0x101: {  	v9 =	vmul.f32 v25, v6;
	v15 =	vmul.f32 v25, v2;
	v55 =	vadd.f32 v10, v14  }
0x102: {  	v25 =	vld [tilespmem:s26+$0x9730];
	v54 =	vadd.f32 v11, v21;
	v11 =	vmul.f32 v17, v7;
	v17 =	vmul.f32 v17, v3  }
0x103: {  	v21 =	vld [tilespmem:s26+$0x9740];
	v56 =	vadd.f32 v9, v16;
	v10 =	vmul.f32 v23, v4;
	v23 =	vmul.f32 v23, v0  }
0x104: {  	v27 =	vld [tilespmem:s26+$0x9750];
	v57 =	vadd.f32 v11, v18;
	v11 =	vmul.f32 v24, v6;
	v24 =	vmul.f32 v24, v2  }
0x105: {  	v35 =	vmax.f32 v35, $0.0e+00;
	v9 =	vmul.f32 v19, v5;
	v16 =	vmul.f32 v19, v1;
	v19 =	vld [tilespmem:s26+$0x9760]  }
0x106: {  	[tilespmem:s26+$0x15E20] =	vst v29;
	v32 =	vmax.f32 v54, $0.0e+00;
	v29 =	vmax.f32 v56, $0.0e+00;
	v13 =	vadd.f32 v10, v13  }
0x107: {  	v10 =	vmul.f32 v25, v7;
	v25 =	vmul.f32 v25, v3;
	v15 =	vadd.f32 v11, v15  }
0x108: {  	v14 =	vadd.f32 v9, v20;
	v9 =	vmul.f32 v21, v4;
	v60 =	vmul.f32 v21, v0;
	v21 =	vld [tilespmem:s26+$0x9790]  }
0x109: {  	v48 =	vld [tilespmem:s26+$0x97D0];
	[tilespmem:s26+$0x15E30] =	vst v30;
	v11 =	vmul.f32 v27, v5;
	v27 =	vmul.f32 v27, v1;
	v30 =	vmax.f32 v57, $0.0e+00  }
0x10a: {  	v17 =	vadd.f32 v10, v17;
	v18 =	vadd.f32 v9, v23;
	v10 =	vmul.f32 v19, v6  }
0x10b: {  	v9 =	vmul.f32 v58, v7;
	v46 =	vmul.f32 v19, v2;
	v19 =	vadd.f32 v11, v16  }
0x10c: {  	v16 =	vmul.f32 v59, v4;
	v11 =	vmul.f32 v47, v0;
	v20 =	vadd.f32 v10, v24  }
0x10d: {  	v24 =	vmul.f32 v21, v5;
	v50 =	vmul.f32 v21, v1;
	v21 =	vadd.f32 v9, v25  }
0x10e: {  	v25 =	vmul.f32 v61, v6;
	v23 =	vadd.f32 v16, v60;
	v10 =	vmul.f32 v48, v1  }
0x10f: {  	v9 =	vmul.f32 v49, v2;
	v16 =	vadd.f32 v22, v36;
	v22 =	vmax.f32 v26, $0.0e+00  }
0x110: {  	v26 =	vadd.f32 v62, v37;
	v37 =	vmax.f32 v33, $0.0e+00;
	v36 =	vmax.f32 v34, $0.0e+00  }
0x111: {  	[tilespmem:s26+$0x15E10] =	vst v28;
	v34 =	vmax.f32 v52, $0.0e+00;
	v24 =	vadd.f32 v24, v27;
	v27 =	vmul.f32 v48, v5  }
0x112: {  	s28 =	simm.s32 $0x200;
	v33 =	vmax.f32 v53, $0.0e+00;
	[tilespmem:s26+$0x15E00] =	vst v22;
	v22 =	vadd.f32 v63, v39;
	v39 =	vmax.f32 v12, $0.0e+00  }
0x113: {  	s29 =	simm.s32 $0x1000;
	v25 =	vadd.f32 v25, v46;
	v28 =	vld [tilespmem:s28+$0x97B0];
	[tilespmem:s26+$0x15E40] =	vst v31;
	v31 =	vmax.f32 v55, $0.0e+00;
	v27 =	vadd.f32 v27, v50  }
.LBB2_5:
0x114: {  	p1 =	sne.s32 s29, $0xC000;
	v12 =	vld [tilespmem:s28+$0x97F0];
	[tilespmem:s26+$0x15E50] =	vst v39;
	v13 =	vmax.f32 v13, $0.0e+00;
	v14 =	vmax.f32 v14, $0.0e+00;
	v15 =	vmax.f32 v15, $0.0e+00  }
0x115: {  	v17 =	vmax.f32 v17, $0.0e+00;
	v18 =	vmax.f32 v18, $0.0e+00;
	v19 =	vmax.f32 v19, $0.0e+00;
	v39 =	vld [tilespmem:s28+$0x9600];
	[tilespmem:s26+$0x15E60] =	vst v38  }
0x116: {  	v20 =	vmax.f32 v20, $0.0e+00;
	v21 =	vmax.f32 v21, $0.0e+00;
	v23 =	vmax.f32 v23, $0.0e+00;
	v38 =	vld [tilespmem:s28+$0x9610];
	[tilespmem:s26+$0x15E70] =	vst v37  }
0x117: {  	v24 =	vmax.f32 v24, $0.0e+00;
	v25 =	vmax.f32 v25, $0.0e+00;
	v37 =	vld [tilespmem:s28+$0x9620];
	[tilespmem:s26+$0x15E80] =	vst v36;
	v36 =	vmax.f32 v16, $0.0e+00  }
0x118: {  	v26 =	vmax.f32 v26, $0.0e+00;
	v27 =	vmax.f32 v27, $0.0e+00;
	v40 =	vld [tilespmem:s28+$0x9630];
	v16 =	vmul.f32 v28, v7;
	[tilespmem:s26+$0x15E90] =	vst v35  }
0x119: {  	v28 =	vmul.f32 v28, v3;
	v35 =	vld [tilespmem:s28+$0x9640];
	v41 =	vmul.f32 v12, v7;
	[tilespmem:s26+$0x15EA0] =	vst v34;
	v34 =	vmax.f32 v22, $0.0e+00  }
0x11a: {  	v22 =	vmul.f32 v39, v4;
	v39 =	vmul.f32 v39, v0;
	v42 =	vld [tilespmem:s28+$0x9650];
	[tilespmem:s26+$0x15EB0] =	vst v33  }
0x11b: {  	v33 =	vmul.f32 v38, v5;
	v38 =	vmul.f32 v38, v1;
	v43 =	vld [tilespmem:s28+$0x9660];
	v28 =	vadd.f32 v41, v28;
	[tilespmem:s26+$0x15EC0] =	vst v32  }
0x11c: {  	v22 =	vadd.f32 v22, v11;
	v11 =	vmul.f32 v37, v6;
	v37 =	vmul.f32 v37, v2;
	v32 =	vld [tilespmem:s28+$0x9670];
	[tilespmem:s26+$0x15ED0] =	vst v31  }
0x11d: {  	v31 =	vmul.f32 v40, v7;
	v40 =	vmul.f32 v40, v3;
	v41 =	vld [tilespmem:s28+$0x9680];
	v44 =	vmax.f32 v28, $0.0e+00;
	[tilespmem:s26+$0x15EE0] =	vst v29  }
0x11e: {  	v28 =	vadd.f32 v33, v10;
	v10 =	vmul.f32 v35, v4;
	v35 =	vmul.f32 v35, v0;
	v45 =	vld [tilespmem:s28+$0x9690];
	[tilespmem:s28+$0x15FF0] =	vst v44  }
0x11f: {  	v29 =	vadd.f32 v11, v9;
	v9 =	vmul.f32 v42, v5;
	v11 =	vmul.f32 v42, v1;
	v42 =	vld [tilespmem:s28+$0x96A0];
	[tilespmem:s26+$0x15EF0] =	vst v30  }
0x120: {  	v30 =	vadd.f32 v31, v8;
	v8 =	vmul.f32 v43, v6;
	v43 =	vmul.f32 v43, v2;
	v44 =	vld [tilespmem:s28+$0x96B0];
	[tilespmem:s26+$0x15F00] =	vst v13  }
0x121: {  	v31 =	vadd.f32 v10, v39;
	v10 =	vmul.f32 v32, v7;
	v13 =	vmul.f32 v32, v3;
	v39 =	vld [tilespmem:s28+$0x96C0];
	[tilespmem:s26+$0x15F10] =	vst v14  }
0x122: {  	v32 =	vadd.f32 v9, v38;
	v9 =	vmul.f32 v41, v4;
	v14 =	vmul.f32 v41, v0;
	v38 =	vld [tilespmem:s28+$0x96D0];
	[tilespmem:s26+$0x15F20] =	vst v15  }
0x123: {  	v33 =	vadd.f32 v8, v37;
	v8 =	vmul.f32 v45, v5;
	v15 =	vmul.f32 v45, v1;
	v37 =	vld [tilespmem:s28+$0x96E0];
	[tilespmem:s26+$0x15F30] =	vst v17  }
0x124: {  	v40 =	vadd.f32 v10, v40;
	v10 =	vmul.f32 v42, v6;
	v17 =	vmul.f32 v42, v2;
	v41 =	vld [tilespmem:s28+$0x96F0];
	[tilespmem:s26+$0x15F40] =	vst v18  }
0x125: {  	v35 =	vadd.f32 v9, v35;
	v9 =	vmul.f32 v44, v7;
	v18 =	vmul.f32 v44, v3;
	v42 =	vld [tilespmem:s28+$0x9700];
	[tilespmem:s26+$0x15F50] =	vst v19  }
0x126: {  	v44 =	vadd.f32 v8, v11;
	v8 =	vmul.f32 v39, v4;
	v11 =	vmul.f32 v39, v0;
	v19 =	vld [tilespmem:s28+$0x9710];
	[tilespmem:s26+$0x15F60] =	vst v20  }
0x127: {  	v43 =	vadd.f32 v10, v43;
	v10 =	vmul.f32 v38, v5;
	v20 =	vmul.f32 v38, v1;
	v38 =	vld [tilespmem:s28+$0x9720];
	[tilespmem:s26+$0x15F70] =	vst v21  }
0x128: {  	v45 =	vadd.f32 v9, v13;
	v9 =	vmul.f32 v37, v6;
	v21 =	vmul.f32 v37, v2;
	v37 =	vld [tilespmem:s28+$0x9730];
	[tilespmem:s26+$0x15F80] =	vst v23  }
0x129: {  	v46 =	vadd.f32 v8, v14;
	v8 =	vmul.f32 v41, v7;
	v23 =	vmul.f32 v41, v3;
	v39 =	vld [tilespmem:s28+$0x9740];
	[tilespmem:s26+$0x15F90] =	vst v24  }
0x12a: {  	v41 =	vadd.f32 v10, v15;
	v10 =	vmul.f32 v42, v4;
	v24 =	vmul.f32 v42, v0;
	v42 =	vld [tilespmem:s28+$0x9750];
	[tilespmem:s26+$0x15FA0] =	vst v25  }
0x12b: {  	v47 =	vadd.f32 v9, v17;
	v9 =	vmul.f32 v19, v5;
	v19 =	vmul.f32 v19, v1;
	v25 =	vld [tilespmem:s28+$0x9760];
	[tilespmem:s26+$0x15FB0] =	vst v36  }
0x12c: {  	v48 =	vadd.f32 v8, v18;
	v8 =	vmul.f32 v38, v6;
	v36 =	vmul.f32 v38, v2;
	v38 =	vld [tilespmem:s28+$0x9770];
	[tilespmem:s26+$0x15FC0] =	vst v26  }
0x12d: {  	v13 =	vadd.f32 v10, v11;
	v10 =	vmul.f32 v37, v7;
	v11 =	vmul.f32 v37, v3;
	v26 =	vld [tilespmem:s28+$0x9780];
	[tilespmem:s26+$0x15FD0] =	vst v27  }
0x12e: {  	v14 =	vadd.f32 v9, v20;
	v9 =	vmul.f32 v39, v4;
	v27 =	vmul.f32 v39, v0;
	v37 =	vld [tilespmem:s28+$0x9790];
	[tilespmem:s26+$0x15FE0] =	vst v34;
	s26 =	smov.u32 s28  }
0x12f: {  	v15 =	vadd.f32 v8, v21;
	v8 =	vmul.f32 v42, v5;
	v34 =	vmul.f32 v42, v1;
	v39 =	vld [tilespmem:s26+$0x97A0]  }
0x130: {  	v17 =	vadd.f32 v10, v23;
	v10 =	vmul.f32 v25, v6;
	v25 =	vmul.f32 v25, v2;
	v42 =	vld [tilespmem:s26+$0x97C0]  }
0x131: {  	v18 =	vadd.f32 v9, v24;
	v9 =	vmul.f32 v38, v7;
	v38 =	vmul.f32 v38, v3;
	v49 =	vld [tilespmem:s26+$0x97D0]  }
0x132: {  	v19 =	vadd.f32 v8, v19;
	v8 =	vmul.f32 v26, v4;
	v26 =	vmul.f32 v26, v0;
	v50 =	vld [tilespmem:s26+$0x97E0]  }
0x133: {  	v20 =	vadd.f32 v10, v36;
	v24 =	vmul.f32 v37, v5;
	v36 =	vmul.f32 v37, v1  }
0x134: {  	v21 =	vadd.f32 v9, v11;
	v37 =	vmul.f32 v39, v6;
	v39 =	vmul.f32 v39, v2  }
0x135: {  	v23 =	vadd.f32 v8, v27;
	v11 =	vmul.f32 v42, v0;
	v27 =	vmul.f32 v42, v4  }
0x136: {  	v24 =	vadd.f32 v24, v34;
	v10 =	vmul.f32 v49, v1;
	v34 =	vmul.f32 v49, v5  }
0x137: {  	v25 =	vadd.f32 v37, v25;
	v9 =	vmul.f32 v50, v2;
	v37 =	vmul.f32 v50, v6  }
0x138: {  	v16 =	vadd.f32 v16, v38;
	v8 =	vmul.f32 v12, v3;
	v26 =	vadd.f32 v27, v26  }
0x139: {  	v12 =	vmax.f32 v22, $0.0e+00;
	v27 =	vadd.f32 v34, v36;
	v22 =	vadd.f32 v37, v39  }
.Ltmp3:
0x13a: {  	[tilespmem:s26+$0x15E00] =	vst v12;
	v12 =	vmax.f32 v28, $0.0e+00;
	v28 =	vmax.f32 v29, $0.0e+00;
	v29 =	vmax.f32 v30, $0.0e+00;
	(pc) =	sbr.rel @p1 .LBB2_5-.Ltmp3, $4  }
0x13b: {  	v38 =	vmax.f32 v33, $0.0e+00;
	v39 =	vmax.f32 v32, $0.0e+00;
	[tilespmem:s26+$0x15E10] =	vst v12;
	v12 =	vmax.f32 v31, $0.0e+00  }
0x13c: {  	v36 =	vmax.f32 v35, $0.0e+00;
	v35 =	vmax.f32 v44, $0.0e+00;
	v37 =	vmax.f32 v40, $0.0e+00;
	[tilespmem:s26+$0x15E20] =	vst v28  }
0x13d: {  	s28 =	sshra.s32 s29, $0x2;
	v33 =	vmax.f32 v45, $0.0e+00;
	v34 =	vmax.f32 v43, $0.0e+00;
	v32 =	vmax.f32 v46, $0.0e+00;
	[tilespmem:s26+$0x15E30] =	vst v29  }
0x13e: {  	s29 =	sadd.s32 $0x800, s29;
	v30 =	vmax.f32 v48, $0.0e+00;
	v31 =	vmax.f32 v41, $0.0e+00;
	v29 =	vmax.f32 v47, $0.0e+00;
	v28 =	vld [tilespmem:s28+$0x97B0];
	[tilespmem:s26+$0x15E40] =	vst v12  }
0x13f: {  	v12 =	vld [tilespmem:s28+$0x97F0];
	[tilespmem:s26+$0x15E50] =	vst v39  }
0x140: {  	v39 =	vld [tilespmem:s28+$0x9600];
	[tilespmem:s26+$0x15E60] =	vst v38  }
0x141: {  	v38 =	vld [tilespmem:s28+$0x9610];
	[tilespmem:s26+$0x15E70] =	vst v37  }
0x142: {  	v37 =	vld [tilespmem:s28+$0x9620];
	[tilespmem:s26+$0x15E80] =	vst v36  }
0x143: {  	v36 =	vld [tilespmem:s28+$0x9630];
	[tilespmem:s26+$0x15E90] =	vst v35  }
0x144: {  	v55 =	vmul.f32 v28, v3;
	v35 =	vld [tilespmem:s28+$0x9640];
	[tilespmem:s26+$0x15EA0] =	vst v34;
	v12 =	vmul.f32 v12, v7  }
0x145: {  	v34 =	vld [tilespmem:s28+$0x9650];
	[tilespmem:s26+$0x15EB0] =	vst v33  }
0x146: {  	v33 =	vld [tilespmem:s28+$0x9660];
	[tilespmem:s26+$0x15EC0] =	vst v32;
	v12 =	vadd.f32 v12, v55  }
0x147: {  	v40 =	vld [tilespmem:s28+$0x9670];
	[tilespmem:s26+$0x15ED0] =	vst v31  }
0x148: {  	v31 =	vld [tilespmem:s28+$0x9680];
	[tilespmem:s26+$0x15EE0] =	vst v29;
	v12 =	vmax.f32 v12, $0.0e+00  }
0x149: {  	v29 =	vld [tilespmem:s28+$0x9690];
	[tilespmem:s28+$0x15FF0] =	vst v12  }
0x14a: {  	v25 =	vmax.f32 v25, $0.0e+00;
	v16 =	vmax.f32 v16, $0.0e+00;
	v56 =	vld [tilespmem:s28+$0x96A0];
	v12 =	vmax.f32 v13, $0.0e+00;
	[tilespmem:s26+$0x15EF0] =	vst v30  }
0x14b: {  	v26 =	vmax.f32 v26, $0.0e+00;
	v57 =	vmul.f32 v38, v5;
	v13 =	vld [tilespmem:s28+$0x96B0];
	[tilespmem:s26+$0x15F00] =	vst v12;
	v12 =	vmax.f32 v14, $0.0e+00  }
0x14c: {  	v22 =	vmax.f32 v22, $0.0e+00;
	v42 =	vmul.f32 v37, v6;
	v14 =	vld [tilespmem:s28+$0x96C0];
	[tilespmem:s26+$0x15F10] =	vst v12;
	v12 =	vmax.f32 v15, $0.0e+00  }
0x14d: {  	v38 =	vmul.f32 v38, v1;
	v10 =	vadd.f32 v57, v10;
	v15 =	vld [tilespmem:s28+$0x96D0];
	[tilespmem:s26+$0x15F20] =	vst v12;
	v12 =	vmax.f32 v17, $0.0e+00  }
0x14e: {  	v59 =	vmul.f32 v35, v4;
	v9 =	vadd.f32 v42, v9;
	v17 =	vld [tilespmem:s28+$0x96E0];
	[tilespmem:s26+$0x15F30] =	vst v12;
	v12 =	vmax.f32 v18, $0.0e+00  }
0x14f: {  	v60 =	vmul.f32 v34, v5;
	v34 =	vmul.f32 v34, v1;
	v18 =	vld [tilespmem:s28+$0x96F0];
	[tilespmem:s26+$0x15F40] =	vst v12;
	v12 =	vmax.f32 v19, $0.0e+00  }
0x150: {  	v10 =	vmax.f32 v10, $0.0e+00;
	v62 =	vmul.f32 v40, v7;
	v19 =	vld [tilespmem:s28+$0x9700];
	[tilespmem:s26+$0x15F50] =	vst v12;
	v12 =	vmax.f32 v20, $0.0e+00  }
0x151: {  	v40 =	vmul.f32 v40, v3;
	v48 =	vmul.f32 v31, v4;
	v20 =	vld [tilespmem:s28+$0x9710];
	[tilespmem:s26+$0x15F60] =	vst v12;
	v12 =	vmax.f32 v21, $0.0e+00  }
0x152: {  	v49 =	vmul.f32 v56, v6;
	v32 =	vmul.f32 v56, v2;
	v21 =	vld [tilespmem:s28+$0x9720];
	[tilespmem:s26+$0x15F70] =	vst v12;
	v12 =	vmax.f32 v23, $0.0e+00  }
0x153: {  	v50 =	vmul.f32 v13, v7;
	v13 =	vmul.f32 v13, v3;
	v23 =	vld [tilespmem:s28+$0x9730];
	[tilespmem:s26+$0x15F80] =	vst v12;
	v12 =	vmax.f32 v24, $0.0e+00  }
0x154: {  	v9 =	vmax.f32 v9, $0.0e+00;
	v24 =	vld [tilespmem:s28+$0x9740];
	[tilespmem:s26+$0x15F90] =	vst v12;
	v12 =	vmul.f32 v28, v7;
	v28 =	vmul.f32 v39, v4  }
0x155: {  	v45 =	vmul.f32 v14, v4;
	v30 =	vld [tilespmem:s28+$0x9750];
	[tilespmem:s26+$0x15FA0] =	vst v25;
	v25 =	vmax.f32 v27, $0.0e+00;
	v27 =	vmul.f32 v39, v0  }
0x156: {  	v14 =	vmul.f32 v14, v0;
	v11 =	vadd.f32 v28, v11;
	v28 =	vmul.f32 v36, v7  }
0x157: {  	v41 =	vld [tilespmem:s28+$0x9760];
	[tilespmem:s26+$0x15FB0] =	vst v16;
	v16 =	vmul.f32 v37, v2;
	v36 =	vmul.f32 v36, v3;
	v27 =	vadd.f32 v59, v27  }
0x158: {  	v58 =	vld [tilespmem:s28+$0x9770];
	[tilespmem:s26+$0x15FC0] =	vst v26;
	v26 =	vmul.f32 v35, v0;
	v35 =	vadd.f32 v60, v38;
	v8 =	vadd.f32 v28, v8  }
0x159: {  	v61 =	vld [tilespmem:s28+$0x9780];
	v28 =	vmul.f32 v33, v6;
	[tilespmem:s26+$0x15FD0] =	vst v25;
	v25 =	vmul.f32 v33, v2;
	v33 =	vadd.f32 v62, v36  }
0x15a: {  	v11 =	vmax.f32 v11, $0.0e+00;
	v63 =	vld [tilespmem:s28+$0x9790];
	[tilespmem:s26+$0x15FE0] =	vst v22;
	v22 =	vmul.f32 v31, v0;
	v26 =	vadd.f32 v48, v26  }
0x15b: {  	v27 =	vmax.f32 v27, $0.0e+00;
	v35 =	vmax.f32 v35, $0.0e+00;
	v16 =	vadd.f32 v28, v16;
	[tilespmem:s28+$0x15E00] =	vst v11  }
0x15c: {  	v28 =	vmul.f32 v29, v5;
	v29 =	vmul.f32 v29, v1;
	v11 =	vadd.f32 v49, v25;
	[tilespmem:s28+$0x15E10] =	vst v10  }
0x15d: {  	v25 =	vmul.f32 v15, v5;
	v10 =	vmul.f32 v15, v1;
	v15 =	vadd.f32 v50, v40;
	[tilespmem:s28+$0x15E20] =	vst v9  }
0x15e: {  	v8 =	vmax.f32 v8, $0.0e+00;
	v9 =	vmul.f32 v17, v6;
	v17 =	vmul.f32 v17, v2;
	[tilespmem:s28+$0x15E40] =	vst v27  }
0x15f: {  	v27 =	vmul.f32 v19, v4;
	v19 =	vmul.f32 v19, v0;
	[tilespmem:s28+$0x15E30] =	vst v8;
	v8 =	vadd.f32 v45, v22  }
0x160: {  	[tilespmem:s28+$0x15E50] =	vst v35;
	v22 =	vmul.f32 v18, v7;
	v18 =	vmul.f32 v18, v3;
	v26 =	vmax.f32 v26, $0.0e+00  }
0x161: {  	v28 =	vadd.f32 v28, v34;
	v25 =	vadd.f32 v25, v29;
	v16 =	vmax.f32 v16, $0.0e+00;
	[tilespmem:s28+$0x15E80] =	vst v26  }
0x162: {  	v29 =	vmax.f32 v33, $0.0e+00;
	v9 =	vadd.f32 v9, v32;
	v11 =	vmax.f32 v11, $0.0e+00;
	[tilespmem:s28+$0x15E60] =	vst v16  }
0x163: {  	v26 =	vmul.f32 v21, v6;
	v21 =	vmul.f32 v21, v2;
	v15 =	vmax.f32 v15, $0.0e+00;
	[tilespmem:s28+$0x15EA0] =	vst v11  }
0x164: {  	v14 =	vadd.f32 v27, v14;
	v16 =	vmul.f32 v20, v5;
	v8 =	vmax.f32 v8, $0.0e+00;
	[tilespmem:s28+$0x15EB0] =	vst v15  }
0x165: {  	v20 =	vmul.f32 v20, v1;
	v13 =	vadd.f32 v22, v13;
	v22 =	vmax.f32 v28, $0.0e+00;
	[tilespmem:s28+$0x15EC0] =	vst v8  }
0x166: {  	v11 =	vmul.f32 v23, v3;
	v15 =	vmul.f32 v24, v4;
	v9 =	vmax.f32 v9, $0.0e+00;
	[tilespmem:s28+$0x15E90] =	vst v22  }
0x167: {  	v8 =	vadd.f32 v26, v17;
	v17 =	vmul.f32 v30, v5;
	v14 =	vmax.f32 v14, $0.0e+00;
	[tilespmem:s28+$0x15EE0] =	vst v9  }
0x168: {  	v22 =	vmul.f32 v23, v7;
	v10 =	vadd.f32 v16, v10;
	v23 =	vmax.f32 v25, $0.0e+00;
	[tilespmem:s28+$0x15F00] =	vst v14  }
0x169: {  	v16 =	vmul.f32 v24, v0;
	v13 =	vmax.f32 v13, $0.0e+00;
	v9 =	vmul.f32 v41, v6;
	[tilespmem:s28+$0x15ED0] =	vst v23  }
0x16a: {  	v14 =	vmul.f32 v58, v3;
	v23 =	vmul.f32 v30, v1;
	[tilespmem:s28+$0x15EF0] =	vst v13;
	v13 =	vadd.f32 v15, v19  }
0x16b: {  	v31 =	vld [tilespmem:s28+$0x97A0];
	[tilespmem:s28+$0x15E70] =	vst v29;
	v15 =	vmul.f32 v58, v7;
	v17 =	vadd.f32 v17, v20;
	v8 =	vmax.f32 v8, $0.0e+00  }
0x16c: {  	v19 =	vmul.f32 v61, v0;
	v18 =	vadd.f32 v22, v18;
	v10 =	vmax.f32 v10, $0.0e+00;
	[tilespmem:s28+$0x15F20] =	vst v8  }
0x16d: {  	v43 =	vld [tilespmem:s28+$0x97C0];
	v22 =	vmul.f32 v41, v2;
	v8 =	vadd.f32 v9, v21;
	[tilespmem:s28+$0x15F10] =	vst v10;
	v13 =	vmax.f32 v13, $0.0e+00  }
0x16e: {  	v44 =	vld [tilespmem:s28+$0x97D0];
	v9 =	vmul.f32 v63, v5;
	v11 =	vadd.f32 v15, v11;
	v15 =	vmax.f32 v17, $0.0e+00;
	[tilespmem:s28+$0x15F40] =	vst v13  }
0x16f: {  	v51 =	vld [tilespmem:s28+$0x97E0];
	v12 =	vadd.f32 v12, v14;
	v10 =	vmul.f32 v61, v4;
	v18 =	vmax.f32 v18, $0.0e+00;
	[tilespmem:s28+$0x15F50] =	vst v15  }
0x170: {  	v13 =	vmul.f32 v31, v6;
	v8 =	vmax.f32 v8, $0.0e+00;
	v9 =	vadd.f32 v9, v23;
	[tilespmem:s28+$0x15F30] =	vst v18  }
0x171: {  	v15 =	vmul.f32 v31, v2;
	v10 =	vadd.f32 v10, v16;
	v11 =	vmax.f32 v11, $0.0e+00;
	[tilespmem:s28+$0x15F60] =	vst v8  }
0x172: {  	v8 =	vmul.f32 v43, v4;
	v13 =	vadd.f32 v13, v22;
	[tilespmem:s28+$0x15F70] =	vst v11;
	v9 =	vmax.f32 v9, $0.0e+00  }
0x173: {  	v18 =	vmul.f32 v63, v1;
	v11 =	vmul.f32 v44, v5;
	v10 =	vmax.f32 v10, $0.0e+00;
	[tilespmem:s28+$0x15F90] =	vst v9  }
0x174: {  	v8 =	vadd.f32 v8, v19;
	[tilespmem:s28+$0x15F80] =	vst v10;
	v10 =	vmul.f32 v51, v6;
	v13 =	vmax.f32 v13, $0.0e+00  }
0x175: {  	v9 =	vadd.f32 v11, v18;
	v11 =	vmax.f32 v12, $0.0e+00;
	[tilespmem:s28+$0x15FA0] =	vst v13  }
0x176: {  	s26 =	sadd.s32 s25, s9;
	v8 =	vmax.f32 v8, $0.0e+00;
	[tilespmem:s28+$0x15FB0] =	vst v11;
	v10 =	vadd.f32 v10, v15  }
0x177: {  	s26 =	sshll.u32 s26, $0x3;
	v9 =	vmax.f32 v9, $0.0e+00;
	[tilespmem:s28+$0x15FC0] =	vst v8  }
0x178: {  	s26 =	sand.u32 $0x1FFFFF40, s26;
	[tilespmem:s28+$0x15FD0] =	vst v9;
	v8 =	vmax.f32 v10, $0.0e+00  }
0x179: {  	s26 =	sadd.s32 s2, s26;
	[tilespmem:s28+$0x15FE0] =	vst v8  }
0x17a: {  	[hbm4b:s26+s3] =	stream.linear.scatter [tilespmem:s17], [sflag:$0x6], $0x3200, $0x38;
	[tilespmem:$0x19080] =	vst v63  }
0x17b: {  	s29 =	simm.s32 @!p0 $0x9600;
	s28 =	simm.s32 @!p0 $0x80;
	s26 =	sadd.s32 @!p0 $0x3E8, s25  }
0x17c: {  	[tilespmem:s29], [sflag:$0x2] =	stream.indirect.gather @!p0 [hbm4b:s5+s28], $0x40, s26, s28, $0xb8;
	[tilespmem:$0x19080] =	vst v63  }
0x17d: {  	s26 =	sadd.s32 @!p0 $0x468, s25;
	s28 =	simm.s32 @!p0 $0x48;
	s29 =	simm.s32 @!p0 $0xB600  }
0x17e: {  	[tilespmem:s29], [sflag:$0x2] =	stream.indirect.gather @!p0 [hbm4b:s5+s28], $0x40, s26, s28, $0xb8;
	[tilespmem:$0x19080] =	vst v63  }
0x17f: {  	_ =	swait.ge [sflag:s19], $0x2000  }
0x180: {  	[sflag:s19] =	ssyncset.done $0x0  }
0x181: {  	[sflag:s19] =	ssyncadd.s32 $0xFFFFE000  }
0x182: {  	_ =	swait.ge [sflag:s19], $0x1200  }
0x183: {  	[sflag:s19] =	ssyncset.done $0x0  }
0x184: {  	[sflag:s19] =	ssyncadd.s32 $0xFFFFEE00  }
0x185: {  	_ =	swait.ge [sflag:s20], $0x3200  }
0x186: {  	[sflag:s20] =	ssyncset.done $0x0  }
0x187: {  	s26 =	simm.s32 $0x0;
	[sflag:s20] =	ssyncadd.s32 $0xFFFFCE00  }
0x188: {  	v9 =	vld [tilespmem:s26+$0xC9B0]  }
0x189: {  	v8 =	vld [tilespmem:s26+$0xC9F0]  }
0x18a: {  	v10 =	vld [tilespmem:s26+$0xC800]  }
0x18b: {  	v12 =	vld [tilespmem:s26+$0xC810]  }
0x18c: {  	v17 =	vld [tilespmem:s26+$0xC830]  }
0x18d: {  	v11 =	vimm.f32 $0.0e+00;
	v58 =	vld [tilespmem:s26+$0xC970]  }
0x18e: {  	v13 =	vmul.f32 v11, v0;
	v15 =	vmul.f32 v11, v1;
	v59 =	vld [tilespmem:s26+$0xC980]  }
0x18f: {  	v16 =	vmul.f32 v11, v2;
	v11 =	vmul.f32 v11, v3;
	v61 =	vld [tilespmem:s26+$0xC9A0]  }
0x190: {  	v47 =	vld [tilespmem:s26+$0xC9C0];
	v22 =	vmul.f32 v9, v7;
	v19 =	vmul.f32 v8, v7  }
0x191: {  	v49 =	vld [tilespmem:s26+$0xC9E0];
	v9 =	vmul.f32 v9, v3;
	v21 =	vmul.f32 v10, v4  }
0x192: {  	v14 =	vld [tilespmem:s26+$0xC820];
	v10 =	vmul.f32 v10, v0;
	v24 =	vmul.f32 v12, v5  }
0x193: {  	v18 =	vld [tilespmem:s26+$0xC840];
	v12 =	vmul.f32 v12, v1;
	v25 =	vmul.f32 v17, v7  }
0x194: {  	v23 =	vld [tilespmem:s26+$0xC860];
	v17 =	vmul.f32 v17, v3;
	v36 =	vmul.f32 v58, v3  }
0x195: {  	v37 =	vmul.f32 v59, v0;
	v39 =	vmul.f32 v61, v2  }
0x196: {  	v20 =	vld [tilespmem:s26+$0xC850];
	v62 =	vmul.f32 v47, v4;
	v63 =	vmul.f32 v49, v6  }
0x197: {  	v27 =	vld [tilespmem:s26+$0xC890];
	v8 =	vmul.f32 v8, v3;
	v9 =	vadd.f32 v19, v9;
	v26 =	vadd.f32 v21, v13  }
0x198: {  	v13 =	vmul.f32 v14, v6;
	v14 =	vmul.f32 v14, v2;
	v28 =	vadd.f32 v24, v15  }
0x199: {  	v15 =	vmul.f32 v18, v4;
	v30 =	vadd.f32 v25, v11;
	v11 =	vmul.f32 v23, v6  }
0x19a: {  	v19 =	vld [tilespmem:s26+$0xC870];
	v18 =	vmul.f32 v18, v0;
	v9 =	vmax.f32 v9, $0.0e+00;
	v29 =	vadd.f32 v13, v16  }
0x19b: {  	v21 =	vld [tilespmem:s26+$0xC880];
	v13 =	vmul.f32 v20, v1;
	v31 =	vadd.f32 v15, v10;
	v32 =	vadd.f32 v11, v14  }
0x19c: {  	v16 =	vld [tilespmem:s26+$0xC8A0];
	v11 =	vmul.f32 v27, v5;
	v14 =	vmul.f32 v27, v1;
	v28 =	vmax.f32 v28, $0.0e+00  }
0x19d: {  	v30 =	vmax.f32 v30, $0.0e+00;
	[tilespmem:s26+$0x12DF0] =	vst v9;
	v9 =	vmul.f32 v20, v5;
	v20 =	vmul.f32 v23, v2;
	v23 =	vld [tilespmem:s26+$0xC8B0]  }
0x19e: {  	v24 =	vld [tilespmem:s26+$0xC8D0];
	v35 =	vadd.f32 v11, v13;
	v29 =	vmax.f32 v29, $0.0e+00;
	v31 =	vmax.f32 v31, $0.0e+00  }
0x19f: {  	v38 =	vmax.f32 v32, $0.0e+00;
	v10 =	vmul.f32 v19, v7;
	v15 =	vmul.f32 v19, v3;
	v19 =	vld [tilespmem:s26+$0xC8C0]  }
0x1a0: {  	v25 =	vld [tilespmem:s26+$0xC8E0];
	v12 =	vadd.f32 v9, v12;
	v9 =	vmul.f32 v21, v4;
	v21 =	vmul.f32 v21, v0  }
0x1a1: {  	v33 =	vadd.f32 v10, v17;
	v10 =	vmul.f32 v16, v6;
	v16 =	vmul.f32 v16, v2;
	v17 =	vld [tilespmem:s26+$0xC8F0]  }
0x1a2: {  	v34 =	vadd.f32 v9, v18;
	v9 =	vmul.f32 v23, v7;
	v18 =	vmul.f32 v23, v3;
	v23 =	vld [tilespmem:s26+$0xC900]  }
0x1a3: {  	v52 =	vadd.f32 v10, v20;
	v10 =	vmul.f32 v24, v5;
	v20 =	vmul.f32 v24, v1;
	v24 =	vld [tilespmem:s26+$0xC920]  }
0x1a4: {  	v11 =	vmul.f32 v19, v4;
	v13 =	vmul.f32 v19, v0;
	v19 =	vld [tilespmem:s26+$0xC910];
	v53 =	vadd.f32 v9, v15  }
0x1a5: {  	v9 =	vmul.f32 v25, v6;
	v15 =	vmul.f32 v25, v2;
	v55 =	vadd.f32 v10, v14  }
0x1a6: {  	v25 =	vld [tilespmem:s26+$0xC930];
	v54 =	vadd.f32 v11, v21;
	v11 =	vmul.f32 v17, v7;
	v17 =	vmul.f32 v17, v3  }
0x1a7: {  	v21 =	vld [tilespmem:s26+$0xC940];
	v56 =	vadd.f32 v9, v16;
	v10 =	vmul.f32 v23, v4;
	v23 =	vmul.f32 v23, v0  }
0x1a8: {  	v27 =	vld [tilespmem:s26+$0xC950];
	v57 =	vadd.f32 v11, v18;
	v11 =	vmul.f32 v24, v6;
	v24 =	vmul.f32 v24, v2  }
0x1a9: {  	v35 =	vmax.f32 v35, $0.0e+00;
	v9 =	vmul.f32 v19, v5;
	v16 =	vmul.f32 v19, v1;
	v19 =	vld [tilespmem:s26+$0xC960]  }
0x1aa: {  	[tilespmem:s26+$0x12C20] =	vst v29;
	v32 =	vmax.f32 v54, $0.0e+00;
	v29 =	vmax.f32 v56, $0.0e+00;
	v13 =	vadd.f32 v10, v13  }
0x1ab: {  	v10 =	vmul.f32 v25, v7;
	v25 =	vmul.f32 v25, v3;
	v15 =	vadd.f32 v11, v15  }
0x1ac: {  	v14 =	vadd.f32 v9, v20;
	v9 =	vmul.f32 v21, v4;
	v60 =	vmul.f32 v21, v0;
	v21 =	vld [tilespmem:s26+$0xC990]  }
0x1ad: {  	v48 =	vld [tilespmem:s26+$0xC9D0];
	[tilespmem:s26+$0x12C30] =	vst v30;
	v11 =	vmul.f32 v27, v5;
	v27 =	vmul.f32 v27, v1;
	v30 =	vmax.f32 v57, $0.0e+00  }
0x1ae: {  	v17 =	vadd.f32 v10, v17;
	v18 =	vadd.f32 v9, v23;
	v10 =	vmul.f32 v19, v6  }
0x1af: {  	v9 =	vmul.f32 v58, v7;
	v46 =	vmul.f32 v19, v2;
	v19 =	vadd.f32 v11, v16  }
0x1b0: {  	v16 =	vmul.f32 v59, v4;
	v11 =	vmul.f32 v47, v0;
	v20 =	vadd.f32 v10, v24  }
0x1b1: {  	v24 =	vmul.f32 v21, v5;
	v50 =	vmul.f32 v21, v1;
	v21 =	vadd.f32 v9, v25  }
0x1b2: {  	v25 =	vmul.f32 v61, v6;
	v23 =	vadd.f32 v16, v60;
	v10 =	vmul.f32 v48, v1  }
0x1b3: {  	v9 =	vmul.f32 v49, v2;
	v16 =	vadd.f32 v22, v36;
	v22 =	vmax.f32 v26, $0.0e+00  }
0x1b4: {  	v26 =	vadd.f32 v62, v37;
	v37 =	vmax.f32 v33, $0.0e+00;
	v36 =	vmax.f32 v34, $0.0e+00  }
0x1b5: {  	[tilespmem:s26+$0x12C10] =	vst v28;
	v34 =	vmax.f32 v52, $0.0e+00;
	v24 =	vadd.f32 v24, v27;
	v27 =	vmul.f32 v48, v5  }
0x1b6: {  	s28 =	simm.s32 $0x200;
	v33 =	vmax.f32 v53, $0.0e+00;
	[tilespmem:s26+$0x12C00] =	vst v22;
	v22 =	vadd.f32 v63, v39;
	v39 =	vmax.f32 v12, $0.0e+00  }
0x1b7: {  	s29 =	simm.s32 $0x1000;
	v25 =	vadd.f32 v25, v46;
	v28 =	vld [tilespmem:s28+$0xC9B0];
	[tilespmem:s26+$0x12C40] =	vst v31;
	v31 =	vmax.f32 v55, $0.0e+00;
	v27 =	vadd.f32 v27, v50  }
.LBB2_7:
0x1b8: {  	p1 =	sne.s32 s29, $0xC000;
	v12 =	vld [tilespmem:s28+$0xC9F0];
	[tilespmem:s26+$0x12C50] =	vst v39;
	v13 =	vmax.f32 v13, $0.0e+00;
	v14 =	vmax.f32 v14, $0.0e+00;
	v15 =	vmax.f32 v15, $0.0e+00  }
0x1b9: {  	v17 =	vmax.f32 v17, $0.0e+00;
	v18 =	vmax.f32 v18, $0.0e+00;
	v19 =	vmax.f32 v19, $0.0e+00;
	v39 =	vld [tilespmem:s28+$0xC800];
	[tilespmem:s26+$0x12C60] =	vst v38  }
0x1ba: {  	v20 =	vmax.f32 v20, $0.0e+00;
	v21 =	vmax.f32 v21, $0.0e+00;
	v23 =	vmax.f32 v23, $0.0e+00;
	v38 =	vld [tilespmem:s28+$0xC810];
	[tilespmem:s26+$0x12C70] =	vst v37  }
0x1bb: {  	v24 =	vmax.f32 v24, $0.0e+00;
	v25 =	vmax.f32 v25, $0.0e+00;
	v37 =	vld [tilespmem:s28+$0xC820];
	[tilespmem:s26+$0x12C80] =	vst v36;
	v36 =	vmax.f32 v16, $0.0e+00  }
0x1bc: {  	v26 =	vmax.f32 v26, $0.0e+00;
	v27 =	vmax.f32 v27, $0.0e+00;
	v40 =	vld [tilespmem:s28+$0xC830];
	v16 =	vmul.f32 v28, v7;
	[tilespmem:s26+$0x12C90] =	vst v35  }
0x1bd: {  	v28 =	vmul.f32 v28, v3;
	v35 =	vld [tilespmem:s28+$0xC840];
	v41 =	vmul.f32 v12, v7;
	[tilespmem:s26+$0x12CA0] =	vst v34;
	v34 =	vmax.f32 v22, $0.0e+00  }
0x1be: {  	v22 =	vmul.f32 v39, v4;
	v39 =	vmul.f32 v39, v0;
	v42 =	vld [tilespmem:s28+$0xC850];
	[tilespmem:s26+$0x12CB0] =	vst v33  }
0x1bf: {  	v33 =	vmul.f32 v38, v5;
	v38 =	vmul.f32 v38, v1;
	v43 =	vld [tilespmem:s28+$0xC860];
	v28 =	vadd.f32 v41, v28;
	[tilespmem:s26+$0x12CC0] =	vst v32  }
0x1c0: {  	v22 =	vadd.f32 v22, v11;
	v11 =	vmul.f32 v37, v6;
	v37 =	vmul.f32 v37, v2;
	v32 =	vld [tilespmem:s28+$0xC870];
	[tilespmem:s26+$0x12CD0] =	vst v31  }
0x1c1: {  	v31 =	vmul.f32 v40, v7;
	v40 =	vmul.f32 v40, v3;
	v41 =	vld [tilespmem:s28+$0xC880];
	v44 =	vmax.f32 v28, $0.0e+00;
	[tilespmem:s26+$0x12CE0] =	vst v29  }
0x1c2: {  	v28 =	vadd.f32 v33, v10;
	v10 =	vmul.f32 v35, v4;
	v35 =	vmul.f32 v35, v0;
	v45 =	vld [tilespmem:s28+$0xC890];
	[tilespmem:s28+$0x12DF0] =	vst v44  }
0x1c3: {  	v29 =	vadd.f32 v11, v9;
	v9 =	vmul.f32 v42, v5;
	v11 =	vmul.f32 v42, v1;
	v42 =	vld [tilespmem:s28+$0xC8A0];
	[tilespmem:s26+$0x12CF0] =	vst v30  }
0x1c4: {  	v30 =	vadd.f32 v31, v8;
	v8 =	vmul.f32 v43, v6;
	v43 =	vmul.f32 v43, v2;
	v44 =	vld [tilespmem:s28+$0xC8B0];
	[tilespmem:s26+$0x12D00] =	vst v13  }
0x1c5: {  	v31 =	vadd.f32 v10, v39;
	v10 =	vmul.f32 v32, v7;
	v13 =	vmul.f32 v32, v3;
	v39 =	vld [tilespmem:s28+$0xC8C0];
	[tilespmem:s26+$0x12D10] =	vst v14  }
0x1c6: {  	v32 =	vadd.f32 v9, v38;
	v9 =	vmul.f32 v41, v4;
	v14 =	vmul.f32 v41, v0;
	v38 =	vld [tilespmem:s28+$0xC8D0];
	[tilespmem:s26+$0x12D20] =	vst v15  }
0x1c7: {  	v33 =	vadd.f32 v8, v37;
	v8 =	vmul.f32 v45, v5;
	v15 =	vmul.f32 v45, v1;
	v37 =	vld [tilespmem:s28+$0xC8E0];
	[tilespmem:s26+$0x12D30] =	vst v17  }
0x1c8: {  	v40 =	vadd.f32 v10, v40;
	v10 =	vmul.f32 v42, v6;
	v17 =	vmul.f32 v42, v2;
	v41 =	vld [tilespmem:s28+$0xC8F0];
	[tilespmem:s26+$0x12D40] =	vst v18  }
0x1c9: {  	v35 =	vadd.f32 v9, v35;
	v9 =	vmul.f32 v44, v7;
	v18 =	vmul.f32 v44, v3;
	v42 =	vld [tilespmem:s28+$0xC900];
	[tilespmem:s26+$0x12D50] =	vst v19  }
0x1ca: {  	v44 =	vadd.f32 v8, v11;
	v8 =	vmul.f32 v39, v4;
	v11 =	vmul.f32 v39, v0;
	v19 =	vld [tilespmem:s28+$0xC910];
	[tilespmem:s26+$0x12D60] =	vst v20  }
0x1cb: {  	v43 =	vadd.f32 v10, v43;
	v10 =	vmul.f32 v38, v5;
	v20 =	vmul.f32 v38, v1;
	v38 =	vld [tilespmem:s28+$0xC920];
	[tilespmem:s26+$0x12D70] =	vst v21  }
0x1cc: {  	v45 =	vadd.f32 v9, v13;
	v9 =	vmul.f32 v37, v6;
	v21 =	vmul.f32 v37, v2;
	v37 =	vld [tilespmem:s28+$0xC930];
	[tilespmem:s26+$0x12D80] =	vst v23  }
0x1cd: {  	v46 =	vadd.f32 v8, v14;
	v8 =	vmul.f32 v41, v7;
	v23 =	vmul.f32 v41, v3;
	v39 =	vld [tilespmem:s28+$0xC940];
	[tilespmem:s26+$0x12D90] =	vst v24  }
0x1ce: {  	v41 =	vadd.f32 v10, v15;
	v10 =	vmul.f32 v42, v4;
	v24 =	vmul.f32 v42, v0;
	v42 =	vld [tilespmem:s28+$0xC950];
	[tilespmem:s26+$0x12DA0] =	vst v25  }
0x1cf: {  	v47 =	vadd.f32 v9, v17;
	v9 =	vmul.f32 v19, v5;
	v19 =	vmul.f32 v19, v1;
	v25 =	vld [tilespmem:s28+$0xC960];
	[tilespmem:s26+$0x12DB0] =	vst v36  }
0x1d0: {  	v48 =	vadd.f32 v8, v18;
	v8 =	vmul.f32 v38, v6;
	v36 =	vmul.f32 v38, v2;
	v38 =	vld [tilespmem:s28+$0xC970];
	[tilespmem:s26+$0x12DC0] =	vst v26  }
0x1d1: {  	v13 =	vadd.f32 v10, v11;
	v10 =	vmul.f32 v37, v7;
	v11 =	vmul.f32 v37, v3;
	v26 =	vld [tilespmem:s28+$0xC980];
	[tilespmem:s26+$0x12DD0] =	vst v27  }
0x1d2: {  	v14 =	vadd.f32 v9, v20;
	v9 =	vmul.f32 v39, v4;
	v27 =	vmul.f32 v39, v0;
	v37 =	vld [tilespmem:s28+$0xC990];
	[tilespmem:s26+$0x12DE0] =	vst v34;
	s26 =	smov.u32 s28  }
0x1d3: {  	v15 =	vadd.f32 v8, v21;
	v8 =	vmul.f32 v42, v5;
	v34 =	vmul.f32 v42, v1;
	v39 =	vld [tilespmem:s26+$0xC9A0]  }
0x1d4: {  	v17 =	vadd.f32 v10, v23;
	v10 =	vmul.f32 v25, v6;
	v25 =	vmul.f32 v25, v2;
	v42 =	vld [tilespmem:s26+$0xC9C0]  }
0x1d5: {  	v18 =	vadd.f32 v9, v24;
	v9 =	vmul.f32 v38, v7;
	v38 =	vmul.f32 v38, v3;
	v49 =	vld [tilespmem:s26+$0xC9D0]  }
0x1d6: {  	v19 =	vadd.f32 v8, v19;
	v8 =	vmul.f32 v26, v4;
	v26 =	vmul.f32 v26, v0;
	v50 =	vld [tilespmem:s26+$0xC9E0]  }
0x1d7: {  	v20 =	vadd.f32 v10, v36;
	v24 =	vmul.f32 v37, v5;
	v36 =	vmul.f32 v37, v1  }
0x1d8: {  	v21 =	vadd.f32 v9, v11;
	v37 =	vmul.f32 v39, v6;
	v39 =	vmul.f32 v39, v2  }
0x1d9: {  	v23 =	vadd.f32 v8, v27;
	v11 =	vmul.f32 v42, v0;
	v27 =	vmul.f32 v42, v4  }
0x1da: {  	v24 =	vadd.f32 v24, v34;
	v10 =	vmul.f32 v49, v1;
	v34 =	vmul.f32 v49, v5  }
0x1db: {  	v25 =	vadd.f32 v37, v25;
	v9 =	vmul.f32 v50, v2;
	v37 =	vmul.f32 v50, v6  }
0x1dc: {  	v16 =	vadd.f32 v16, v38;
	v8 =	vmul.f32 v12, v3;
	v26 =	vadd.f32 v27, v26  }
0x1dd: {  	v12 =	vmax.f32 v22, $0.0e+00;
	v27 =	vadd.f32 v34, v36;
	v22 =	vadd.f32 v37, v39  }
.Ltmp4:
0x1de: {  	[tilespmem:s26+$0x12C00] =	vst v12;
	v12 =	vmax.f32 v28, $0.0e+00;
	v28 =	vmax.f32 v29, $0.0e+00;
	v29 =	vmax.f32 v30, $0.0e+00;
	(pc) =	sbr.rel @p1 .LBB2_7-.Ltmp4, $4  }
0x1df: {  	v38 =	vmax.f32 v33, $0.0e+00;
	v39 =	vmax.f32 v32, $0.0e+00;
	[tilespmem:s26+$0x12C10] =	vst v12;
	v12 =	vmax.f32 v31, $0.0e+00  }
0x1e0: {  	v36 =	vmax.f32 v35, $0.0e+00;
	v35 =	vmax.f32 v44, $0.0e+00;
	v37 =	vmax.f32 v40, $0.0e+00;
	[tilespmem:s26+$0x12C20] =	vst v28  }
0x1e1: {  	s28 =	sshra.s32 s29, $0x2;
	v33 =	vmax.f32 v45, $0.0e+00;
	v34 =	vmax.f32 v43, $0.0e+00;
	v32 =	vmax.f32 v46, $0.0e+00;
	[tilespmem:s26+$0x12C30] =	vst v29  }
0x1e2: {  	s29 =	sadd.s32 $0x800, s29;
	v30 =	vmax.f32 v48, $0.0e+00;
	v31 =	vmax.f32 v41, $0.0e+00;
	v29 =	vmax.f32 v47, $0.0e+00;
	v28 =	vld [tilespmem:s28+$0xC9B0];
	[tilespmem:s26+$0x12C40] =	vst v12  }
0x1e3: {  	v12 =	vld [tilespmem:s28+$0xC9F0];
	[tilespmem:s26+$0x12C50] =	vst v39  }
0x1e4: {  	v39 =	vld [tilespmem:s28+$0xC800];
	[tilespmem:s26+$0x12C60] =	vst v38  }
0x1e5: {  	v38 =	vld [tilespmem:s28+$0xC810];
	[tilespmem:s26+$0x12C70] =	vst v37  }
0x1e6: {  	v37 =	vld [tilespmem:s28+$0xC820];
	[tilespmem:s26+$0x12C80] =	vst v36  }
0x1e7: {  	v36 =	vld [tilespmem:s28+$0xC830];
	[tilespmem:s26+$0x12C90] =	vst v35  }
0x1e8: {  	v55 =	vmul.f32 v28, v3;
	v35 =	vld [tilespmem:s28+$0xC840];
	[tilespmem:s26+$0x12CA0] =	vst v34;
	v12 =	vmul.f32 v12, v7  }
0x1e9: {  	v34 =	vld [tilespmem:s28+$0xC850];
	[tilespmem:s26+$0x12CB0] =	vst v33  }
0x1ea: {  	v33 =	vld [tilespmem:s28+$0xC860];
	[tilespmem:s26+$0x12CC0] =	vst v32;
	v12 =	vadd.f32 v12, v55  }
0x1eb: {  	v40 =	vld [tilespmem:s28+$0xC870];
	[tilespmem:s26+$0x12CD0] =	vst v31  }
0x1ec: {  	v31 =	vld [tilespmem:s28+$0xC880];
	[tilespmem:s26+$0x12CE0] =	vst v29;
	v12 =	vmax.f32 v12, $0.0e+00  }
0x1ed: {  	v29 =	vld [tilespmem:s28+$0xC890];
	[tilespmem:s28+$0x12DF0] =	vst v12  }
0x1ee: {  	v25 =	vmax.f32 v25, $0.0e+00;
	v16 =	vmax.f32 v16, $0.0e+00;
	v56 =	vld [tilespmem:s28+$0xC8A0];
	v12 =	vmax.f32 v13, $0.0e+00;
	[tilespmem:s26+$0x12CF0] =	vst v30  }
0x1ef: {  	v26 =	vmax.f32 v26, $0.0e+00;
	v57 =	vmul.f32 v38, v5;
	v13 =	vld [tilespmem:s28+$0xC8B0];
	[tilespmem:s26+$0x12D00] =	vst v12;
	v12 =	vmax.f32 v14, $0.0e+00  }
0x1f0: {  	v22 =	vmax.f32 v22, $0.0e+00;
	v42 =	vmul.f32 v37, v6;
	v14 =	vld [tilespmem:s28+$0xC8C0];
	[tilespmem:s26+$0x12D10] =	vst v12;
	v12 =	vmax.f32 v15, $0.0e+00  }
0x1f1: {  	v38 =	vmul.f32 v38, v1;
	v10 =	vadd.f32 v57, v10;
	v15 =	vld [tilespmem:s28+$0xC8D0];
	[tilespmem:s26+$0x12D20] =	vst v12;
	v12 =	vmax.f32 v17, $0.0e+00  }
0x1f2: {  	v59 =	vmul.f32 v35, v4;
	v9 =	vadd.f32 v42, v9;
	v17 =	vld [tilespmem:s28+$0xC8E0];
	[tilespmem:s26+$0x12D30] =	vst v12;
	v12 =	vmax.f32 v18, $0.0e+00  }
0x1f3: {  	v60 =	vmul.f32 v34, v5;
	v34 =	vmul.f32 v34, v1;
	v18 =	vld [tilespmem:s28+$0xC8F0];
	[tilespmem:s26+$0x12D40] =	vst v12;
	v12 =	vmax.f32 v19, $0.0e+00  }
0x1f4: {  	v10 =	vmax.f32 v10, $0.0e+00;
	v62 =	vmul.f32 v40, v7;
	v19 =	vld [tilespmem:s28+$0xC900];
	[tilespmem:s26+$0x12D50] =	vst v12;
	v12 =	vmax.f32 v20, $0.0e+00  }
0x1f5: {  	v40 =	vmul.f32 v40, v3;
	v48 =	vmul.f32 v31, v4;
	v20 =	vld [tilespmem:s28+$0xC910];
	[tilespmem:s26+$0x12D60] =	vst v12;
	v12 =	vmax.f32 v21, $0.0e+00  }
0x1f6: {  	v49 =	vmul.f32 v56, v6;
	v32 =	vmul.f32 v56, v2;
	v21 =	vld [tilespmem:s28+$0xC920];
	[tilespmem:s26+$0x12D70] =	vst v12;
	v12 =	vmax.f32 v23, $0.0e+00  }
0x1f7: {  	v50 =	vmul.f32 v13, v7;
	v13 =	vmul.f32 v13, v3;
	v23 =	vld [tilespmem:s28+$0xC930];
	[tilespmem:s26+$0x12D80] =	vst v12;
	v12 =	vmax.f32 v24, $0.0e+00  }
0x1f8: {  	v9 =	vmax.f32 v9, $0.0e+00;
	v24 =	vld [tilespmem:s28+$0xC940];
	[tilespmem:s26+$0x12D90] =	vst v12;
	v12 =	vmul.f32 v28, v7;
	v28 =	vmul.f32 v39, v4  }
0x1f9: {  	v45 =	vmul.f32 v14, v4;
	v30 =	vld [tilespmem:s28+$0xC950];
	[tilespmem:s26+$0x12DA0] =	vst v25;
	v25 =	vmax.f32 v27, $0.0e+00;
	v27 =	vmul.f32 v39, v0  }
0x1fa: {  	v14 =	vmul.f32 v14, v0;
	v11 =	vadd.f32 v28, v11;
	v28 =	vmul.f32 v36, v7  }
0x1fb: {  	v41 =	vld [tilespmem:s28+$0xC960];
	[tilespmem:s26+$0x12DB0] =	vst v16;
	v16 =	vmul.f32 v37, v2;
	v36 =	vmul.f32 v36, v3;
	v27 =	vadd.f32 v59, v27  }
0x1fc: {  	v58 =	vld [tilespmem:s28+$0xC970];
	[tilespmem:s26+$0x12DC0] =	vst v26;
	v26 =	vmul.f32 v35, v0;
	v35 =	vadd.f32 v60, v38;
	v8 =	vadd.f32 v28, v8  }
0x1fd: {  	v61 =	vld [tilespmem:s28+$0xC980];
	v28 =	vmul.f32 v33, v6;
	[tilespmem:s26+$0x12DD0] =	vst v25;
	v25 =	vmul.f32 v33, v2;
	v33 =	vadd.f32 v62, v36  }
0x1fe: {  	v11 =	vmax.f32 v11, $0.0e+00;
	v63 =	vld [tilespmem:s28+$0xC990];
	[tilespmem:s26+$0x12DE0] =	vst v22;
	v22 =	vmul.f32 v31, v0;
	v26 =	vadd.f32 v48, v26  }
0x1ff: {  	v27 =	vmax.f32 v27, $0.0e+00;
	v35 =	vmax.f32 v35, $0.0e+00;
	v16 =	vadd.f32 v28, v16;
	[tilespmem:s28+$0x12C00] =	vst v11  }
0x200: {  	v28 =	vmul.f32 v29, v5;
	v29 =	vmul.f32 v29, v1;
	v11 =	vadd.f32 v49, v25;
	[tilespmem:s28+$0x12C10] =	vst v10  }
0x201: {  	v25 =	vmul.f32 v15, v5;
	v10 =	vmul.f32 v15, v1;
	v15 =	vadd.f32 v50, v40;
	[tilespmem:s28+$0x12C20] =	vst v9  }
0x202: {  	v8 =	vmax.f32 v8, $0.0e+00;
	v9 =	vmul.f32 v17, v6;
	v17 =	vmul.f32 v17, v2;
	[tilespmem:s28+$0x12C40] =	vst v27  }
0x203: {  	v27 =	vmul.f32 v19, v4;
	v19 =	vmul.f32 v19, v0;
	[tilespmem:s28+$0x12C30] =	vst v8;
	v8 =	vadd.f32 v45, v22  }
0x204: {  	[tilespmem:s28+$0x12C50] =	vst v35;
	v22 =	vmul.f32 v18, v7;
	v18 =	vmul.f32 v18, v3;
	v26 =	vmax.f32 v26, $0.0e+00  }
0x205: {  	v28 =	vadd.f32 v28, v34;
	v25 =	vadd.f32 v25, v29;
	v16 =	vmax.f32 v16, $0.0e+00;
	[tilespmem:s28+$0x12C80] =	vst v26  }
0x206: {  	v29 =	vmax.f32 v33, $0.0e+00;
	v9 =	vadd.f32 v9, v32;
	v11 =	vmax.f32 v11, $0.0e+00;
	[tilespmem:s28+$0x12C60] =	vst v16  }
0x207: {  	v26 =	vmul.f32 v21, v6;
	v21 =	vmul.f32 v21, v2;
	v15 =	vmax.f32 v15, $0.0e+00;
	[tilespmem:s28+$0x12CA0] =	vst v11  }
0x208: {  	v14 =	vadd.f32 v27, v14;
	v16 =	vmul.f32 v20, v5;
	v8 =	vmax.f32 v8, $0.0e+00;
	[tilespmem:s28+$0x12CB0] =	vst v15  }
0x209: {  	v20 =	vmul.f32 v20, v1;
	v13 =	vadd.f32 v22, v13;
	v22 =	vmax.f32 v28, $0.0e+00;
	[tilespmem:s28+$0x12CC0] =	vst v8  }
0x20a: {  	v11 =	vmul.f32 v23, v3;
	v15 =	vmul.f32 v24, v4;
	v9 =	vmax.f32 v9, $0.0e+00;
	[tilespmem:s28+$0x12C90] =	vst v22  }
0x20b: {  	v8 =	vadd.f32 v26, v17;
	v17 =	vmul.f32 v30, v5;
	v14 =	vmax.f32 v14, $0.0e+00;
	[tilespmem:s28+$0x12CE0] =	vst v9  }
0x20c: {  	v22 =	vmul.f32 v23, v7;
	v10 =	vadd.f32 v16, v10;
	v23 =	vmax.f32 v25, $0.0e+00;
	[tilespmem:s28+$0x12D00] =	vst v14  }
0x20d: {  	v16 =	vmul.f32 v24, v0;
	v13 =	vmax.f32 v13, $0.0e+00;
	v9 =	vmul.f32 v41, v6;
	[tilespmem:s28+$0x12CD0] =	vst v23  }
0x20e: {  	v14 =	vmul.f32 v58, v3;
	v23 =	vmul.f32 v30, v1;
	[tilespmem:s28+$0x12CF0] =	vst v13;
	v13 =	vadd.f32 v15, v19  }
0x20f: {  	v31 =	vld [tilespmem:s28+$0xC9A0];
	[tilespmem:s28+$0x12C70] =	vst v29;
	v15 =	vmul.f32 v58, v7;
	v17 =	vadd.f32 v17, v20;
	v8 =	vmax.f32 v8, $0.0e+00  }
0x210: {  	v19 =	vmul.f32 v61, v0;
	v18 =	vadd.f32 v22, v18;
	v10 =	vmax.f32 v10, $0.0e+00;
	[tilespmem:s28+$0x12D20] =	vst v8  }
0x211: {  	v43 =	vld [tilespmem:s28+$0xC9C0];
	v22 =	vmul.f32 v41, v2;
	v8 =	vadd.f32 v9, v21;
	[tilespmem:s28+$0x12D10] =	vst v10;
	v13 =	vmax.f32 v13, $0.0e+00  }
0x212: {  	v44 =	vld [tilespmem:s28+$0xC9D0];
	v9 =	vmul.f32 v63, v5;
	v11 =	vadd.f32 v15, v11;
	v15 =	vmax.f32 v17, $0.0e+00;
	[tilespmem:s28+$0x12D40] =	vst v13  }
0x213: {  	v51 =	vld [tilespmem:s28+$0xC9E0];
	v12 =	vadd.f32 v12, v14;
	v10 =	vmul.f32 v61, v4;
	v18 =	vmax.f32 v18, $0.0e+00;
	[tilespmem:s28+$0x12D50] =	vst v15  }
0x214: {  	v13 =	vmul.f32 v31, v6;
	v8 =	vmax.f32 v8, $0.0e+00;
	v9 =	vadd.f32 v9, v23;
	[tilespmem:s28+$0x12D30] =	vst v18  }
0x215: {  	v15 =	vmul.f32 v31, v2;
	v10 =	vadd.f32 v10, v16;
	v11 =	vmax.f32 v11, $0.0e+00;
	[tilespmem:s28+$0x12D60] =	vst v8  }
0x216: {  	v8 =	vmul.f32 v43, v4;
	v13 =	vadd.f32 v13, v22;
	[tilespmem:s28+$0x12D70] =	vst v11;
	v9 =	vmax.f32 v9, $0.0e+00  }
0x217: {  	v18 =	vmul.f32 v63, v1;
	v11 =	vmul.f32 v44, v5;
	v10 =	vmax.f32 v10, $0.0e+00;
	[tilespmem:s28+$0x12D90] =	vst v9  }
0x218: {  	v8 =	vadd.f32 v8, v19;
	[tilespmem:s28+$0x12D80] =	vst v10;
	v10 =	vmul.f32 v51, v6;
	v13 =	vmax.f32 v13, $0.0e+00  }
0x219: {  	v9 =	vadd.f32 v11, v18;
	v11 =	vmax.f32 v12, $0.0e+00;
	[tilespmem:s28+$0x12DA0] =	vst v13  }
0x21a: {  	s26 =	sadd.s32 s25, s10;
	v8 =	vmax.f32 v8, $0.0e+00;
	[tilespmem:s28+$0x12DB0] =	vst v11;
	v10 =	vadd.f32 v10, v15  }
0x21b: {  	s26 =	sshll.u32 s26, $0x3;
	v9 =	vmax.f32 v9, $0.0e+00;
	[tilespmem:s28+$0x12DC0] =	vst v8  }
0x21c: {  	s26 =	sand.u32 $0x1FFFFF80, s26;
	[tilespmem:s28+$0x12DD0] =	vst v9;
	v8 =	vmax.f32 v10, $0.0e+00  }
0x21d: {  	s26 =	sadd.s32 s2, s26;
	[tilespmem:s28+$0x12DE0] =	vst v8  }
0x21e: {  	[hbm4b:s26+s3] =	stream.linear.scatter [tilespmem:s13], [sflag:$0x5], $0x3200, $0x38;
	[tilespmem:$0x19080] =	vst v63  }
0x21f: {  	s29 =	simm.s32 @!p0 $0xC800;
	s28 =	simm.s32 @!p0 $0x80;
	s26 =	sadd.s32 @!p0 $0x4B0, s25  }
0x220: {  	[tilespmem:s29], [sflag:$0x3] =	stream.indirect.gather @!p0 [hbm4b:s5+s28], $0x40, s26, s28, $0xb8;
	[tilespmem:$0x19080] =	vst v63  }
0x221: {  	s26 =	sadd.s32 @!p0 $0x530, s25;
	s28 =	simm.s32 @!p0 $0x48;
	s29 =	simm.s32 @!p0 $0xE800  }
0x222: {  	[tilespmem:s29], [sflag:$0x3] =	stream.indirect.gather @!p0 [hbm4b:s5+s28], $0x40, s26, s28, $0xb8;
	[tilespmem:$0x19080] =	vst v63  }
0x223: {  	_ =	swait.ge [sflag:s21], $0x2000  }
0x224: {  	[sflag:s21] =	ssyncset.done $0x0  }
0x225: {  	[sflag:s21] =	ssyncadd.s32 $0xFFFFE000  }
0x226: {  	_ =	swait.ge [sflag:s21], $0x1200  }
0x227: {  	[sflag:s21] =	ssyncset.done $0x0  }
0x228: {  	[sflag:s21] =	ssyncadd.s32 $0xFFFFEE00  }
0x229: {  	_ =	swait.ge [sflag:s22], $0x3200  }
0x22a: {  	[sflag:s22] =	ssyncset.done $0x0  }
0x22b: {  	s26 =	simm.s32 $0x0;
	[sflag:s22] =	ssyncadd.s32 $0xFFFFCE00  }
0x22c: {  	v9 =	vld [tilespmem:s26+$0xFBB0]  }
0x22d: {  	v8 =	vld [tilespmem:s26+$0xFBF0]  }
0x22e: {  	v10 =	vld [tilespmem:s26+$0xFA00]  }
0x22f: {  	v12 =	vld [tilespmem:s26+$0xFA10]  }
0x230: {  	v17 =	vld [tilespmem:s26+$0xFA30]  }
0x231: {  	v11 =	vimm.f32 $0.0e+00;
	v58 =	vld [tilespmem:s26+$0xFB70]  }
0x232: {  	v13 =	vmul.f32 v11, v0;
	v15 =	vmul.f32 v11, v1;
	v59 =	vld [tilespmem:s26+$0xFB80]  }
0x233: {  	v16 =	vmul.f32 v11, v2;
	v11 =	vmul.f32 v11, v3;
	v61 =	vld [tilespmem:s26+$0xFBA0]  }
0x234: {  	v47 =	vld [tilespmem:s26+$0xFBC0];
	v22 =	vmul.f32 v9, v7;
	v19 =	vmul.f32 v8, v7  }
0x235: {  	v49 =	vld [tilespmem:s26+$0xFBE0];
	v9 =	vmul.f32 v9, v3;
	v21 =	vmul.f32 v10, v4  }
0x236: {  	v14 =	vld [tilespmem:s26+$0xFA20];
	v10 =	vmul.f32 v10, v0;
	v24 =	vmul.f32 v12, v5  }
0x237: {  	v18 =	vld [tilespmem:s26+$0xFA40];
	v12 =	vmul.f32 v12, v1;
	v25 =	vmul.f32 v17, v7  }
0x238: {  	v23 =	vld [tilespmem:s26+$0xFA60];
	v17 =	vmul.f32 v17, v3;
	v36 =	vmul.f32 v58, v3  }
0x239: {  	v37 =	vmul.f32 v59, v0;
	v39 =	vmul.f32 v61, v2  }
0x23a: {  	v20 =	vld [tilespmem:s26+$0xFA50];
	v62 =	vmul.f32 v47, v4;
	v63 =	vmul.f32 v49, v6  }
0x23b: {  	v27 =	vld [tilespmem:s26+$0xFA90];
	v8 =	vmul.f32 v8, v3;
	v9 =	vadd.f32 v19, v9;
	v26 =	vadd.f32 v21, v13  }
0x23c: {  	v13 =	vmul.f32 v14, v6;
	v14 =	vmul.f32 v14, v2;
	v28 =	vadd.f32 v24, v15  }
0x23d: {  	v15 =	vmul.f32 v18, v4;
	v30 =	vadd.f32 v25, v11;
	v11 =	vmul.f32 v23, v6  }
0x23e: {  	v19 =	vld [tilespmem:s26+$0xFA70];
	v18 =	vmul.f32 v18, v0;
	v9 =	vmax.f32 v9, $0.0e+00;
	v29 =	vadd.f32 v13, v16  }
0x23f: {  	v21 =	vld [tilespmem:s26+$0xFA80];
	v13 =	vmul.f32 v20, v1;
	v31 =	vadd.f32 v15, v10;
	v32 =	vadd.f32 v11, v14  }
0x240: {  	v16 =	vld [tilespmem:s26+$0xFAA0];
	v11 =	vmul.f32 v27, v5;
	v14 =	vmul.f32 v27, v1;
	v28 =	vmax.f32 v28, $0.0e+00  }
0x241: {  	v30 =	vmax.f32 v30, $0.0e+00;
	[tilespmem:s26+$0x15FF0] =	vst v9;
	v9 =	vmul.f32 v20, v5;
	v20 =	vmul.f32 v23, v2;
	v23 =	vld [tilespmem:s26+$0xFAB0]  }
0x242: {  	v24 =	vld [tilespmem:s26+$0xFAD0];
	v35 =	vadd.f32 v11, v13;
	v29 =	vmax.f32 v29, $0.0e+00;
	v31 =	vmax.f32 v31, $0.0e+00  }
0x243: {  	v38 =	vmax.f32 v32, $0.0e+00;
	v10 =	vmul.f32 v19, v7;
	v15 =	vmul.f32 v19, v3;
	v19 =	vld [tilespmem:s26+$0xFAC0]  }
0x244: {  	v25 =	vld [tilespmem:s26+$0xFAE0];
	v12 =	vadd.f32 v9, v12;
	v9 =	vmul.f32 v21, v4;
	v21 =	vmul.f32 v21, v0  }
0x245: {  	v33 =	vadd.f32 v10, v17;
	v10 =	vmul.f32 v16, v6;
	v16 =	vmul.f32 v16, v2;
	v17 =	vld [tilespmem:s26+$0xFAF0]  }
0x246: {  	v34 =	vadd.f32 v9, v18;
	v9 =	vmul.f32 v23, v7;
	v18 =	vmul.f32 v23, v3;
	v23 =	vld [tilespmem:s26+$0xFB00]  }
0x247: {  	v52 =	vadd.f32 v10, v20;
	v10 =	vmul.f32 v24, v5;
	v20 =	vmul.f32 v24, v1;
	v24 =	vld [tilespmem:s26+$0xFB20]  }
0x248: {  	v11 =	vmul.f32 v19, v4;
	v13 =	vmul.f32 v19, v0;
	v19 =	vld [tilespmem:s26+$0xFB10];
	v53 =	vadd.f32 v9, v15  }
0x249: {  	v9 =	vmul.f32 v25, v6;
	v15 =	vmul.f32 v25, v2;
	v55 =	vadd.f32 v10, v14  }
0x24a: {  	v25 =	vld [tilespmem:s26+$0xFB30];
	v54 =	vadd.f32 v11, v21;
	v11 =	vmul.f32 v17, v7;
	v17 =	vmul.f32 v17, v3  }
0x24b: {  	v21 =	vld [tilespmem:s26+$0xFB40];
	v56 =	vadd.f32 v9, v16;
	v10 =	vmul.f32 v23, v4;
	v23 =	vmul.f32 v23, v0  }
0x24c: {  	v27 =	vld [tilespmem:s26+$0xFB50];
	v57 =	vadd.f32 v11, v18;
	v11 =	vmul.f32 v24, v6;
	v24 =	vmul.f32 v24, v2  }
0x24d: {  	v35 =	vmax.f32 v35, $0.0e+00;
	v9 =	vmul.f32 v19, v5;
	v16 =	vmul.f32 v19, v1;
	v19 =	vld [tilespmem:s26+$0xFB60]  }
0x24e: {  	[tilespmem:s26+$0x15E20] =	vst v29;
	v32 =	vmax.f32 v54, $0.0e+00;
	v29 =	vmax.f32 v56, $0.0e+00;
	v13 =	vadd.f32 v10, v13  }
0x24f: {  	v10 =	vmul.f32 v25, v7;
	v25 =	vmul.f32 v25, v3;
	v15 =	vadd.f32 v11, v15  }
0x250: {  	v14 =	vadd.f32 v9, v20;
	v9 =	vmul.f32 v21, v4;
	v60 =	vmul.f32 v21, v0;
	v21 =	vld [tilespmem:s26+$0xFB90]  }
0x251: {  	v48 =	vld [tilespmem:s26+$0xFBD0];
	[tilespmem:s26+$0x15E30] =	vst v30;
	v11 =	vmul.f32 v27, v5;
	v27 =	vmul.f32 v27, v1;
	v30 =	vmax.f32 v57, $0.0e+00  }
0x252: {  	v17 =	vadd.f32 v10, v17;
	v18 =	vadd.f32 v9, v23;
	v10 =	vmul.f32 v19, v6  }
0x253: {  	v9 =	vmul.f32 v58, v7;
	v46 =	vmul.f32 v19, v2;
	v19 =	vadd.f32 v11, v16  }
0x254: {  	v16 =	vmul.f32 v59, v4;
	v11 =	vmul.f32 v47, v0;
	v20 =	vadd.f32 v10, v24  }
0x255: {  	v24 =	vmul.f32 v21, v5;
	v50 =	vmul.f32 v21, v1;
	v21 =	vadd.f32 v9, v25  }
0x256: {  	v25 =	vmul.f32 v61, v6;
	v23 =	vadd.f32 v16, v60;
	v10 =	vmul.f32 v48, v1  }
0x257: {  	v9 =	vmul.f32 v49, v2;
	v16 =	vadd.f32 v22, v36;
	v22 =	vmax.f32 v26, $0.0e+00  }
0x258: {  	v26 =	vadd.f32 v62, v37;
	v37 =	vmax.f32 v33, $0.0e+00;
	v36 =	vmax.f32 v34, $0.0e+00  }
0x259: {  	[tilespmem:s26+$0x15E10] =	vst v28;
	v34 =	vmax.f32 v52, $0.0e+00;
	v24 =	vadd.f32 v24, v27;
	v27 =	vmul.f32 v48, v5  }
0x25a: {  	s28 =	simm.s32 $0x200;
	v33 =	vmax.f32 v53, $0.0e+00;
	[tilespmem:s26+$0x15E00] =	vst v22;
	v22 =	vadd.f32 v63, v39;
	v39 =	vmax.f32 v12, $0.0e+00  }
0x25b: {  	s29 =	simm.s32 $0x1000;
	v25 =	vadd.f32 v25, v46;
	v28 =	vld [tilespmem:s28+$0xFBB0];
	[tilespmem:s26+$0x15E40] =	vst v31;
	v31 =	vmax.f32 v55, $0.0e+00;
	v27 =	vadd.f32 v27, v50  }
.LBB2_9:
0x25c: {  	p1 =	sne.s32 s29, $0xC000;
	v12 =	vld [tilespmem:s28+$0xFBF0];
	[tilespmem:s26+$0x15E50] =	vst v39;
	v13 =	vmax.f32 v13, $0.0e+00;
	v14 =	vmax.f32 v14, $0.0e+00;
	v15 =	vmax.f32 v15, $0.0e+00  }
0x25d: {  	v17 =	vmax.f32 v17, $0.0e+00;
	v18 =	vmax.f32 v18, $0.0e+00;
	v19 =	vmax.f32 v19, $0.0e+00;
	v39 =	vld [tilespmem:s28+$0xFA00];
	[tilespmem:s26+$0x15E60] =	vst v38  }
0x25e: {  	v20 =	vmax.f32 v20, $0.0e+00;
	v21 =	vmax.f32 v21, $0.0e+00;
	v23 =	vmax.f32 v23, $0.0e+00;
	v38 =	vld [tilespmem:s28+$0xFA10];
	[tilespmem:s26+$0x15E70] =	vst v37  }
0x25f: {  	v24 =	vmax.f32 v24, $0.0e+00;
	v25 =	vmax.f32 v25, $0.0e+00;
	v37 =	vld [tilespmem:s28+$0xFA20];
	[tilespmem:s26+$0x15E80] =	vst v36;
	v36 =	vmax.f32 v16, $0.0e+00  }
0x260: {  	v26 =	vmax.f32 v26, $0.0e+00;
	v27 =	vmax.f32 v27, $0.0e+00;
	v40 =	vld [tilespmem:s28+$0xFA30];
	v16 =	vmul.f32 v28, v7;
	[tilespmem:s26+$0x15E90] =	vst v35  }
0x261: {  	v28 =	vmul.f32 v28, v3;
	v35 =	vld [tilespmem:s28+$0xFA40];
	v41 =	vmul.f32 v12, v7;
	[tilespmem:s26+$0x15EA0] =	vst v34;
	v34 =	vmax.f32 v22, $0.0e+00  }
0x262: {  	v22 =	vmul.f32 v39, v4;
	v39 =	vmul.f32 v39, v0;
	v42 =	vld [tilespmem:s28+$0xFA50];
	[tilespmem:s26+$0x15EB0] =	vst v33  }
0x263: {  	v33 =	vmul.f32 v38, v5;
	v38 =	vmul.f32 v38, v1;
	v43 =	vld [tilespmem:s28+$0xFA60];
	v28 =	vadd.f32 v41, v28;
	[tilespmem:s26+$0x15EC0] =	vst v32  }
0x264: {  	v22 =	vadd.f32 v22, v11;
	v11 =	vmul.f32 v37, v6;
	v37 =	vmul.f32 v37, v2;
	v32 =	vld [tilespmem:s28+$0xFA70];
	[tilespmem:s26+$0x15ED0] =	vst v31  }
0x265: {  	v31 =	vmul.f32 v40, v7;
	v40 =	vmul.f32 v40, v3;
	v41 =	vld [tilespmem:s28+$0xFA80];
	v44 =	vmax.f32 v28, $0.0e+00;
	[tilespmem:s26+$0x15EE0] =	vst v29  }
0x266: {  	v28 =	vadd.f32 v33, v10;
	v10 =	vmul.f32 v35, v4;
	v35 =	vmul.f32 v35, v0;
	v45 =	vld [tilespmem:s28+$0xFA90];
	[tilespmem:s28+$0x15FF0] =	vst v44  }
0x267: {  	v29 =	vadd.f32 v11, v9;
	v9 =	vmul.f32 v42, v5;
	v11 =	vmul.f32 v42, v1;
	v42 =	vld [tilespmem:s28+$0xFAA0];
	[tilespmem:s26+$0x15EF0] =	vst v30  }
0x268: {  	v30 =	vadd.f32 v31, v8;
	v8 =	vmul.f32 v43, v6;
	v43 =	vmul.f32 v43, v2;
	v44 =	vld [tilespmem:s28+$0xFAB0];
	[tilespmem:s26+$0x15F00] =	vst v13  }
0x269: {  	v31 =	vadd.f32 v10, v39;
	v10 =	vmul.f32 v32, v7;
	v13 =	vmul.f32 v32, v3;
	v39 =	vld [tilespmem:s28+$0xFAC0];
	[tilespmem:s26+$0x15F10] =	vst v14  }
0x26a: {  	v32 =	vadd.f32 v9, v38;
	v9 =	vmul.f32 v41, v4;
	v14 =	vmul.f32 v41, v0;
	v38 =	vld [tilespmem:s28+$0xFAD0];
	[tilespmem:s26+$0x15F20] =	vst v15  }
0x26b: {  	v33 =	vadd.f32 v8, v37;
	v8 =	vmul.f32 v45, v5;
	v15 =	vmul.f32 v45, v1;
	v37 =	vld [tilespmem:s28+$0xFAE0];
	[tilespmem:s26+$0x15F30] =	vst v17  }
0x26c: {  	v40 =	vadd.f32 v10, v40;
	v10 =	vmul.f32 v42, v6;
	v17 =	vmul.f32 v42, v2;
	v41 =	vld [tilespmem:s28+$0xFAF0];
	[tilespmem:s26+$0x15F40] =	vst v18  }
0x26d: {  	v35 =	vadd.f32 v9, v35;
	v9 =	vmul.f32 v44, v7;
	v18 =	vmul.f32 v44, v3;
	v42 =	vld [tilespmem:s28+$0xFB00];
	[tilespmem:s26+$0x15F50] =	vst v19  }
0x26e: {  	v44 =	vadd.f32 v8, v11;
	v8 =	vmul.f32 v39, v4;
	v11 =	vmul.f32 v39, v0;
	v19 =	vld [tilespmem:s28+$0xFB10];
	[tilespmem:s26+$0x15F60] =	vst v20  }
0x26f: {  	v43 =	vadd.f32 v10, v43;
	v10 =	vmul.f32 v38, v5;
	v20 =	vmul.f32 v38, v1;
	v38 =	vld [tilespmem:s28+$0xFB20];
	[tilespmem:s26+$0x15F70] =	vst v21  }
0x270: {  	v45 =	vadd.f32 v9, v13;
	v9 =	vmul.f32 v37, v6;
	v21 =	vmul.f32 v37, v2;
	v37 =	vld [tilespmem:s28+$0xFB30];
	[tilespmem:s26+$0x15F80] =	vst v23  }
0x271: {  	v46 =	vadd.f32 v8, v14;
	v8 =	vmul.f32 v41, v7;
	v23 =	vmul.f32 v41, v3;
	v39 =	vld [tilespmem:s28+$0xFB40];
	[tilespmem:s26+$0x15F90] =	vst v24  }
0x272: {  	v41 =	vadd.f32 v10, v15;
	v10 =	vmul.f32 v42, v4;
	v24 =	vmul.f32 v42, v0;
	v42 =	vld [tilespmem:s28+$0xFB50];
	[tilespmem:s26+$0x15FA0] =	vst v25  }
0x273: {  	v47 =	vadd.f32 v9, v17;
	v9 =	vmul.f32 v19, v5;
	v19 =	vmul.f32 v19, v1;
	v25 =	vld [tilespmem:s28+$0xFB60];
	[tilespmem:s26+$0x15FB0] =	vst v36  }
0x274: {  	v48 =	vadd.f32 v8, v18;
	v8 =	vmul.f32 v38, v6;
	v36 =	vmul.f32 v38, v2;
	v38 =	vld [tilespmem:s28+$0xFB70];
	[tilespmem:s26+$0x15FC0] =	vst v26  }
0x275: {  	v13 =	vadd.f32 v10, v11;
	v10 =	vmul.f32 v37, v7;
	v11 =	vmul.f32 v37, v3;
	v26 =	vld [tilespmem:s28+$0xFB80];
	[tilespmem:s26+$0x15FD0] =	vst v27  }
0x276: {  	v14 =	vadd.f32 v9, v20;
	v9 =	vmul.f32 v39, v4;
	v27 =	vmul.f32 v39, v0;
	v37 =	vld [tilespmem:s28+$0xFB90];
	[tilespmem:s26+$0x15FE0] =	vst v34;
	s26 =	smov.u32 s28  }
0x277: {  	v15 =	vadd.f32 v8, v21;
	v8 =	vmul.f32 v42, v5;
	v34 =	vmul.f32 v42, v1;
	v39 =	vld [tilespmem:s26+$0xFBA0]  }
0x278: {  	v17 =	vadd.f32 v10, v23;
	v10 =	vmul.f32 v25, v6;
	v25 =	vmul.f32 v25, v2;
	v42 =	vld [tilespmem:s26+$0xFBC0]  }
0x279: {  	v18 =	vadd.f32 v9, v24;
	v9 =	vmul.f32 v38, v7;
	v38 =	vmul.f32 v38, v3;
	v49 =	vld [tilespmem:s26+$0xFBD0]  }
0x27a: {  	v19 =	vadd.f32 v8, v19;
	v8 =	vmul.f32 v26, v4;
	v26 =	vmul.f32 v26, v0;
	v50 =	vld [tilespmem:s26+$0xFBE0]  }
0x27b: {  	v20 =	vadd.f32 v10, v36;
	v24 =	vmul.f32 v37, v5;
	v36 =	vmul.f32 v37, v1  }
0x27c: {  	v21 =	vadd.f32 v9, v11;
	v37 =	vmul.f32 v39, v6;
	v39 =	vmul.f32 v39, v2  }
0x27d: {  	v23 =	vadd.f32 v8, v27;
	v11 =	vmul.f32 v42, v0;
	v27 =	vmul.f32 v42, v4  }
0x27e: {  	v24 =	vadd.f32 v24, v34;
	v10 =	vmul.f32 v49, v1;
	v34 =	vmul.f32 v49, v5  }
0x27f: {  	v25 =	vadd.f32 v37, v25;
	v9 =	vmul.f32 v50, v2;
	v37 =	vmul.f32 v50, v6  }
0x280: {  	v16 =	vadd.f32 v16, v38;
	v8 =	vmul.f32 v12, v3;
	v26 =	vadd.f32 v27, v26  }
0x281: {  	v12 =	vmax.f32 v22, $0.0e+00;
	v27 =	vadd.f32 v34, v36;
	v22 =	vadd.f32 v37, v39  }
.Ltmp5:
0x282: {  	[tilespmem:s26+$0x15E00] =	vst v12;
	v12 =	vmax.f32 v28, $0.0e+00;
	v28 =	vmax.f32 v29, $0.0e+00;
	v29 =	vmax.f32 v30, $0.0e+00;
	(pc) =	sbr.rel @p1 .LBB2_9-.Ltmp5, $4  }
0x283: {  	v38 =	vmax.f32 v33, $0.0e+00;
	v39 =	vmax.f32 v32, $0.0e+00;
	[tilespmem:s26+$0x15E10] =	vst v12;
	v12 =	vmax.f32 v31, $0.0e+00  }
0x284: {  	v36 =	vmax.f32 v35, $0.0e+00;
	v35 =	vmax.f32 v44, $0.0e+00;
	v37 =	vmax.f32 v40, $0.0e+00;
	[tilespmem:s26+$0x15E20] =	vst v28  }
0x285: {  	s28 =	sshra.s32 s29, $0x2;
	v33 =	vmax.f32 v45, $0.0e+00;
	v34 =	vmax.f32 v43, $0.0e+00;
	v32 =	vmax.f32 v46, $0.0e+00;
	[tilespmem:s26+$0x15E30] =	vst v29  }
0x286: {  	s29 =	sadd.s32 $0x800, s29;
	v30 =	vmax.f32 v48, $0.0e+00;
	v31 =	vmax.f32 v41, $0.0e+00;
	v29 =	vmax.f32 v47, $0.0e+00;
	v28 =	vld [tilespmem:s28+$0xFBB0];
	[tilespmem:s26+$0x15E40] =	vst v12  }
0x287: {  	v12 =	vld [tilespmem:s28+$0xFBF0];
	[tilespmem:s26+$0x15E50] =	vst v39  }
0x288: {  	v39 =	vld [tilespmem:s28+$0xFA00];
	[tilespmem:s26+$0x15E60] =	vst v38  }
0x289: {  	v38 =	vld [tilespmem:s28+$0xFA10];
	[tilespmem:s26+$0x15E70] =	vst v37  }
0x28a: {  	v37 =	vld [tilespmem:s28+$0xFA20];
	[tilespmem:s26+$0x15E80] =	vst v36  }
0x28b: {  	v36 =	vld [tilespmem:s28+$0xFA30];
	[tilespmem:s26+$0x15E90] =	vst v35  }
0x28c: {  	v46 =	vmul.f32 v28, v3;
	v35 =	vld [tilespmem:s28+$0xFA40];
	[tilespmem:s26+$0x15EA0] =	vst v34;
	v12 =	vmul.f32 v12, v7  }
0x28d: {  	v34 =	vld [tilespmem:s28+$0xFA50];
	[tilespmem:s26+$0x15EB0] =	vst v33  }
0x28e: {  	v33 =	vld [tilespmem:s28+$0xFA60];
	[tilespmem:s26+$0x15EC0] =	vst v32;
	v12 =	vadd.f32 v12, v46  }
0x28f: {  	v40 =	vld [tilespmem:s28+$0xFA70];
	[tilespmem:s26+$0x15ED0] =	vst v31  }
0x290: {  	v31 =	vld [tilespmem:s28+$0xFA80];
	[tilespmem:s26+$0x15EE0] =	vst v29;
	v12 =	vmax.f32 v12, $0.0e+00  }
0x291: {  	v47 =	vmax.f32 v13, $0.0e+00;
	v48 =	vmax.f32 v14, $0.0e+00;
	v49 =	vmax.f32 v15, $0.0e+00;
	v29 =	vld [tilespmem:s28+$0xFA90];
	[tilespmem:s28+$0x15FF0] =	vst v12  }
0x292: {  	v50 =	vmax.f32 v17, $0.0e+00;
	v51 =	vmax.f32 v18, $0.0e+00;
	v52 =	vmax.f32 v19, $0.0e+00;
	v32 =	vld [tilespmem:s28+$0xFAA0];
	[tilespmem:s26+$0x15EF0] =	vst v30  }
0x293: {  	v53 =	vmax.f32 v20, $0.0e+00;
	v54 =	vmax.f32 v21, $0.0e+00;
	v55 =	vmax.f32 v23, $0.0e+00;
	v13 =	vld [tilespmem:s28+$0xFAB0];
	[tilespmem:s26+$0x15F00] =	vst v47  }
0x294: {  	v56 =	vmax.f32 v24, $0.0e+00;
	v25 =	vmax.f32 v25, $0.0e+00;
	v16 =	vmax.f32 v16, $0.0e+00;
	v14 =	vld [tilespmem:s28+$0xFAC0];
	[tilespmem:s26+$0x15F10] =	vst v48  }
0x295: {  	v26 =	vmax.f32 v26, $0.0e+00;
	v57 =	vmul.f32 v39, v4;
	v59 =	vmul.f32 v39, v0;
	v15 =	vld [tilespmem:s28+$0xFAD0];
	[tilespmem:s26+$0x15F20] =	vst v49  }
0x296: {  	v58 =	vmax.f32 v27, $0.0e+00;
	v60 =	vmul.f32 v38, v5;
	v38 =	vmul.f32 v38, v1;
	v17 =	vld [tilespmem:s28+$0xFAE0];
	[tilespmem:s26+$0x15F30] =	vst v50  }
0x297: {  	v22 =	vmax.f32 v22, $0.0e+00;
	v42 =	vmul.f32 v37, v6;
	v61 =	vmul.f32 v37, v2;
	v18 =	vld [tilespmem:s28+$0xFAF0];
	[tilespmem:s26+$0x15F40] =	vst v51  }
0x298: {  	v11 =	vadd.f32 v57, v11;
	v62 =	vmul.f32 v36, v7;
	v36 =	vmul.f32 v36, v3;
	v19 =	vld [tilespmem:s28+$0xFB00];
	[tilespmem:s26+$0x15F50] =	vst v52  }
0x299: {  	v10 =	vadd.f32 v60, v10;
	v12 =	vmul.f32 v28, v7;
	v63 =	vmul.f32 v35, v4;
	v20 =	vld [tilespmem:s28+$0xFB10];
	[tilespmem:s26+$0x15F60] =	vst v53  }
0x29a: {  	v45 =	vmul.f32 v35, v0;
	v9 =	vadd.f32 v42, v9;
	v11 =	vmax.f32 v11, $0.0e+00;
	v21 =	vld [tilespmem:s28+$0xFB20];
	[tilespmem:s26+$0x15F70] =	vst v54  }
0x29b: {  	v46 =	vmul.f32 v34, v5;
	v34 =	vmul.f32 v34, v1;
	v8 =	vadd.f32 v62, v8;
	v23 =	vld [tilespmem:s28+$0xFB30];
	[tilespmem:s26+$0x15F80] =	vst v55  }
0x29c: {  	v10 =	vmax.f32 v10, $0.0e+00;
	v47 =	vmul.f32 v33, v6;
	v27 =	vadd.f32 v63, v59;
	v24 =	vld [tilespmem:s28+$0xFB40];
	[tilespmem:s26+$0x15F90] =	vst v56  }
0x29d: {  	v9 =	vmax.f32 v9, $0.0e+00;
	v48 =	vmul.f32 v33, v2;
	v35 =	vadd.f32 v46, v38;
	v30 =	vld [tilespmem:s28+$0xFB50];
	[tilespmem:s26+$0x15FA0] =	vst v25  }
0x29e: {  	v8 =	vmax.f32 v8, $0.0e+00;
	v49 =	vmul.f32 v40, v7;
	v40 =	vmul.f32 v40, v3;
	v41 =	vld [tilespmem:s28+$0xFB60];
	[tilespmem:s26+$0x15FB0] =	vst v16  }
0x29f: {  	v27 =	vmax.f32 v27, $0.0e+00;
	v50 =	vmul.f32 v31, v4;
	v51 =	vmul.f32 v31, v0;
	v37 =	vld [tilespmem:s28+$0xFB70];
	[tilespmem:s26+$0x15FC0] =	vst v26  }
0x2a0: {  	v33 =	vadd.f32 v49, v36;
	v52 =	vmul.f32 v29, v5;
	v29 =	vmul.f32 v29, v1;
	v42 =	vld [tilespmem:s28+$0xFB80];
	[tilespmem:s26+$0x15FD0] =	vst v58  }
0x2a1: {  	v35 =	vmax.f32 v35, $0.0e+00;
	v53 =	vmul.f32 v32, v6;
	v32 =	vmul.f32 v32, v2;
	v39 =	vld [tilespmem:s28+$0xFB90];
	[tilespmem:s26+$0x15FE0] =	vst v22  }
0x2a2: {  	v62 =	vmax.f32 v33, $0.0e+00;
	v54 =	vmul.f32 v13, v7;
	v13 =	vmul.f32 v13, v3;
	[tilespmem:s28+$0x15E00] =	vst v11  }
0x2a3: {  	v28 =	vadd.f32 v52, v34;
	v57 =	vmul.f32 v15, v1;
	v59 =	vmul.f32 v17, v6;
	[tilespmem:s28+$0x15E10] =	vst v10  }
0x2a4: {  	v55 =	vadd.f32 v53, v48;
	v17 =	vmul.f32 v17, v2;
	v56 =	vmul.f32 v15, v5;
	[tilespmem:s28+$0x15E20] =	vst v9  }
0x2a5: {  	v60 =	vmul.f32 v18, v7;
	v18 =	vmul.f32 v18, v3;
	v16 =	vadd.f32 v47, v61;
	[tilespmem:s28+$0x15E30] =	vst v8  }
0x2a6: {  	v25 =	vadd.f32 v56, v29;
	v61 =	vmul.f32 v19, v4;
	v19 =	vmul.f32 v19, v0;
	[tilespmem:s28+$0x15E40] =	vst v27  }
0x2a7: {  	v63 =	vmul.f32 v20, v5;
	v26 =	vadd.f32 v50, v45;
	v16 =	vmax.f32 v16, $0.0e+00;
	[tilespmem:s28+$0x15E50] =	vst v35  }
0x2a8: {  	v20 =	vmul.f32 v20, v1;
	v13 =	vadd.f32 v60, v13;
	v45 =	vmul.f32 v14, v4;
	[tilespmem:s28+$0x15E60] =	vst v16  }
0x2a9: {  	v14 =	vmul.f32 v14, v0;
	v33 =	vmul.f32 v21, v6;
	v26 =	vmax.f32 v26, $0.0e+00;
	[tilespmem:s28+$0x15E70] =	vst v62  }
0x2aa: {  	v21 =	vmul.f32 v21, v2;
	v58 =	vadd.f32 v54, v40;
	v13 =	vmax.f32 v13, $0.0e+00;
	[tilespmem:s28+$0x15E80] =	vst v26  }
0x2ab: {  	v36 =	vmul.f32 v23, v3;
	v9 =	vadd.f32 v59, v32;
	v32 =	vmax.f32 v28, $0.0e+00;
	[tilespmem:s28+$0x15EF0] =	vst v13  }
0x2ac: {  	v14 =	vadd.f32 v61, v14;
	v38 =	vmul.f32 v24, v4;
	v11 =	vmax.f32 v55, $0.0e+00;
	[tilespmem:s28+$0x15E90] =	vst v32  }
0x2ad: {  	v40 =	vmul.f32 v24, v0;
	v8 =	vadd.f32 v45, v51;
	v15 =	vmax.f32 v58, $0.0e+00;
	[tilespmem:s28+$0x15EA0] =	vst v11  }
0x2ae: {  	v35 =	vmul.f32 v23, v7;
	v10 =	vadd.f32 v63, v57;
	v45 =	vmax.f32 v25, $0.0e+00;
	[tilespmem:s28+$0x15EB0] =	vst v15  }
0x2af: {  	v46 =	vmul.f32 v30, v5;
	v47 =	vmul.f32 v30, v1;
	[tilespmem:s28+$0x15ED0] =	vst v45;
	v14 =	vmax.f32 v14, $0.0e+00  }
0x2b0: {  	v48 =	vmul.f32 v41, v6;
	v49 =	vmul.f32 v41, v2;
	v8 =	vmax.f32 v8, $0.0e+00;
	[tilespmem:s28+$0x15F00] =	vst v14  }
0x2b1: {  	v50 =	vadd.f32 v38, v19;
	v9 =	vmax.f32 v9, $0.0e+00;
	v18 =	vadd.f32 v35, v18;
	[tilespmem:s28+$0x15EC0] =	vst v8  }
0x2b2: {  	v31 =	vld [tilespmem:s28+$0xFBA0];
	v51 =	vmul.f32 v37, v7;
	v10 =	vmax.f32 v10, $0.0e+00;
	v52 =	vmul.f32 v37, v3;
	[tilespmem:s28+$0x15EE0] =	vst v9  }
0x2b3: {  	v8 =	vadd.f32 v33, v17;
	v17 =	vadd.f32 v46, v20;
	[tilespmem:s28+$0x15F10] =	vst v10;
	v13 =	vmax.f32 v50, $0.0e+00  }
0x2b4: {  	v44 =	vld [tilespmem:s28+$0xFBD0];
	v53 =	vmul.f32 v42, v4;
	v54 =	vmul.f32 v42, v0;
	v18 =	vmax.f32 v18, $0.0e+00;
	[tilespmem:s28+$0x15F40] =	vst v13  }
0x2b5: {  	v43 =	vld [tilespmem:s28+$0xFBC0];
	v55 =	vmul.f32 v39, v5;
	v11 =	vadd.f32 v51, v36;
	v8 =	vmax.f32 v8, $0.0e+00;
	[tilespmem:s28+$0x15F30] =	vst v18  }
0x2b6: {  	v34 =	vld [tilespmem:s28+$0xFBE0];
	v56 =	vmul.f32 v39, v1;
	v12 =	vadd.f32 v12, v52;
	v57 =	vmax.f32 v17, $0.0e+00;
	[tilespmem:s28+$0x15F20] =	vst v8  }
0x2b7: {  	v58 =	vmul.f32 v31, v6;
	v8 =	vadd.f32 v48, v21;
	[tilespmem:s28+$0x15F50] =	vst v57;
	v11 =	vmax.f32 v11, $0.0e+00  }
0x2b8: {  	v10 =	vadd.f32 v53, v40;
	v59 =	vmul.f32 v31, v2;
	v63 =	vmax.f32 v12, $0.0e+00;
	[tilespmem:s28+$0x15F70] =	vst v11  }
0x2b9: {  	v60 =	vmul.f32 v44, v5;
	v9 =	vadd.f32 v55, v47;
	[tilespmem:s28+$0x15FB0] =	vst v63;
	v8 =	vmax.f32 v8, $0.0e+00  }
0x2ba: {  	v13 =	vadd.f32 v58, v49;
	v10 =	vmax.f32 v10, $0.0e+00;
	[tilespmem:s28+$0x15F60] =	vst v8;
	v8 =	vmul.f32 v43, v4  }
0x2bb: {  	v61 =	vmul.f32 v34, v6;
	v62 =	vadd.f32 v60, v56;
	v9 =	vmax.f32 v9, $0.0e+00;
	[tilespmem:s28+$0x15F80] =	vst v10  }
0x2bc: {  	v13 =	vmax.f32 v13, $0.0e+00;
	[tilespmem:s28+$0x15F90] =	vst v9;
	v8 =	vadd.f32 v8, v54  }
.Ltmp6:
0x2bd: {  	s29 =	sadd.s32 s25, s11;
	v10 =	vadd.f32 v61, v59;
	v9 =	vmax.f32 v62, $0.0e+00;
	[tilespmem:s28+$0x15FA0] =	vst v13;
	(pc) =	sbr.rel @p0 .LBB2_12-.Ltmp6, $4  }
0x2be: {  	s26 =	sshll.u32 s29, $0x3;
	[tilespmem:s28+$0x15FD0] =	vst v9;
	v8 =	vmax.f32 v8, $0.0e+00  }
0x2bf: {  	s26 =	sand.u32 $0x1FFFFFC0, s26;
	[tilespmem:s28+$0x15FC0] =	vst v8;
	v8 =	vmax.f32 v10, $0.0e+00  }
0x2c0: {  	s26 =	sadd.s32 s2, s26;
	[tilespmem:s28+$0x15FE0] =	vst v8  }
0x2c1: {  	[hbm4b:s26+s3] =	stream.linear.scatter [tilespmem:s17], [sflag:$0x6], $0x3200, $0x38;
	[tilespmem:$0x19080] =	vst v63  }
.Ltmp7:
0x2c2: {  	(pc) =	sbr.rel .LBB2_2-.Ltmp7, $4  }
0x2c3: {  	s26 =	sadd.s32 $0x578, s25  }
0x2c4: {  	[tilespmem:s30], [sflag:$0x4] =	stream.indirect.gather [hbm4b:s5+s16], $0x40, s26, s16, $0xb8;
	[tilespmem:$0x19080] =	vst v63  }
0x2c5: {  	s29 =	sadd.s32 $0x5F8, s25;
	s24 =	sadd.s32 $0x1, s24  }
0x2c6: {  	[tilespmem:s1], [sflag:$0x4] =	stream.indirect.gather [hbm4b:s5+s18], $0x40, s29, s18, $0xb8;
	[tilespmem:$0x19080] =	vst v63  }
.LBB2_13:
0x2c7: {  	_ =	sfence.sel $0x180000  }
0x2c8: {  	[bflag:$0x0] =	sbarrier.arrive $0xFFFF  }
0x2c9: {  	_ =	strace $0x90000047  }
0x2ca: {  	s0 =	stileid.u32;
	[bflag:$0x2] =	sbarrier.arrive $0xFFFF  }
0x2cb: {  	p0 =	sne.s32 s0, $0x0;
	s0 =	rddreg [dreg:$0x2]  }
0x2cc: {  	s0 =	sadd.s32 @!p0 $0x100000, s0  }
0x2cd: {  	[sflag:s0] =	ssyncadd.tile.s32 @!p0 $0x1;
	_ =	shalt  }
.Lfunc_end2:
_tile_overlayer_lowered:
.L_overlay_start_2:
0x2ce: {  	(tag) =	ssettag $0x2  }
0x2cf: {  	s0 =	rddreg [dreg:$0x0];
	s2 =	stileid.u32  }
0x2d0: {  	s1 =	rddreg [dreg:$0x1];
	p0 =	sne.s32 s2, $0x0  }
0x2d1: {  	s3 =	rddreg [dreg:$0x2];
	[bflag:$0x3] =	sbarrier.arrive $0xFFFF;
	s2 =	simm.s32 @!p0 $0x1C07  }
0x2d2: {  	[timem:s3], [sflag:s2] =	dma.local @!p0 [hbm:s0], s1  }
0x2d3: {  	s0 =	simm.s32 @!p0 $0x7  }
0x2d4: {  	_ =	swait.ge @!p0 [sflag:s0], s1  }
0x2d5: {  	s1 =	ssub.s32 @!p0 $0x0, s1;
	[sflag:s0] =	ssyncset.done @!p0 $0x0  }
0x2d6: {  	[sflag:s0] =	ssyncadd.s32 @!p0 s1  }
0x2d7: {  	[bflag:$0x3] =	sbarrier.arrive $0xFFFF  }
0x2d8: {  	_ =	shalt  }

// kernel: sparse-core-data-format-call.cloned.1.call-start
scs
called_computation_lowered:
.L_overlay_start_0:
0x0: {  	s2 =	sld [smem:$0x3FD9]  }
0x1: {  	s3 =	sld [smem:$0x3FFE];
	_ =	sdelay $0x1  }
0x2: {  	s1 =	srdreg.scid  }
0x3: {  	s0 =	sand.u32 $0x1, s1  }
0x4: {  	s18 =	sshll.u32 s0, $0xA;
	s2 =	sadd.s32 s3, s2  }
0x5: {  	s2 =	sadd.s32 s2, s18  }
0x6: {  	[smem:$0x3FC5] =	sst s2  }
0x7: {  	_ = 	snop  }
0x8: {  	s2 =	sld [smem:$0x3FD0];
	(tm) =	ssettm $0x1  }
0x9: {  	s19 =	sld [smem:$0x3FFB];
	_ =	sdelay $0x3  }
0xa: {  	_ =	strace s19  }
0xb: {  	s3 =	sld [smem:$0x3FFC];
	_ =	sdelay $0x3  }
0xc: {  	_ =	strace s3  }
0xd: {  	s3 =	sld [smem:$0x3FFD];
	_ =	sdelay $0x3  }
0xe: {  	_ =	strace s3  }
0xf: {  	_ =	strace $0x8FFFFFFF  }
0x10: {  	s20 =	sld [smem:$0x3FDB];
	_ =	sdelay $0x1  }
0x11: {  	s4 =	simm.s32 $_scs_section_size  }
0x12: {  	s5 =	simm.s32 $_size__tile_overlayer_lowered;
	s6 =	simm.s32 $_tile_overlayer_lowered  }
0x13: {  	s23 =	simm.s32 $0x1BFF;
	s22 =	sshll.u32 s6, $0x1;
	s3 =	sadd.s32 s4, s20  }
0x14: {  	s7 =	simm.s32 $0x0;
	s21 =	sshll.u32 s5, $0x1;
	s5 =	sadd.s32 s22, s3  }
0x15: {  	[timem:s7], [sflag:s23] =	dma.local [hbm:s5], s21  }
0x16: {  	_ =	swait.ge [sflag:s23], s21  }
0x17: {  	s4 =	ssub.s32 $0x0, s21;
	[sflag:s23] =	ssyncset.done $0x0  }
0x18: {  	[sflag:s23] =	ssyncadd.s32 s4;
	_ =	sdelay $0x1  }
0x19: {  	s24 =	simm.s32 $0x1B8B  }
0x1a: {  	_ =	swait.ge [sflag:s24], $0x1  }
0x1b: {  	[sflag:s24] =	ssyncset.done $0x0  }
0x1c: {  	s26 =	simm.s32 $0x1B8E;
	s25 =	sld [smem:$0x3FFE];
	[sflag:s24] =	ssyncadd.s32 $0xFFFFFFFF  }
0x1d: {  	s27 =	simm.s32 $execute0_lowered;
	[smem:$0x3FD2] =	sst s26  }
0x1e: {  	s5 =	sshll.u32 s27, $0x1;
	_ =	strace $0x80000049;
	[dreg:$0x1] =	wrdreg $0xFFFFFFFF  }
0x1f: {  	s28 =	simm.s32 $_size_execute0_lowered;
	s3 =	sadd.s32 s3, s5;
	[dreg:$0x0] =	wrdreg $0x0  }
0x20: {  	s5 =	sshll.u32 s28, $0x1;
	[dreg:$0x2] =	wrdreg s3  }
0x21: {  	[dreg:$0x3] =	wrdreg s5  }
0x22: {  	[dreg:$0x4] =	wrdreg $0xC0  }
0x23: {  	_ =	task [dreg:s7], $0x5FFFF  }
0x24: {  	[dreg:$0x1] =	wrdreg $0xFFFFFFFF  }
0x25: {  	[dreg:$0x0] =	wrdreg $0x60  }
0x26: {  	[dreg:$0x2] =	wrdreg s25  }
0x27: {  	[dreg:$0x3] =	wrdreg s2  }
0x28: {  	[dreg:$0x4] =	wrdreg $0x9  }
0x29: {  	_ =	task.clear_ibuf [dreg:s7], $0x5FFFF;
	_ =	strace $0x90000049  }
0x2a: {  	s29 =	simm.s32 $0x9;
	_ =	strace $0x8000004B  }
0x2b: {  	_ =	swait.ge [sflag:s29], $0x1  }
0x2c: {  	[sflag:s29] =	ssyncadd.s32 $0xFFFFFFFF  }
0x2d: {  	_ =	strace $0x9000004B  }
0x2e: {  	_ =	sfence  }
0x2f: {  	s30 =	sld [smem:$0x0];
	_ =	sdelay $0x2  }
0x30: {  	s31 =	sshll.u32 s1, $0xD;
	s1 =	sshrl.u32 s1, $0x2  }
0x31: {  	s3 =	sand.u32 $0x4000, s31;
	s1 =	sadd.s32 s1, s30  }
0x32: {  	s0 =	sor.u32 s3, s0;
	s1 =	sshll.u32 s1, $0x11  }
0x33: {  	s0 =	sor.u32 s1, s0  }
0x34: {  	s0 =	sadd.s32 $0x8F2B, s0  }
0x35: {  	[sflag:s0] =	ssyncadd.remote.s32 $0x1  }
0x36: {  	_ =	sfence.sel $0xFFFF  }
0x37: {  	[dreg:$0x0] =	wrdreg $0xFFFFFFFF;
	(pc) =	sbr.abs _section_cstart, $3  }
0x38: {  	[dreg:$0x1] =	wrdreg $0xFFFFFFFF  }
0x39: {  	_ =	task.clear_ibuf [dreg:s7], $0x2FFFF;
	_ =	strace $0x9FFFFFFF  }
0x3a: {  	(tm) =	ssettm $0x7FFFFFFF  }
0x3b: {  	_ =	shalt  }
tec
execute0_lowered:
.L_overlay_start_1:
0x0: {  	(tag) =	ssettag $0x1  }
0x1: {  	s0 =	srdreg.scid  }
0x2: {  	s1 =	sshll.u32 s0, $0x4  }
0x3: {  	s0 =	stileid.u32;
	s1 =	sand.u32 $0x10, s1  }
0x4: {  	s1 =	sor.u32 s0, s1  }
0x5: {  	s6 =	rddreg [dreg:$0x0];
	s4 =	simm.s32 $0x1;
	s2 =	sshll.u32 s1, $0x7  }
0x6: {  	s7 =	simm.s32 $0x2;
	s12 =	simm.s32 $0x0;
	s1 =	ssub.s32 $0x1000, s2  }
0x7: {  	s8 =	simm.s32 $0x8000;
	s13 =	simm.s32 $0x0;
	s3 =	sand.u32 $0xF80, s1  }
0x8: {  	s9 =	simm.s32 $0x0;
	s5 =	sshrl.u32 s1, $0xC;
	p0 =	sne.s32 s3, $0x0  }
.Ltmp0:
0x9: {  	s1 =	rddreg [dreg:$0x2];
	s4 =	simm.s32 @!p0 $0x0;
	(pc) =	sbr.rel .LBB1_1-.Ltmp0, $4  }
0xa: {  	s11 =	simm.s32 $0x0;
	s3 =	rddreg [dreg:$0x1];
	s5 =	sadd.s32 s4, s5  }
0xb: {  	_ =	strace $0x8000004A;
	s4 =	simm.s32 $0x1;
	s5 =	smul.u32 $0xC8, s5  }
0xc: {  	s6 =	sadd.s32 $0xC00, s6;
	s10 =	smov.u32 s2;
	[sflag:s4] =	ssyncpa.u1 $0x0  }
0xd: {  	p0 =	por $0x0, $0x0;
	[sflag:s7] =	ssyncpa.u1 $0x0;
	s7 =	sor.u32 $0x1, s5  }
.LBB1_4:
0xe: {  	s16 =	sshll.u32 s13, $0x3;
	s17 =	sand.u32 $0x78, s13  }
0xf: {  	s30 =	sand.u32 $0x7E00, s13;
	s12 =	sshll.u32 s12, $0xF;
	s16 =	sand.u32 $0xC00, s16  }
0x10: {  	[tilespmem:s15+$0x810 ss:$0x81] =	vst.msk $0xffff, v2;
	s31 =	sand.u32 $0x7, s13;
	s16 =	sor.u32 s17, s16;
	s17 =	sadd.s32 s3, s30  }
0x11: {  	[tilespmem:s15+$0x1020 ss:$0x81] =	vst.msk $0xffff, v0;
	s13 =	sshll.u32 s31, $0x12;
	s12 =	sadd.s32 s12, s17;
	s16 =	sshrl.u32 s16, $0x3  }
0x12: {  	[tilespmem:s15+$0x0 ss:$0x81] =	vst.msk $0xffff, v1;
	s13 =	sor.u32 $0x400, s13;
	s12 =	sadd.s32 s16, s12  }
0x13: {  	[hbm4b:s12+s13] =	stream.strided.scatter [tilespmem:s14], [sflag:$0x2], $0x2000, s8, s13, $0x20;
	[tilespmem:$0x8080] =	vst v63  }
.LBB1_5:
0x14: {  	s14 =	sadd.s32 $0x1, s9  }
0x15: {  	s12 =	sadd.s32 $0x1000, s10;
	s16 =	smov.u32 s10;
	p2 =	sgt.s32 s14, $0xC7  }
0x16: {  	s16 =	smov.u32 @p2 s12  }
0x17: {  	s14 =	simm.s32 @p2 $0x0;
	p2 =	sgt.s32 s16, $0xFFF  }
0x18: {  	s16 =	smov.u32 @p2 s2;
	p2 =	sne.s32 s11, s7  }
.Ltmp1:
0x19: {  	p1 =	slt.u32 s11, $0x2;
	(pc) =	sbr.rel @!p2 .LBB1_6-.Ltmp1, $4  }
0x1a: {  	s15 =	simm.s32 @!p1 $0x2  }
0x1b: {  	s13 =	smov.u32 s10;
	p0 =	por !p0, !p0;
	_ =	swait.ge @!p1 [sflag:s15], $0x2000  }
0x1c: {  	s12 =	smov.u32 s9;
	[sflag:s15] =	ssyncset.done @!p1 $0x0;
	s9 =	smov.u32 s14  }
0x1d: {  	s11 =	sadd.s32 $0x1, s11;
	[sflag:s15] =	ssyncadd.s32 @!p1 $0xFFFFE000;
	s10 =	smov.u32 s16  }
.LBB1_1:
0x1e: {  	p1 =	sge.u32 s11, s5  }
0x1f: {  	s14 =	sand.u32 @!p1 $0x1FFFFFF, s9  }
0x20: {  	s15 =	smulhi.u32 @!p1 $0x147AE15, s14;
	_ =	sdelay $0x1  }
0x21: {  	s15 =	smul.u32 @!p1 $0xC8, s15  }
0x22: {  	s16 =	sxor.u32 @!p1 $0xFFFFFFFF, s11;
	s17 =	smul.u32 @!p1 $0xC80, s10  }
0x23: {  	s31 =	sadd.s32 $0xFFFFFFFF, s11;
	s16 =	sshll.u32 @!p1 s16, $0xD;
	s14 =	ssub.s32 @!p1 s14, s15  }
0x24: {  	s15 =	sand.u32 @!p1 $0x2000, s16;
	s16 =	sadd.s32 @!p1 s6, s17;
	s14 =	sshll.u32 @!p1 s14, $0x4  }
0x25: {  	s17 =	simm.s32 @!p1 $0x6400;
	s14 =	sadd.s32 @!p1 s14, s16;
	s16 =	simm.s32 @!p1 $0x40  }
0x26: {  	[tilespmem:s15], [sflag:$0x1] =	stream.strided.gather @!p1 [hbm4b:s14+s16], $0x2000, s17, s16, $0x38;
	[tilespmem:$0x8080] =	vst v63  }
0x27: {  	p1 =	sge.u32 s31, s5  }
.Ltmp2:
0x28: {  	_ = 	snop;
	(pc) =	sbr.rel @p1 .LBB1_5-.Ltmp2, $1  }
0x29: {  	_ =	sdelay $0x3  }
0x2a: {  	s14 =	simm.s32 $0x1  }
0x2b: {  	_ =	swait.ge [sflag:s4], $0x2000;
	s14 =	simm.s32 @!p0 $0x0  }
0x2c: {  	[sflag:s4] =	ssyncset.done $0x0;
	s15 =	sshll.u32 s14, $0xD  }
0x2d: {  	[sflag:s4] =	ssyncadd.s32 $0xFFFFE000;
	s18 =	sor.u32 $0x20, s15  }
0x2e: {  	s14 =	smul.u32 $0x8100, s14;
	v3 =	vld [tilespmem:s18+$0x10]  }
0x2f: {  	s30 =	sand.u32 $0x1, s11;
	v2 =	vld [tilespmem:s18+$0xFFFFFFF0]  }
0x30: {  	s15 =	smul.u32 $0x8100, s30;
	s14 =	sshrl.u32 s14, $0x2;
	v0 =	vld [tilespmem:s18+$0x0]  }
0x31: {  	v1 =	vld [tilespmem:s18+$0xFFFFFFE0];
	s16 =	sor.u32 $0x4000, s14  }
0x32: {  	s31 =	sshrl.u32 s15, $0x2;
	s15 =	sadd.s32 $0x0, s16  }
0x33: {  	s17 =	simm.s32 $0x4;
	s18 =	sadd.s32 $0x40, s18;
	s14 =	sor.u32 $0x4000, s31;
	[tilespmem:s15+$0x1830 ss:$0x81] =	vst.msk $0xffff, v3  }
.LBB1_3:
0x34: {  	v3 =	vld [tilespmem:s18+$0x10];
	p1 =	sne.s32 s17, $0x1FC;
	[tilespmem:s15+$0x810 ss:$0x81] =	vst.msk $0xffff, v2;
	s19 =	smov.u32 s17;
	s17 =	sadd.s32 $0x4, s17  }
.Ltmp3:
0x35: {  	v2 =	vld [tilespmem:s18+$0xFFFFFFF0];
	[tilespmem:s15+$0x1020 ss:$0x81] =	vst.msk $0xffff, v0;
	(pc) =	sbr.rel @p1 .LBB1_3-.Ltmp3, $4  }
0x36: {  	v0 =	vld [tilespmem:s18+$0x0];
	[tilespmem:s15+$0x0 ss:$0x81] =	vst.msk $0xffff, v1  }
0x37: {  	s15 =	sshra.s32 s19, $0x2;
	v1 =	vld [tilespmem:s18+$0xFFFFFFE0]  }
0x38: {  	s15 =	sadd.s32 s15, s16  }
0x39: {  	s18 =	sadd.s32 $0x40, s18;
	[tilespmem:s15+$0x1830 ss:$0x81] =	vst.msk $0xffff, v3  }
.Ltmp4:
0x3a: {  	_ = 	snop;
	(pc) =	sbr.rel .LBB1_4-.Ltmp4, $1  }
0x3b: {  	_ =	sdelay $0x3  }
.LBB1_6:
0x3c: {  	_ =	sfence.sel $0x180000  }
0x3d: {  	s2 =	simm.s32 $0x1;
	[bflag:$0x0] =	sbarrier.arrive $0xFFFF  }
0x3e: {  	s31 =	simm.s32 $0x2;
	[sflag:s2] =	ssyncpa.u1 $0x1  }
0x3f: {  	[sflag:s31] =	ssyncpa.u1 $0x1  }
0x40: {  	p0 =	sne.s32 s0, $0x0;
	_ =	strace $0x9000004A  }
0x41: {  	s0 =	sadd.s32 @!p0 $0x100000, s1;
	[bflag:$0x2] =	sbarrier.arrive $0xFFFF  }
0x42: {  	[sflag:s0] =	ssyncadd.tile.s32 @!p0 $0x1;
	_ =	shalt  }
.Lfunc_end1:
_tile_overlayer_lowered:
.L_overlay_start_2:
0x43: {  	(tag) =	ssettag $0x2  }
0x44: {  	s0 =	rddreg [dreg:$0x0];
	s2 =	stileid.u32  }
0x45: {  	s1 =	rddreg [dreg:$0x1];
	p0 =	sne.s32 s2, $0x0  }
0x46: {  	s3 =	rddreg [dreg:$0x2];
	[bflag:$0x3] =	sbarrier.arrive $0xFFFF;
	s2 =	simm.s32 @!p0 $0x1C01  }
0x47: {  	[timem:s3], [sflag:s2] =	dma.local @!p0 [hbm:s0], s1  }
0x48: {  	s0 =	simm.s32 @!p0 $0x1  }
0x49: {  	_ =	swait.ge @!p0 [sflag:s0], s1  }
0x4a: {  	s1 =	ssub.s32 @!p0 $0x0, s1;
	[sflag:s0] =	ssyncset.done @!p0 $0x0  }
0x4b: {  	[sflag:s0] =	ssyncadd.s32 @!p0 s1  }
0x4c: {  	[bflag:$0x3] =	sbarrier.arrive $0xFFFF  }
0x4d: {  	_ =	shalt  }

</sc_bundles>
